<compile_context>
chip_gen: v7x
topology: tpu7x:2x2x1
jax: 0.10.2.dev20260603
libtpu: 0.0.44.dev20260713+nightly
codegen_flags: <defaults>
</compile_context>

<pallas_src>
import math

import jax
import jax.numpy as jnp
from jax import lax
from jax.experimental import pallas as pl
from jax.experimental.pallas import tpu as pltpu
from jax.experimental.pallas import tpu_sc as plsc

D = 768
H = 12
DH = 64
HALF = 32
THETA = 10000.0
E = 64
DFF = 768
T = 2048
CAP = 64
XROWS = 4160
NRW = 16
TPR = T // NRW
NGW = 32
TPG = T // NGW

_LN_THETA = math.log(THETA)


def _qkv_body(x_ref, pos_ref, ln1_ref, wq_ref, wk_ref, wv_ref,
              q_ref, k_ref, v_ref):
    xb = x_ref[...]
    h = xb * ln1_ref[...] * lax.rsqrt(
        jnp.mean(xb * xb, axis=-1, keepdims=True) + 1e-5)
    pos = pos_ref[...].astype(jnp.float32)
    dcol = lax.broadcasted_iota(jnp.int32, (1, HALF), 1).astype(jnp.float32)
    inv = jnp.exp(dcol * (-_LN_THETA / HALF))
    ang = pos * inv
    c32 = jnp.cos(ang)
    s32 = jnp.sin(ang)
    hb = h.astype(jnp.bfloat16)
    q0 = jnp.dot(hb, wq_ref[...].astype(jnp.bfloat16),
                 preferred_element_type=jnp.float32)
    k0 = jnp.dot(hb, wk_ref[...].astype(jnp.bfloat16),
                 preferred_element_type=jnp.float32)
    vv = jnp.dot(hb, wv_ref[...].astype(jnp.bfloat16),
                 preferred_element_type=jnp.float32)
    for hh in range(H):
        qh = q0[:, hh * DH:(hh + 1) * DH]
        kh = k0[:, hh * DH:(hh + 1) * DH]
        q1, q2 = qh[:, :HALF], qh[:, HALF:]
        k1, k2 = kh[:, :HALF], kh[:, HALF:]
        q_ref[hh] = jnp.concatenate(
            [q1 * c32 - q2 * s32, q1 * s32 + q2 * c32], axis=-1)
        k_ref[hh] = jnp.concatenate(
            [k1 * c32 - k2 * s32, k1 * s32 + k2 * c32], axis=-1)
        v_ref[hh] = vv[:, hh * DH:(hh + 1) * DH]


def _qkv(xs, pos, ln1_w, wq, wk, wv):
    TB = 256
    grid = (T // TB,)
    bspec_tok = pl.BlockSpec((TB, D), lambda i: (i, 0))
    bspec_w = pl.BlockSpec((D, D), lambda i: (0, 0))
    bspec_h = pl.BlockSpec((H, TB, DH), lambda i: (0, i, 0))
    return pl.pallas_call(
        _qkv_body,
        grid=grid,
        in_specs=[bspec_tok,
                  pl.BlockSpec((TB, 1), lambda i: (i, 0)),
                  pl.BlockSpec((1, D), lambda i: (0, 0)),
                  bspec_w, bspec_w, bspec_w],
        out_specs=[bspec_h, bspec_h, bspec_h],
        out_shape=[jax.ShapeDtypeStruct((H, T, DH), jnp.float32)] * 3,
    )(xs, pos, ln1_w.reshape(1, D), wq, wk, wv)


QB = 256
KB = 256


def _attn_body(q_ref, k_ref, v_ref, o_ref):
    qb = pl.program_id(1)
    q0 = (q_ref[0] * 0.125).astype(jnp.bfloat16)
    q1 = (q_ref[1] * 0.125).astype(jnp.bfloat16)
    ones_c = jnp.ones((KB, 1), jnp.bfloat16)

    def chunk2(i, masked):
        outs = []
        for hh, qq in ((0, q0), (1, q1)):
            kc = k_ref[hh, pl.ds(i * KB, KB), :].astype(jnp.bfloat16)
            vc = v_ref[hh, pl.ds(i * KB, KB), :].astype(jnp.bfloat16)
            s = lax.dot_general(qq, kc, (((1,), (1,)), ((), ())),
                                preferred_element_type=jnp.float32)
            if masked:
                row = lax.broadcasted_iota(jnp.int32, (QB, KB), 0)
                coli = lax.broadcasted_iota(jnp.int32, (QB, KB), 1)
                s = jnp.where(coli <= row, s, -1e30)
            pb = jnp.exp(s).astype(jnp.bfloat16)
            outs.append((jnp.dot(pb, vc, preferred_element_type=jnp.float32),
                         jnp.dot(pb, ones_c,
                                 preferred_element_type=jnp.float32)))
        return outs

    def body(i, carry):
        n0, d0, n1, d1 = carry
        (a0, s0), (a1, s1) = chunk2(i, False)
        return n0 + a0, d0 + s0, n1 + a1, d1 + s1

    z_n = jnp.zeros((QB, DH), jnp.float32)
    z_d = jnp.zeros((QB, 1), jnp.float32)
    n0, d0, n1, d1 = lax.fori_loop(0, qb, body, (z_n, z_d, z_n, z_d))
    (a0, s0), (a1, s1) = chunk2(qb, True)
    n0, d0, n1, d1 = n0 + a0, d0 + s0, n1 + a1, d1 + s1
    o_ref[0] = n0 / d0
    o_ref[1] = n1 / d1


def _attn(q, k, v):
    grid = (H // 2, T // QB)
    return pl.pallas_call(
        _attn_body,
        grid=grid,
        in_specs=[pl.BlockSpec((2, QB, DH), lambda h, i: (h, i, 0)),
                  pl.BlockSpec((2, T, DH), lambda h, i: (h, 0, 0)),
                  pl.BlockSpec((2, T, DH), lambda h, i: (h, 0, 0))],
        out_specs=pl.BlockSpec((2, QB, DH), lambda h, i: (h, i, 0)),
        out_shape=jax.ShapeDtypeStruct((H, T, DH), jnp.float32),
    )(q, k, v)


def _post_body(x_ref, ao_ref, wo_ref, ln2_ref, rw_ref,
               x1_ref, h2_ref, gate_ref, eidx_ref):
    ao = jnp.concatenate([ao_ref[hh] for hh in range(H)], axis=-1)
    x1 = x_ref[...] + jnp.dot(ao.astype(jnp.bfloat16),
                              wo_ref[...].astype(jnp.bfloat16),
                              preferred_element_type=jnp.float32)
    x1_ref[...] = x1
    h2 = x1 * ln2_ref[...] * lax.rsqrt(
        jnp.mean(x1 * x1, axis=-1, keepdims=True) + 1e-5)
    h2_ref[...] = h2
    lg = jnp.dot(h2, rw_ref[...], preferred_element_type=jnp.float32)
    m = jnp.max(lg, axis=-1, keepdims=True)
    gate_ref[...] = 1.0 / jnp.sum(jnp.exp(lg - m), axis=-1, keepdims=True)
    ecol = lax.broadcasted_iota(jnp.int32, lg.shape, 1)
    eidx_ref[...] = jnp.min(jnp.where(lg == m, ecol, E), axis=-1, keepdims=True)


def _post(xs, ao, wo, ln2_w, router_w):
    TB = 256
    grid = (T // TB,)
    bspec_tok = pl.BlockSpec((TB, D), lambda i: (i, 0))
    return pl.pallas_call(
        _post_body,
        grid=grid,
        in_specs=[bspec_tok,
                  pl.BlockSpec((H, TB, DH), lambda i: (0, i, 0)),
                  pl.BlockSpec((D, D), lambda i: (0, 0)),
                  pl.BlockSpec((1, D), lambda i: (0, 0)),
                  pl.BlockSpec((D, E), lambda i: (0, 0))],
        out_specs=[bspec_tok, bspec_tok,
                   pl.BlockSpec((TB, 1), lambda i: (i, 0)),
                   pl.BlockSpec((TB, 1), lambda i: (i, 0))],
        out_shape=[jax.ShapeDtypeStruct((T, D), jnp.float32),
                   jax.ShapeDtypeStruct((T, D), jnp.float32),
                   jax.ShapeDtypeStruct((T, 1), jnp.float32),
                   jax.ShapeDtypeStruct((T, 1), jnp.int32)],
    )(xs, ao, wo, ln2_w.reshape(1, D), router_w)


def _route_body(eidx_hbm, gate_hbm, h2_hbm,
                xe_hbm, gslot_hbm, gate2_hbm,
                ev, gv, lr, hist, ah, basev, gsl, sslot, rows, allhist, sem):
    c = lax.axis_index("c")
    s = lax.axis_index("s")

    @pl.when(c == 0)
    def _():
        w = s
        wv = jnp.broadcast_to(w, (16,)).astype(jnp.int32)
        base_t = w * TPR
        pltpu.sync_copy(eidx_hbm.at[pl.ds(base_t, TPR)], ev)
        pltpu.sync_copy(gate_hbm.at[pl.ds(base_t, TPR)], gv)
        zero16 = jnp.zeros((16,), jnp.int32)
        for i in range(4):
            hist[pl.ds(i * 16, 16)] = zero16
        lane = lax.iota(jnp.int32, 16)
        for vb in range(TPR // 16):
            xv = ev[pl.ds(vb * 16, 16)]
            dr = jnp.zeros((16,), jnp.int32)
            tot = jnp.zeros((16,), jnp.int32)
            for j in range(16):
                xj = plsc.load_gather(ev, [jnp.full((16,), vb * 16 + j, jnp.int32)])
                eqm = xv == xj
                dr = dr + jnp.where(eqm & (lane > j), 1, 0)
                tot = tot + jnp.where(eqm, 1, 0)
            h0 = plsc.load_gather(hist, [xv])
            lr[pl.ds(vb * 16, 16)] = h0 + dr
            plsc.store_scatter(hist, [xv], h0 + tot)
        pltpu.sync_copy(hist, allhist.at[w])
        plsc.subcore_barrier()
        pltpu.sync_copy(allhist, ah)
        for i in range(4):
            basev[pl.ds(i * 16, 16)] = zero16
        for wp in range(NRW):
            mv = jnp.full((16,), wp, jnp.int32) < wv
            for i in range(4):
                cur = basev[pl.ds(i * 16, 16)]
                add = ah[wp, pl.ds(i * 16, 16)]
                basev[pl.ds(i * 16, 16)] = cur + jnp.where(mv, add, 0)
        for vb in range(TPR // 16):
            xv = ev[pl.ds(vb * 16, 16)]
            r = plsc.load_gather(basev, [xv]) + lr[pl.ds(vb * 16, 16)]
            keep = r < CAP
            slot = xv * CAP + r
            sslot[pl.ds(vb * 16, 16)] = jnp.where(keep, slot, wv + 4096)
            gsl[pl.ds(vb * 16, 16)] = jnp.where(keep, slot, 0)
            gv[pl.ds(vb * 16, 16)] = jnp.where(keep, gv[pl.ds(vb * 16, 16)], 0.0)
        pltpu.sync_copy(gsl, gslot_hbm.at[pl.ds(base_t, TPR)])
        pltpu.sync_copy(gv, gate2_hbm.at[pl.ds(base_t, TPR)])
        pltpu.sync_copy(h2_hbm.at[pl.ds(base_t, TPR)], rows)
        pltpu.async_copy(rows, xe_hbm.at[sslot], sem).wait()


def _route(eidx, gate, h2):
    mesh = plsc.VectorSubcoreMesh(core_axis_name="c", subcore_axis_name="s",
                                  num_cores=2, num_subcores=16)
    f = pl.kernel(
        _route_body,
        out_type=[jax.ShapeDtypeStruct((XROWS, D), jnp.float32),
                  jax.ShapeDtypeStruct((T,), jnp.int32),
                  jax.ShapeDtypeStruct((T,), jnp.float32)],
        mesh=mesh,
        scratch_types=[pltpu.VMEM((TPR,), jnp.int32),
                       pltpu.VMEM((TPR,), jnp.float32),
                       pltpu.VMEM((TPR,), jnp.int32),
                       pltpu.VMEM((E,), jnp.int32),
                       pltpu.VMEM((NRW, E), jnp.int32),
                       pltpu.VMEM((E,), jnp.int32),
                       pltpu.VMEM((TPR,), jnp.int32),
                       pltpu.VMEM((TPR,), jnp.int32),
                       pltpu.VMEM((TPR, D), jnp.float32),
                       pltpu.VMEM_SHARED((NRW, E), jnp.int32),
                       pltpu.SemaphoreType.DMA],
        compiler_params=pltpu.CompilerParams(needs_layout_passes=False),
    )
    return f(eidx, gate, h2)


def _ffn_body(xe_ref, w1_ref, w3_ref, w2_ref, ye_ref):
    xb = xe_ref[...]
    xb = jnp.where(jnp.isfinite(xb), xb, 0.0)
    a1 = jnp.dot(xb, w1_ref[0], preferred_element_type=jnp.float32)
    a3 = jnp.dot(xb, w3_ref[0], preferred_element_type=jnp.float32)
    hh = a1 * jax.nn.sigmoid(a1) * a3
    ye_ref[...] = jnp.dot(hh, w2_ref[0], preferred_element_type=jnp.float32)


def _ffn(xe, w1, w3, w2):
    return pl.pallas_call(
        _ffn_body,
        grid=(E,),
        in_specs=[pl.BlockSpec((CAP, D), lambda e: (e, 0)),
                  pl.BlockSpec((1, D, DFF), lambda e: (e, 0, 0)),
                  pl.BlockSpec((1, D, DFF), lambda e: (e, 0, 0)),
                  pl.BlockSpec((1, DFF, D), lambda e: (e, 0, 0))],
        out_specs=pl.BlockSpec((CAP, D), lambda e: (e, 0)),
        out_shape=jax.ShapeDtypeStruct((E * CAP, D), jnp.float32),
    )(xe, w1, w3, w2)


def _gather_body(gslot_hbm, ye_hbm, ysel_hbm, idxv, rows, sem):
    c = lax.axis_index("c")
    s = lax.axis_index("s")
    w = s * 2 + c
    base_t = w * TPG
    pltpu.sync_copy(gslot_hbm.at[pl.ds(base_t, TPG)], idxv)
    pltpu.async_copy(ye_hbm.at[idxv], rows, sem).wait()
    pltpu.sync_copy(rows, ysel_hbm.at[pl.ds(base_t, TPG)])


def _gather(gslot, ye):
    mesh = plsc.VectorSubcoreMesh(core_axis_name="c", subcore_axis_name="s",
                                  num_cores=2, num_subcores=16)
    f = pl.kernel(
        _gather_body,
        out_type=jax.ShapeDtypeStruct((T, D), jnp.float32),
        mesh=mesh,
        scratch_types=[pltpu.VMEM((TPG,), jnp.int32),
                       pltpu.VMEM((TPG, D), jnp.float32),
                       pltpu.SemaphoreType.DMA],
    )
    return f(gslot, ye)


def _final_body(x1_ref, g_ref, ys_ref, o_ref):
    o_ref[...] = x1_ref[...] + g_ref[...] * ys_ref[...]


def _final(x1, gate2, ysel):
    TB = 256
    bspec_tok = pl.BlockSpec((TB, D), lambda i: (i, 0))
    return pl.pallas_call(
        _final_body,
        grid=(T // TB,),
        in_specs=[bspec_tok, pl.BlockSpec((TB, 1), lambda i: (i, 0)), bspec_tok],
        out_specs=bspec_tok,
        out_shape=jax.ShapeDtypeStruct((T, D), jnp.float32),
    )(x1, gate2, ysel)


def kernel(x, x_position, ln1_w, wq, wk, wv, wo, ln2_w, router_w, w1, w3, w2):
    xs = x.reshape(T, D)
    pos = x_position.reshape(T, 1)
    q, k, v = _qkv(xs, pos, ln1_w, wq, wk, wv)
    ao = _attn(q, k, v)
    x1, h2, gate, eidx = _post(xs, ao, wo, ln2_w, router_w)
    xe, gslot, gate2 = _route(eidx.reshape(T), gate.reshape(T), h2)
    ye = _ffn(xe, w1, w3, w2)
    ysel = _gather(gslot, ye)
    out = _final(x1, gate2.reshape(T, 1), ysel)
    return out.reshape(1, T, D)

# --- scband reference (transcript-rebuilt; emitter-appended) ---
"""Pipeline reference for scband-mo-etransformer-block-73512660238759 (READ-ONLY COPY).

The authoritative reference and input builder live on the scoring server;
editing this copy changes nothing except your own understanding.
"""

import jax, jax.numpy as jnp
import numpy as np

D = 768
H = 12
DH = D // H
THETA = 10000.0
E = 64
DFF = 768
CAPF = 2


def _rmsnorm(x, w, eps=1e-5):
    return x * w / jnp.sqrt(jnp.mean(x * x, axis=-1, keepdims=True) + eps)


def _rope(t, pos):
    half = t.shape[-1] // 2
    inv = 1.0 / (THETA ** (jnp.arange(half, dtype=jnp.float32) * 2.0 / t.shape[-1]))
    ang = pos.astype(jnp.float32)[:, :, None] * inv[None, None, :]
    cos = jnp.cos(ang)[:, :, None, :]
    sin = jnp.sin(ang)[:, :, None, :]
    t1 = t[..., :half]
    t2 = t[..., half:]
    return jnp.concatenate([t1 * cos - t2 * sin, t1 * sin + t2 * cos], axis=-1)


def _forward(x, x_position, ln1_w, wq, wk, wv, wo, ln2_w, router_w, w1, w3, w2):
    B, S, _ = x.shape
    # pre-norm causal MHA with RoPE
    h = _rmsnorm(x, ln1_w)
    q = (h @ wq).reshape(B, S, H, DH)
    k = (h @ wk).reshape(B, S, H, DH)
    v = (h @ wv).reshape(B, S, H, DH)
    q = _rope(q, x_position)
    k = _rope(k, x_position)
    scores = jnp.einsum('bshd,bthd->bhst', q, k) / jnp.sqrt(jnp.float32(DH))
    mask = jnp.tril(jnp.ones((S, S), dtype=bool))
    scores = jnp.where(mask[None, None, :, :], scores, jnp.float32(-1e30))
    attn = jax.nn.softmax(scores, axis=-1)
    ao = jnp.einsum('bhst,bthd->bshd', attn, v).reshape(B, S, D) @ wo
    x = x + ao
    # pre-norm expert-parallel MoE FFN (top-1 routing, capacity-based dispatch)
    h2 = _rmsnorm(x, ln2_w)
    flat = h2.reshape(-1, D)
    T = flat.shape[0]
    C = (CAPF * T) // E
    probs = jax.nn.softmax(flat @ router_w, axis=-1)
    gate = jnp.max(probs, axis=-1)
    eidx = jnp.argmax(probs, axis=-1)
    onehot = jax.nn.one_hot(eidx, E, dtype=flat.dtype)
    rank = jnp.cumsum(onehot, axis=0) * onehot  # 1-based rank within expert
    keep = (rank > 0) & (rank <= C)
    dispatch = keep[..., None].astype(flat.dtype) * jax.nn.one_hot((rank - 1).astype(jnp.int32), C, dtype=flat.dtype)
    combine = dispatch * gate[:, None, None]
    xe = jnp.einsum('tec,td->ecd', dispatch, flat)
    a1 = jnp.einsum('ecd,edf->ecf', xe, w1)
    a3 = jnp.einsum('ecd,edf->ecf', xe, w3)
    ye = jnp.einsum('ecf,efd->ecd', jax.nn.silu(a1) * a3, w2)
    mo = jnp.einsum('tec,ecd->td', combine, ye)
    return x + mo.reshape(B, S, D)


def setup_inputs(seed: int = 0):
    key = jax.random.key(seed)
    ks = jax.random.split(key, 10)
    B, S = 1, 2048
    x = jax.random.normal(ks[0], (B, S, D), dtype=jnp.float32)
    x_position = jnp.tile(jnp.arange(S)[None, :], (B, 1))
    ln1_w = jnp.ones((D,), dtype=jnp.float32)
    ln2_w = jnp.ones((D,), dtype=jnp.float32)
    wq = 0.02 * jax.random.normal(ks[1], (D, D), dtype=jnp.float32)
    wk = 0.02 * jax.random.normal(ks[2], (D, D), dtype=jnp.float32)
    wv = 0.02 * jax.random.normal(ks[3], (D, D), dtype=jnp.float32)
    wo = 0.02 * jax.random.normal(ks[4], (D, D), dtype=jnp.float32)
    router_w = 0.02 * jax.random.normal(ks[5], (D, E), dtype=jnp.float32)
    w1 = 0.02 * jax.random.normal(ks[6], (E, D, DFF), dtype=jnp.float32)
    w3 = 0.02 * jax.random.normal(ks[7], (E, D, DFF), dtype=jnp.float32)
    w2 = 0.02 * jax.random.normal(ks[8], (E, DFF, D), dtype=jnp.float32)
    return {"x": x, "x_position": x_position, "ln1_w": ln1_w, "wq": wq, "wk": wk, "wv": wv, "wo": wo, "ln2_w": ln2_w, "router_w": router_w, "w1": w1, "w3": w3, "w2": w2}


def reference(x, x_position, ln1_w, wq, wk, wv, wo, ln2_w, router_w, w1, w3, w2):
    return _forward(x, x_position, ln1_w, wq, wk, wv, wo, ln2_w, router_w, w1, w3, w2)

if __name__ == "__main__":
    import jax
    _d = setup_inputs()
    print(jax.jit(kernel)(*tuple(_d.values())))

</pallas_src>

<mosaic_0001>
#map = affine_map<(d0, d1) -> (0)>
#map1 = affine_map<(d0, d1) -> (0, 0)>
module attributes {stable_mosaic.version = 14 : i64} {
  func.func @_route_body(%arg0: i32, %arg1: i32, %arg2: memref<2048xi32, #tpu.memory_space<hbm>>, %arg3: memref<2048xf32, #tpu.memory_space<hbm>>, %arg4: memref<2048x768xf32, #tpu.memory_space<hbm>>, %arg5: memref<4160x768xf32, #tpu.memory_space<hbm>>, %arg6: memref<2048xi32, #tpu.memory_space<hbm>>, %arg7: memref<2048xf32, #tpu.memory_space<hbm>>, %arg8: memref<128xi32, #tpu.memory_space<vmem>>, %arg9: memref<128xf32, #tpu.memory_space<vmem>>, %arg10: memref<128xi32, #tpu.memory_space<vmem>>, %arg11: memref<64xi32, #tpu.memory_space<vmem>>, %arg12: memref<16x64xi32, #tpu.memory_space<vmem>>, %arg13: memref<64xi32, #tpu.memory_space<vmem>>, %arg14: memref<128xi32, #tpu.memory_space<vmem>>, %arg15: memref<128xi32, #tpu.memory_space<vmem>>, %arg16: memref<128x768xf32, #tpu.memory_space<vmem>>, %arg17: memref<16x64xi32, #tpu.memory_space<vmem_shared>>, %arg18: memref<!tpu.dma_semaphore, #tpu.memory_space<semaphore_mem>>) attributes {dimension_semantics = [#tpu.dimension_semantics<core_parallel>, #tpu.dimension_semantics<subcore_parallel>], iteration_bounds = array<i64: 2, 16>, scalar_prefetch = 0 : i64, scratch_operands = 11 : i64, tpu.core_type = #tpu.core_type<sc_vector_subcore>, window_params = [{transform_indices = #map}, {transform_indices = #map}, {transform_indices = #map1}, {transform_indices = #map1}, {transform_indices = #map}, {transform_indices = #map}]} {
    %eq3A = arith.constant 0 : i32
    %eq3A_0 = arith.cmpi eq, %arg0, %eq3A : i32
    %convert_element_type3A = arith.extui %eq3A_0 : i1 to i32
    %cond3A = arith.constant 0 : i32
    %cond3A_1 = arith.cmpi ne, %convert_element_type3A, %cond3A : i32
    scf.if %cond3A_1 {
      %broadcast_in_dim3A = vector.broadcast %arg1 : i32 to vector<16xi32>
      %mul3A = arith.constant 128 : i32
      %mul3A_2 = arith.muli %arg1, %mul3A : i32
      "tpu.region"() ({
        %run_scoped3A = tpu.sem_alloc : memref<!tpu.dma_semaphore, #tpu.memory_space<semaphore_mem>>
        %dma_start3A_3728 = tpu.memref_slice %arg2[%mul3A_2] : memref<2048xi32, #tpu.memory_space<hbm>> -> memref<128xi32, #tpu.memory_space<hbm>>
        %dma_start3A_3729 = tpu.memref_slice %arg2[%mul3A_2] : memref<2048xi32, #tpu.memory_space<hbm>> -> memref<128xi32, #tpu.memory_space<hbm>>
        tpu.enqueue_dma source(%dma_start3A_3729 : memref<128xi32, #tpu.memory_space<hbm>>) target(%arg8 : memref<128xi32, #tpu.memory_space<vmem>>) target_semaphore(%run_scoped3A : memref<!tpu.dma_semaphore, #tpu.memory_space<semaphore_mem>>)
        %dma_wait3A_3730 = tpu.memref_slice %arg2[%mul3A_2] : memref<2048xi32, #tpu.memory_space<hbm>> -> memref<128xi32, #tpu.memory_space<hbm>>
        %dma_wait3A_3731 = tpu.memref_slice %arg2[%mul3A_2] : memref<2048xi32, #tpu.memory_space<hbm>> -> memref<128xi32, #tpu.memory_space<hbm>>
        tpu.wait_dma2 semaphore(%run_scoped3A : memref<!tpu.dma_semaphore, #tpu.memory_space<semaphore_mem>>) src(%dma_wait3A_3731 : memref<128xi32, #tpu.memory_space<hbm>>) dst(%arg8 : memref<128xi32, #tpu.memory_space<vmem>>)
        tpu.yield
      }) : () -> ()
      "tpu.region"() ({
        %run_scoped3A = tpu.sem_alloc : memref<!tpu.dma_semaphore, #tpu.memory_space<semaphore_mem>>
        %dma_start3A_3728 = tpu.memref_slice %arg3[%mul3A_2] : memref<2048xf32, #tpu.memory_space<hbm>> -> memref<128xf32, #tpu.memory_space<hbm>>
        %dma_start3A_3729 = tpu.memref_slice %arg3[%mul3A_2] : memref<2048xf32, #tpu.memory_space<hbm>> -> memref<128xf32, #tpu.memory_space<hbm>>
        tpu.enqueue_dma source(%dma_start3A_3729 : memref<128xf32, #tpu.memory_space<hbm>>) target(%arg9 : memref<128xf32, #tpu.memory_space<vmem>>) target_semaphore(%run_scoped3A : memref<!tpu.dma_semaphore, #tpu.memory_space<semaphore_mem>>)
        %dma_wait3A_3730 = tpu.memref_slice %arg3[%mul3A_2] : memref<2048xf32, #tpu.memory_space<hbm>> -> memref<128xf32, #tpu.memory_space<hbm>>
        %dma_wait3A_3731 = tpu.memref_slice %arg3[%mul3A_2] : memref<2048xf32, #tpu.memory_space<hbm>> -> memref<128xf32, #tpu.memory_space<hbm>>
        tpu.wait_dma2 semaphore(%run_scoped3A : memref<!tpu.dma_semaphore, #tpu.memory_space<semaphore_mem>>) src(%dma_wait3A_3731 : memref<128xf32, #tpu.memory_space<hbm>>) dst(%arg9 : memref<128xf32, #tpu.memory_space<vmem>>)
        tpu.yield
      }) : () -> ()
      %broadcast_in_dim3A_3 = arith.constant 0 : i32
      %broadcast_in_dim3A_4 = vector.broadcast %broadcast_in_dim3A_3 : i32 to vector<16xi32>
      %swap3A = arith.constant 0 : index
      %swap3A_5 = tpu.vector_load %arg11[%swap3A] {strides = array<i32>} : memref<64xi32, #tpu.memory_space<vmem>>, vector<16xi32>,
      tpu.vector_store %arg11[%swap3A], %broadcast_in_dim3A_4 {strides = array<i32>} : memref<64xi32, #tpu.memory_space<vmem>>, vector<16xi32>,
      %swap3A_6 = arith.constant 16 : index
      %swap3A_7 = tpu.vector_load %arg11[%swap3A_6] {strides = array<i32>} : memref<64xi32, #tpu.memory_space<vmem>>, vector<16xi32>,
      tpu.vector_store %arg11[%swap3A_6], %broadcast_in_dim3A_4 {strides = array<i32>} : memref<64xi32, #tpu.memory_space<vmem>>, vector<16xi32>,
      %swap3A_8 = arith.constant 32 : index
      %swap3A_9 = tpu.vector_load %arg11[%swap3A_8] {strides = array<i32>} : memref<64xi32, #tpu.memory_space<vmem>>, vector<16xi32>,
      tpu.vector_store %arg11[%swap3A_8], %broadcast_in_dim3A_4 {strides = array<i32>} : memref<64xi32, #tpu.memory_space<vmem>>, vector<16xi32>,
      %swap3A_10 = arith.constant 48 : index
      %swap3A_11 = tpu.vector_load %arg11[%swap3A_10] {strides = array<i32>} : memref<64xi32, #tpu.memory_space<vmem>>, vector<16xi32>,
      tpu.vector_store %arg11[%swap3A_10], %broadcast_in_dim3A_4 {strides = array<i32>} : memref<64xi32, #tpu.memory_space<vmem>>, vector<16xi32>,
      %iota3A = tpu.iota {dimensions = array<i32: 0>} : vector<16xi32>
      %get3A = arith.constant 0 : index
      %get3A_12 = tpu.vector_load %arg8[%get3A] {strides = array<i32>} : memref<128xi32, #tpu.memory_space<vmem>>, vector<16xi32>,
      %broadcast_in_dim3A_13 = arith.constant 0 : i32
      %broadcast_in_dim3A_14 = vector.broadcast %broadcast_in_dim3A_13 : i32 to vector<16xi32>
      %broadcast_in_dim3A_15 = arith.constant 0 : i32
      %broadcast_in_dim3A_16 = vector.broadcast %broadcast_in_dim3A_15 : i32 to vector<16xi32>
      %broadcast_in_dim3A_17 = arith.constant 0 : i32
      %broadcast_in_dim3A_18 = vector.broadcast %broadcast_in_dim3A_17 : i32 to vector<16xi32>
      %gather3A = tpu.vector_load_idx %arg8[%broadcast_in_dim3A_18] : memref<128xi32, #tpu.memory_space<vmem>>[vector<16xi32>], vector<16xi32>,
      %eq3A_19 = arith.cmpi eq, %get3A_12, %gather3A : vector<16xi32>
      %gt3A = arith.constant 0 : i32
      %gt3A_20 = vector.broadcast %gt3A : i32 to vector<16xi32>
      %gt3A_21 = arith.cmpi sgt, %iota3A, %gt3A_20 : vector<16xi32>
      %and3A = arith.andi %eq3A_19, %gt3A_21 : vector<16xi1>
      %jit3A = arith.constant 1 : i32
      %jit3A_22 = arith.constant 0 : i32
      %broadcast_in_dim3A_23 = vector.broadcast %jit3A : i32 to vector<16xi32>
      %broadcast_in_dim3A_24 = vector.broadcast %jit3A_22 : i32 to vector<16xi32>
      %select_n3A = arith.select %and3A, %broadcast_in_dim3A_23, %broadcast_in_dim3A_24 : vector<16xi1>, vector<16xi32>
      %add3A = arith.addi %broadcast_in_dim3A_14, %select_n3A : vector<16xi32>
      %jit3A_25 = arith.constant 1 : i32
      %jit3A_26 = arith.constant 0 : i32
      %broadcast_in_dim3A_27 = vector.broadcast %jit3A_25 : i32 to vector<16xi32>
      %broadcast_in_dim3A_28 = vector.broadcast %jit3A_26 : i32 to vector<16xi32>
      %select_n3A_29 = arith.select %eq3A_19, %broadcast_in_dim3A_27, %broadcast_in_dim3A_28 : vector<16xi1>, vector<16xi32>
      %add3A_30 = arith.addi %broadcast_in_dim3A_16, %select_n3A_29 : vector<16xi32>
      %broadcast_in_dim3A_31 = arith.constant 1 : i32
      %broadcast_in_dim3A_32 = vector.broadcast %broadcast_in_dim3A_31 : i32 to vector<16xi32>
      %gather3A_33 = tpu.vector_load_idx %arg8[%broadcast_in_dim3A_32] : memref<128xi32, #tpu.memory_space<vmem>>[vector<16xi32>], vector<16xi32>,
      %eq3A_34 = arith.cmpi eq, %get3A_12, %gather3A_33 : vector<16xi32>
      %gt3A_35 = arith.constant 1 : i32
      %gt3A_36 = vector.broadcast %gt3A_35 : i32 to vector<16xi32>
      %gt3A_37 = arith.cmpi sgt, %iota3A, %gt3A_36 : vector<16xi32>
      %and3A_38 = arith.andi %eq3A_34, %gt3A_37 : vector<16xi1>
      %jit3A_39 = arith.constant 1 : i32
      %jit3A_40 = arith.constant 0 : i32
      %broadcast_in_dim3A_41 = vector.broadcast %jit3A_39 : i32 to vector<16xi32>
      %broadcast_in_dim3A_42 = vector.broadcast %jit3A_40 : i32 to vector<16xi32>
      %select_n3A_43 = arith.select %and3A_38, %broadcast_in_dim3A_41, %broadcast_in_dim3A_42 : vector<16xi1>, vector<16xi32>
      %add3A_44 = arith.addi %add3A, %select_n3A_43 : vector<16xi32>
      %jit3A_45 = arith.constant 1 : i32
      %jit3A_46 = arith.constant 0 : i32
      %broadcast_in_dim3A_47 = vector.broadcast %jit3A_45 : i32 to vector<16xi32>
      %broadcast_in_dim3A_48 = vector.broadcast %jit3A_46 : i32 to vector<16xi32>
      %select_n3A_49 = arith.select %eq3A_34, %broadcast_in_dim3A_47, %broadcast_in_dim3A_48 : vector<16xi1>, vector<16xi32>
      %add3A_50 = arith.addi %add3A_30, %select_n3A_49 : vector<16xi32>
      %broadcast_in_dim3A_51 = arith.constant 2 : i32
      %broadcast_in_dim3A_52 = vector.broadcast %broadcast_in_dim3A_51 : i32 to vector<16xi32>
      %gather3A_53 = tpu.vector_load_idx %arg8[%broadcast_in_dim3A_52] : memref<128xi32, #tpu.memory_space<vmem>>[vector<16xi32>], vector<16xi32>,
      %eq3A_54 = arith.cmpi eq, %get3A_12, %gather3A_53 : vector<16xi32>
      %gt3A_55 = arith.constant 2 : i32
      %gt3A_56 = vector.broadcast %gt3A_55 : i32 to vector<16xi32>
      %gt3A_57 = arith.cmpi sgt, %iota3A, %gt3A_56 : vector<16xi32>
      %and3A_58 = arith.andi %eq3A_54, %gt3A_57 : vector<16xi1>
      %jit3A_59 = arith.constant 1 : i32
      %jit3A_60 = arith.constant 0 : i32
      %broadcast_in_dim3A_61 = vector.broadcast %jit3A_59 : i32 to vector<16xi32>
      %broadcast_in_dim3A_62 = vector.broadcast %jit3A_60 : i32 to vector<16xi32>
      %select_n3A_63 = arith.select %and3A_58, %broadcast_in_dim3A_61, %broadcast_in_dim3A_62 : vector<16xi1>, vector<16xi32>
      %add3A_64 = arith.addi %add3A_44, %select_n3A_63 : vector<16xi32>
      %jit3A_65 = arith.constant 1 : i32
      %jit3A_66 = arith.constant 0 : i32
      %broadcast_in_dim3A_67 = vector.broadcast %jit3A_65 : i32 to vector<16xi32>
      %broadcast_in_dim3A_68 = vector.broadcast %jit3A_66 : i32 to vector<16xi32>
      %select_n3A_69 = arith.select %eq3A_54, %broadcast_in_dim3A_67, %broadcast_in_dim3A_68 : vector<16xi1>, vector<16xi32>
      %add3A_70 = arith.addi %add3A_50, %select_n3A_69 : vector<16xi32>
      %broadcast_in_dim3A_71 = arith.constant 3 : i32
      %broadcast_in_dim3A_72 = vector.broadcast %broadcast_in_dim3A_71 : i32 to vector<16xi32>
      %gather3A_73 = tpu.vector_load_idx %arg8[%broadcast_in_dim3A_72] : memref<128xi32, #tpu.memory_space<vmem>>[vector<16xi32>], vector<16xi32>,
      %eq3A_74 = arith.cmpi eq, %get3A_12, %gather3A_73 : vector<16xi32>
      %gt3A_75 = arith.constant 3 : i32
      %gt3A_76 = vector.broadcast %gt3A_75 : i32 to vector<16xi32>
      %gt3A_77 = arith.cmpi sgt, %iota3A, %gt3A_76 : vector<16xi32>
      %and3A_78 = arith.andi %eq3A_74, %gt3A_77 : vector<16xi1>
      %jit3A_79 = arith.constant 1 : i32
      %jit3A_80 = arith.constant 0 : i32
      %broadcast_in_dim3A_81 = vector.broadcast %jit3A_79 : i32 to vector<16xi32>
      %broadcast_in_dim3A_82 = vector.broadcast %jit3A_80 : i32 to vector<16xi32>
      %select_n3A_83 = arith.select %and3A_78, %broadcast_in_dim3A_81, %broadcast_in_dim3A_82 : vector<16xi1>, vector<16xi32>
      %add3A_84 = arith.addi %add3A_64, %select_n3A_83 : vector<16xi32>
      %jit3A_85 = arith.constant 1 : i32
      %jit3A_86 = arith.constant 0 : i32
      %broadcast_in_dim3A_87 = vector.broadcast %jit3A_85 : i32 to vector<16xi32>
      %broadcast_in_dim3A_88 = vector.broadcast %jit3A_86 : i32 to vector<16xi32>
      %select_n3A_89 = arith.select %eq3A_74, %broadcast_in_dim3A_87, %broadcast_in_dim3A_88 : vector<16xi1>, vector<16xi32>
      %add3A_90 = arith.addi %add3A_70, %select_n3A_89 : vector<16xi32>
      %broadcast_in_dim3A_91 = arith.constant 4 : i32
      %broadcast_in_dim3A_92 = vector.broadcast %broadcast_in_dim3A_91 : i32 to vector<16xi32>
      %gather3A_93 = tpu.vector_load_idx %arg8[%broadcast_in_dim3A_92] : memref<128xi32, #tpu.memory_space<vmem>>[vector<16xi32>], vector<16xi32>,
      %eq3A_94 = arith.cmpi eq, %get3A_12, %gather3A_93 : vector<16xi32>
      %gt3A_95 = arith.constant 4 : i32
      %gt3A_96 = vector.broadcast %gt3A_95 : i32 to vector<16xi32>
      %gt3A_97 = arith.cmpi sgt, %iota3A, %gt3A_96 : vector<16xi32>
      %and3A_98 = arith.andi %eq3A_94, %gt3A_97 : vector<16xi1>
      %jit3A_99 = arith.constant 1 : i32
      %jit3A_100 = arith.constant 0 : i32
      %broadcast_in_dim3A_101 = vector.broadcast %jit3A_99 : i32 to vector<16xi32>
      %broadcast_in_dim3A_102 = vector.broadcast %jit3A_100 : i32 to vector<16xi32>
      %select_n3A_103 = arith.select %and3A_98, %broadcast_in_dim3A_101, %broadcast_in_dim3A_102 : vector<16xi1>, vector<16xi32>
      %add3A_104 = arith.addi %add3A_84, %select_n3A_103 : vector<16xi32>
      %jit3A_105 = arith.constant 1 : i32
      %jit3A_106 = arith.constant 0 : i32
      %broadcast_in_dim3A_107 = vector.broadcast %jit3A_105 : i32 to vector<16xi32>
      %broadcast_in_dim3A_108 = vector.broadcast %jit3A_106 : i32 to vector<16xi32>
      %select_n3A_109 = arith.select %eq3A_94, %broadcast_in_dim3A_107, %broadcast_in_dim3A_108 : vector<16xi1>, vector<16xi32>
      %add3A_110 = arith.addi %add3A_90, %select_n3A_109 : vector<16xi32>
      %broadcast_in_dim3A_111 = arith.constant 5 : i32
      %broadcast_in_dim3A_112 = vector.broadcast %broadcast_in_dim3A_111 : i32 to vector<16xi32>
      %gather3A_113 = tpu.vector_load_idx %arg8[%broadcast_in_dim3A_112] : memref<128xi32, #tpu.memory_space<vmem>>[vector<16xi32>], vector<16xi32>,
      %eq3A_114 = arith.cmpi eq, %get3A_12, %gather3A_113 : vector<16xi32>
      %gt3A_115 = arith.constant 5 : i32
      %gt3A_116 = vector.broadcast %gt3A_115 : i32 to vector<16xi32>
      %gt3A_117 = arith.cmpi sgt, %iota3A, %gt3A_116 : vector<16xi32>
      %and3A_118 = arith.andi %eq3A_114, %gt3A_117 : vector<16xi1>
      %jit3A_119 = arith.constant 1 : i32
      %jit3A_120 = arith.constant 0 : i32
      %broadcast_in_dim3A_121 = vector.broadcast %jit3A_119 : i32 to vector<16xi32>
      %broadcast_in_dim3A_122 = vector.broadcast %jit3A_120 : i32 to vector<16xi32>
      %select_n3A_123 = arith.select %and3A_118, %broadcast_in_dim3A_121, %broadcast_in_dim3A_122 : vector<16xi1>, vector<16xi32>
      %add3A_124 = arith.addi %add3A_104, %select_n3A_123 : vector<16xi32>
      %jit3A_125 = arith.constant 1 : i32
      %jit3A_126 = arith.constant 0 : i32
      %broadcast_in_dim3A_127 = vector.broadcast %jit3A_125 : i32 to vector<16xi32>
      %broadcast_in_dim3A_128 = vector.broadcast %jit3A_126 : i32 to vector<16xi32>
      %select_n3A_129 = arith.select %eq3A_114, %broadcast_in_dim3A_127, %broadcast_in_dim3A_128 : vector<16xi1>, vector<16xi32>
      %add3A_130 = arith.addi %add3A_110, %select_n3A_129 : vector<16xi32>
      %broadcast_in_dim3A_131 = arith.constant 6 : i32
      %broadcast_in_dim3A_132 = vector.broadcast %broadcast_in_dim3A_131 : i32 to vector<16xi32>
      %gather3A_133 = tpu.vector_load_idx %arg8[%broadcast_in_dim3A_132] : memref<128xi32, #tpu.memory_space<vmem>>[vector<16xi32>], vector<16xi32>,
      %eq3A_134 = arith.cmpi eq, %get3A_12, %gather3A_133 : vector<16xi32>
      %gt3A_135 = arith.constant 6 : i32
      %gt3A_136 = vector.broadcast %gt3A_135 : i32 to vector<16xi32>
      %gt3A_137 = arith.cmpi sgt, %iota3A, %gt3A_136 : vector<16xi32>
      %and3A_138 = arith.andi %eq3A_134, %gt3A_137 : vector<16xi1>
      %jit3A_139 = arith.constant 1 : i32
      %jit3A_140 = arith.constant 0 : i32
      %broadcast_in_dim3A_141 = vector.broadcast %jit3A_139 : i32 to vector<16xi32>
      %broadcast_in_dim3A_142 = vector.broadcast %jit3A_140 : i32 to vector<16xi32>
      %select_n3A_143 = arith.select %and3A_138, %broadcast_in_dim3A_141, %broadcast_in_dim3A_142 : vector<16xi1>, vector<16xi32>
      %add3A_144 = arith.addi %add3A_124, %select_n3A_143 : vector<16xi32>
      %jit3A_145 = arith.constant 1 : i32
      %jit3A_146 = arith.constant 0 : i32
      %broadcast_in_dim3A_147 = vector.broadcast %jit3A_145 : i32 to vector<16xi32>
      %broadcast_in_dim3A_148 = vector.broadcast %jit3A_146 : i32 to vector<16xi32>
      %select_n3A_149 = arith.select %eq3A_134, %broadcast_in_dim3A_147, %broadcast_in_dim3A_148 : vector<16xi1>, vector<16xi32>
      %add3A_150 = arith.addi %add3A_130, %select_n3A_149 : vector<16xi32>
      %broadcast_in_dim3A_151 = arith.constant 7 : i32
      %broadcast_in_dim3A_152 = vector.broadcast %broadcast_in_dim3A_151 : i32 to vector<16xi32>
      %gather3A_153 = tpu.vector_load_idx %arg8[%broadcast_in_dim3A_152] : memref<128xi32, #tpu.memory_space<vmem>>[vector<16xi32>], vector<16xi32>,
      %eq3A_154 = arith.cmpi eq, %get3A_12, %gather3A_153 : vector<16xi32>
      %gt3A_155 = arith.constant 7 : i32
      %gt3A_156 = vector.broadcast %gt3A_155 : i32 to vector<16xi32>
      %gt3A_157 = arith.cmpi sgt, %iota3A, %gt3A_156 : vector<16xi32>
      %and3A_158 = arith.andi %eq3A_154, %gt3A_157 : vector<16xi1>
      %jit3A_159 = arith.constant 1 : i32
      %jit3A_160 = arith.constant 0 : i32
      %broadcast_in_dim3A_161 = vector.broadcast %jit3A_159 : i32 to vector<16xi32>
      %broadcast_in_dim3A_162 = vector.broadcast %jit3A_160 : i32 to vector<16xi32>
      %select_n3A_163 = arith.select %and3A_158, %broadcast_in_dim3A_161, %broadcast_in_dim3A_162 : vector<16xi1>, vector<16xi32>
      %add3A_164 = arith.addi %add3A_144, %select_n3A_163 : vector<16xi32>
      %jit3A_165 = arith.constant 1 : i32
      %jit3A_166 = arith.constant 0 : i32
      %broadcast_in_dim3A_167 = vector.broadcast %jit3A_165 : i32 to vector<16xi32>
      %broadcast_in_dim3A_168 = vector.broadcast %jit3A_166 : i32 to vector<16xi32>
      %select_n3A_169 = arith.select %eq3A_154, %broadcast_in_dim3A_167, %broadcast_in_dim3A_168 : vector<16xi1>, vector<16xi32>
      %add3A_170 = arith.addi %add3A_150, %select_n3A_169 : vector<16xi32>
      %broadcast_in_dim3A_171 = arith.constant 8 : i32
      %broadcast_in_dim3A_172 = vector.broadcast %broadcast_in_dim3A_171 : i32 to vector<16xi32>
      %gather3A_173 = tpu.vector_load_idx %arg8[%broadcast_in_dim3A_172] : memref<128xi32, #tpu.memory_space<vmem>>[vector<16xi32>], vector<16xi32>,
      %eq3A_174 = arith.cmpi eq, %get3A_12, %gather3A_173 : vector<16xi32>
      %gt3A_175 = arith.constant 8 : i32
      %gt3A_176 = vector.broadcast %gt3A_175 : i32 to vector<16xi32>
      %gt3A_177 = arith.cmpi sgt, %iota3A, %gt3A_176 : vector<16xi32>
      %and3A_178 = arith.andi %eq3A_174, %gt3A_177 : vector<16xi1>
      %jit3A_179 = arith.constant 1 : i32
      %jit3A_180 = arith.constant 0 : i32
      %broadcast_in_dim3A_181 = vector.broadcast %jit3A_179 : i32 to vector<16xi32>
      %broadcast_in_dim3A_182 = vector.broadcast %jit3A_180 : i32 to vector<16xi32>
      %select_n3A_183 = arith.select %and3A_178, %broadcast_in_dim3A_181, %broadcast_in_dim3A_182 : vector<16xi1>, vector<16xi32>
      %add3A_184 = arith.addi %add3A_164, %select_n3A_183 : vector<16xi32>
      %jit3A_185 = arith.constant 1 : i32
      %jit3A_186 = arith.constant 0 : i32
      %broadcast_in_dim3A_187 = vector.broadcast %jit3A_185 : i32 to vector<16xi32>
      %broadcast_in_dim3A_188 = vector.broadcast %jit3A_186 : i32 to vector<16xi32>
      %select_n3A_189 = arith.select %eq3A_174, %broadcast_in_dim3A_187, %broadcast_in_dim3A_188 : vector<16xi1>, vector<16xi32>
      %add3A_190 = arith.addi %add3A_170, %select_n3A_189 : vector<16xi32>
      %broadcast_in_dim3A_191 = arith.constant 9 : i32
      %broadcast_in_dim3A_192 = vector.broadcast %broadcast_in_dim3A_191 : i32 to vector<16xi32>
      %gather3A_193 = tpu.vector_load_idx %arg8[%broadcast_in_dim3A_192] : memref<128xi32, #tpu.memory_space<vmem>>[vector<16xi32>], vector<16xi32>,
      %eq3A_194 = arith.cmpi eq, %get3A_12, %gather3A_193 : vector<16xi32>
      %gt3A_195 = arith.constant 9 : i32
      %gt3A_196 = vector.broadcast %gt3A_195 : i32 to vector<16xi32>
      %gt3A_197 = arith.cmpi sgt, %iota3A, %gt3A_196 : vector<16xi32>
      %and3A_198 = arith.andi %eq3A_194, %gt3A_197 : vector<16xi1>
      %jit3A_199 = arith.constant 1 : i32
      %jit3A_200 = arith.constant 0 : i32
      %broadcast_in_dim3A_201 = vector.broadcast %jit3A_199 : i32 to vector<16xi32>
      %broadcast_in_dim3A_202 = vector.broadcast %jit3A_200 : i32 to vector<16xi32>
      %select_n3A_203 = arith.select %and3A_198, %broadcast_in_dim3A_201, %broadcast_in_dim3A_202 : vector<16xi1>, vector<16xi32>
      %add3A_204 = arith.addi %add3A_184, %select_n3A_203 : vector<16xi32>
      %jit3A_205 = arith.constant 1 : i32
      %jit3A_206 = arith.constant 0 : i32
      %broadcast_in_dim3A_207 = vector.broadcast %jit3A_205 : i32 to vector<16xi32>
      %broadcast_in_dim3A_208 = vector.broadcast %jit3A_206 : i32 to vector<16xi32>
      %select_n3A_209 = arith.select %eq3A_194, %broadcast_in_dim3A_207, %broadcast_in_dim3A_208 : vector<16xi1>, vector<16xi32>
      %add3A_210 = arith.addi %add3A_190, %select_n3A_209 : vector<16xi32>
      %broadcast_in_dim3A_211 = arith.constant 10 : i32
      %broadcast_in_dim3A_212 = vector.broadcast %broadcast_in_dim3A_211 : i32 to vector<16xi32>
      %gather3A_213 = tpu.vector_load_idx %arg8[%broadcast_in_dim3A_212] : memref<128xi32, #tpu.memory_space<vmem>>[vector<16xi32>], vector<16xi32>,
      %eq3A_214 = arith.cmpi eq, %get3A_12, %gather3A_213 : vector<16xi32>
      %gt3A_215 = arith.constant 10 : i32
      %gt3A_216 = vector.broadcast %gt3A_215 : i32 to vector<16xi32>
      %gt3A_217 = arith.cmpi sgt, %iota3A, %gt3A_216 : vector<16xi32>
      %and3A_218 = arith.andi %eq3A_214, %gt3A_217 : vector<16xi1>
      %jit3A_219 = arith.constant 1 : i32
      %jit3A_220 = arith.constant 0 : i32
      %broadcast_in_dim3A_221 = vector.broadcast %jit3A_219 : i32 to vector<16xi32>
      %broadcast_in_dim3A_222 = vector.broadcast %jit3A_220 : i32 to vector<16xi32>
      %select_n3A_223 = arith.select %and3A_218, %broadcast_in_dim3A_221, %broadcast_in_dim3A_222 : vector<16xi1>, vector<16xi32>
      %add3A_224 = arith.addi %add3A_204, %select_n3A_223 : vector<16xi32>
      %jit3A_225 = arith.constant 1 : i32
      %jit3A_226 = arith.constant 0 : i32
      %broadcast_in_dim3A_227 = vector.broadcast %jit3A_225 : i32 to vector<16xi32>
      %broadcast_in_dim3A_228 = vector.broadcast %jit3A_226 : i32 to vector<16xi32>
      %select_n3A_229 = arith.select %eq3A_214, %broadcast_in_dim3A_227, %broadcast_in_dim3A_228 : vector<16xi1>, vector<16xi32>
      %add3A_230 = arith.addi %add3A_210, %select_n3A_229 : vector<16xi32>
      %broadcast_in_dim3A_231 = arith.constant 11 : i32
      %broadcast_in_dim3A_232 = vector.broadcast %broadcast_in_dim3A_231 : i32 to vector<16xi32>
      %gather3A_233 = tpu.vector_load_idx %arg8[%broadcast_in_dim3A_232] : memref<128xi32, #tpu.memory_space<vmem>>[vector<16xi32>], vector<16xi32>,
      %eq3A_234 = arith.cmpi eq, %get3A_12, %gather3A_233 : vector<16xi32>
      %gt3A_235 = arith.constant 11 : i32
      %gt3A_236 = vector.broadcast %gt3A_235 : i32 to vector<16xi32>
      %gt3A_237 = arith.cmpi sgt, %iota3A, %gt3A_236 : vector<16xi32>
      %and3A_238 = arith.andi %eq3A_234, %gt3A_237 : vector<16xi1>
      %jit3A_239 = arith.constant 1 : i32
      %jit3A_240 = arith.constant 0 : i32
      %broadcast_in_dim3A_241 = vector.broadcast %jit3A_239 : i32 to vector<16xi32>
      %broadcast_in_dim3A_242 = vector.broadcast %jit3A_240 : i32 to vector<16xi32>
      %select_n3A_243 = arith.select %and3A_238, %broadcast_in_dim3A_241, %broadcast_in_dim3A_242 : vector<16xi1>, vector<16xi32>
      %add3A_244 = arith.addi %add3A_224, %select_n3A_243 : vector<16xi32>
      %jit3A_245 = arith.constant 1 : i32
      %jit3A_246 = arith.constant 0 : i32
      %broadcast_in_dim3A_247 = vector.broadcast %jit3A_245 : i32 to vector<16xi32>
      %broadcast_in_dim3A_248 = vector.broadcast %jit3A_246 : i32 to vector<16xi32>
      %select_n3A_249 = arith.select %eq3A_234, %broadcast_in_dim3A_247, %broadcast_in_dim3A_248 : vector<16xi1>, vector<16xi32>
      %add3A_250 = arith.addi %add3A_230, %select_n3A_249 : vector<16xi32>
      %broadcast_in_dim3A_251 = arith.constant 12 : i32
      %broadcast_in_dim3A_252 = vector.broadcast %broadcast_in_dim3A_251 : i32 to vector<16xi32>
      %gather3A_253 = tpu.vector_load_idx %arg8[%broadcast_in_dim3A_252] : memref<128xi32, #tpu.memory_space<vmem>>[vector<16xi32>], vector<16xi32>,
      %eq3A_254 = arith.cmpi eq, %get3A_12, %gather3A_253 : vector<16xi32>
      %gt3A_255 = arith.constant 12 : i32
      %gt3A_256 = vector.broadcast %gt3A_255 : i32 to vector<16xi32>
      %gt3A_257 = arith.cmpi sgt, %iota3A, %gt3A_256 : vector<16xi32>
      %and3A_258 = arith.andi %eq3A_254, %gt3A_257 : vector<16xi1>
      %jit3A_259 = arith.constant 1 : i32
      %jit3A_260 = arith.constant 0 : i32
      %broadcast_in_dim3A_261 = vector.broadcast %jit3A_259 : i32 to vector<16xi32>
      %broadcast_in_dim3A_262 = vector.broadcast %jit3A_260 : i32 to vector<16xi32>
      %select_n3A_263 = arith.select %and3A_258, %broadcast_in_dim3A_261, %broadcast_in_dim3A_262 : vector<16xi1>, vector<16xi32>
      %add3A_264 = arith.addi %add3A_244, %select_n3A_263 : vector<16xi32>
      %jit3A_265 = arith.constant 1 : i32
      %jit3A_266 = arith.constant 0 : i32
      %broadcast_in_dim3A_267 = vector.broadcast %jit3A_265 : i32 to vector<16xi32>
      %broadcast_in_dim3A_268 = vector.broadcast %jit3A_266 : i32 to vector<16xi32>
      %select_n3A_269 = arith.select %eq3A_254, %broadcast_in_dim3A_267, %broadcast_in_dim3A_268 : vector<16xi1>, vector<16xi32>
      %add3A_270 = arith.addi %add3A_250, %select_n3A_269 : vector<16xi32>
      %broadcast_in_dim3A_271 = arith.constant 13 : i32
      %broadcast_in_dim3A_272 = vector.broadcast %broadcast_in_dim3A_271 : i32 to vector<16xi32>
      %gather3A_273 = tpu.vector_load_idx %arg8[%broadcast_in_dim3A_272] : memref<128xi32, #tpu.memory_space<vmem>>[vector<16xi32>], vector<16xi32>,
      %eq3A_274 = arith.cmpi eq, %get3A_12, %gather3A_273 : vector<16xi32>
      %gt3A_275 = arith.constant 13 : i32
      %gt3A_276 = vector.broadcast %gt3A_275 : i32 to vector<16xi32>
      %gt3A_277 = arith.cmpi sgt, %iota3A, %gt3A_276 : vector<16xi32>
      %and3A_278 = arith.andi %eq3A_274, %gt3A_277 : vector<16xi1>
      %jit3A_279 = arith.constant 1 : i32
      %jit3A_280 = arith.constant 0 : i32
      %broadcast_in_dim3A_281 = vector.broadcast %jit3A_279 : i32 to vector<16xi32>
      %broadcast_in_dim3A_282 = vector.broadcast %jit3A_280 : i32 to vector<16xi32>
      %select_n3A_283 = arith.select %and3A_278, %broadcast_in_dim3A_281, %broadcast_in_dim3A_282 : vector<16xi1>, vector<16xi32>
      %add3A_284 = arith.addi %add3A_264, %select_n3A_283 : vector<16xi32>
      %jit3A_285 = arith.constant 1 : i32
      %jit3A_286 = arith.constant 0 : i32
      %broadcast_in_dim3A_287 = vector.broadcast %jit3A_285 : i32 to vector<16xi32>
      %broadcast_in_dim3A_288 = vector.broadcast %jit3A_286 : i32 to vector<16xi32>
      %select_n3A_289 = arith.select %eq3A_274, %broadcast_in_dim3A_287, %broadcast_in_dim3A_288 : vector<16xi1>, vector<16xi32>
      %add3A_290 = arith.addi %add3A_270, %select_n3A_289 : vector<16xi32>
      %broadcast_in_dim3A_291 = arith.constant 14 : i32
      %broadcast_in_dim3A_292 = vector.broadcast %broadcast_in_dim3A_291 : i32 to vector<16xi32>
      %gather3A_293 = tpu.vector_load_idx %arg8[%broadcast_in_dim3A_292] : memref<128xi32, #tpu.memory_space<vmem>>[vector<16xi32>], vector<16xi32>,
      %eq3A_294 = arith.cmpi eq, %get3A_12, %gather3A_293 : vector<16xi32>
      %gt3A_295 = arith.constant 14 : i32
      %gt3A_296 = vector.broadcast %gt3A_295 : i32 to vector<16xi32>
      %gt3A_297 = arith.cmpi sgt, %iota3A, %gt3A_296 : vector<16xi32>
      %and3A_298 = arith.andi %eq3A_294, %gt3A_297 : vector<16xi1>
      %jit3A_299 = arith.constant 1 : i32
      %jit3A_300 = arith.constant 0 : i32
      %broadcast_in_dim3A_301 = vector.broadcast %jit3A_299 : i32 to vector<16xi32>
      %broadcast_in_dim3A_302 = vector.broadcast %jit3A_300 : i32 to vector<16xi32>
      %select_n3A_303 = arith.select %and3A_298, %broadcast_in_dim3A_301, %broadcast_in_dim3A_302 : vector<16xi1>, vector<16xi32>
      %add3A_304 = arith.addi %add3A_284, %select_n3A_303 : vector<16xi32>
      %jit3A_305 = arith.constant 1 : i32
      %jit3A_306 = arith.constant 0 : i32
      %broadcast_in_dim3A_307 = vector.broadcast %jit3A_305 : i32 to vector<16xi32>
      %broadcast_in_dim3A_308 = vector.broadcast %jit3A_306 : i32 to vector<16xi32>
      %select_n3A_309 = arith.select %eq3A_294, %broadcast_in_dim3A_307, %broadcast_in_dim3A_308 : vector<16xi1>, vector<16xi32>
      %add3A_310 = arith.addi %add3A_290, %select_n3A_309 : vector<16xi32>
      %broadcast_in_dim3A_311 = arith.constant 15 : i32
      %broadcast_in_dim3A_312 = vector.broadcast %broadcast_in_dim3A_311 : i32 to vector<16xi32>
      %gather3A_313 = tpu.vector_load_idx %arg8[%broadcast_in_dim3A_312] : memref<128xi32, #tpu.memory_space<vmem>>[vector<16xi32>], vector<16xi32>,
      %eq3A_314 = arith.cmpi eq, %get3A_12, %gather3A_313 : vector<16xi32>
      %gt3A_315 = arith.constant 15 : i32
      %gt3A_316 = vector.broadcast %gt3A_315 : i32 to vector<16xi32>
      %gt3A_317 = arith.cmpi sgt, %iota3A, %gt3A_316 : vector<16xi32>
      %and3A_318 = arith.andi %eq3A_314, %gt3A_317 : vector<16xi1>
      %jit3A_319 = arith.constant 1 : i32
      %jit3A_320 = arith.constant 0 : i32
      %broadcast_in_dim3A_321 = vector.broadcast %jit3A_319 : i32 to vector<16xi32>
      %broadcast_in_dim3A_322 = vector.broadcast %jit3A_320 : i32 to vector<16xi32>
      %select_n3A_323 = arith.select %and3A_318, %broadcast_in_dim3A_321, %broadcast_in_dim3A_322 : vector<16xi1>, vector<16xi32>
      %add3A_324 = arith.addi %add3A_304, %select_n3A_323 : vector<16xi32>
      %jit3A_325 = arith.constant 1 : i32
      %jit3A_326 = arith.constant 0 : i32
      %broadcast_in_dim3A_327 = vector.broadcast %jit3A_325 : i32 to vector<16xi32>
      %broadcast_in_dim3A_328 = vector.broadcast %jit3A_326 : i32 to vector<16xi32>
      %select_n3A_329 = arith.select %eq3A_314, %broadcast_in_dim3A_327, %broadcast_in_dim3A_328 : vector<16xi1>, vector<16xi32>
      %add3A_330 = arith.addi %add3A_310, %select_n3A_329 : vector<16xi32>
      %gather3A_331 = tpu.vector_load_idx %arg11[%get3A_12] : memref<64xi32, #tpu.memory_space<vmem>>[vector<16xi32>], vector<16xi32>,
      %add3A_332 = arith.addi %gather3A_331, %add3A_324 : vector<16xi32>
      %swap3A_333 = arith.constant 0 : index
      %swap3A_334 = tpu.vector_load %arg10[%swap3A_333] {strides = array<i32>} : memref<128xi32, #tpu.memory_space<vmem>>, vector<16xi32>,
      tpu.vector_store %arg10[%swap3A_333], %add3A_332 {strides = array<i32>} : memref<128xi32, #tpu.memory_space<vmem>>, vector<16xi32>,
      %add3A_335 = arith.addi %gather3A_331, %add3A_330 : vector<16xi32>
      tpu.vector_store_idx %arg11[%get3A_12], %add3A_335 : memref<64xi32, #tpu.memory_space<vmem>>[vector<16xi32>], vector<16xi32>,
      %get3A_336 = arith.constant 16 : index
      %get3A_337 = tpu.vector_load %arg8[%get3A_336] {strides = array<i32>} : memref<128xi32, #tpu.memory_space<vmem>>, vector<16xi32>,
      %broadcast_in_dim3A_338 = arith.constant 0 : i32
      %broadcast_in_dim3A_339 = vector.broadcast %broadcast_in_dim3A_338 : i32 to vector<16xi32>
      %broadcast_in_dim3A_340 = arith.constant 0 : i32
      %broadcast_in_dim3A_341 = vector.broadcast %broadcast_in_dim3A_340 : i32 to vector<16xi32>
      %broadcast_in_dim3A_342 = arith.constant 16 : i32
      %broadcast_in_dim3A_343 = vector.broadcast %broadcast_in_dim3A_342 : i32 to vector<16xi32>
      %gather3A_344 = tpu.vector_load_idx %arg8[%broadcast_in_dim3A_343] : memref<128xi32, #tpu.memory_space<vmem>>[vector<16xi32>], vector<16xi32>,
      %eq3A_345 = arith.cmpi eq, %get3A_337, %gather3A_344 : vector<16xi32>
      %gt3A_346 = arith.constant 0 : i32
      %gt3A_347 = vector.broadcast %gt3A_346 : i32 to vector<16xi32>
      %gt3A_348 = arith.cmpi sgt, %iota3A, %gt3A_347 : vector<16xi32>
      %and3A_349 = arith.andi %eq3A_345, %gt3A_348 : vector<16xi1>
      %jit3A_350 = arith.constant 1 : i32
      %jit3A_351 = arith.constant 0 : i32
      %broadcast_in_dim3A_352 = vector.broadcast %jit3A_350 : i32 to vector<16xi32>
      %broadcast_in_dim3A_353 = vector.broadcast %jit3A_351 : i32 to vector<16xi32>
      %select_n3A_354 = arith.select %and3A_349, %broadcast_in_dim3A_352, %broadcast_in_dim3A_353 : vector<16xi1>, vector<16xi32>
      %add3A_355 = arith.addi %broadcast_in_dim3A_339, %select_n3A_354 : vector<16xi32>
      %jit3A_356 = arith.constant 1 : i32
      %jit3A_357 = arith.constant 0 : i32
      %broadcast_in_dim3A_358 = vector.broadcast %jit3A_356 : i32 to vector<16xi32>
      %broadcast_in_dim3A_359 = vector.broadcast %jit3A_357 : i32 to vector<16xi32>
      %select_n3A_360 = arith.select %eq3A_345, %broadcast_in_dim3A_358, %broadcast_in_dim3A_359 : vector<16xi1>, vector<16xi32>
      %add3A_361 = arith.addi %broadcast_in_dim3A_341, %select_n3A_360 : vector<16xi32>
      %broadcast_in_dim3A_362 = arith.constant 17 : i32
      %broadcast_in_dim3A_363 = vector.broadcast %broadcast_in_dim3A_362 : i32 to vector<16xi32>
      %gather3A_364 = tpu.vector_load_idx %arg8[%broadcast_in_dim3A_363] : memref<128xi32, #tpu.memory_space<vmem>>[vector<16xi32>], vector<16xi32>,
      %eq3A_365 = arith.cmpi eq, %get3A_337, %gather3A_364 : vector<16xi32>
      %gt3A_366 = arith.constant 1 : i32
      %gt3A_367 = vector.broadcast %gt3A_366 : i32 to vector<16xi32>
      %gt3A_368 = arith.cmpi sgt, %iota3A, %gt3A_367 : vector<16xi32>
      %and3A_369 = arith.andi %eq3A_365, %gt3A_368 : vector<16xi1>
      %jit3A_370 = arith.constant 1 : i32
      %jit3A_371 = arith.constant 0 : i32
      %broadcast_in_dim3A_372 = vector.broadcast %jit3A_370 : i32 to vector<16xi32>
      %broadcast_in_dim3A_373 = vector.broadcast %jit3A_371 : i32 to vector<16xi32>
      %select_n3A_374 = arith.select %and3A_369, %broadcast_in_dim3A_372, %broadcast_in_dim3A_373 : vector<16xi1>, vector<16xi32>
      %add3A_375 = arith.addi %add3A_355, %select_n3A_374 : vector<16xi32>
      %jit3A_376 = arith.constant 1 : i32
      %jit3A_377 = arith.constant 0 : i32
      %broadcast_in_dim3A_378 = vector.broadcast %jit3A_376 : i32 to vector<16xi32>
      %broadcast_in_dim3A_379 = vector.broadcast %jit3A_377 : i32 to vector<16xi32>
      %select_n3A_380 = arith.select %eq3A_365, %broadcast_in_dim3A_378, %broadcast_in_dim3A_379 : vector<16xi1>, vector<16xi32>
      %add3A_381 = arith.addi %add3A_361, %select_n3A_380 : vector<16xi32>
      %broadcast_in_dim3A_382 = arith.constant 18 : i32
      %broadcast_in_dim3A_383 = vector.broadcast %broadcast_in_dim3A_382 : i32 to vector<16xi32>
      %gather3A_384 = tpu.vector_load_idx %arg8[%broadcast_in_dim3A_383] : memref<128xi32, #tpu.memory_space<vmem>>[vector<16xi32>], vector<16xi32>,
      %eq3A_385 = arith.cmpi eq, %get3A_337, %gather3A_384 : vector<16xi32>
      %gt3A_386 = arith.constant 2 : i32
      %gt3A_387 = vector.broadcast %gt3A_386 : i32 to vector<16xi32>
      %gt3A_388 = arith.cmpi sgt, %iota3A, %gt3A_387 : vector<16xi32>
      %and3A_389 = arith.andi %eq3A_385, %gt3A_388 : vector<16xi1>
      %jit3A_390 = arith.constant 1 : i32
      %jit3A_391 = arith.constant 0 : i32
      %broadcast_in_dim3A_392 = vector.broadcast %jit3A_390 : i32 to vector<16xi32>
      %broadcast_in_dim3A_393 = vector.broadcast %jit3A_391 : i32 to vector<16xi32>
      %select_n3A_394 = arith.select %and3A_389, %broadcast_in_dim3A_392, %broadcast_in_dim3A_393 : vector<16xi1>, vector<16xi32>
      %add3A_395 = arith.addi %add3A_375, %select_n3A_394 : vector<16xi32>
      %jit3A_396 = arith.constant 1 : i32
      %jit3A_397 = arith.constant 0 : i32
      %broadcast_in_dim3A_398 = vector.broadcast %jit3A_396 : i32 to vector<16xi32>
      %broadcast_in_dim3A_399 = vector.broadcast %jit3A_397 : i32 to vector<16xi32>
      %select_n3A_400 = arith.select %eq3A_385, %broadcast_in_dim3A_398, %broadcast_in_dim3A_399 : vector<16xi1>, vector<16xi32>
      %add3A_401 = arith.addi %add3A_381, %select_n3A_400 : vector<16xi32>
      %broadcast_in_dim3A_402 = arith.constant 19 : i32
      %broadcast_in_dim3A_403 = vector.broadcast %broadcast_in_dim3A_402 : i32 to vector<16xi32>
      %gather3A_404 = tpu.vector_load_idx %arg8[%broadcast_in_dim3A_403] : memref<128xi32, #tpu.memory_space<vmem>>[vector<16xi32>], vector<16xi32>,
      %eq3A_405 = arith.cmpi eq, %get3A_337, %gather3A_404 : vector<16xi32>
      %gt3A_406 = arith.constant 3 : i32
      %gt3A_407 = vector.broadcast %gt3A_406 : i32 to vector<16xi32>
      %gt3A_408 = arith.cmpi sgt, %iota3A, %gt3A_407 : vector<16xi32>
      %and3A_409 = arith.andi %eq3A_405, %gt3A_408 : vector<16xi1>
      %jit3A_410 = arith.constant 1 : i32
      %jit3A_411 = arith.constant 0 : i32
      %broadcast_in_dim3A_412 = vector.broadcast %jit3A_410 : i32 to vector<16xi32>
      %broadcast_in_dim3A_413 = vector.broadcast %jit3A_411 : i32 to vector<16xi32>
      %select_n3A_414 = arith.select %and3A_409, %broadcast_in_dim3A_412, %broadcast_in_dim3A_413 : vector<16xi1>, vector<16xi32>
      %add3A_415 = arith.addi %add3A_395, %select_n3A_414 : vector<16xi32>
      %jit3A_416 = arith.constant 1 : i32
      %jit3A_417 = arith.constant 0 : i32
      %broadcast_in_dim3A_418 = vector.broadcast %jit3A_416 : i32 to vector<16xi32>
      %broadcast_in_dim3A_419 = vector.broadcast %jit3A_417 : i32 to vector<16xi32>
      %select_n3A_420 = arith.select %eq3A_405, %broadcast_in_dim3A_418, %broadcast_in_dim3A_419 : vector<16xi1>, vector<16xi32>
      %add3A_421 = arith.addi %add3A_401, %select_n3A_420 : vector<16xi32>
      %broadcast_in_dim3A_422 = arith.constant 20 : i32
      %broadcast_in_dim3A_423 = vector.broadcast %broadcast_in_dim3A_422 : i32 to vector<16xi32>
      %gather3A_424 = tpu.vector_load_idx %arg8[%broadcast_in_dim3A_423] : memref<128xi32, #tpu.memory_space<vmem>>[vector<16xi32>], vector<16xi32>,
      %eq3A_425 = arith.cmpi eq, %get3A_337, %gather3A_424 : vector<16xi32>
      %gt3A_426 = arith.constant 4 : i32
      %gt3A_427 = vector.broadcast %gt3A_426 : i32 to vector<16xi32>
      %gt3A_428 = arith.cmpi sgt, %iota3A, %gt3A_427 : vector<16xi32>
      %and3A_429 = arith.andi %eq3A_425, %gt3A_428 : vector<16xi1>
      %jit3A_430 = arith.constant 1 : i32
      %jit3A_431 = arith.constant 0 : i32
      %broadcast_in_dim3A_432 = vector.broadcast %jit3A_430 : i32 to vector<16xi32>
      %broadcast_in_dim3A_433 = vector.broadcast %jit3A_431 : i32 to vector<16xi32>
      %select_n3A_434 = arith.select %and3A_429, %broadcast_in_dim3A_432, %broadcast_in_dim3A_433 : vector<16xi1>, vector<16xi32>
      %add3A_435 = arith.addi %add3A_415, %select_n3A_434 : vector<16xi32>
      %jit3A_436 = arith.constant 1 : i32
      %jit3A_437 = arith.constant 0 : i32
      %broadcast_in_dim3A_438 = vector.broadcast %jit3A_436 : i32 to vector<16xi32>
      %broadcast_in_dim3A_439 = vector.broadcast %jit3A_437 : i32 to vector<16xi32>
      %select_n3A_440 = arith.select %eq3A_425, %broadcast_in_dim3A_438, %broadcast_in_dim3A_439 : vector<16xi1>, vector<16xi32>
      %add3A_441 = arith.addi %add3A_421, %select_n3A_440 : vector<16xi32>
      %broadcast_in_dim3A_442 = arith.constant 21 : i32
      %broadcast_in_dim3A_443 = vector.broadcast %broadcast_in_dim3A_442 : i32 to vector<16xi32>
      %gather3A_444 = tpu.vector_load_idx %arg8[%broadcast_in_dim3A_443] : memref<128xi32, #tpu.memory_space<vmem>>[vector<16xi32>], vector<16xi32>,
      %eq3A_445 = arith.cmpi eq, %get3A_337, %gather3A_444 : vector<16xi32>
      %gt3A_446 = arith.constant 5 : i32
      %gt3A_447 = vector.broadcast %gt3A_446 : i32 to vector<16xi32>
      %gt3A_448 = arith.cmpi sgt, %iota3A, %gt3A_447 : vector<16xi32>
      %and3A_449 = arith.andi %eq3A_445, %gt3A_448 : vector<16xi1>
      %jit3A_450 = arith.constant 1 : i32
      %jit3A_451 = arith.constant 0 : i32
      %broadcast_in_dim3A_452 = vector.broadcast %jit3A_450 : i32 to vector<16xi32>
      %broadcast_in_dim3A_453 = vector.broadcast %jit3A_451 : i32 to vector<16xi32>
      %select_n3A_454 = arith.select %and3A_449, %broadcast_in_dim3A_452, %broadcast_in_dim3A_453 : vector<16xi1>, vector<16xi32>
      %add3A_455 = arith.addi %add3A_435, %select_n3A_454 : vector<16xi32>
      %jit3A_456 = arith.constant 1 : i32
      %jit3A_457 = arith.constant 0 : i32
      %broadcast_in_dim3A_458 = vector.broadcast %jit3A_456 : i32 to vector<16xi32>
      %broadcast_in_dim3A_459 = vector.broadcast %jit3A_457 : i32 to vector<16xi32>
      %select_n3A_460 = arith.select %eq3A_445, %broadcast_in_dim3A_458, %broadcast_in_dim3A_459 : vector<16xi1>, vector<16xi32>
      %add3A_461 = arith.addi %add3A_441, %select_n3A_460 : vector<16xi32>
      %broadcast_in_dim3A_462 = arith.constant 22 : i32
      %broadcast_in_dim3A_463 = vector.broadcast %broadcast_in_dim3A_462 : i32 to vector<16xi32>
      %gather3A_464 = tpu.vector_load_idx %arg8[%broadcast_in_dim3A_463] : memref<128xi32, #tpu.memory_space<vmem>>[vector<16xi32>], vector<16xi32>,
      %eq3A_465 = arith.cmpi eq, %get3A_337, %gather3A_464 : vector<16xi32>
      %gt3A_466 = arith.constant 6 : i32
      %gt3A_467 = vector.broadcast %gt3A_466 : i32 to vector<16xi32>
      %gt3A_468 = arith.cmpi sgt, %iota3A, %gt3A_467 : vector<16xi32>
      %and3A_469 = arith.andi %eq3A_465, %gt3A_468 : vector<16xi1>
      %jit3A_470 = arith.constant 1 : i32
      %jit3A_471 = arith.constant 0 : i32
      %broadcast_in_dim3A_472 = vector.broadcast %jit3A_470 : i32 to vector<16xi32>
      %broadcast_in_dim3A_473 = vector.broadcast %jit3A_471 : i32 to vector<16xi32>
      %select_n3A_474 = arith.select %and3A_469, %broadcast_in_dim3A_472, %broadcast_in_dim3A_473 : vector<16xi1>, vector<16xi32>
      %add3A_475 = arith.addi %add3A_455, %select_n3A_474 : vector<16xi32>
      %jit3A_476 = arith.constant 1 : i32
      %jit3A_477 = arith.constant 0 : i32
      %broadcast_in_dim3A_478 = vector.broadcast %jit3A_476 : i32 to vector<16xi32>
      %broadcast_in_dim3A_479 = vector.broadcast %jit3A_477 : i32 to vector<16xi32>
      %select_n3A_480 = arith.select %eq3A_465, %broadcast_in_dim3A_478, %broadcast_in_dim3A_479 : vector<16xi1>, vector<16xi32>
      %add3A_481 = arith.addi %add3A_461, %select_n3A_480 : vector<16xi32>
      %broadcast_in_dim3A_482 = arith.constant 23 : i32
      %broadcast_in_dim3A_483 = vector.broadcast %broadcast_in_dim3A_482 : i32 to vector<16xi32>
      %gather3A_484 = tpu.vector_load_idx %arg8[%broadcast_in_dim3A_483] : memref<128xi32, #tpu.memory_space<vmem>>[vector<16xi32>], vector<16xi32>,
      %eq3A_485 = arith.cmpi eq, %get3A_337, %gather3A_484 : vector<16xi32>
      %gt3A_486 = arith.constant 7 : i32
      %gt3A_487 = vector.broadcast %gt3A_486 : i32 to vector<16xi32>
      %gt3A_488 = arith.cmpi sgt, %iota3A, %gt3A_487 : vector<16xi32>
      %and3A_489 = arith.andi %eq3A_485, %gt3A_488 : vector<16xi1>
      %jit3A_490 = arith.constant 1 : i32
      %jit3A_491 = arith.constant 0 : i32
      %broadcast_in_dim3A_492 = vector.broadcast %jit3A_490 : i32 to vector<16xi32>
      %broadcast_in_dim3A_493 = vector.broadcast %jit3A_491 : i32 to vector<16xi32>
      %select_n3A_494 = arith.select %and3A_489, %broadcast_in_dim3A_492, %broadcast_in_dim3A_493 : vector<16xi1>, vector<16xi32>
      %add3A_495 = arith.addi %add3A_475, %select_n3A_494 : vector<16xi32>
      %jit3A_496 = arith.constant 1 : i32
      %jit3A_497 = arith.constant 0 : i32
      %broadcast_in_dim3A_498 = vector.broadcast %jit3A_496 : i32 to vector<16xi32>
      %broadcast_in_dim3A_499 = vector.broadcast %jit3A_497 : i32 to vector<16xi32>
      %select_n3A_500 = arith.select %eq3A_485, %broadcast_in_dim3A_498, %broadcast_in_dim3A_499 : vector<16xi1>, vector<16xi32>
      %add3A_501 = arith.addi %add3A_481, %select_n3A_500 : vector<16xi32>
      %broadcast_in_dim3A_502 = arith.constant 24 : i32
      %broadcast_in_dim3A_503 = vector.broadcast %broadcast_in_dim3A_502 : i32 to vector<16xi32>
      %gather3A_504 = tpu.vector_load_idx %arg8[%broadcast_in_dim3A_503] : memref<128xi32, #tpu.memory_space<vmem>>[vector<16xi32>], vector<16xi32>,
      %eq3A_505 = arith.cmpi eq, %get3A_337, %gather3A_504 : vector<16xi32>
      %gt3A_506 = arith.constant 8 : i32
      %gt3A_507 = vector.broadcast %gt3A_506 : i32 to vector<16xi32>
      %gt3A_508 = arith.cmpi sgt, %iota3A, %gt3A_507 : vector<16xi32>
      %and3A_509 = arith.andi %eq3A_505, %gt3A_508 : vector<16xi1>
      %jit3A_510 = arith.constant 1 : i32
      %jit3A_511 = arith.constant 0 : i32
      %broadcast_in_dim3A_512 = vector.broadcast %jit3A_510 : i32 to vector<16xi32>
      %broadcast_in_dim3A_513 = vector.broadcast %jit3A_511 : i32 to vector<16xi32>
      %select_n3A_514 = arith.select %and3A_509, %broadcast_in_dim3A_512, %broadcast_in_dim3A_513 : vector<16xi1>, vector<16xi32>
      %add3A_515 = arith.addi %add3A_495, %select_n3A_514 : vector<16xi32>
      %jit3A_516 = arith.constant 1 : i32
      %jit3A_517 = arith.constant 0 : i32
      %broadcast_in_dim3A_518 = vector.broadcast %jit3A_516 : i32 to vector<16xi32>
      %broadcast_in_dim3A_519 = vector.broadcast %jit3A_517 : i32 to vector<16xi32>
      %select_n3A_520 = arith.select %eq3A_505, %broadcast_in_dim3A_518, %broadcast_in_dim3A_519 : vector<16xi1>, vector<16xi32>
      %add3A_521 = arith.addi %add3A_501, %select_n3A_520 : vector<16xi32>
      %broadcast_in_dim3A_522 = arith.constant 25 : i32
      %broadcast_in_dim3A_523 = vector.broadcast %broadcast_in_dim3A_522 : i32 to vector<16xi32>
      %gather3A_524 = tpu.vector_load_idx %arg8[%broadcast_in_dim3A_523] : memref<128xi32, #tpu.memory_space<vmem>>[vector<16xi32>], vector<16xi32>,
      %eq3A_525 = arith.cmpi eq, %get3A_337, %gather3A_524 : vector<16xi32>
      %gt3A_526 = arith.constant 9 : i32
      %gt3A_527 = vector.broadcast %gt3A_526 : i32 to vector<16xi32>
      %gt3A_528 = arith.cmpi sgt, %iota3A, %gt3A_527 : vector<16xi32>
      %and3A_529 = arith.andi %eq3A_525, %gt3A_528 : vector<16xi1>
      %jit3A_530 = arith.constant 1 : i32
      %jit3A_531 = arith.constant 0 : i32
      %broadcast_in_dim3A_532 = vector.broadcast %jit3A_530 : i32 to vector<16xi32>
      %broadcast_in_dim3A_533 = vector.broadcast %jit3A_531 : i32 to vector<16xi32>
      %select_n3A_534 = arith.select %and3A_529, %broadcast_in_dim3A_532, %broadcast_in_dim3A_533 : vector<16xi1>, vector<16xi32>
      %add3A_535 = arith.addi %add3A_515, %select_n3A_534 : vector<16xi32>
      %jit3A_536 = arith.constant 1 : i32
      %jit3A_537 = arith.constant 0 : i32
      %broadcast_in_dim3A_538 = vector.broadcast %jit3A_536 : i32 to vector<16xi32>
      %broadcast_in_dim3A_539 = vector.broadcast %jit3A_537 : i32 to vector<16xi32>
      %select_n3A_540 = arith.select %eq3A_525, %broadcast_in_dim3A_538, %broadcast_in_dim3A_539 : vector<16xi1>, vector<16xi32>
      %add3A_541 = arith.addi %add3A_521, %select_n3A_540 : vector<16xi32>
      %broadcast_in_dim3A_542 = arith.constant 26 : i32
      %broadcast_in_dim3A_543 = vector.broadcast %broadcast_in_dim3A_542 : i32 to vector<16xi32>
      %gather3A_544 = tpu.vector_load_idx %arg8[%broadcast_in_dim3A_543] : memref<128xi32, #tpu.memory_space<vmem>>[vector<16xi32>], vector<16xi32>,
      %eq3A_545 = arith.cmpi eq, %get3A_337, %gather3A_544 : vector<16xi32>
      %gt3A_546 = arith.constant 10 : i32
      %gt3A_547 = vector.broadcast %gt3A_546 : i32 to vector<16xi32>
      %gt3A_548 = arith.cmpi sgt, %iota3A, %gt3A_547 : vector<16xi32>
      %and3A_549 = arith.andi %eq3A_545, %gt3A_548 : vector<16xi1>
      %jit3A_550 = arith.constant 1 : i32
      %jit3A_551 = arith.constant 0 : i32
      %broadcast_in_dim3A_552 = vector.broadcast %jit3A_550 : i32 to vector<16xi32>
      %broadcast_in_dim3A_553 = vector.broadcast %jit3A_551 : i32 to vector<16xi32>
      %select_n3A_554 = arith.select %and3A_549, %broadcast_in_dim3A_552, %broadcast_in_dim3A_553 : vector<16xi1>, vector<16xi32>
      %add3A_555 = arith.addi %add3A_535, %select_n3A_554 : vector<16xi32>
      %jit3A_556 = arith.constant 1 : i32
      %jit3A_557 = arith.constant 0 : i32
      %broadcast_in_dim3A_558 = vector.broadcast %jit3A_556 : i32 to vector<16xi32>
      %broadcast_in_dim3A_559 = vector.broadcast %jit3A_557 : i32 to vector<16xi32>
      %select_n3A_560 = arith.select %eq3A_545, %broadcast_in_dim3A_558, %broadcast_in_dim3A_559 : vector<16xi1>, vector<16xi32>
      %add3A_561 = arith.addi %add3A_541, %select_n3A_560 : vector<16xi32>
      %broadcast_in_dim3A_562 = arith.constant 27 : i32
      %broadcast_in_dim3A_563 = vector.broadcast %broadcast_in_dim3A_562 : i32 to vector<16xi32>
      %gather3A_564 = tpu.vector_load_idx %arg8[%broadcast_in_dim3A_563] : memref<128xi32, #tpu.memory_space<vmem>>[vector<16xi32>], vector<16xi32>,
      %eq3A_565 = arith.cmpi eq, %get3A_337, %gather3A_564 : vector<16xi32>
      %gt3A_566 = arith.constant 11 : i32
      %gt3A_567 = vector.broadcast %gt3A_566 : i32 to vector<16xi32>
      %gt3A_568 = arith.cmpi sgt, %iota3A, %gt3A_567 : vector<16xi32>
      %and3A_569 = arith.andi %eq3A_565, %gt3A_568 : vector<16xi1>
      %jit3A_570 = arith.constant 1 : i32
      %jit3A_571 = arith.constant 0 : i32
      %broadcast_in_dim3A_572 = vector.broadcast %jit3A_570 : i32 to vector<16xi32>
      %broadcast_in_dim3A_573 = vector.broadcast %jit3A_571 : i32 to vector<16xi32>
      %select_n3A_574 = arith.select %and3A_569, %broadcast_in_dim3A_572, %broadcast_in_dim3A_573 : vector<16xi1>, vector<16xi32>
      %add3A_575 = arith.addi %add3A_555, %select_n3A_574 : vector<16xi32>
      %jit3A_576 = arith.constant 1 : i32
      %jit3A_577 = arith.constant 0 : i32
      %broadcast_in_dim3A_578 = vector.broadcast %jit3A_576 : i32 to vector<16xi32>
      %broadcast_in_dim3A_579 = vector.broadcast %jit3A_577 : i32 to vector<16xi32>
      %select_n3A_580 = arith.select %eq3A_565, %broadcast_in_dim3A_578, %broadcast_in_dim3A_579 : vector<16xi1>, vector<16xi32>
      %add3A_581 = arith.addi %add3A_561, %select_n3A_580 : vector<16xi32>
      %broadcast_in_dim3A_582 = arith.constant 28 : i32
      %broadcast_in_dim3A_583 = vector.broadcast %broadcast_in_dim3A_582 : i32 to vector<16xi32>
      %gather3A_584 = tpu.vector_load_idx %arg8[%broadcast_in_dim3A_583] : memref<128xi32, #tpu.memory_space<vmem>>[vector<16xi32>], vector<16xi32>,
      %eq3A_585 = arith.cmpi eq, %get3A_337, %gather3A_584 : vector<16xi32>
      %gt3A_586 = arith.constant 12 : i32
      %gt3A_587 = vector.broadcast %gt3A_586 : i32 to vector<16xi32>
      %gt3A_588 = arith.cmpi sgt, %iota3A, %gt3A_587 : vector<16xi32>
      %and3A_589 = arith.andi %eq3A_585, %gt3A_588 : vector<16xi1>
      %jit3A_590 = arith.constant 1 : i32
      %jit3A_591 = arith.constant 0 : i32
      %broadcast_in_dim3A_592 = vector.broadcast %jit3A_590 : i32 to vector<16xi32>
      %broadcast_in_dim3A_593 = vector.broadcast %jit3A_591 : i32 to vector<16xi32>
      %select_n3A_594 = arith.select %and3A_589, %broadcast_in_dim3A_592, %broadcast_in_dim3A_593 : vector<16xi1>, vector<16xi32>
      %add3A_595 = arith.addi %add3A_575, %select_n3A_594 : vector<16xi32>
      %jit3A_596 = arith.constant 1 : i32
      %jit3A_597 = arith.constant 0 : i32
      %broadcast_in_dim3A_598 = vector.broadcast %jit3A_596 : i32 to vector<16xi32>
      %broadcast_in_dim3A_599 = vector.broadcast %jit3A_597 : i32 to vector<16xi32>
      %select_n3A_600 = arith.select %eq3A_585, %broadcast_in_dim3A_598, %broadcast_in_dim3A_599 : vector<16xi1>, vector<16xi32>
      %add3A_601 = arith.addi %add3A_581, %select_n3A_600 : vector<16xi32>
      %broadcast_in_dim3A_602 = arith.constant 29 : i32
      %broadcast_in_dim3A_603 = vector.broadcast %broadcast_in_dim3A_602 : i32 to vector<16xi32>
      %gather3A_604 = tpu.vector_load_idx %arg8[%broadcast_in_dim3A_603] : memref<128xi32, #tpu.memory_space<vmem>>[vector<16xi32>], vector<16xi32>,
      %eq3A_605 = arith.cmpi eq, %get3A_337, %gather3A_604 : vector<16xi32>
      %gt3A_606 = arith.constant 13 : i32
      %gt3A_607 = vector.broadcast %gt3A_606 : i32 to vector<16xi32>
      %gt3A_608 = arith.cmpi sgt, %iota3A, %gt3A_607 : vector<16xi32>
      %and3A_609 = arith.andi %eq3A_605, %gt3A_608 : vector<16xi1>
      %jit3A_610 = arith.constant 1 : i32
      %jit3A_611 = arith.constant 0 : i32
      %broadcast_in_dim3A_612 = vector.broadcast %jit3A_610 : i32 to vector<16xi32>
      %broadcast_in_dim3A_613 = vector.broadcast %jit3A_611 : i32 to vector<16xi32>
      %select_n3A_614 = arith.select %and3A_609, %broadcast_in_dim3A_612, %broadcast_in_dim3A_613 : vector<16xi1>, vector<16xi32>
      %add3A_615 = arith.addi %add3A_595, %select_n3A_614 : vector<16xi32>
      %jit3A_616 = arith.constant 1 : i32
      %jit3A_617 = arith.constant 0 : i32
      %broadcast_in_dim3A_618 = vector.broadcast %jit3A_616 : i32 to vector<16xi32>
      %broadcast_in_dim3A_619 = vector.broadcast %jit3A_617 : i32 to vector<16xi32>
      %select_n3A_620 = arith.select %eq3A_605, %broadcast_in_dim3A_618, %broadcast_in_dim3A_619 : vector<16xi1>, vector<16xi32>
      %add3A_621 = arith.addi %add3A_601, %select_n3A_620 : vector<16xi32>
      %broadcast_in_dim3A_622 = arith.constant 30 : i32
      %broadcast_in_dim3A_623 = vector.broadcast %broadcast_in_dim3A_622 : i32 to vector<16xi32>
      %gather3A_624 = tpu.vector_load_idx %arg8[%broadcast_in_dim3A_623] : memref<128xi32, #tpu.memory_space<vmem>>[vector<16xi32>], vector<16xi32>,
      %eq3A_625 = arith.cmpi eq, %get3A_337, %gather3A_624 : vector<16xi32>
      %gt3A_626 = arith.constant 14 : i32
      %gt3A_627 = vector.broadcast %gt3A_626 : i32 to vector<16xi32>
      %gt3A_628 = arith.cmpi sgt, %iota3A, %gt3A_627 : vector<16xi32>
      %and3A_629 = arith.andi %eq3A_625, %gt3A_628 : vector<16xi1>
      %jit3A_630 = arith.constant 1 : i32
      %jit3A_631 = arith.constant 0 : i32
      %broadcast_in_dim3A_632 = vector.broadcast %jit3A_630 : i32 to vector<16xi32>
      %broadcast_in_dim3A_633 = vector.broadcast %jit3A_631 : i32 to vector<16xi32>
      %select_n3A_634 = arith.select %and3A_629, %broadcast_in_dim3A_632, %broadcast_in_dim3A_633 : vector<16xi1>, vector<16xi32>
      %add3A_635 = arith.addi %add3A_615, %select_n3A_634 : vector<16xi32>
      %jit3A_636 = arith.constant 1 : i32
      %jit3A_637 = arith.constant 0 : i32
      %broadcast_in_dim3A_638 = vector.broadcast %jit3A_636 : i32 to vector<16xi32>
      %broadcast_in_dim3A_639 = vector.broadcast %jit3A_637 : i32 to vector<16xi32>
      %select_n3A_640 = arith.select %eq3A_625, %broadcast_in_dim3A_638, %broadcast_in_dim3A_639 : vector<16xi1>, vector<16xi32>
      %add3A_641 = arith.addi %add3A_621, %select_n3A_640 : vector<16xi32>
      %broadcast_in_dim3A_642 = arith.constant 31 : i32
      %broadcast_in_dim3A_643 = vector.broadcast %broadcast_in_dim3A_642 : i32 to vector<16xi32>
      %gather3A_644 = tpu.vector_load_idx %arg8[%broadcast_in_dim3A_643] : memref<128xi32, #tpu.memory_space<vmem>>[vector<16xi32>], vector<16xi32>,
      %eq3A_645 = arith.cmpi eq, %get3A_337, %gather3A_644 : vector<16xi32>
      %gt3A_646 = arith.constant 15 : i32
      %gt3A_647 = vector.broadcast %gt3A_646 : i32 to vector<16xi32>
      %gt3A_648 = arith.cmpi sgt, %iota3A, %gt3A_647 : vector<16xi32>
      %and3A_649 = arith.andi %eq3A_645, %gt3A_648 : vector<16xi1>
      %jit3A_650 = arith.constant 1 : i32
      %jit3A_651 = arith.constant 0 : i32
      %broadcast_in_dim3A_652 = vector.broadcast %jit3A_650 : i32 to vector<16xi32>
      %broadcast_in_dim3A_653 = vector.broadcast %jit3A_651 : i32 to vector<16xi32>
      %select_n3A_654 = arith.select %and3A_649, %broadcast_in_dim3A_652, %broadcast_in_dim3A_653 : vector<16xi1>, vector<16xi32>
      %add3A_655 = arith.addi %add3A_635, %select_n3A_654 : vector<16xi32>
      %jit3A_656 = arith.constant 1 : i32
      %jit3A_657 = arith.constant 0 : i32
      %broadcast_in_dim3A_658 = vector.broadcast %jit3A_656 : i32 to vector<16xi32>
      %broadcast_in_dim3A_659 = vector.broadcast %jit3A_657 : i32 to vector<16xi32>
      %select_n3A_660 = arith.select %eq3A_645, %broadcast_in_dim3A_658, %broadcast_in_dim3A_659 : vector<16xi1>, vector<16xi32>
      %add3A_661 = arith.addi %add3A_641, %select_n3A_660 : vector<16xi32>
      %gather3A_662 = tpu.vector_load_idx %arg11[%get3A_337] : memref<64xi32, #tpu.memory_space<vmem>>[vector<16xi32>], vector<16xi32>,
      %add3A_663 = arith.addi %gather3A_662, %add3A_655 : vector<16xi32>
      %swap3A_664 = arith.constant 16 : index
      %swap3A_665 = tpu.vector_load %arg10[%swap3A_664] {strides = array<i32>} : memref<128xi32, #tpu.memory_space<vmem>>, vector<16xi32>,
      tpu.vector_store %arg10[%swap3A_664], %add3A_663 {strides = array<i32>} : memref<128xi32, #tpu.memory_space<vmem>>, vector<16xi32>,
      %add3A_666 = arith.addi %gather3A_662, %add3A_661 : vector<16xi32>
      tpu.vector_store_idx %arg11[%get3A_337], %add3A_666 : memref<64xi32, #tpu.memory_space<vmem>>[vector<16xi32>], vector<16xi32>,
      %get3A_667 = arith.constant 32 : index
      %get3A_668 = tpu.vector_load %arg8[%get3A_667] {strides = array<i32>} : memref<128xi32, #tpu.memory_space<vmem>>, vector<16xi32>,
      %broadcast_in_dim3A_669 = arith.constant 0 : i32
      %broadcast_in_dim3A_670 = vector.broadcast %broadcast_in_dim3A_669 : i32 to vector<16xi32>
      %broadcast_in_dim3A_671 = arith.constant 0 : i32
      %broadcast_in_dim3A_672 = vector.broadcast %broadcast_in_dim3A_671 : i32 to vector<16xi32>
      %broadcast_in_dim3A_673 = arith.constant 32 : i32
      %broadcast_in_dim3A_674 = vector.broadcast %broadcast_in_dim3A_673 : i32 to vector<16xi32>
      %gather3A_675 = tpu.vector_load_idx %arg8[%broadcast_in_dim3A_674] : memref<128xi32, #tpu.memory_space<vmem>>[vector<16xi32>], vector<16xi32>,
      %eq3A_676 = arith.cmpi eq, %get3A_668, %gather3A_675 : vector<16xi32>
      %gt3A_677 = arith.constant 0 : i32
      %gt3A_678 = vector.broadcast %gt3A_677 : i32 to vector<16xi32>
      %gt3A_679 = arith.cmpi sgt, %iota3A, %gt3A_678 : vector<16xi32>
      %and3A_680 = arith.andi %eq3A_676, %gt3A_679 : vector<16xi1>
      %jit3A_681 = arith.constant 1 : i32
      %jit3A_682 = arith.constant 0 : i32
      %broadcast_in_dim3A_683 = vector.broadcast %jit3A_681 : i32 to vector<16xi32>
      %broadcast_in_dim3A_684 = vector.broadcast %jit3A_682 : i32 to vector<16xi32>
      %select_n3A_685 = arith.select %and3A_680, %broadcast_in_dim3A_683, %broadcast_in_dim3A_684 : vector<16xi1>, vector<16xi32>
      %add3A_686 = arith.addi %broadcast_in_dim3A_670, %select_n3A_685 : vector<16xi32>
      %jit3A_687 = arith.constant 1 : i32
      %jit3A_688 = arith.constant 0 : i32
      %broadcast_in_dim3A_689 = vector.broadcast %jit3A_687 : i32 to vector<16xi32>
      %broadcast_in_dim3A_690 = vector.broadcast %jit3A_688 : i32 to vector<16xi32>
      %select_n3A_691 = arith.select %eq3A_676, %broadcast_in_dim3A_689, %broadcast_in_dim3A_690 : vector<16xi1>, vector<16xi32>
      %add3A_692 = arith.addi %broadcast_in_dim3A_672, %select_n3A_691 : vector<16xi32>
      %broadcast_in_dim3A_693 = arith.constant 33 : i32
      %broadcast_in_dim3A_694 = vector.broadcast %broadcast_in_dim3A_693 : i32 to vector<16xi32>
      %gather3A_695 = tpu.vector_load_idx %arg8[%broadcast_in_dim3A_694] : memref<128xi32, #tpu.memory_space<vmem>>[vector<16xi32>], vector<16xi32>,
      %eq3A_696 = arith.cmpi eq, %get3A_668, %gather3A_695 : vector<16xi32>
      %gt3A_697 = arith.constant 1 : i32
      %gt3A_698 = vector.broadcast %gt3A_697 : i32 to vector<16xi32>
      %gt3A_699 = arith.cmpi sgt, %iota3A, %gt3A_698 : vector<16xi32>
      %and3A_700 = arith.andi %eq3A_696, %gt3A_699 : vector<16xi1>
      %jit3A_701 = arith.constant 1 : i32
      %jit3A_702 = arith.constant 0 : i32
      %broadcast_in_dim3A_703 = vector.broadcast %jit3A_701 : i32 to vector<16xi32>
      %broadcast_in_dim3A_704 = vector.broadcast %jit3A_702 : i32 to vector<16xi32>
      %select_n3A_705 = arith.select %and3A_700, %broadcast_in_dim3A_703, %broadcast_in_dim3A_704 : vector<16xi1>, vector<16xi32>
      %add3A_706 = arith.addi %add3A_686, %select_n3A_705 : vector<16xi32>
      %jit3A_707 = arith.constant 1 : i32
      %jit3A_708 = arith.constant 0 : i32
      %broadcast_in_dim3A_709 = vector.broadcast %jit3A_707 : i32 to vector<16xi32>
      %broadcast_in_dim3A_710 = vector.broadcast %jit3A_708 : i32 to vector<16xi32>
      %select_n3A_711 = arith.select %eq3A_696, %broadcast_in_dim3A_709, %broadcast_in_dim3A_710 : vector<16xi1>, vector<16xi32>
      %add3A_712 = arith.addi %add3A_692, %select_n3A_711 : vector<16xi32>
      %broadcast_in_dim3A_713 = arith.constant 34 : i32
      %broadcast_in_dim3A_714 = vector.broadcast %broadcast_in_dim3A_713 : i32 to vector<16xi32>
      %gather3A_715 = tpu.vector_load_idx %arg8[%broadcast_in_dim3A_714] : memref<128xi32, #tpu.memory_space<vmem>>[vector<16xi32>], vector<16xi32>,
      %eq3A_716 = arith.cmpi eq, %get3A_668, %gather3A_715 : vector<16xi32>
      %gt3A_717 = arith.constant 2 : i32
      %gt3A_718 = vector.broadcast %gt3A_717 : i32 to vector<16xi32>
      %gt3A_719 = arith.cmpi sgt, %iota3A, %gt3A_718 : vector<16xi32>
      %and3A_720 = arith.andi %eq3A_716, %gt3A_719 : vector<16xi1>
      %jit3A_721 = arith.constant 1 : i32
      %jit3A_722 = arith.constant 0 : i32
      %broadcast_in_dim3A_723 = vector.broadcast %jit3A_721 : i32 to vector<16xi32>
      %broadcast_in_dim3A_724 = vector.broadcast %jit3A_722 : i32 to vector<16xi32>
      %select_n3A_725 = arith.select %and3A_720, %broadcast_in_dim3A_723, %broadcast_in_dim3A_724 : vector<16xi1>, vector<16xi32>
      %add3A_726 = arith.addi %add3A_706, %select_n3A_725 : vector<16xi32>
      %jit3A_727 = arith.constant 1 : i32
      %jit3A_728 = arith.constant 0 : i32
      %broadcast_in_dim3A_729 = vector.broadcast %jit3A_727 : i32 to vector<16xi32>
      %broadcast_in_dim3A_730 = vector.broadcast %jit3A_728 : i32 to vector<16xi32>
      %select_n3A_731 = arith.select %eq3A_716, %broadcast_in_dim3A_729, %broadcast_in_dim3A_730 : vector<16xi1>, vector<16xi32>
      %add3A_732 = arith.addi %add3A_712, %select_n3A_731 : vector<16xi32>
      %broadcast_in_dim3A_733 = arith.constant 35 : i32
      %broadcast_in_dim3A_734 = vector.broadcast %broadcast_in_dim3A_733 : i32 to vector<16xi32>
      %gather3A_735 = tpu.vector_load_idx %arg8[%broadcast_in_dim3A_734] : memref<128xi32, #tpu.memory_space<vmem>>[vector<16xi32>], vector<16xi32>,
      %eq3A_736 = arith.cmpi eq, %get3A_668, %gather3A_735 : vector<16xi32>
      %gt3A_737 = arith.constant 3 : i32
      %gt3A_738 = vector.broadcast %gt3A_737 : i32 to vector<16xi32>
      %gt3A_739 = arith.cmpi sgt, %iota3A, %gt3A_738 : vector<16xi32>
      %and3A_740 = arith.andi %eq3A_736, %gt3A_739 : vector<16xi1>
      %jit3A_741 = arith.constant 1 : i32
      %jit3A_742 = arith.constant 0 : i32
      %broadcast_in_dim3A_743 = vector.broadcast %jit3A_741 : i32 to vector<16xi32>
      %broadcast_in_dim3A_744 = vector.broadcast %jit3A_742 : i32 to vector<16xi32>
      %select_n3A_745 = arith.select %and3A_740, %broadcast_in_dim3A_743, %broadcast_in_dim3A_744 : vector<16xi1>, vector<16xi32>
      %add3A_746 = arith.addi %add3A_726, %select_n3A_745 : vector<16xi32>
      %jit3A_747 = arith.constant 1 : i32
      %jit3A_748 = arith.constant 0 : i32
      %broadcast_in_dim3A_749 = vector.broadcast %jit3A_747 : i32 to vector<16xi32>
      %broadcast_in_dim3A_750 = vector.broadcast %jit3A_748 : i32 to vector<16xi32>
      %select_n3A_751 = arith.select %eq3A_736, %broadcast_in_dim3A_749, %broadcast_in_dim3A_750 : vector<16xi1>, vector<16xi32>
      %add3A_752 = arith.addi %add3A_732, %select_n3A_751 : vector<16xi32>
      %broadcast_in_dim3A_753 = arith.constant 36 : i32
      %broadcast_in_dim3A_754 = vector.broadcast %broadcast_in_dim3A_753 : i32 to vector<16xi32>
      %gather3A_755 = tpu.vector_load_idx %arg8[%broadcast_in_dim3A_754] : memref<128xi32, #tpu.memory_space<vmem>>[vector<16xi32>], vector<16xi32>,
      %eq3A_756 = arith.cmpi eq, %get3A_668, %gather3A_755 : vector<16xi32>
      %gt3A_757 = arith.constant 4 : i32
      %gt3A_758 = vector.broadcast %gt3A_757 : i32 to vector<16xi32>
      %gt3A_759 = arith.cmpi sgt, %iota3A, %gt3A_758 : vector<16xi32>
      %and3A_760 = arith.andi %eq3A_756, %gt3A_759 : vector<16xi1>
      %jit3A_761 = arith.constant 1 : i32
      %jit3A_762 = arith.constant 0 : i32
      %broadcast_in_dim3A_763 = vector.broadcast %jit3A_761 : i32 to vector<16xi32>
      %broadcast_in_dim3A_764 = vector.broadcast %jit3A_762 : i32 to vector<16xi32>
      %select_n3A_765 = arith.select %and3A_760, %broadcast_in_dim3A_763, %broadcast_in_dim3A_764 : vector<16xi1>, vector<16xi32>
      %add3A_766 = arith.addi %add3A_746, %select_n3A_765 : vector<16xi32>
      %jit3A_767 = arith.constant 1 : i32
      %jit3A_768 = arith.constant 0 : i32
      %broadcast_in_dim3A_769 = vector.broadcast %jit3A_767 : i32 to vector<16xi32>
      %broadcast_in_dim3A_770 = vector.broadcast %jit3A_768 : i32 to vector<16xi32>
      %select_n3A_771 = arith.select %eq3A_756, %broadcast_in_dim3A_769, %broadcast_in_dim3A_770 : vector<16xi1>, vector<16xi32>
      %add3A_772 = arith.addi %add3A_752, %select_n3A_771 : vector<16xi32>
      %broadcast_in_dim3A_773 = arith.constant 37 : i32
      %broadcast_in_dim3A_774 = vector.broadcast %broadcast_in_dim3A_773 : i32 to vector<16xi32>
      %gather3A_775 = tpu.vector_load_idx %arg8[%broadcast_in_dim3A_774] : memref<128xi32, #tpu.memory_space<vmem>>[vector<16xi32>], vector<16xi32>,
      %eq3A_776 = arith.cmpi eq, %get3A_668, %gather3A_775 : vector<16xi32>
      %gt3A_777 = arith.constant 5 : i32
      %gt3A_778 = vector.broadcast %gt3A_777 : i32 to vector<16xi32>
      %gt3A_779 = arith.cmpi sgt, %iota3A, %gt3A_778 : vector<16xi32>
      %and3A_780 = arith.andi %eq3A_776, %gt3A_779 : vector<16xi1>
      %jit3A_781 = arith.constant 1 : i32
      %jit3A_782 = arith.constant 0 : i32
      %broadcast_in_dim3A_783 = vector.broadcast %jit3A_781 : i32 to vector<16xi32>
      %broadcast_in_dim3A_784 = vector.broadcast %jit3A_782 : i32 to vector<16xi32>
      %select_n3A_785 = arith.select %and3A_780, %broadcast_in_dim3A_783, %broadcast_in_dim3A_784 : vector<16xi1>, vector<16xi32>
      %add3A_786 = arith.addi %add3A_766, %select_n3A_785 : vector<16xi32>
      %jit3A_787 = arith.constant 1 : i32
      %jit3A_788 = arith.constant 0 : i32
      %broadcast_in_dim3A_789 = vector.broadcast %jit3A_787 : i32 to vector<16xi32>
      %broadcast_in_dim3A_790 = vector.broadcast %jit3A_788 : i32 to vector<16xi32>
      %select_n3A_791 = arith.select %eq3A_776, %broadcast_in_dim3A_789, %broadcast_in_dim3A_790 : vector<16xi1>, vector<16xi32>
      %add3A_792 = arith.addi %add3A_772, %select_n3A_791 : vector<16xi32>
      %broadcast_in_dim3A_793 = arith.constant 38 : i32
      %broadcast_in_dim3A_794 = vector.broadcast %broadcast_in_dim3A_793 : i32 to vector<16xi32>
      %gather3A_795 = tpu.vector_load_idx %arg8[%broadcast_in_dim3A_794] : memref<128xi32, #tpu.memory_space<vmem>>[vector<16xi32>], vector<16xi32>,
      %eq3A_796 = arith.cmpi eq, %get3A_668, %gather3A_795 : vector<16xi32>
      %gt3A_797 = arith.constant 6 : i32
      %gt3A_798 = vector.broadcast %gt3A_797 : i32 to vector<16xi32>
      %gt3A_799 = arith.cmpi sgt, %iota3A, %gt3A_798 : vector<16xi32>
      %and3A_800 = arith.andi %eq3A_796, %gt3A_799 : vector<16xi1>
      %jit3A_801 = arith.constant 1 : i32
      %jit3A_802 = arith.constant 0 : i32
      %broadcast_in_dim3A_803 = vector.broadcast %jit3A_801 : i32 to vector<16xi32>
      %broadcast_in_dim3A_804 = vector.broadcast %jit3A_802 : i32 to vector<16xi32>
      %select_n3A_805 = arith.select %and3A_800, %broadcast_in_dim3A_803, %broadcast_in_dim3A_804 : vector<16xi1>, vector<16xi32>
      %add3A_806 = arith.addi %add3A_786, %select_n3A_805 : vector<16xi32>
      %jit3A_807 = arith.constant 1 : i32
      %jit3A_808 = arith.constant 0 : i32
      %broadcast_in_dim3A_809 = vector.broadcast %jit3A_807 : i32 to vector<16xi32>
      %broadcast_in_dim3A_810 = vector.broadcast %jit3A_808 : i32 to vector<16xi32>
      %select_n3A_811 = arith.select %eq3A_796, %broadcast_in_dim3A_809, %broadcast_in_dim3A_810 : vector<16xi1>, vector<16xi32>
      %add3A_812 = arith.addi %add3A_792, %select_n3A_811 : vector<16xi32>
      %broadcast_in_dim3A_813 = arith.constant 39 : i32
      %broadcast_in_dim3A_814 = vector.broadcast %broadcast_in_dim3A_813 : i32 to vector<16xi32>
      %gather3A_815 = tpu.vector_load_idx %arg8[%broadcast_in_dim3A_814] : memref<128xi32, #tpu.memory_space<vmem>>[vector<16xi32>], vector<16xi32>,
      %eq3A_816 = arith.cmpi eq, %get3A_668, %gather3A_815 : vector<16xi32>
      %gt3A_817 = arith.constant 7 : i32
      %gt3A_818 = vector.broadcast %gt3A_817 : i32 to vector<16xi32>
      %gt3A_819 = arith.cmpi sgt, %iota3A, %gt3A_818 : vector<16xi32>
      %and3A_820 = arith.andi %eq3A_816, %gt3A_819 : vector<16xi1>
      %jit3A_821 = arith.constant 1 : i32
      %jit3A_822 = arith.constant 0 : i32
      %broadcast_in_dim3A_823 = vector.broadcast %jit3A_821 : i32 to vector<16xi32>
      %broadcast_in_dim3A_824 = vector.broadcast %jit3A_822 : i32 to vector<16xi32>
      %select_n3A_825 = arith.select %and3A_820, %broadcast_in_dim3A_823, %broadcast_in_dim3A_824 : vector<16xi1>, vector<16xi32>
      %add3A_826 = arith.addi %add3A_806, %select_n3A_825 : vector<16xi32>
      %jit3A_827 = arith.constant 1 : i32
      %jit3A_828 = arith.constant 0 : i32
      %broadcast_in_dim3A_829 = vector.broadcast %jit3A_827 : i32 to vector<16xi32>
      %broadcast_in_dim3A_830 = vector.broadcast %jit3A_828 : i32 to vector<16xi32>
      %select_n3A_831 = arith.select %eq3A_816, %broadcast_in_dim3A_829, %broadcast_in_dim3A_830 : vector<16xi1>, vector<16xi32>
      %add3A_832 = arith.addi %add3A_812, %select_n3A_831 : vector<16xi32>
      %broadcast_in_dim3A_833 = arith.constant 40 : i32
      %broadcast_in_dim3A_834 = vector.broadcast %broadcast_in_dim3A_833 : i32 to vector<16xi32>
      %gather3A_835 = tpu.vector_load_idx %arg8[%broadcast_in_dim3A_834] : memref<128xi32, #tpu.memory_space<vmem>>[vector<16xi32>], vector<16xi32>,
      %eq3A_836 = arith.cmpi eq, %get3A_668, %gather3A_835 : vector<16xi32>
      %gt3A_837 = arith.constant 8 : i32
      %gt3A_838 = vector.broadcast %gt3A_837 : i32 to vector<16xi32>
      %gt3A_839 = arith.cmpi sgt, %iota3A, %gt3A_838 : vector<16xi32>
      %and3A_840 = arith.andi %eq3A_836, %gt3A_839 : vector<16xi1>
      %jit3A_841 = arith.constant 1 : i32
      %jit3A_842 = arith.constant 0 : i32
      %broadcast_in_dim3A_843 = vector.broadcast %jit3A_841 : i32 to vector<16xi32>
      %broadcast_in_dim3A_844 = vector.broadcast %jit3A_842 : i32 to vector<16xi32>
      %select_n3A_845 = arith.select %and3A_840, %broadcast_in_dim3A_843, %broadcast_in_dim3A_844 : vector<16xi1>, vector<16xi32>
      %add3A_846 = arith.addi %add3A_826, %select_n3A_845 : vector<16xi32>
      %jit3A_847 = arith.constant 1 : i32
      %jit3A_848 = arith.constant 0 : i32
      %broadcast_in_dim3A_849 = vector.broadcast %jit3A_847 : i32 to vector<16xi32>
      %broadcast_in_dim3A_850 = vector.broadcast %jit3A_848 : i32 to vector<16xi32>
      %select_n3A_851 = arith.select %eq3A_836, %broadcast_in_dim3A_849, %broadcast_in_dim3A_850 : vector<16xi1>, vector<16xi32>
      %add3A_852 = arith.addi %add3A_832, %select_n3A_851 : vector<16xi32>
      %broadcast_in_dim3A_853 = arith.constant 41 : i32
      %broadcast_in_dim3A_854 = vector.broadcast %broadcast_in_dim3A_853 : i32 to vector<16xi32>
      %gather3A_855 = tpu.vector_load_idx %arg8[%broadcast_in_dim3A_854] : memref<128xi32, #tpu.memory_space<vmem>>[vector<16xi32>], vector<16xi32>,
      %eq3A_856 = arith.cmpi eq, %get3A_668, %gather3A_855 : vector<16xi32>
      %gt3A_857 = arith.constant 9 : i32
      %gt3A_858 = vector.broadcast %gt3A_857 : i32 to vector<16xi32>
      %gt3A_859 = arith.cmpi sgt, %iota3A, %gt3A_858 : vector<16xi32>
      %and3A_860 = arith.andi %eq3A_856, %gt3A_859 : vector<16xi1>
      %jit3A_861 = arith.constant 1 : i32
      %jit3A_862 = arith.constant 0 : i32
      %broadcast_in_dim3A_863 = vector.broadcast %jit3A_861 : i32 to vector<16xi32>
      %broadcast_in_dim3A_864 = vector.broadcast %jit3A_862 : i32 to vector<16xi32>
      %select_n3A_865 = arith.select %and3A_860, %broadcast_in_dim3A_863, %broadcast_in_dim3A_864 : vector<16xi1>, vector<16xi32>
      %add3A_866 = arith.addi %add3A_846, %select_n3A_865 : vector<16xi32>
      %jit3A_867 = arith.constant 1 : i32
      %jit3A_868 = arith.constant 0 : i32
      %broadcast_in_dim3A_869 = vector.broadcast %jit3A_867 : i32 to vector<16xi32>
      %broadcast_in_dim3A_870 = vector.broadcast %jit3A_868 : i32 to vector<16xi32>
      %select_n3A_871 = arith.select %eq3A_856, %broadcast_in_dim3A_869, %broadcast_in_dim3A_870 : vector<16xi1>, vector<16xi32>
      %add3A_872 = arith.addi %add3A_852, %select_n3A_871 : vector<16xi32>
      %broadcast_in_dim3A_873 = arith.constant 42 : i32
      %broadcast_in_dim3A_874 = vector.broadcast %broadcast_in_dim3A_873 : i32 to vector<16xi32>
      %gather3A_875 = tpu.vector_load_idx %arg8[%broadcast_in_dim3A_874] : memref<128xi32, #tpu.memory_space<vmem>>[vector<16xi32>], vector<16xi32>,
      %eq3A_876 = arith.cmpi eq, %get3A_668, %gather3A_875 : vector<16xi32>
      %gt3A_877 = arith.constant 10 : i32
      %gt3A_878 = vector.broadcast %gt3A_877 : i32 to vector<16xi32>
      %gt3A_879 = arith.cmpi sgt, %iota3A, %gt3A_878 : vector<16xi32>
      %and3A_880 = arith.andi %eq3A_876, %gt3A_879 : vector<16xi1>
      %jit3A_881 = arith.constant 1 : i32
      %jit3A_882 = arith.constant 0 : i32
      %broadcast_in_dim3A_883 = vector.broadcast %jit3A_881 : i32 to vector<16xi32>
      %broadcast_in_dim3A_884 = vector.broadcast %jit3A_882 : i32 to vector<16xi32>
      %select_n3A_885 = arith.select %and3A_880, %broadcast_in_dim3A_883, %broadcast_in_dim3A_884 : vector<16xi1>, vector<16xi32>
      %add3A_886 = arith.addi %add3A_866, %select_n3A_885 : vector<16xi32>
      %jit3A_887 = arith.constant 1 : i32
      %jit3A_888 = arith.constant 0 : i32
      %broadcast_in_dim3A_889 = vector.broadcast %jit3A_887 : i32 to vector<16xi32>
      %broadcast_in_dim3A_890 = vector.broadcast %jit3A_888 : i32 to vector<16xi32>
      %select_n3A_891 = arith.select %eq3A_876, %broadcast_in_dim3A_889, %broadcast_in_dim3A_890 : vector<16xi1>, vector<16xi32>
      %add3A_892 = arith.addi %add3A_872, %select_n3A_891 : vector<16xi32>
      %broadcast_in_dim3A_893 = arith.constant 43 : i32
      %broadcast_in_dim3A_894 = vector.broadcast %broadcast_in_dim3A_893 : i32 to vector<16xi32>
      %gather3A_895 = tpu.vector_load_idx %arg8[%broadcast_in_dim3A_894] : memref<128xi32, #tpu.memory_space<vmem>>[vector<16xi32>], vector<16xi32>,
      %eq3A_896 = arith.cmpi eq, %get3A_668, %gather3A_895 : vector<16xi32>
      %gt3A_897 = arith.constant 11 : i32
      %gt3A_898 = vector.broadcast %gt3A_897 : i32 to vector<16xi32>
      %gt3A_899 = arith.cmpi sgt, %iota3A, %gt3A_898 : vector<16xi32>
      %and3A_900 = arith.andi %eq3A_896, %gt3A_899 : vector<16xi1>
      %jit3A_901 = arith.constant 1 : i32
      %jit3A_902 = arith.constant 0 : i32
      %broadcast_in_dim3A_903 = vector.broadcast %jit3A_901 : i32 to vector<16xi32>
      %broadcast_in_dim3A_904 = vector.broadcast %jit3A_902 : i32 to vector<16xi32>
      %select_n3A_905 = arith.select %and3A_900, %broadcast_in_dim3A_903, %broadcast_in_dim3A_904 : vector<16xi1>, vector<16xi32>
      %add3A_906 = arith.addi %add3A_886, %select_n3A_905 : vector<16xi32>
      %jit3A_907 = arith.constant 1 : i32
      %jit3A_908 = arith.constant 0 : i32
      %broadcast_in_dim3A_909 = vector.broadcast %jit3A_907 : i32 to vector<16xi32>
      %broadcast_in_dim3A_910 = vector.broadcast %jit3A_908 : i32 to vector<16xi32>
      %select_n3A_911 = arith.select %eq3A_896, %broadcast_in_dim3A_909, %broadcast_in_dim3A_910 : vector<16xi1>, vector<16xi32>
      %add3A_912 = arith.addi %add3A_892, %select_n3A_911 : vector<16xi32>
      %broadcast_in_dim3A_913 = arith.constant 44 : i32
      %broadcast_in_dim3A_914 = vector.broadcast %broadcast_in_dim3A_913 : i32 to vector<16xi32>
      %gather3A_915 = tpu.vector_load_idx %arg8[%broadcast_in_dim3A_914] : memref<128xi32, #tpu.memory_space<vmem>>[vector<16xi32>], vector<16xi32>,
      %eq3A_916 = arith.cmpi eq, %get3A_668, %gather3A_915 : vector<16xi32>
      %gt3A_917 = arith.constant 12 : i32
      %gt3A_918 = vector.broadcast %gt3A_917 : i32 to vector<16xi32>
      %gt3A_919 = arith.cmpi sgt, %iota3A, %gt3A_918 : vector<16xi32>
      %and3A_920 = arith.andi %eq3A_916, %gt3A_919 : vector<16xi1>
      %jit3A_921 = arith.constant 1 : i32
      %jit3A_922 = arith.constant 0 : i32
      %broadcast_in_dim3A_923 = vector.broadcast %jit3A_921 : i32 to vector<16xi32>
      %broadcast_in_dim3A_924 = vector.broadcast %jit3A_922 : i32 to vector<16xi32>
      %select_n3A_925 = arith.select %and3A_920, %broadcast_in_dim3A_923, %broadcast_in_dim3A_924 : vector<16xi1>, vector<16xi32>
      %add3A_926 = arith.addi %add3A_906, %select_n3A_925 : vector<16xi32>
      %jit3A_927 = arith.constant 1 : i32
      %jit3A_928 = arith.constant 0 : i32
      %broadcast_in_dim3A_929 = vector.broadcast %jit3A_927 : i32 to vector<16xi32>
      %broadcast_in_dim3A_930 = vector.broadcast %jit3A_928 : i32 to vector<16xi32>
      %select_n3A_931 = arith.select %eq3A_916, %broadcast_in_dim3A_929, %broadcast_in_dim3A_930 : vector<16xi1>, vector<16xi32>
      %add3A_932 = arith.addi %add3A_912, %select_n3A_931 : vector<16xi32>
      %broadcast_in_dim3A_933 = arith.constant 45 : i32
      %broadcast_in_dim3A_934 = vector.broadcast %broadcast_in_dim3A_933 : i32 to vector<16xi32>
      %gather3A_935 = tpu.vector_load_idx %arg8[%broadcast_in_dim3A_934] : memref<128xi32, #tpu.memory_space<vmem>>[vector<16xi32>], vector<16xi32>,
      %eq3A_936 = arith.cmpi eq, %get3A_668, %gather3A_935 : vector<16xi32>
      %gt3A_937 = arith.constant 13 : i32
      %gt3A_938 = vector.broadcast %gt3A_937 : i32 to vector<16xi32>
      %gt3A_939 = arith.cmpi sgt, %iota3A, %gt3A_938 : vector<16xi32>
      %and3A_940 = arith.andi %eq3A_936, %gt3A_939 : vector<16xi1>
      %jit3A_941 = arith.constant 1 : i32
      %jit3A_942 = arith.constant 0 : i32
      %broadcast_in_dim3A_943 = vector.broadcast %jit3A_941 : i32 to vector<16xi32>
      %broadcast_in_dim3A_944 = vector.broadcast %jit3A_942 : i32 to vector<16xi32>
      %select_n3A_945 = arith.select %and3A_940, %broadcast_in_dim3A_943, %broadcast_in_dim3A_944 : vector<16xi1>, vector<16xi32>
      %add3A_946 = arith.addi %add3A_926, %select_n3A_945 : vector<16xi32>
      %jit3A_947 = arith.constant 1 : i32
      %jit3A_948 = arith.constant 0 : i32
      %broadcast_in_dim3A_949 = vector.broadcast %jit3A_947 : i32 to vector<16xi32>
      %broadcast_in_dim3A_950 = vector.broadcast %jit3A_948 : i32 to vector<16xi32>
      %select_n3A_951 = arith.select %eq3A_936, %broadcast_in_dim3A_949, %broadcast_in_dim3A_950 : vector<16xi1>, vector<16xi32>
      %add3A_952 = arith.addi %add3A_932, %select_n3A_951 : vector<16xi32>
      %broadcast_in_dim3A_953 = arith.constant 46 : i32
      %broadcast_in_dim3A_954 = vector.broadcast %broadcast_in_dim3A_953 : i32 to vector<16xi32>
      %gather3A_955 = tpu.vector_load_idx %arg8[%broadcast_in_dim3A_954] : memref<128xi32, #tpu.memory_space<vmem>>[vector<16xi32>], vector<16xi32>,
      %eq3A_956 = arith.cmpi eq, %get3A_668, %gather3A_955 : vector<16xi32>
      %gt3A_957 = arith.constant 14 : i32
      %gt3A_958 = vector.broadcast %gt3A_957 : i32 to vector<16xi32>
      %gt3A_959 = arith.cmpi sgt, %iota3A, %gt3A_958 : vector<16xi32>
      %and3A_960 = arith.andi %eq3A_956, %gt3A_959 : vector<16xi1>
      %jit3A_961 = arith.constant 1 : i32
      %jit3A_962 = arith.constant 0 : i32
      %broadcast_in_dim3A_963 = vector.broadcast %jit3A_961 : i32 to vector<16xi32>
      %broadcast_in_dim3A_964 = vector.broadcast %jit3A_962 : i32 to vector<16xi32>
      %select_n3A_965 = arith.select %and3A_960, %broadcast_in_dim3A_963, %broadcast_in_dim3A_964 : vector<16xi1>, vector<16xi32>
      %add3A_966 = arith.addi %add3A_946, %select_n3A_965 : vector<16xi32>
      %jit3A_967 = arith.constant 1 : i32
      %jit3A_968 = arith.constant 0 : i32
      %broadcast_in_dim3A_969 = vector.broadcast %jit3A_967 : i32 to vector<16xi32>
      %broadcast_in_dim3A_970 = vector.broadcast %jit3A_968 : i32 to vector<16xi32>
      %select_n3A_971 = arith.select %eq3A_956, %broadcast_in_dim3A_969, %broadcast_in_dim3A_970 : vector<16xi1>, vector<16xi32>
      %add3A_972 = arith.addi %add3A_952, %select_n3A_971 : vector<16xi32>
      %broadcast_in_dim3A_973 = arith.constant 47 : i32
      %broadcast_in_dim3A_974 = vector.broadcast %broadcast_in_dim3A_973 : i32 to vector<16xi32>
      %gather3A_975 = tpu.vector_load_idx %arg8[%broadcast_in_dim3A_974] : memref<128xi32, #tpu.memory_space<vmem>>[vector<16xi32>], vector<16xi32>,
      %eq3A_976 = arith.cmpi eq, %get3A_668, %gather3A_975 : vector<16xi32>
      %gt3A_977 = arith.constant 15 : i32
      %gt3A_978 = vector.broadcast %gt3A_977 : i32 to vector<16xi32>
      %gt3A_979 = arith.cmpi sgt, %iota3A, %gt3A_978 : vector<16xi32>
      %and3A_980 = arith.andi %eq3A_976, %gt3A_979 : vector<16xi1>
      %jit3A_981 = arith.constant 1 : i32
      %jit3A_982 = arith.constant 0 : i32
      %broadcast_in_dim3A_983 = vector.broadcast %jit3A_981 : i32 to vector<16xi32>
      %broadcast_in_dim3A_984 = vector.broadcast %jit3A_982 : i32 to vector<16xi32>
      %select_n3A_985 = arith.select %and3A_980, %broadcast_in_dim3A_983, %broadcast_in_dim3A_984 : vector<16xi1>, vector<16xi32>
      %add3A_986 = arith.addi %add3A_966, %select_n3A_985 : vector<16xi32>
      %jit3A_987 = arith.constant 1 : i32
      %jit3A_988 = arith.constant 0 : i32
      %broadcast_in_dim3A_989 = vector.broadcast %jit3A_987 : i32 to vector<16xi32>
      %broadcast_in_dim3A_990 = vector.broadcast %jit3A_988 : i32 to vector<16xi32>
      %select_n3A_991 = arith.select %eq3A_976, %broadcast_in_dim3A_989, %broadcast_in_dim3A_990 : vector<16xi1>, vector<16xi32>
      %add3A_992 = arith.addi %add3A_972, %select_n3A_991 : vector<16xi32>
      %gather3A_993 = tpu.vector_load_idx %arg11[%get3A_668] : memref<64xi32, #tpu.memory_space<vmem>>[vector<16xi32>], vector<16xi32>,
      %add3A_994 = arith.addi %gather3A_993, %add3A_986 : vector<16xi32>
      %swap3A_995 = arith.constant 32 : index
      %swap3A_996 = tpu.vector_load %arg10[%swap3A_995] {strides = array<i32>} : memref<128xi32, #tpu.memory_space<vmem>>, vector<16xi32>,
      tpu.vector_store %arg10[%swap3A_995], %add3A_994 {strides = array<i32>} : memref<128xi32, #tpu.memory_space<vmem>>, vector<16xi32>,
      %add3A_997 = arith.addi %gather3A_993, %add3A_992 : vector<16xi32>
      tpu.vector_store_idx %arg11[%get3A_668], %add3A_997 : memref<64xi32, #tpu.memory_space<vmem>>[vector<16xi32>], vector<16xi32>,
      %get3A_998 = arith.constant 48 : index
      %get3A_999 = tpu.vector_load %arg8[%get3A_998] {strides = array<i32>} : memref<128xi32, #tpu.memory_space<vmem>>, vector<16xi32>,
      %broadcast_in_dim3A_1000 = arith.constant 0 : i32
      %broadcast_in_dim3A_1001 = vector.broadcast %broadcast_in_dim3A_1000 : i32 to vector<16xi32>
      %broadcast_in_dim3A_1002 = arith.constant 0 : i32
      %broadcast_in_dim3A_1003 = vector.broadcast %broadcast_in_dim3A_1002 : i32 to vector<16xi32>
      %broadcast_in_dim3A_1004 = arith.constant 48 : i32
      %broadcast_in_dim3A_1005 = vector.broadcast %broadcast_in_dim3A_1004 : i32 to vector<16xi32>
      %gather3A_1006 = tpu.vector_load_idx %arg8[%broadcast_in_dim3A_1005] : memref<128xi32, #tpu.memory_space<vmem>>[vector<16xi32>], vector<16xi32>,
      %eq3A_1007 = arith.cmpi eq, %get3A_999, %gather3A_1006 : vector<16xi32>
      %gt3A_1008 = arith.constant 0 : i32
      %gt3A_1009 = vector.broadcast %gt3A_1008 : i32 to vector<16xi32>
      %gt3A_1010 = arith.cmpi sgt, %iota3A, %gt3A_1009 : vector<16xi32>
      %and3A_1011 = arith.andi %eq3A_1007, %gt3A_1010 : vector<16xi1>
      %jit3A_1012 = arith.constant 1 : i32
      %jit3A_1013 = arith.constant 0 : i32
      %broadcast_in_dim3A_1014 = vector.broadcast %jit3A_1012 : i32 to vector<16xi32>
      %broadcast_in_dim3A_1015 = vector.broadcast %jit3A_1013 : i32 to vector<16xi32>
      %select_n3A_1016 = arith.select %and3A_1011, %broadcast_in_dim3A_1014, %broadcast_in_dim3A_1015 : vector<16xi1>, vector<16xi32>
      %add3A_1017 = arith.addi %broadcast_in_dim3A_1001, %select_n3A_1016 : vector<16xi32>
      %jit3A_1018 = arith.constant 1 : i32
      %jit3A_1019 = arith.constant 0 : i32
      %broadcast_in_dim3A_1020 = vector.broadcast %jit3A_1018 : i32 to vector<16xi32>
      %broadcast_in_dim3A_1021 = vector.broadcast %jit3A_1019 : i32 to vector<16xi32>
      %select_n3A_1022 = arith.select %eq3A_1007, %broadcast_in_dim3A_1020, %broadcast_in_dim3A_1021 : vector<16xi1>, vector<16xi32>
      %add3A_1023 = arith.addi %broadcast_in_dim3A_1003, %select_n3A_1022 : vector<16xi32>
      %broadcast_in_dim3A_1024 = arith.constant 49 : i32
      %broadcast_in_dim3A_1025 = vector.broadcast %broadcast_in_dim3A_1024 : i32 to vector<16xi32>
      %gather3A_1026 = tpu.vector_load_idx %arg8[%broadcast_in_dim3A_1025] : memref<128xi32, #tpu.memory_space<vmem>>[vector<16xi32>], vector<16xi32>,
      %eq3A_1027 = arith.cmpi eq, %get3A_999, %gather3A_1026 : vector<16xi32>
      %gt3A_1028 = arith.constant 1 : i32
      %gt3A_1029 = vector.broadcast %gt3A_1028 : i32 to vector<16xi32>
      %gt3A_1030 = arith.cmpi sgt, %iota3A, %gt3A_1029 : vector<16xi32>
      %and3A_1031 = arith.andi %eq3A_1027, %gt3A_1030 : vector<16xi1>
      %jit3A_1032 = arith.constant 1 : i32
      %jit3A_1033 = arith.constant 0 : i32
      %broadcast_in_dim3A_1034 = vector.broadcast %jit3A_1032 : i32 to vector<16xi32>
      %broadcast_in_dim3A_1035 = vector.broadcast %jit3A_1033 : i32 to vector<16xi32>
      %select_n3A_1036 = arith.select %and3A_1031, %broadcast_in_dim3A_1034, %broadcast_in_dim3A_1035 : vector<16xi1>, vector<16xi32>
      %add3A_1037 = arith.addi %add3A_1017, %select_n3A_1036 : vector<16xi32>
      %jit3A_1038 = arith.constant 1 : i32
      %jit3A_1039 = arith.constant 0 : i32
      %broadcast_in_dim3A_1040 = vector.broadcast %jit3A_1038 : i32 to vector<16xi32>
      %broadcast_in_dim3A_1041 = vector.broadcast %jit3A_1039 : i32 to vector<16xi32>
      %select_n3A_1042 = arith.select %eq3A_1027, %broadcast_in_dim3A_1040, %broadcast_in_dim3A_1041 : vector<16xi1>, vector<16xi32>
      %add3A_1043 = arith.addi %add3A_1023, %select_n3A_1042 : vector<16xi32>
      %broadcast_in_dim3A_1044 = arith.constant 50 : i32
      %broadcast_in_dim3A_1045 = vector.broadcast %broadcast_in_dim3A_1044 : i32 to vector<16xi32>
      %gather3A_1046 = tpu.vector_load_idx %arg8[%broadcast_in_dim3A_1045] : memref<128xi32, #tpu.memory_space<vmem>>[vector<16xi32>], vector<16xi32>,
      %eq3A_1047 = arith.cmpi eq, %get3A_999, %gather3A_1046 : vector<16xi32>
      %gt3A_1048 = arith.constant 2 : i32
      %gt3A_1049 = vector.broadcast %gt3A_1048 : i32 to vector<16xi32>
      %gt3A_1050 = arith.cmpi sgt, %iota3A, %gt3A_1049 : vector<16xi32>
      %and3A_1051 = arith.andi %eq3A_1047, %gt3A_1050 : vector<16xi1>
      %jit3A_1052 = arith.constant 1 : i32
      %jit3A_1053 = arith.constant 0 : i32
      %broadcast_in_dim3A_1054 = vector.broadcast %jit3A_1052 : i32 to vector<16xi32>
      %broadcast_in_dim3A_1055 = vector.broadcast %jit3A_1053 : i32 to vector<16xi32>
      %select_n3A_1056 = arith.select %and3A_1051, %broadcast_in_dim3A_1054, %broadcast_in_dim3A_1055 : vector<16xi1>, vector<16xi32>
      %add3A_1057 = arith.addi %add3A_1037, %select_n3A_1056 : vector<16xi32>
      %jit3A_1058 = arith.constant 1 : i32
      %jit3A_1059 = arith.constant 0 : i32
      %broadcast_in_dim3A_1060 = vector.broadcast %jit3A_1058 : i32 to vector<16xi32>
      %broadcast_in_dim3A_1061 = vector.broadcast %jit3A_1059 : i32 to vector<16xi32>
      %select_n3A_1062 = arith.select %eq3A_1047, %broadcast_in_dim3A_1060, %broadcast_in_dim3A_1061 : vector<16xi1>, vector<16xi32>
      %add3A_1063 = arith.addi %add3A_1043, %select_n3A_1062 : vector<16xi32>
      %broadcast_in_dim3A_1064 = arith.constant 51 : i32
      %broadcast_in_dim3A_1065 = vector.broadcast %broadcast_in_dim3A_1064 : i32 to vector<16xi32>
      %gather3A_1066 = tpu.vector_load_idx %arg8[%broadcast_in_dim3A_1065] : memref<128xi32, #tpu.memory_space<vmem>>[vector<16xi32>], vector<16xi32>,
      %eq3A_1067 = arith.cmpi eq, %get3A_999, %gather3A_1066 : vector<16xi32>
      %gt3A_1068 = arith.constant 3 : i32
      %gt3A_1069 = vector.broadcast %gt3A_1068 : i32 to vector<16xi32>
      %gt3A_1070 = arith.cmpi sgt, %iota3A, %gt3A_1069 : vector<16xi32>
      %and3A_1071 = arith.andi %eq3A_1067, %gt3A_1070 : vector<16xi1>
      %jit3A_1072 = arith.constant 1 : i32
      %jit3A_1073 = arith.constant 0 : i32
      %broadcast_in_dim3A_1074 = vector.broadcast %jit3A_1072 : i32 to vector<16xi32>
      %broadcast_in_dim3A_1075 = vector.broadcast %jit3A_1073 : i32 to vector<16xi32>
      %select_n3A_1076 = arith.select %and3A_1071, %broadcast_in_dim3A_1074, %broadcast_in_dim3A_1075 : vector<16xi1>, vector<16xi32>
      %add3A_1077 = arith.addi %add3A_1057, %select_n3A_1076 : vector<16xi32>
      %jit3A_1078 = arith.constant 1 : i32
      %jit3A_1079 = arith.constant 0 : i32
      %broadcast_in_dim3A_1080 = vector.broadcast %jit3A_1078 : i32 to vector<16xi32>
      %broadcast_in_dim3A_1081 = vector.broadcast %jit3A_1079 : i32 to vector<16xi32>
      %select_n3A_1082 = arith.select %eq3A_1067, %broadcast_in_dim3A_1080, %broadcast_in_dim3A_1081 : vector<16xi1>, vector<16xi32>
      %add3A_1083 = arith.addi %add3A_1063, %select_n3A_1082 : vector<16xi32>
      %broadcast_in_dim3A_1084 = arith.constant 52 : i32
      %broadcast_in_dim3A_1085 = vector.broadcast %broadcast_in_dim3A_1084 : i32 to vector<16xi32>
      %gather3A_1086 = tpu.vector_load_idx %arg8[%broadcast_in_dim3A_1085] : memref<128xi32, #tpu.memory_space<vmem>>[vector<16xi32>], vector<16xi32>,
      %eq3A_1087 = arith.cmpi eq, %get3A_999, %gather3A_1086 : vector<16xi32>
      %gt3A_1088 = arith.constant 4 : i32
      %gt3A_1089 = vector.broadcast %gt3A_1088 : i32 to vector<16xi32>
      %gt3A_1090 = arith.cmpi sgt, %iota3A, %gt3A_1089 : vector<16xi32>
      %and3A_1091 = arith.andi %eq3A_1087, %gt3A_1090 : vector<16xi1>
      %jit3A_1092 = arith.constant 1 : i32
      %jit3A_1093 = arith.constant 0 : i32
      %broadcast_in_dim3A_1094 = vector.broadcast %jit3A_1092 : i32 to vector<16xi32>
      %broadcast_in_dim3A_1095 = vector.broadcast %jit3A_1093 : i32 to vector<16xi32>
      %select_n3A_1096 = arith.select %and3A_1091, %broadcast_in_dim3A_1094, %broadcast_in_dim3A_1095 : vector<16xi1>, vector<16xi32>
      %add3A_1097 = arith.addi %add3A_1077, %select_n3A_1096 : vector<16xi32>
      %jit3A_1098 = arith.constant 1 : i32
      %jit3A_1099 = arith.constant 0 : i32
      %broadcast_in_dim3A_1100 = vector.broadcast %jit3A_1098 : i32 to vector<16xi32>
      %broadcast_in_dim3A_1101 = vector.broadcast %jit3A_1099 : i32 to vector<16xi32>
      %select_n3A_1102 = arith.select %eq3A_1087, %broadcast_in_dim3A_1100, %broadcast_in_dim3A_1101 : vector<16xi1>, vector<16xi32>
      %add3A_1103 = arith.addi %add3A_1083, %select_n3A_1102 : vector<16xi32>
      %broadcast_in_dim3A_1104 = arith.constant 53 : i32
      %broadcast_in_dim3A_1105 = vector.broadcast %broadcast_in_dim3A_1104 : i32 to vector<16xi32>
      %gather3A_1106 = tpu.vector_load_idx %arg8[%broadcast_in_dim3A_1105] : memref<128xi32, #tpu.memory_space<vmem>>[vector<16xi32>], vector<16xi32>,
      %eq3A_1107 = arith.cmpi eq, %get3A_999, %gather3A_1106 : vector<16xi32>
      %gt3A_1108 = arith.constant 5 : i32
      %gt3A_1109 = vector.broadcast %gt3A_1108 : i32 to vector<16xi32>
      %gt3A_1110 = arith.cmpi sgt, %iota3A, %gt3A_1109 : vector<16xi32>
      %and3A_1111 = arith.andi %eq3A_1107, %gt3A_1110 : vector<16xi1>
      %jit3A_1112 = arith.constant 1 : i32
      %jit3A_1113 = arith.constant 0 : i32
      %broadcast_in_dim3A_1114 = vector.broadcast %jit3A_1112 : i32 to vector<16xi32>
      %broadcast_in_dim3A_1115 = vector.broadcast %jit3A_1113 : i32 to vector<16xi32>
      %select_n3A_1116 = arith.select %and3A_1111, %broadcast_in_dim3A_1114, %broadcast_in_dim3A_1115 : vector<16xi1>, vector<16xi32>
      %add3A_1117 = arith.addi %add3A_1097, %select_n3A_1116 : vector<16xi32>
      %jit3A_1118 = arith.constant 1 : i32
      %jit3A_1119 = arith.constant 0 : i32
      %broadcast_in_dim3A_1120 = vector.broadcast %jit3A_1118 : i32 to vector<16xi32>
      %broadcast_in_dim3A_1121 = vector.broadcast %jit3A_1119 : i32 to vector<16xi32>
      %select_n3A_1122 = arith.select %eq3A_1107, %broadcast_in_dim3A_1120, %broadcast_in_dim3A_1121 : vector<16xi1>, vector<16xi32>
      %add3A_1123 = arith.addi %add3A_1103, %select_n3A_1122 : vector<16xi32>
      %broadcast_in_dim3A_1124 = arith.constant 54 : i32
      %broadcast_in_dim3A_1125 = vector.broadcast %broadcast_in_dim3A_1124 : i32 to vector<16xi32>
      %gather3A_1126 = tpu.vector_load_idx %arg8[%broadcast_in_dim3A_1125] : memref<128xi32, #tpu.memory_space<vmem>>[vector<16xi32>], vector<16xi32>,
      %eq3A_1127 = arith.cmpi eq, %get3A_999, %gather3A_1126 : vector<16xi32>
      %gt3A_1128 = arith.constant 6 : i32
      %gt3A_1129 = vector.broadcast %gt3A_1128 : i32 to vector<16xi32>
      %gt3A_1130 = arith.cmpi sgt, %iota3A, %gt3A_1129 : vector<16xi32>
      %and3A_1131 = arith.andi %eq3A_1127, %gt3A_1130 : vector<16xi1>
      %jit3A_1132 = arith.constant 1 : i32
      %jit3A_1133 = arith.constant 0 : i32
      %broadcast_in_dim3A_1134 = vector.broadcast %jit3A_1132 : i32 to vector<16xi32>
      %broadcast_in_dim3A_1135 = vector.broadcast %jit3A_1133 : i32 to vector<16xi32>
      %select_n3A_1136 = arith.select %and3A_1131, %broadcast_in_dim3A_1134, %broadcast_in_dim3A_1135 : vector<16xi1>, vector<16xi32>
      %add3A_1137 = arith.addi %add3A_1117, %select_n3A_1136 : vector<16xi32>
      %jit3A_1138 = arith.constant 1 : i32
      %jit3A_1139 = arith.constant 0 : i32
      %broadcast_in_dim3A_1140 = vector.broadcast %jit3A_1138 : i32 to vector<16xi32>
      %broadcast_in_dim3A_1141 = vector.broadcast %jit3A_1139 : i32 to vector<16xi32>
      %select_n3A_1142 = arith.select %eq3A_1127, %broadcast_in_dim3A_1140, %broadcast_in_dim3A_1141 : vector<16xi1>, vector<16xi32>
      %add3A_1143 = arith.addi %add3A_1123, %select_n3A_1142 : vector<16xi32>
      %broadcast_in_dim3A_1144 = arith.constant 55 : i32
      %broadcast_in_dim3A_1145 = vector.broadcast %broadcast_in_dim3A_1144 : i32 to vector<16xi32>
      %gather3A_1146 = tpu.vector_load_idx %arg8[%broadcast_in_dim3A_1145] : memref<128xi32, #tpu.memory_space<vmem>>[vector<16xi32>], vector<16xi32>,
      %eq3A_1147 = arith.cmpi eq, %get3A_999, %gather3A_1146 : vector<16xi32>
      %gt3A_1148 = arith.constant 7 : i32
      %gt3A_1149 = vector.broadcast %gt3A_1148 : i32 to vector<16xi32>
      %gt3A_1150 = arith.cmpi sgt, %iota3A, %gt3A_1149 : vector<16xi32>
      %and3A_1151 = arith.andi %eq3A_1147, %gt3A_1150 : vector<16xi1>
      %jit3A_1152 = arith.constant 1 : i32
      %jit3A_1153 = arith.constant 0 : i32
      %broadcast_in_dim3A_1154 = vector.broadcast %jit3A_1152 : i32 to vector<16xi32>
      %broadcast_in_dim3A_1155 = vector.broadcast %jit3A_1153 : i32 to vector<16xi32>
      %select_n3A_1156 = arith.select %and3A_1151, %broadcast_in_dim3A_1154, %broadcast_in_dim3A_1155 : vector<16xi1>, vector<16xi32>
      %add3A_1157 = arith.addi %add3A_1137, %select_n3A_1156 : vector<16xi32>
      %jit3A_1158 = arith.constant 1 : i32
      %jit3A_1159 = arith.constant 0 : i32
      %broadcast_in_dim3A_1160 = vector.broadcast %jit3A_1158 : i32 to vector<16xi32>
      %broadcast_in_dim3A_1161 = vector.broadcast %jit3A_1159 : i32 to vector<16xi32>
      %select_n3A_1162 = arith.select %eq3A_1147, %broadcast_in_dim3A_1160, %broadcast_in_dim3A_1161 : vector<16xi1>, vector<16xi32>
      %add3A_1163 = arith.addi %add3A_1143, %select_n3A_1162 : vector<16xi32>
      %broadcast_in_dim3A_1164 = arith.constant 56 : i32
      %broadcast_in_dim3A_1165 = vector.broadcast %broadcast_in_dim3A_1164 : i32 to vector<16xi32>
      %gather3A_1166 = tpu.vector_load_idx %arg8[%broadcast_in_dim3A_1165] : memref<128xi32, #tpu.memory_space<vmem>>[vector<16xi32>], vector<16xi32>,
      %eq3A_1167 = arith.cmpi eq, %get3A_999, %gather3A_1166 : vector<16xi32>
      %gt3A_1168 = arith.constant 8 : i32
      %gt3A_1169 = vector.broadcast %gt3A_1168 : i32 to vector<16xi32>
      %gt3A_1170 = arith.cmpi sgt, %iota3A, %gt3A_1169 : vector<16xi32>
      %and3A_1171 = arith.andi %eq3A_1167, %gt3A_1170 : vector<16xi1>
      %jit3A_1172 = arith.constant 1 : i32
      %jit3A_1173 = arith.constant 0 : i32
      %broadcast_in_dim3A_1174 = vector.broadcast %jit3A_1172 : i32 to vector<16xi32>
      %broadcast_in_dim3A_1175 = vector.broadcast %jit3A_1173 : i32 to vector<16xi32>
      %select_n3A_1176 = arith.select %and3A_1171, %broadcast_in_dim3A_1174, %broadcast_in_dim3A_1175 : vector<16xi1>, vector<16xi32>
      %add3A_1177 = arith.addi %add3A_1157, %select_n3A_1176 : vector<16xi32>
      %jit3A_1178 = arith.constant 1 : i32
      %jit3A_1179 = arith.constant 0 : i32
      %broadcast_in_dim3A_1180 = vector.broadcast %jit3A_1178 : i32 to vector<16xi32>
      %broadcast_in_dim3A_1181 = vector.broadcast %jit3A_1179 : i32 to vector<16xi32>
      %select_n3A_1182 = arith.select %eq3A_1167, %broadcast_in_dim3A_1180, %broadcast_in_dim3A_1181 : vector<16xi1>, vector<16xi32>
      %add3A_1183 = arith.addi %add3A_1163, %select_n3A_1182 : vector<16xi32>
      %broadcast_in_dim3A_1184 = arith.constant 57 : i32
      %broadcast_in_dim3A_1185 = vector.broadcast %broadcast_in_dim3A_1184 : i32 to vector<16xi32>
      %gather3A_1186 = tpu.vector_load_idx %arg8[%broadcast_in_dim3A_1185] : memref<128xi32, #tpu.memory_space<vmem>>[vector<16xi32>], vector<16xi32>,
      %eq3A_1187 = arith.cmpi eq, %get3A_999, %gather3A_1186 : vector<16xi32>
      %gt3A_1188 = arith.constant 9 : i32
      %gt3A_1189 = vector.broadcast %gt3A_1188 : i32 to vector<16xi32>
      %gt3A_1190 = arith.cmpi sgt, %iota3A, %gt3A_1189 : vector<16xi32>
      %and3A_1191 = arith.andi %eq3A_1187, %gt3A_1190 : vector<16xi1>
      %jit3A_1192 = arith.constant 1 : i32
      %jit3A_1193 = arith.constant 0 : i32
      %broadcast_in_dim3A_1194 = vector.broadcast %jit3A_1192 : i32 to vector<16xi32>
      %broadcast_in_dim3A_1195 = vector.broadcast %jit3A_1193 : i32 to vector<16xi32>
      %select_n3A_1196 = arith.select %and3A_1191, %broadcast_in_dim3A_1194, %broadcast_in_dim3A_1195 : vector<16xi1>, vector<16xi32>
      %add3A_1197 = arith.addi %add3A_1177, %select_n3A_1196 : vector<16xi32>
      %jit3A_1198 = arith.constant 1 : i32
      %jit3A_1199 = arith.constant 0 : i32
      %broadcast_in_dim3A_1200 = vector.broadcast %jit3A_1198 : i32 to vector<16xi32>
      %broadcast_in_dim3A_1201 = vector.broadcast %jit3A_1199 : i32 to vector<16xi32>
      %select_n3A_1202 = arith.select %eq3A_1187, %broadcast_in_dim3A_1200, %broadcast_in_dim3A_1201 : vector<16xi1>, vector<16xi32>
      %add3A_1203 = arith.addi %add3A_1183, %select_n3A_1202 : vector<16xi32>
      %broadcast_in_dim3A_1204 = arith.constant 58 : i32
      %broadcast_in_dim3A_1205 = vector.broadcast %broadcast_in_dim3A_1204 : i32 to vector<16xi32>
      %gather3A_1206 = tpu.vector_load_idx %arg8[%broadcast_in_dim3A_1205] : memref<128xi32, #tpu.memory_space<vmem>>[vector<16xi32>], vector<16xi32>,
      %eq3A_1207 = arith.cmpi eq, %get3A_999, %gather3A_1206 : vector<16xi32>
      %gt3A_1208 = arith.constant 10 : i32
      %gt3A_1209 = vector.broadcast %gt3A_1208 : i32 to vector<16xi32>
      %gt3A_1210 = arith.cmpi sgt, %iota3A, %gt3A_1209 : vector<16xi32>
      %and3A_1211 = arith.andi %eq3A_1207, %gt3A_1210 : vector<16xi1>
      %jit3A_1212 = arith.constant 1 : i32
      %jit3A_1213 = arith.constant 0 : i32
      %broadcast_in_dim3A_1214 = vector.broadcast %jit3A_1212 : i32 to vector<16xi32>
      %broadcast_in_dim3A_1215 = vector.broadcast %jit3A_1213 : i32 to vector<16xi32>
      %select_n3A_1216 = arith.select %and3A_1211, %broadcast_in_dim3A_1214, %broadcast_in_dim3A_1215 : vector<16xi1>, vector<16xi32>
      %add3A_1217 = arith.addi %add3A_1197, %select_n3A_1216 : vector<16xi32>
      %jit3A_1218 = arith.constant 1 : i32
      %jit3A_1219 = arith.constant 0 : i32
      %broadcast_in_dim3A_1220 = vector.broadcast %jit3A_1218 : i32 to vector<16xi32>
      %broadcast_in_dim3A_1221 = vector.broadcast %jit3A_1219 : i32 to vector<16xi32>
      %select_n3A_1222 = arith.select %eq3A_1207, %broadcast_in_dim3A_1220, %broadcast_in_dim3A_1221 : vector<16xi1>, vector<16xi32>
      %add3A_1223 = arith.addi %add3A_1203, %select_n3A_1222 : vector<16xi32>
      %broadcast_in_dim3A_1224 = arith.constant 59 : i32
      %broadcast_in_dim3A_1225 = vector.broadcast %broadcast_in_dim3A_1224 : i32 to vector<16xi32>
      %gather3A_1226 = tpu.vector_load_idx %arg8[%broadcast_in_dim3A_1225] : memref<128xi32, #tpu.memory_space<vmem>>[vector<16xi32>], vector<16xi32>,
      %eq3A_1227 = arith.cmpi eq, %get3A_999, %gather3A_1226 : vector<16xi32>
      %gt3A_1228 = arith.constant 11 : i32
      %gt3A_1229 = vector.broadcast %gt3A_1228 : i32 to vector<16xi32>
      %gt3A_1230 = arith.cmpi sgt, %iota3A, %gt3A_1229 : vector<16xi32>
      %and3A_1231 = arith.andi %eq3A_1227, %gt3A_1230 : vector<16xi1>
      %jit3A_1232 = arith.constant 1 : i32
      %jit3A_1233 = arith.constant 0 : i32
      %broadcast_in_dim3A_1234 = vector.broadcast %jit3A_1232 : i32 to vector<16xi32>
      %broadcast_in_dim3A_1235 = vector.broadcast %jit3A_1233 : i32 to vector<16xi32>
      %select_n3A_1236 = arith.select %and3A_1231, %broadcast_in_dim3A_1234, %broadcast_in_dim3A_1235 : vector<16xi1>, vector<16xi32>
      %add3A_1237 = arith.addi %add3A_1217, %select_n3A_1236 : vector<16xi32>
      %jit3A_1238 = arith.constant 1 : i32
      %jit3A_1239 = arith.constant 0 : i32
      %broadcast_in_dim3A_1240 = vector.broadcast %jit3A_1238 : i32 to vector<16xi32>
      %broadcast_in_dim3A_1241 = vector.broadcast %jit3A_1239 : i32 to vector<16xi32>
      %select_n3A_1242 = arith.select %eq3A_1227, %broadcast_in_dim3A_1240, %broadcast_in_dim3A_1241 : vector<16xi1>, vector<16xi32>
      %add3A_1243 = arith.addi %add3A_1223, %select_n3A_1242 : vector<16xi32>
      %broadcast_in_dim3A_1244 = arith.constant 60 : i32
      %broadcast_in_dim3A_1245 = vector.broadcast %broadcast_in_dim3A_1244 : i32 to vector<16xi32>
      %gather3A_1246 = tpu.vector_load_idx %arg8[%broadcast_in_dim3A_1245] : memref<128xi32, #tpu.memory_space<vmem>>[vector<16xi32>], vector<16xi32>,
      %eq3A_1247 = arith.cmpi eq, %get3A_999, %gather3A_1246 : vector<16xi32>
      %gt3A_1248 = arith.constant 12 : i32
      %gt3A_1249 = vector.broadcast %gt3A_1248 : i32 to vector<16xi32>
      %gt3A_1250 = arith.cmpi sgt, %iota3A, %gt3A_1249 : vector<16xi32>
      %and3A_1251 = arith.andi %eq3A_1247, %gt3A_1250 : vector<16xi1>
      %jit3A_1252 = arith.constant 1 : i32
      %jit3A_1253 = arith.constant 0 : i32
      %broadcast_in_dim3A_1254 = vector.broadcast %jit3A_1252 : i32 to vector<16xi32>
      %broadcast_in_dim3A_1255 = vector.broadcast %jit3A_1253 : i32 to vector<16xi32>
      %select_n3A_1256 = arith.select %and3A_1251, %broadcast_in_dim3A_1254, %broadcast_in_dim3A_1255 : vector<16xi1>, vector<16xi32>
      %add3A_1257 = arith.addi %add3A_1237, %select_n3A_1256 : vector<16xi32>
      %jit3A_1258 = arith.constant 1 : i32
      %jit3A_1259 = arith.constant 0 : i32
      %broadcast_in_dim3A_1260 = vector.broadcast %jit3A_1258 : i32 to vector<16xi32>
      %broadcast_in_dim3A_1261 = vector.broadcast %jit3A_1259 : i32 to vector<16xi32>
      %select_n3A_1262 = arith.select %eq3A_1247, %broadcast_in_dim3A_1260, %broadcast_in_dim3A_1261 : vector<16xi1>, vector<16xi32>
      %add3A_1263 = arith.addi %add3A_1243, %select_n3A_1262 : vector<16xi32>
      %broadcast_in_dim3A_1264 = arith.constant 61 : i32
      %broadcast_in_dim3A_1265 = vector.broadcast %broadcast_in_dim3A_1264 : i32 to vector<16xi32>
      %gather3A_1266 = tpu.vector_load_idx %arg8[%broadcast_in_dim3A_1265] : memref<128xi32, #tpu.memory_space<vmem>>[vector<16xi32>], vector<16xi32>,
      %eq3A_1267 = arith.cmpi eq, %get3A_999, %gather3A_1266 : vector<16xi32>
      %gt3A_1268 = arith.constant 13 : i32
      %gt3A_1269 = vector.broadcast %gt3A_1268 : i32 to vector<16xi32>
      %gt3A_1270 = arith.cmpi sgt, %iota3A, %gt3A_1269 : vector<16xi32>
      %and3A_1271 = arith.andi %eq3A_1267, %gt3A_1270 : vector<16xi1>
      %jit3A_1272 = arith.constant 1 : i32
      %jit3A_1273 = arith.constant 0 : i32
      %broadcast_in_dim3A_1274 = vector.broadcast %jit3A_1272 : i32 to vector<16xi32>
      %broadcast_in_dim3A_1275 = vector.broadcast %jit3A_1273 : i32 to vector<16xi32>
      %select_n3A_1276 = arith.select %and3A_1271, %broadcast_in_dim3A_1274, %broadcast_in_dim3A_1275 : vector<16xi1>, vector<16xi32>
      %add3A_1277 = arith.addi %add3A_1257, %select_n3A_1276 : vector<16xi32>
      %jit3A_1278 = arith.constant 1 : i32
      %jit3A_1279 = arith.constant 0 : i32
      %broadcast_in_dim3A_1280 = vector.broadcast %jit3A_1278 : i32 to vector<16xi32>
      %broadcast_in_dim3A_1281 = vector.broadcast %jit3A_1279 : i32 to vector<16xi32>
      %select_n3A_1282 = arith.select %eq3A_1267, %broadcast_in_dim3A_1280, %broadcast_in_dim3A_1281 : vector<16xi1>, vector<16xi32>
      %add3A_1283 = arith.addi %add3A_1263, %select_n3A_1282 : vector<16xi32>
      %broadcast_in_dim3A_1284 = arith.constant 62 : i32
      %broadcast_in_dim3A_1285 = vector.broadcast %broadcast_in_dim3A_1284 : i32 to vector<16xi32>
      %gather3A_1286 = tpu.vector_load_idx %arg8[%broadcast_in_dim3A_1285] : memref<128xi32, #tpu.memory_space<vmem>>[vector<16xi32>], vector<16xi32>,
      %eq3A_1287 = arith.cmpi eq, %get3A_999, %gather3A_1286 : vector<16xi32>
      %gt3A_1288 = arith.constant 14 : i32
      %gt3A_1289 = vector.broadcast %gt3A_1288 : i32 to vector<16xi32>
      %gt3A_1290 = arith.cmpi sgt, %iota3A, %gt3A_1289 : vector<16xi32>
      %and3A_1291 = arith.andi %eq3A_1287, %gt3A_1290 : vector<16xi1>
      %jit3A_1292 = arith.constant 1 : i32
      %jit3A_1293 = arith.constant 0 : i32
      %broadcast_in_dim3A_1294 = vector.broadcast %jit3A_1292 : i32 to vector<16xi32>
      %broadcast_in_dim3A_1295 = vector.broadcast %jit3A_1293 : i32 to vector<16xi32>
      %select_n3A_1296 = arith.select %and3A_1291, %broadcast_in_dim3A_1294, %broadcast_in_dim3A_1295 : vector<16xi1>, vector<16xi32>
      %add3A_1297 = arith.addi %add3A_1277, %select_n3A_1296 : vector<16xi32>
      %jit3A_1298 = arith.constant 1 : i32
      %jit3A_1299 = arith.constant 0 : i32
      %broadcast_in_dim3A_1300 = vector.broadcast %jit3A_1298 : i32 to vector<16xi32>
      %broadcast_in_dim3A_1301 = vector.broadcast %jit3A_1299 : i32 to vector<16xi32>
      %select_n3A_1302 = arith.select %eq3A_1287, %broadcast_in_dim3A_1300, %broadcast_in_dim3A_1301 : vector<16xi1>, vector<16xi32>
      %add3A_1303 = arith.addi %add3A_1283, %select_n3A_1302 : vector<16xi32>
      %broadcast_in_dim3A_1304 = arith.constant 63 : i32
      %broadcast_in_dim3A_1305 = vector.broadcast %broadcast_in_dim3A_1304 : i32 to vector<16xi32>
      %gather3A_1306 = tpu.vector_load_idx %arg8[%broadcast_in_dim3A_1305] : memref<128xi32, #tpu.memory_space<vmem>>[vector<16xi32>], vector<16xi32>,
      %eq3A_1307 = arith.cmpi eq, %get3A_999, %gather3A_1306 : vector<16xi32>
      %gt3A_1308 = arith.constant 15 : i32
      %gt3A_1309 = vector.broadcast %gt3A_1308 : i32 to vector<16xi32>
      %gt3A_1310 = arith.cmpi sgt, %iota3A, %gt3A_1309 : vector<16xi32>
      %and3A_1311 = arith.andi %eq3A_1307, %gt3A_1310 : vector<16xi1>
      %jit3A_1312 = arith.constant 1 : i32
      %jit3A_1313 = arith.constant 0 : i32
      %broadcast_in_dim3A_1314 = vector.broadcast %jit3A_1312 : i32 to vector<16xi32>
      %broadcast_in_dim3A_1315 = vector.broadcast %jit3A_1313 : i32 to vector<16xi32>
      %select_n3A_1316 = arith.select %and3A_1311, %broadcast_in_dim3A_1314, %broadcast_in_dim3A_1315 : vector<16xi1>, vector<16xi32>
      %add3A_1317 = arith.addi %add3A_1297, %select_n3A_1316 : vector<16xi32>
      %jit3A_1318 = arith.constant 1 : i32
      %jit3A_1319 = arith.constant 0 : i32
      %broadcast_in_dim3A_1320 = vector.broadcast %jit3A_1318 : i32 to vector<16xi32>
      %broadcast_in_dim3A_1321 = vector.broadcast %jit3A_1319 : i32 to vector<16xi32>
      %select_n3A_1322 = arith.select %eq3A_1307, %broadcast_in_dim3A_1320, %broadcast_in_dim3A_1321 : vector<16xi1>, vector<16xi32>
      %add3A_1323 = arith.addi %add3A_1303, %select_n3A_1322 : vector<16xi32>
      %gather3A_1324 = tpu.vector_load_idx %arg11[%get3A_999] : memref<64xi32, #tpu.memory_space<vmem>>[vector<16xi32>], vector<16xi32>,
      %add3A_1325 = arith.addi %gather3A_1324, %add3A_1317 : vector<16xi32>
      %swap3A_1326 = arith.constant 48 : index
      %swap3A_1327 = tpu.vector_load %arg10[%swap3A_1326] {strides = array<i32>} : memref<128xi32, #tpu.memory_space<vmem>>, vector<16xi32>,
      tpu.vector_store %arg10[%swap3A_1326], %add3A_1325 {strides = array<i32>} : memref<128xi32, #tpu.memory_space<vmem>>, vector<16xi32>,
      %add3A_1328 = arith.addi %gather3A_1324, %add3A_1323 : vector<16xi32>
      tpu.vector_store_idx %arg11[%get3A_999], %add3A_1328 : memref<64xi32, #tpu.memory_space<vmem>>[vector<16xi32>], vector<16xi32>,
      %get3A_1329 = arith.constant 64 : index
      %get3A_1330 = tpu.vector_load %arg8[%get3A_1329] {strides = array<i32>} : memref<128xi32, #tpu.memory_space<vmem>>, vector<16xi32>,
      %broadcast_in_dim3A_1331 = arith.constant 0 : i32
      %broadcast_in_dim3A_1332 = vector.broadcast %broadcast_in_dim3A_1331 : i32 to vector<16xi32>
      %broadcast_in_dim3A_1333 = arith.constant 0 : i32
      %broadcast_in_dim3A_1334 = vector.broadcast %broadcast_in_dim3A_1333 : i32 to vector<16xi32>
      %broadcast_in_dim3A_1335 = arith.constant 64 : i32
      %broadcast_in_dim3A_1336 = vector.broadcast %broadcast_in_dim3A_1335 : i32 to vector<16xi32>
      %gather3A_1337 = tpu.vector_load_idx %arg8[%broadcast_in_dim3A_1336] : memref<128xi32, #tpu.memory_space<vmem>>[vector<16xi32>], vector<16xi32>,
      %eq3A_1338 = arith.cmpi eq, %get3A_1330, %gather3A_1337 : vector<16xi32>
      %gt3A_1339 = arith.constant 0 : i32
      %gt3A_1340 = vector.broadcast %gt3A_1339 : i32 to vector<16xi32>
      %gt3A_1341 = arith.cmpi sgt, %iota3A, %gt3A_1340 : vector<16xi32>
      %and3A_1342 = arith.andi %eq3A_1338, %gt3A_1341 : vector<16xi1>
      %jit3A_1343 = arith.constant 1 : i32
      %jit3A_1344 = arith.constant 0 : i32
      %broadcast_in_dim3A_1345 = vector.broadcast %jit3A_1343 : i32 to vector<16xi32>
      %broadcast_in_dim3A_1346 = vector.broadcast %jit3A_1344 : i32 to vector<16xi32>
      %select_n3A_1347 = arith.select %and3A_1342, %broadcast_in_dim3A_1345, %broadcast_in_dim3A_1346 : vector<16xi1>, vector<16xi32>
      %add3A_1348 = arith.addi %broadcast_in_dim3A_1332, %select_n3A_1347 : vector<16xi32>
      %jit3A_1349 = arith.constant 1 : i32
      %jit3A_1350 = arith.constant 0 : i32
      %broadcast_in_dim3A_1351 = vector.broadcast %jit3A_1349 : i32 to vector<16xi32>
      %broadcast_in_dim3A_1352 = vector.broadcast %jit3A_1350 : i32 to vector<16xi32>
      %select_n3A_1353 = arith.select %eq3A_1338, %broadcast_in_dim3A_1351, %broadcast_in_dim3A_1352 : vector<16xi1>, vector<16xi32>
      %add3A_1354 = arith.addi %broadcast_in_dim3A_1334, %select_n3A_1353 : vector<16xi32>
      %broadcast_in_dim3A_1355 = arith.constant 65 : i32
      %broadcast_in_dim3A_1356 = vector.broadcast %broadcast_in_dim3A_1355 : i32 to vector<16xi32>
      %gather3A_1357 = tpu.vector_load_idx %arg8[%broadcast_in_dim3A_1356] : memref<128xi32, #tpu.memory_space<vmem>>[vector<16xi32>], vector<16xi32>,
      %eq3A_1358 = arith.cmpi eq, %get3A_1330, %gather3A_1357 : vector<16xi32>
      %gt3A_1359 = arith.constant 1 : i32
      %gt3A_1360 = vector.broadcast %gt3A_1359 : i32 to vector<16xi32>
      %gt3A_1361 = arith.cmpi sgt, %iota3A, %gt3A_1360 : vector<16xi32>
      %and3A_1362 = arith.andi %eq3A_1358, %gt3A_1361 : vector<16xi1>
      %jit3A_1363 = arith.constant 1 : i32
      %jit3A_1364 = arith.constant 0 : i32
      %broadcast_in_dim3A_1365 = vector.broadcast %jit3A_1363 : i32 to vector<16xi32>
      %broadcast_in_dim3A_1366 = vector.broadcast %jit3A_1364 : i32 to vector<16xi32>
      %select_n3A_1367 = arith.select %and3A_1362, %broadcast_in_dim3A_1365, %broadcast_in_dim3A_1366 : vector<16xi1>, vector<16xi32>
      %add3A_1368 = arith.addi %add3A_1348, %select_n3A_1367 : vector<16xi32>
      %jit3A_1369 = arith.constant 1 : i32
      %jit3A_1370 = arith.constant 0 : i32
      %broadcast_in_dim3A_1371 = vector.broadcast %jit3A_1369 : i32 to vector<16xi32>
      %broadcast_in_dim3A_1372 = vector.broadcast %jit3A_1370 : i32 to vector<16xi32>
      %select_n3A_1373 = arith.select %eq3A_1358, %broadcast_in_dim3A_1371, %broadcast_in_dim3A_1372 : vector<16xi1>, vector<16xi32>
      %add3A_1374 = arith.addi %add3A_1354, %select_n3A_1373 : vector<16xi32>
      %broadcast_in_dim3A_1375 = arith.constant 66 : i32
      %broadcast_in_dim3A_1376 = vector.broadcast %broadcast_in_dim3A_1375 : i32 to vector<16xi32>
      %gather3A_1377 = tpu.vector_load_idx %arg8[%broadcast_in_dim3A_1376] : memref<128xi32, #tpu.memory_space<vmem>>[vector<16xi32>], vector<16xi32>,
      %eq3A_1378 = arith.cmpi eq, %get3A_1330, %gather3A_1377 : vector<16xi32>
      %gt3A_1379 = arith.constant 2 : i32
      %gt3A_1380 = vector.broadcast %gt3A_1379 : i32 to vector<16xi32>
      %gt3A_1381 = arith.cmpi sgt, %iota3A, %gt3A_1380 : vector<16xi32>
      %and3A_1382 = arith.andi %eq3A_1378, %gt3A_1381 : vector<16xi1>
      %jit3A_1383 = arith.constant 1 : i32
      %jit3A_1384 = arith.constant 0 : i32
      %broadcast_in_dim3A_1385 = vector.broadcast %jit3A_1383 : i32 to vector<16xi32>
      %broadcast_in_dim3A_1386 = vector.broadcast %jit3A_1384 : i32 to vector<16xi32>
      %select_n3A_1387 = arith.select %and3A_1382, %broadcast_in_dim3A_1385, %broadcast_in_dim3A_1386 : vector<16xi1>, vector<16xi32>
      %add3A_1388 = arith.addi %add3A_1368, %select_n3A_1387 : vector<16xi32>
      %jit3A_1389 = arith.constant 1 : i32
      %jit3A_1390 = arith.constant 0 : i32
      %broadcast_in_dim3A_1391 = vector.broadcast %jit3A_1389 : i32 to vector<16xi32>
      %broadcast_in_dim3A_1392 = vector.broadcast %jit3A_1390 : i32 to vector<16xi32>
      %select_n3A_1393 = arith.select %eq3A_1378, %broadcast_in_dim3A_1391, %broadcast_in_dim3A_1392 : vector<16xi1>, vector<16xi32>
      %add3A_1394 = arith.addi %add3A_1374, %select_n3A_1393 : vector<16xi32>
      %broadcast_in_dim3A_1395 = arith.constant 67 : i32
      %broadcast_in_dim3A_1396 = vector.broadcast %broadcast_in_dim3A_1395 : i32 to vector<16xi32>
      %gather3A_1397 = tpu.vector_load_idx %arg8[%broadcast_in_dim3A_1396] : memref<128xi32, #tpu.memory_space<vmem>>[vector<16xi32>], vector<16xi32>,
      %eq3A_1398 = arith.cmpi eq, %get3A_1330, %gather3A_1397 : vector<16xi32>
      %gt3A_1399 = arith.constant 3 : i32
      %gt3A_1400 = vector.broadcast %gt3A_1399 : i32 to vector<16xi32>
      %gt3A_1401 = arith.cmpi sgt, %iota3A, %gt3A_1400 : vector<16xi32>
      %and3A_1402 = arith.andi %eq3A_1398, %gt3A_1401 : vector<16xi1>
      %jit3A_1403 = arith.constant 1 : i32
      %jit3A_1404 = arith.constant 0 : i32
      %broadcast_in_dim3A_1405 = vector.broadcast %jit3A_1403 : i32 to vector<16xi32>
      %broadcast_in_dim3A_1406 = vector.broadcast %jit3A_1404 : i32 to vector<16xi32>
      %select_n3A_1407 = arith.select %and3A_1402, %broadcast_in_dim3A_1405, %broadcast_in_dim3A_1406 : vector<16xi1>, vector<16xi32>
      %add3A_1408 = arith.addi %add3A_1388, %select_n3A_1407 : vector<16xi32>
      %jit3A_1409 = arith.constant 1 : i32
      %jit3A_1410 = arith.constant 0 : i32
      %broadcast_in_dim3A_1411 = vector.broadcast %jit3A_1409 : i32 to vector<16xi32>
      %broadcast_in_dim3A_1412 = vector.broadcast %jit3A_1410 : i32 to vector<16xi32>
      %select_n3A_1413 = arith.select %eq3A_1398, %broadcast_in_dim3A_1411, %broadcast_in_dim3A_1412 : vector<16xi1>, vector<16xi32>
      %add3A_1414 = arith.addi %add3A_1394, %select_n3A_1413 : vector<16xi32>
      %broadcast_in_dim3A_1415 = arith.constant 68 : i32
      %broadcast_in_dim3A_1416 = vector.broadcast %broadcast_in_dim3A_1415 : i32 to vector<16xi32>
      %gather3A_1417 = tpu.vector_load_idx %arg8[%broadcast_in_dim3A_1416] : memref<128xi32, #tpu.memory_space<vmem>>[vector<16xi32>], vector<16xi32>,
      %eq3A_1418 = arith.cmpi eq, %get3A_1330, %gather3A_1417 : vector<16xi32>
      %gt3A_1419 = arith.constant 4 : i32
      %gt3A_1420 = vector.broadcast %gt3A_1419 : i32 to vector<16xi32>
      %gt3A_1421 = arith.cmpi sgt, %iota3A, %gt3A_1420 : vector<16xi32>
      %and3A_1422 = arith.andi %eq3A_1418, %gt3A_1421 : vector<16xi1>
      %jit3A_1423 = arith.constant 1 : i32
      %jit3A_1424 = arith.constant 0 : i32
      %broadcast_in_dim3A_1425 = vector.broadcast %jit3A_1423 : i32 to vector<16xi32>
      %broadcast_in_dim3A_1426 = vector.broadcast %jit3A_1424 : i32 to vector<16xi32>
      %select_n3A_1427 = arith.select %and3A_1422, %broadcast_in_dim3A_1425, %broadcast_in_dim3A_1426 : vector<16xi1>, vector<16xi32>
      %add3A_1428 = arith.addi %add3A_1408, %select_n3A_1427 : vector<16xi32>
      %jit3A_1429 = arith.constant 1 : i32
      %jit3A_1430 = arith.constant 0 : i32
      %broadcast_in_dim3A_1431 = vector.broadcast %jit3A_1429 : i32 to vector<16xi32>
      %broadcast_in_dim3A_1432 = vector.broadcast %jit3A_1430 : i32 to vector<16xi32>
      %select_n3A_1433 = arith.select %eq3A_1418, %broadcast_in_dim3A_1431, %broadcast_in_dim3A_1432 : vector<16xi1>, vector<16xi32>
      %add3A_1434 = arith.addi %add3A_1414, %select_n3A_1433 : vector<16xi32>
      %broadcast_in_dim3A_1435 = arith.constant 69 : i32
      %broadcast_in_dim3A_1436 = vector.broadcast %broadcast_in_dim3A_1435 : i32 to vector<16xi32>
      %gather3A_1437 = tpu.vector_load_idx %arg8[%broadcast_in_dim3A_1436] : memref<128xi32, #tpu.memory_space<vmem>>[vector<16xi32>], vector<16xi32>,
      %eq3A_1438 = arith.cmpi eq, %get3A_1330, %gather3A_1437 : vector<16xi32>
      %gt3A_1439 = arith.constant 5 : i32
      %gt3A_1440 = vector.broadcast %gt3A_1439 : i32 to vector<16xi32>
      %gt3A_1441 = arith.cmpi sgt, %iota3A, %gt3A_1440 : vector<16xi32>
      %and3A_1442 = arith.andi %eq3A_1438, %gt3A_1441 : vector<16xi1>
      %jit3A_1443 = arith.constant 1 : i32
      %jit3A_1444 = arith.constant 0 : i32
      %broadcast_in_dim3A_1445 = vector.broadcast %jit3A_1443 : i32 to vector<16xi32>
      %broadcast_in_dim3A_1446 = vector.broadcast %jit3A_1444 : i32 to vector<16xi32>
      %select_n3A_1447 = arith.select %and3A_1442, %broadcast_in_dim3A_1445, %broadcast_in_dim3A_1446 : vector<16xi1>, vector<16xi32>
      %add3A_1448 = arith.addi %add3A_1428, %select_n3A_1447 : vector<16xi32>
      %jit3A_1449 = arith.constant 1 : i32
      %jit3A_1450 = arith.constant 0 : i32
      %broadcast_in_dim3A_1451 = vector.broadcast %jit3A_1449 : i32 to vector<16xi32>
      %broadcast_in_dim3A_1452 = vector.broadcast %jit3A_1450 : i32 to vector<16xi32>
      %select_n3A_1453 = arith.select %eq3A_1438, %broadcast_in_dim3A_1451, %broadcast_in_dim3A_1452 : vector<16xi1>, vector<16xi32>
      %add3A_1454 = arith.addi %add3A_1434, %select_n3A_1453 : vector<16xi32>
      %broadcast_in_dim3A_1455 = arith.constant 70 : i32
      %broadcast_in_dim3A_1456 = vector.broadcast %broadcast_in_dim3A_1455 : i32 to vector<16xi32>
      %gather3A_1457 = tpu.vector_load_idx %arg8[%broadcast_in_dim3A_1456] : memref<128xi32, #tpu.memory_space<vmem>>[vector<16xi32>], vector<16xi32>,
      %eq3A_1458 = arith.cmpi eq, %get3A_1330, %gather3A_1457 : vector<16xi32>
      %gt3A_1459 = arith.constant 6 : i32
      %gt3A_1460 = vector.broadcast %gt3A_1459 : i32 to vector<16xi32>
      %gt3A_1461 = arith.cmpi sgt, %iota3A, %gt3A_1460 : vector<16xi32>
      %and3A_1462 = arith.andi %eq3A_1458, %gt3A_1461 : vector<16xi1>
      %jit3A_1463 = arith.constant 1 : i32
      %jit3A_1464 = arith.constant 0 : i32
      %broadcast_in_dim3A_1465 = vector.broadcast %jit3A_1463 : i32 to vector<16xi32>
      %broadcast_in_dim3A_1466 = vector.broadcast %jit3A_1464 : i32 to vector<16xi32>
      %select_n3A_1467 = arith.select %and3A_1462, %broadcast_in_dim3A_1465, %broadcast_in_dim3A_1466 : vector<16xi1>, vector<16xi32>
      %add3A_1468 = arith.addi %add3A_1448, %select_n3A_1467 : vector<16xi32>
      %jit3A_1469 = arith.constant 1 : i32
      %jit3A_1470 = arith.constant 0 : i32
      %broadcast_in_dim3A_1471 = vector.broadcast %jit3A_1469 : i32 to vector<16xi32>
      %broadcast_in_dim3A_1472 = vector.broadcast %jit3A_1470 : i32 to vector<16xi32>
      %select_n3A_1473 = arith.select %eq3A_1458, %broadcast_in_dim3A_1471, %broadcast_in_dim3A_1472 : vector<16xi1>, vector<16xi32>
      %add3A_1474 = arith.addi %add3A_1454, %select_n3A_1473 : vector<16xi32>
      %broadcast_in_dim3A_1475 = arith.constant 71 : i32
      %broadcast_in_dim3A_1476 = vector.broadcast %broadcast_in_dim3A_1475 : i32 to vector<16xi32>
      %gather3A_1477 = tpu.vector_load_idx %arg8[%broadcast_in_dim3A_1476] : memref<128xi32, #tpu.memory_space<vmem>>[vector<16xi32>], vector<16xi32>,
      %eq3A_1478 = arith.cmpi eq, %get3A_1330, %gather3A_1477 : vector<16xi32>
      %gt3A_1479 = arith.constant 7 : i32
      %gt3A_1480 = vector.broadcast %gt3A_1479 : i32 to vector<16xi32>
      %gt3A_1481 = arith.cmpi sgt, %iota3A, %gt3A_1480 : vector<16xi32>
      %and3A_1482 = arith.andi %eq3A_1478, %gt3A_1481 : vector<16xi1>
      %jit3A_1483 = arith.constant 1 : i32
      %jit3A_1484 = arith.constant 0 : i32
      %broadcast_in_dim3A_1485 = vector.broadcast %jit3A_1483 : i32 to vector<16xi32>
      %broadcast_in_dim3A_1486 = vector.broadcast %jit3A_1484 : i32 to vector<16xi32>
      %select_n3A_1487 = arith.select %and3A_1482, %broadcast_in_dim3A_1485, %broadcast_in_dim3A_1486 : vector<16xi1>, vector<16xi32>
      %add3A_1488 = arith.addi %add3A_1468, %select_n3A_1487 : vector<16xi32>
      %jit3A_1489 = arith.constant 1 : i32
      %jit3A_1490 = arith.constant 0 : i32
      %broadcast_in_dim3A_1491 = vector.broadcast %jit3A_1489 : i32 to vector<16xi32>
      %broadcast_in_dim3A_1492 = vector.broadcast %jit3A_1490 : i32 to vector<16xi32>
      %select_n3A_1493 = arith.select %eq3A_1478, %broadcast_in_dim3A_1491, %broadcast_in_dim3A_1492 : vector<16xi1>, vector<16xi32>
      %add3A_1494 = arith.addi %add3A_1474, %select_n3A_1493 : vector<16xi32>
      %broadcast_in_dim3A_1495 = arith.constant 72 : i32
      %broadcast_in_dim3A_1496 = vector.broadcast %broadcast_in_dim3A_1495 : i32 to vector<16xi32>
      %gather3A_1497 = tpu.vector_load_idx %arg8[%broadcast_in_dim3A_1496] : memref<128xi32, #tpu.memory_space<vmem>>[vector<16xi32>], vector<16xi32>,
      %eq3A_1498 = arith.cmpi eq, %get3A_1330, %gather3A_1497 : vector<16xi32>
      %gt3A_1499 = arith.constant 8 : i32
      %gt3A_1500 = vector.broadcast %gt3A_1499 : i32 to vector<16xi32>
      %gt3A_1501 = arith.cmpi sgt, %iota3A, %gt3A_1500 : vector<16xi32>
      %and3A_1502 = arith.andi %eq3A_1498, %gt3A_1501 : vector<16xi1>
      %jit3A_1503 = arith.constant 1 : i32
      %jit3A_1504 = arith.constant 0 : i32
      %broadcast_in_dim3A_1505 = vector.broadcast %jit3A_1503 : i32 to vector<16xi32>
      %broadcast_in_dim3A_1506 = vector.broadcast %jit3A_1504 : i32 to vector<16xi32>
      %select_n3A_1507 = arith.select %and3A_1502, %broadcast_in_dim3A_1505, %broadcast_in_dim3A_1506 : vector<16xi1>, vector<16xi32>
      %add3A_1508 = arith.addi %add3A_1488, %select_n3A_1507 : vector<16xi32>
      %jit3A_1509 = arith.constant 1 : i32
      %jit3A_1510 = arith.constant 0 : i32
      %broadcast_in_dim3A_1511 = vector.broadcast %jit3A_1509 : i32 to vector<16xi32>
      %broadcast_in_dim3A_1512 = vector.broadcast %jit3A_1510 : i32 to vector<16xi32>
      %select_n3A_1513 = arith.select %eq3A_1498, %broadcast_in_dim3A_1511, %broadcast_in_dim3A_1512 : vector<16xi1>, vector<16xi32>
      %add3A_1514 = arith.addi %add3A_1494, %select_n3A_1513 : vector<16xi32>
      %broadcast_in_dim3A_1515 = arith.constant 73 : i32
      %broadcast_in_dim3A_1516 = vector.broadcast %broadcast_in_dim3A_1515 : i32 to vector<16xi32>
      %gather3A_1517 = tpu.vector_load_idx %arg8[%broadcast_in_dim3A_1516] : memref<128xi32, #tpu.memory_space<vmem>>[vector<16xi32>], vector<16xi32>,
      %eq3A_1518 = arith.cmpi eq, %get3A_1330, %gather3A_1517 : vector<16xi32>
      %gt3A_1519 = arith.constant 9 : i32
      %gt3A_1520 = vector.broadcast %gt3A_1519 : i32 to vector<16xi32>
      %gt3A_1521 = arith.cmpi sgt, %iota3A, %gt3A_1520 : vector<16xi32>
      %and3A_1522 = arith.andi %eq3A_1518, %gt3A_1521 : vector<16xi1>
      %jit3A_1523 = arith.constant 1 : i32
      %jit3A_1524 = arith.constant 0 : i32
      %broadcast_in_dim3A_1525 = vector.broadcast %jit3A_1523 : i32 to vector<16xi32>
      %broadcast_in_dim3A_1526 = vector.broadcast %jit3A_1524 : i32 to vector<16xi32>
      %select_n3A_1527 = arith.select %and3A_1522, %broadcast_in_dim3A_1525, %broadcast_in_dim3A_1526 : vector<16xi1>, vector<16xi32>
      %add3A_1528 = arith.addi %add3A_1508, %select_n3A_1527 : vector<16xi32>
      %jit3A_1529 = arith.constant 1 : i32
      %jit3A_1530 = arith.constant 0 : i32
      %broadcast_in_dim3A_1531 = vector.broadcast %jit3A_1529 : i32 to vector<16xi32>
      %broadcast_in_dim3A_1532 = vector.broadcast %jit3A_1530 : i32 to vector<16xi32>
      %select_n3A_1533 = arith.select %eq3A_1518, %broadcast_in_dim3A_1531, %broadcast_in_dim3A_1532 : vector<16xi1>, vector<16xi32>
      %add3A_1534 = arith.addi %add3A_1514, %select_n3A_1533 : vector<16xi32>
      %broadcast_in_dim3A_1535 = arith.constant 74 : i32
      %broadcast_in_dim3A_1536 = vector.broadcast %broadcast_in_dim3A_1535 : i32 to vector<16xi32>
      %gather3A_1537 = tpu.vector_load_idx %arg8[%broadcast_in_dim3A_1536] : memref<128xi32, #tpu.memory_space<vmem>>[vector<16xi32>], vector<16xi32>,
      %eq3A_1538 = arith.cmpi eq, %get3A_1330, %gather3A_1537 : vector<16xi32>
      %gt3A_1539 = arith.constant 10 : i32
      %gt3A_1540 = vector.broadcast %gt3A_1539 : i32 to vector<16xi32>
      %gt3A_1541 = arith.cmpi sgt, %iota3A, %gt3A_1540 : vector<16xi32>
      %and3A_1542 = arith.andi %eq3A_1538, %gt3A_1541 : vector<16xi1>
      %jit3A_1543 = arith.constant 1 : i32
      %jit3A_1544 = arith.constant 0 : i32
      %broadcast_in_dim3A_1545 = vector.broadcast %jit3A_1543 : i32 to vector<16xi32>
      %broadcast_in_dim3A_1546 = vector.broadcast %jit3A_1544 : i32 to vector<16xi32>
      %select_n3A_1547 = arith.select %and3A_1542, %broadcast_in_dim3A_1545, %broadcast_in_dim3A_1546 : vector<16xi1>, vector<16xi32>
      %add3A_1548 = arith.addi %add3A_1528, %select_n3A_1547 : vector<16xi32>
      %jit3A_1549 = arith.constant 1 : i32
      %jit3A_1550 = arith.constant 0 : i32
      %broadcast_in_dim3A_1551 = vector.broadcast %jit3A_1549 : i32 to vector<16xi32>
      %broadcast_in_dim3A_1552 = vector.broadcast %jit3A_1550 : i32 to vector<16xi32>
      %select_n3A_1553 = arith.select %eq3A_1538, %broadcast_in_dim3A_1551, %broadcast_in_dim3A_1552 : vector<16xi1>, vector<16xi32>
      %add3A_1554 = arith.addi %add3A_1534, %select_n3A_1553 : vector<16xi32>
      %broadcast_in_dim3A_1555 = arith.constant 75 : i32
      %broadcast_in_dim3A_1556 = vector.broadcast %broadcast_in_dim3A_1555 : i32 to vector<16xi32>
      %gather3A_1557 = tpu.vector_load_idx %arg8[%broadcast_in_dim3A_1556] : memref<128xi32, #tpu.memory_space<vmem>>[vector<16xi32>], vector<16xi32>,
      %eq3A_1558 = arith.cmpi eq, %get3A_1330, %gather3A_1557 : vector<16xi32>
      %gt3A_1559 = arith.constant 11 : i32
      %gt3A_1560 = vector.broadcast %gt3A_1559 : i32 to vector<16xi32>
      %gt3A_1561 = arith.cmpi sgt, %iota3A, %gt3A_1560 : vector<16xi32>
      %and3A_1562 = arith.andi %eq3A_1558, %gt3A_1561 : vector<16xi1>
      %jit3A_1563 = arith.constant 1 : i32
      %jit3A_1564 = arith.constant 0 : i32
      %broadcast_in_dim3A_1565 = vector.broadcast %jit3A_1563 : i32 to vector<16xi32>
      %broadcast_in_dim3A_1566 = vector.broadcast %jit3A_1564 : i32 to vector<16xi32>
      %select_n3A_1567 = arith.select %and3A_1562, %broadcast_in_dim3A_1565, %broadcast_in_dim3A_1566 : vector<16xi1>, vector<16xi32>
      %add3A_1568 = arith.addi %add3A_1548, %select_n3A_1567 : vector<16xi32>
      %jit3A_1569 = arith.constant 1 : i32
      %jit3A_1570 = arith.constant 0 : i32
      %broadcast_in_dim3A_1571 = vector.broadcast %jit3A_1569 : i32 to vector<16xi32>
      %broadcast_in_dim3A_1572 = vector.broadcast %jit3A_1570 : i32 to vector<16xi32>
      %select_n3A_1573 = arith.select %eq3A_1558, %broadcast_in_dim3A_1571, %broadcast_in_dim3A_1572 : vector<16xi1>, vector<16xi32>
      %add3A_1574 = arith.addi %add3A_1554, %select_n3A_1573 : vector<16xi32>
      %broadcast_in_dim3A_1575 = arith.constant 76 : i32
      %broadcast_in_dim3A_1576 = vector.broadcast %broadcast_in_dim3A_1575 : i32 to vector<16xi32>
      %gather3A_1577 = tpu.vector_load_idx %arg8[%broadcast_in_dim3A_1576] : memref<128xi32, #tpu.memory_space<vmem>>[vector<16xi32>], vector<16xi32>,
      %eq3A_1578 = arith.cmpi eq, %get3A_1330, %gather3A_1577 : vector<16xi32>
      %gt3A_1579 = arith.constant 12 : i32
      %gt3A_1580 = vector.broadcast %gt3A_1579 : i32 to vector<16xi32>
      %gt3A_1581 = arith.cmpi sgt, %iota3A, %gt3A_1580 : vector<16xi32>
      %and3A_1582 = arith.andi %eq3A_1578, %gt3A_1581 : vector<16xi1>
      %jit3A_1583 = arith.constant 1 : i32
      %jit3A_1584 = arith.constant 0 : i32
      %broadcast_in_dim3A_1585 = vector.broadcast %jit3A_1583 : i32 to vector<16xi32>
      %broadcast_in_dim3A_1586 = vector.broadcast %jit3A_1584 : i32 to vector<16xi32>
      %select_n3A_1587 = arith.select %and3A_1582, %broadcast_in_dim3A_1585, %broadcast_in_dim3A_1586 : vector<16xi1>, vector<16xi32>
      %add3A_1588 = arith.addi %add3A_1568, %select_n3A_1587 : vector<16xi32>
      %jit3A_1589 = arith.constant 1 : i32
      %jit3A_1590 = arith.constant 0 : i32
      %broadcast_in_dim3A_1591 = vector.broadcast %jit3A_1589 : i32 to vector<16xi32>
      %broadcast_in_dim3A_1592 = vector.broadcast %jit3A_1590 : i32 to vector<16xi32>
      %select_n3A_1593 = arith.select %eq3A_1578, %broadcast_in_dim3A_1591, %broadcast_in_dim3A_1592 : vector<16xi1>, vector<16xi32>
      %add3A_1594 = arith.addi %add3A_1574, %select_n3A_1593 : vector<16xi32>
      %broadcast_in_dim3A_1595 = arith.constant 77 : i32
      %broadcast_in_dim3A_1596 = vector.broadcast %broadcast_in_dim3A_1595 : i32 to vector<16xi32>
      %gather3A_1597 = tpu.vector_load_idx %arg8[%broadcast_in_dim3A_1596] : memref<128xi32, #tpu.memory_space<vmem>>[vector<16xi32>], vector<16xi32>,
      %eq3A_1598 = arith.cmpi eq, %get3A_1330, %gather3A_1597 : vector<16xi32>
      %gt3A_1599 = arith.constant 13 : i32
      %gt3A_1600 = vector.broadcast %gt3A_1599 : i32 to vector<16xi32>
      %gt3A_1601 = arith.cmpi sgt, %iota3A, %gt3A_1600 : vector<16xi32>
      %and3A_1602 = arith.andi %eq3A_1598, %gt3A_1601 : vector<16xi1>
      %jit3A_1603 = arith.constant 1 : i32
      %jit3A_1604 = arith.constant 0 : i32
      %broadcast_in_dim3A_1605 = vector.broadcast %jit3A_1603 : i32 to vector<16xi32>
      %broadcast_in_dim3A_1606 = vector.broadcast %jit3A_1604 : i32 to vector<16xi32>
      %select_n3A_1607 = arith.select %and3A_1602, %broadcast_in_dim3A_1605, %broadcast_in_dim3A_1606 : vector<16xi1>, vector<16xi32>
      %add3A_1608 = arith.addi %add3A_1588, %select_n3A_1607 : vector<16xi32>
      %jit3A_1609 = arith.constant 1 : i32
      %jit3A_1610 = arith.constant 0 : i32
      %broadcast_in_dim3A_1611 = vector.broadcast %jit3A_1609 : i32 to vector<16xi32>
      %broadcast_in_dim3A_1612 = vector.broadcast %jit3A_1610 : i32 to vector<16xi32>
      %select_n3A_1613 = arith.select %eq3A_1598, %broadcast_in_dim3A_1611, %broadcast_in_dim3A_1612 : vector<16xi1>, vector<16xi32>
      %add3A_1614 = arith.addi %add3A_1594, %select_n3A_1613 : vector<16xi32>
      %broadcast_in_dim3A_1615 = arith.constant 78 : i32
      %broadcast_in_dim3A_1616 = vector.broadcast %broadcast_in_dim3A_1615 : i32 to vector<16xi32>
      %gather3A_1617 = tpu.vector_load_idx %arg8[%broadcast_in_dim3A_1616] : memref<128xi32, #tpu.memory_space<vmem>>[vector<16xi32>], vector<16xi32>,
      %eq3A_1618 = arith.cmpi eq, %get3A_1330, %gather3A_1617 : vector<16xi32>
      %gt3A_1619 = arith.constant 14 : i32
      %gt3A_1620 = vector.broadcast %gt3A_1619 : i32 to vector<16xi32>
      %gt3A_1621 = arith.cmpi sgt, %iota3A, %gt3A_1620 : vector<16xi32>
      %and3A_1622 = arith.andi %eq3A_1618, %gt3A_1621 : vector<16xi1>
      %jit3A_1623 = arith.constant 1 : i32
      %jit3A_1624 = arith.constant 0 : i32
      %broadcast_in_dim3A_1625 = vector.broadcast %jit3A_1623 : i32 to vector<16xi32>
      %broadcast_in_dim3A_1626 = vector.broadcast %jit3A_1624 : i32 to vector<16xi32>
      %select_n3A_1627 = arith.select %and3A_1622, %broadcast_in_dim3A_1625, %broadcast_in_dim3A_1626 : vector<16xi1>, vector<16xi32>
      %add3A_1628 = arith.addi %add3A_1608, %select_n3A_1627 : vector<16xi32>
      %jit3A_1629 = arith.constant 1 : i32
      %jit3A_1630 = arith.constant 0 : i32
      %broadcast_in_dim3A_1631 = vector.broadcast %jit3A_1629 : i32 to vector<16xi32>
      %broadcast_in_dim3A_1632 = vector.broadcast %jit3A_1630 : i32 to vector<16xi32>
      %select_n3A_1633 = arith.select %eq3A_1618, %broadcast_in_dim3A_1631, %broadcast_in_dim3A_1632 : vector<16xi1>, vector<16xi32>
      %add3A_1634 = arith.addi %add3A_1614, %select_n3A_1633 : vector<16xi32>
      %broadcast_in_dim3A_1635 = arith.constant 79 : i32
      %broadcast_in_dim3A_1636 = vector.broadcast %broadcast_in_dim3A_1635 : i32 to vector<16xi32>
      %gather3A_1637 = tpu.vector_load_idx %arg8[%broadcast_in_dim3A_1636] : memref<128xi32, #tpu.memory_space<vmem>>[vector<16xi32>], vector<16xi32>,
      %eq3A_1638 = arith.cmpi eq, %get3A_1330, %gather3A_1637 : vector<16xi32>
      %gt3A_1639 = arith.constant 15 : i32
      %gt3A_1640 = vector.broadcast %gt3A_1639 : i32 to vector<16xi32>
      %gt3A_1641 = arith.cmpi sgt, %iota3A, %gt3A_1640 : vector<16xi32>
      %and3A_1642 = arith.andi %eq3A_1638, %gt3A_1641 : vector<16xi1>
      %jit3A_1643 = arith.constant 1 : i32
      %jit3A_1644 = arith.constant 0 : i32
      %broadcast_in_dim3A_1645 = vector.broadcast %jit3A_1643 : i32 to vector<16xi32>
      %broadcast_in_dim3A_1646 = vector.broadcast %jit3A_1644 : i32 to vector<16xi32>
      %select_n3A_1647 = arith.select %and3A_1642, %broadcast_in_dim3A_1645, %broadcast_in_dim3A_1646 : vector<16xi1>, vector<16xi32>
      %add3A_1648 = arith.addi %add3A_1628, %select_n3A_1647 : vector<16xi32>
      %jit3A_1649 = arith.constant 1 : i32
      %jit3A_1650 = arith.constant 0 : i32
      %broadcast_in_dim3A_1651 = vector.broadcast %jit3A_1649 : i32 to vector<16xi32>
      %broadcast_in_dim3A_1652 = vector.broadcast %jit3A_1650 : i32 to vector<16xi32>
      %select_n3A_1653 = arith.select %eq3A_1638, %broadcast_in_dim3A_1651, %broadcast_in_dim3A_1652 : vector<16xi1>, vector<16xi32>
      %add3A_1654 = arith.addi %add3A_1634, %select_n3A_1653 : vector<16xi32>
      %gather3A_1655 = tpu.vector_load_idx %arg11[%get3A_1330] : memref<64xi32, #tpu.memory_space<vmem>>[vector<16xi32>], vector<16xi32>,
      %add3A_1656 = arith.addi %gather3A_1655, %add3A_1648 : vector<16xi32>
      %swap3A_1657 = arith.constant 64 : index
      %swap3A_1658 = tpu.vector_load %arg10[%swap3A_1657] {strides = array<i32>} : memref<128xi32, #tpu.memory_space<vmem>>, vector<16xi32>,
      tpu.vector_store %arg10[%swap3A_1657], %add3A_1656 {strides = array<i32>} : memref<128xi32, #tpu.memory_space<vmem>>, vector<16xi32>,
      %add3A_1659 = arith.addi %gather3A_1655, %add3A_1654 : vector<16xi32>
      tpu.vector_store_idx %arg11[%get3A_1330], %add3A_1659 : memref<64xi32, #tpu.memory_space<vmem>>[vector<16xi32>], vector<16xi32>,
      %get3A_1660 = arith.constant 80 : index
      %get3A_1661 = tpu.vector_load %arg8[%get3A_1660] {strides = array<i32>} : memref<128xi32, #tpu.memory_space<vmem>>, vector<16xi32>,
      %broadcast_in_dim3A_1662 = arith.constant 0 : i32
      %broadcast_in_dim3A_1663 = vector.broadcast %broadcast_in_dim3A_1662 : i32 to vector<16xi32>
      %broadcast_in_dim3A_1664 = arith.constant 0 : i32
      %broadcast_in_dim3A_1665 = vector.broadcast %broadcast_in_dim3A_1664 : i32 to vector<16xi32>
      %broadcast_in_dim3A_1666 = arith.constant 80 : i32
      %broadcast_in_dim3A_1667 = vector.broadcast %broadcast_in_dim3A_1666 : i32 to vector<16xi32>
      %gather3A_1668 = tpu.vector_load_idx %arg8[%broadcast_in_dim3A_1667] : memref<128xi32, #tpu.memory_space<vmem>>[vector<16xi32>], vector<16xi32>,
      %eq3A_1669 = arith.cmpi eq, %get3A_1661, %gather3A_1668 : vector<16xi32>
      %gt3A_1670 = arith.constant 0 : i32
      %gt3A_1671 = vector.broadcast %gt3A_1670 : i32 to vector<16xi32>
      %gt3A_1672 = arith.cmpi sgt, %iota3A, %gt3A_1671 : vector<16xi32>
      %and3A_1673 = arith.andi %eq3A_1669, %gt3A_1672 : vector<16xi1>
      %jit3A_1674 = arith.constant 1 : i32
      %jit3A_1675 = arith.constant 0 : i32
      %broadcast_in_dim3A_1676 = vector.broadcast %jit3A_1674 : i32 to vector<16xi32>
      %broadcast_in_dim3A_1677 = vector.broadcast %jit3A_1675 : i32 to vector<16xi32>
      %select_n3A_1678 = arith.select %and3A_1673, %broadcast_in_dim3A_1676, %broadcast_in_dim3A_1677 : vector<16xi1>, vector<16xi32>
      %add3A_1679 = arith.addi %broadcast_in_dim3A_1663, %select_n3A_1678 : vector<16xi32>
      %jit3A_1680 = arith.constant 1 : i32
      %jit3A_1681 = arith.constant 0 : i32
      %broadcast_in_dim3A_1682 = vector.broadcast %jit3A_1680 : i32 to vector<16xi32>
      %broadcast_in_dim3A_1683 = vector.broadcast %jit3A_1681 : i32 to vector<16xi32>
      %select_n3A_1684 = arith.select %eq3A_1669, %broadcast_in_dim3A_1682, %broadcast_in_dim3A_1683 : vector<16xi1>, vector<16xi32>
      %add3A_1685 = arith.addi %broadcast_in_dim3A_1665, %select_n3A_1684 : vector<16xi32>
      %broadcast_in_dim3A_1686 = arith.constant 81 : i32
      %broadcast_in_dim3A_1687 = vector.broadcast %broadcast_in_dim3A_1686 : i32 to vector<16xi32>
      %gather3A_1688 = tpu.vector_load_idx %arg8[%broadcast_in_dim3A_1687] : memref<128xi32, #tpu.memory_space<vmem>>[vector<16xi32>], vector<16xi32>,
      %eq3A_1689 = arith.cmpi eq, %get3A_1661, %gather3A_1688 : vector<16xi32>
      %gt3A_1690 = arith.constant 1 : i32
      %gt3A_1691 = vector.broadcast %gt3A_1690 : i32 to vector<16xi32>
      %gt3A_1692 = arith.cmpi sgt, %iota3A, %gt3A_1691 : vector<16xi32>
      %and3A_1693 = arith.andi %eq3A_1689, %gt3A_1692 : vector<16xi1>
      %jit3A_1694 = arith.constant 1 : i32
      %jit3A_1695 = arith.constant 0 : i32
      %broadcast_in_dim3A_1696 = vector.broadcast %jit3A_1694 : i32 to vector<16xi32>
      %broadcast_in_dim3A_1697 = vector.broadcast %jit3A_1695 : i32 to vector<16xi32>
      %select_n3A_1698 = arith.select %and3A_1693, %broadcast_in_dim3A_1696, %broadcast_in_dim3A_1697 : vector<16xi1>, vector<16xi32>
      %add3A_1699 = arith.addi %add3A_1679, %select_n3A_1698 : vector<16xi32>
      %jit3A_1700 = arith.constant 1 : i32
      %jit3A_1701 = arith.constant 0 : i32
      %broadcast_in_dim3A_1702 = vector.broadcast %jit3A_1700 : i32 to vector<16xi32>
      %broadcast_in_dim3A_1703 = vector.broadcast %jit3A_1701 : i32 to vector<16xi32>
      %select_n3A_1704 = arith.select %eq3A_1689, %broadcast_in_dim3A_1702, %broadcast_in_dim3A_1703 : vector<16xi1>, vector<16xi32>
      %add3A_1705 = arith.addi %add3A_1685, %select_n3A_1704 : vector<16xi32>
      %broadcast_in_dim3A_1706 = arith.constant 82 : i32
      %broadcast_in_dim3A_1707 = vector.broadcast %broadcast_in_dim3A_1706 : i32 to vector<16xi32>
      %gather3A_1708 = tpu.vector_load_idx %arg8[%broadcast_in_dim3A_1707] : memref<128xi32, #tpu.memory_space<vmem>>[vector<16xi32>], vector<16xi32>,
      %eq3A_1709 = arith.cmpi eq, %get3A_1661, %gather3A_1708 : vector<16xi32>
      %gt3A_1710 = arith.constant 2 : i32
      %gt3A_1711 = vector.broadcast %gt3A_1710 : i32 to vector<16xi32>
      %gt3A_1712 = arith.cmpi sgt, %iota3A, %gt3A_1711 : vector<16xi32>
      %and3A_1713 = arith.andi %eq3A_1709, %gt3A_1712 : vector<16xi1>
      %jit3A_1714 = arith.constant 1 : i32
      %jit3A_1715 = arith.constant 0 : i32
      %broadcast_in_dim3A_1716 = vector.broadcast %jit3A_1714 : i32 to vector<16xi32>
      %broadcast_in_dim3A_1717 = vector.broadcast %jit3A_1715 : i32 to vector<16xi32>
      %select_n3A_1718 = arith.select %and3A_1713, %broadcast_in_dim3A_1716, %broadcast_in_dim3A_1717 : vector<16xi1>, vector<16xi32>
      %add3A_1719 = arith.addi %add3A_1699, %select_n3A_1718 : vector<16xi32>
      %jit3A_1720 = arith.constant 1 : i32
      %jit3A_1721 = arith.constant 0 : i32
      %broadcast_in_dim3A_1722 = vector.broadcast %jit3A_1720 : i32 to vector<16xi32>
      %broadcast_in_dim3A_1723 = vector.broadcast %jit3A_1721 : i32 to vector<16xi32>
      %select_n3A_1724 = arith.select %eq3A_1709, %broadcast_in_dim3A_1722, %broadcast_in_dim3A_1723 : vector<16xi1>, vector<16xi32>
      %add3A_1725 = arith.addi %add3A_1705, %select_n3A_1724 : vector<16xi32>
      %broadcast_in_dim3A_1726 = arith.constant 83 : i32
      %broadcast_in_dim3A_1727 = vector.broadcast %broadcast_in_dim3A_1726 : i32 to vector<16xi32>
      %gather3A_1728 = tpu.vector_load_idx %arg8[%broadcast_in_dim3A_1727] : memref<128xi32, #tpu.memory_space<vmem>>[vector<16xi32>], vector<16xi32>,
      %eq3A_1729 = arith.cmpi eq, %get3A_1661, %gather3A_1728 : vector<16xi32>
      %gt3A_1730 = arith.constant 3 : i32
      %gt3A_1731 = vector.broadcast %gt3A_1730 : i32 to vector<16xi32>
      %gt3A_1732 = arith.cmpi sgt, %iota3A, %gt3A_1731 : vector<16xi32>
      %and3A_1733 = arith.andi %eq3A_1729, %gt3A_1732 : vector<16xi1>
      %jit3A_1734 = arith.constant 1 : i32
      %jit3A_1735 = arith.constant 0 : i32
      %broadcast_in_dim3A_1736 = vector.broadcast %jit3A_1734 : i32 to vector<16xi32>
      %broadcast_in_dim3A_1737 = vector.broadcast %jit3A_1735 : i32 to vector<16xi32>
      %select_n3A_1738 = arith.select %and3A_1733, %broadcast_in_dim3A_1736, %broadcast_in_dim3A_1737 : vector<16xi1>, vector<16xi32>
      %add3A_1739 = arith.addi %add3A_1719, %select_n3A_1738 : vector<16xi32>
      %jit3A_1740 = arith.constant 1 : i32
      %jit3A_1741 = arith.constant 0 : i32
      %broadcast_in_dim3A_1742 = vector.broadcast %jit3A_1740 : i32 to vector<16xi32>
      %broadcast_in_dim3A_1743 = vector.broadcast %jit3A_1741 : i32 to vector<16xi32>
      %select_n3A_1744 = arith.select %eq3A_1729, %broadcast_in_dim3A_1742, %broadcast_in_dim3A_1743 : vector<16xi1>, vector<16xi32>
      %add3A_1745 = arith.addi %add3A_1725, %select_n3A_1744 : vector<16xi32>
      %broadcast_in_dim3A_1746 = arith.constant 84 : i32
      %broadcast_in_dim3A_1747 = vector.broadcast %broadcast_in_dim3A_1746 : i32 to vector<16xi32>
      %gather3A_1748 = tpu.vector_load_idx %arg8[%broadcast_in_dim3A_1747] : memref<128xi32, #tpu.memory_space<vmem>>[vector<16xi32>], vector<16xi32>,
      %eq3A_1749 = arith.cmpi eq, %get3A_1661, %gather3A_1748 : vector<16xi32>
      %gt3A_1750 = arith.constant 4 : i32
      %gt3A_1751 = vector.broadcast %gt3A_1750 : i32 to vector<16xi32>
      %gt3A_1752 = arith.cmpi sgt, %iota3A, %gt3A_1751 : vector<16xi32>
      %and3A_1753 = arith.andi %eq3A_1749, %gt3A_1752 : vector<16xi1>
      %jit3A_1754 = arith.constant 1 : i32
      %jit3A_1755 = arith.constant 0 : i32
      %broadcast_in_dim3A_1756 = vector.broadcast %jit3A_1754 : i32 to vector<16xi32>
      %broadcast_in_dim3A_1757 = vector.broadcast %jit3A_1755 : i32 to vector<16xi32>
      %select_n3A_1758 = arith.select %and3A_1753, %broadcast_in_dim3A_1756, %broadcast_in_dim3A_1757 : vector<16xi1>, vector<16xi32>
      %add3A_1759 = arith.addi %add3A_1739, %select_n3A_1758 : vector<16xi32>
      %jit3A_1760 = arith.constant 1 : i32
      %jit3A_1761 = arith.constant 0 : i32
      %broadcast_in_dim3A_1762 = vector.broadcast %jit3A_1760 : i32 to vector<16xi32>
      %broadcast_in_dim3A_1763 = vector.broadcast %jit3A_1761 : i32 to vector<16xi32>
      %select_n3A_1764 = arith.select %eq3A_1749, %broadcast_in_dim3A_1762, %broadcast_in_dim3A_1763 : vector<16xi1>, vector<16xi32>
      %add3A_1765 = arith.addi %add3A_1745, %select_n3A_1764 : vector<16xi32>
      %broadcast_in_dim3A_1766 = arith.constant 85 : i32
      %broadcast_in_dim3A_1767 = vector.broadcast %broadcast_in_dim3A_1766 : i32 to vector<16xi32>
      %gather3A_1768 = tpu.vector_load_idx %arg8[%broadcast_in_dim3A_1767] : memref<128xi32, #tpu.memory_space<vmem>>[vector<16xi32>], vector<16xi32>,
      %eq3A_1769 = arith.cmpi eq, %get3A_1661, %gather3A_1768 : vector<16xi32>
      %gt3A_1770 = arith.constant 5 : i32
      %gt3A_1771 = vector.broadcast %gt3A_1770 : i32 to vector<16xi32>
      %gt3A_1772 = arith.cmpi sgt, %iota3A, %gt3A_1771 : vector<16xi32>
      %and3A_1773 = arith.andi %eq3A_1769, %gt3A_1772 : vector<16xi1>
      %jit3A_1774 = arith.constant 1 : i32
      %jit3A_1775 = arith.constant 0 : i32
      %broadcast_in_dim3A_1776 = vector.broadcast %jit3A_1774 : i32 to vector<16xi32>
      %broadcast_in_dim3A_1777 = vector.broadcast %jit3A_1775 : i32 to vector<16xi32>
      %select_n3A_1778 = arith.select %and3A_1773, %broadcast_in_dim3A_1776, %broadcast_in_dim3A_1777 : vector<16xi1>, vector<16xi32>
      %add3A_1779 = arith.addi %add3A_1759, %select_n3A_1778 : vector<16xi32>
      %jit3A_1780 = arith.constant 1 : i32
      %jit3A_1781 = arith.constant 0 : i32
      %broadcast_in_dim3A_1782 = vector.broadcast %jit3A_1780 : i32 to vector<16xi32>
      %broadcast_in_dim3A_1783 = vector.broadcast %jit3A_1781 : i32 to vector<16xi32>
      %select_n3A_1784 = arith.select %eq3A_1769, %broadcast_in_dim3A_1782, %broadcast_in_dim3A_1783 : vector<16xi1>, vector<16xi32>
      %add3A_1785 = arith.addi %add3A_1765, %select_n3A_1784 : vector<16xi32>
      %broadcast_in_dim3A_1786 = arith.constant 86 : i32
      %broadcast_in_dim3A_1787 = vector.broadcast %broadcast_in_dim3A_1786 : i32 to vector<16xi32>
      %gather3A_1788 = tpu.vector_load_idx %arg8[%broadcast_in_dim3A_1787] : memref<128xi32, #tpu.memory_space<vmem>>[vector<16xi32>], vector<16xi32>,
      %eq3A_1789 = arith.cmpi eq, %get3A_1661, %gather3A_1788 : vector<16xi32>
      %gt3A_1790 = arith.constant 6 : i32
      %gt3A_1791 = vector.broadcast %gt3A_1790 : i32 to vector<16xi32>
      %gt3A_1792 = arith.cmpi sgt, %iota3A, %gt3A_1791 : vector<16xi32>
      %and3A_1793 = arith.andi %eq3A_1789, %gt3A_1792 : vector<16xi1>
      %jit3A_1794 = arith.constant 1 : i32
      %jit3A_1795 = arith.constant 0 : i32
      %broadcast_in_dim3A_1796 = vector.broadcast %jit3A_1794 : i32 to vector<16xi32>
      %broadcast_in_dim3A_1797 = vector.broadcast %jit3A_1795 : i32 to vector<16xi32>
      %select_n3A_1798 = arith.select %and3A_1793, %broadcast_in_dim3A_1796, %broadcast_in_dim3A_1797 : vector<16xi1>, vector<16xi32>
      %add3A_1799 = arith.addi %add3A_1779, %select_n3A_1798 : vector<16xi32>
      %jit3A_1800 = arith.constant 1 : i32
      %jit3A_1801 = arith.constant 0 : i32
      %broadcast_in_dim3A_1802 = vector.broadcast %jit3A_1800 : i32 to vector<16xi32>
      %broadcast_in_dim3A_1803 = vector.broadcast %jit3A_1801 : i32 to vector<16xi32>
      %select_n3A_1804 = arith.select %eq3A_1789, %broadcast_in_dim3A_1802, %broadcast_in_dim3A_1803 : vector<16xi1>, vector<16xi32>
      %add3A_1805 = arith.addi %add3A_1785, %select_n3A_1804 : vector<16xi32>
      %broadcast_in_dim3A_1806 = arith.constant 87 : i32
      %broadcast_in_dim3A_1807 = vector.broadcast %broadcast_in_dim3A_1806 : i32 to vector<16xi32>
      %gather3A_1808 = tpu.vector_load_idx %arg8[%broadcast_in_dim3A_1807] : memref<128xi32, #tpu.memory_space<vmem>>[vector<16xi32>], vector<16xi32>,
      %eq3A_1809 = arith.cmpi eq, %get3A_1661, %gather3A_1808 : vector<16xi32>
      %gt3A_1810 = arith.constant 7 : i32
      %gt3A_1811 = vector.broadcast %gt3A_1810 : i32 to vector<16xi32>
      %gt3A_1812 = arith.cmpi sgt, %iota3A, %gt3A_1811 : vector<16xi32>
      %and3A_1813 = arith.andi %eq3A_1809, %gt3A_1812 : vector<16xi1>
      %jit3A_1814 = arith.constant 1 : i32
      %jit3A_1815 = arith.constant 0 : i32
      %broadcast_in_dim3A_1816 = vector.broadcast %jit3A_1814 : i32 to vector<16xi32>
      %broadcast_in_dim3A_1817 = vector.broadcast %jit3A_1815 : i32 to vector<16xi32>
      %select_n3A_1818 = arith.select %and3A_1813, %broadcast_in_dim3A_1816, %broadcast_in_dim3A_1817 : vector<16xi1>, vector<16xi32>
      %add3A_1819 = arith.addi %add3A_1799, %select_n3A_1818 : vector<16xi32>
      %jit3A_1820 = arith.constant 1 : i32
      %jit3A_1821 = arith.constant 0 : i32
      %broadcast_in_dim3A_1822 = vector.broadcast %jit3A_1820 : i32 to vector<16xi32>
      %broadcast_in_dim3A_1823 = vector.broadcast %jit3A_1821 : i32 to vector<16xi32>
      %select_n3A_1824 = arith.select %eq3A_1809, %broadcast_in_dim3A_1822, %broadcast_in_dim3A_1823 : vector<16xi1>, vector<16xi32>
      %add3A_1825 = arith.addi %add3A_1805, %select_n3A_1824 : vector<16xi32>
      %broadcast_in_dim3A_1826 = arith.constant 88 : i32
      %broadcast_in_dim3A_1827 = vector.broadcast %broadcast_in_dim3A_1826 : i32 to vector<16xi32>
      %gather3A_1828 = tpu.vector_load_idx %arg8[%broadcast_in_dim3A_1827] : memref<128xi32, #tpu.memory_space<vmem>>[vector<16xi32>], vector<16xi32>,
      %eq3A_1829 = arith.cmpi eq, %get3A_1661, %gather3A_1828 : vector<16xi32>
      %gt3A_1830 = arith.constant 8 : i32
      %gt3A_1831 = vector.broadcast %gt3A_1830 : i32 to vector<16xi32>
      %gt3A_1832 = arith.cmpi sgt, %iota3A, %gt3A_1831 : vector<16xi32>
      %and3A_1833 = arith.andi %eq3A_1829, %gt3A_1832 : vector<16xi1>
      %jit3A_1834 = arith.constant 1 : i32
      %jit3A_1835 = arith.constant 0 : i32
      %broadcast_in_dim3A_1836 = vector.broadcast %jit3A_1834 : i32 to vector<16xi32>
      %broadcast_in_dim3A_1837 = vector.broadcast %jit3A_1835 : i32 to vector<16xi32>
      %select_n3A_1838 = arith.select %and3A_1833, %broadcast_in_dim3A_1836, %broadcast_in_dim3A_1837 : vector<16xi1>, vector<16xi32>
      %add3A_1839 = arith.addi %add3A_1819, %select_n3A_1838 : vector<16xi32>
      %jit3A_1840 = arith.constant 1 : i32
      %jit3A_1841 = arith.constant 0 : i32
      %broadcast_in_dim3A_1842 = vector.broadcast %jit3A_1840 : i32 to vector<16xi32>
      %broadcast_in_dim3A_1843 = vector.broadcast %jit3A_1841 : i32 to vector<16xi32>
      %select_n3A_1844 = arith.select %eq3A_1829, %broadcast_in_dim3A_1842, %broadcast_in_dim3A_1843 : vector<16xi1>, vector<16xi32>
      %add3A_1845 = arith.addi %add3A_1825, %select_n3A_1844 : vector<16xi32>
      %broadcast_in_dim3A_1846 = arith.constant 89 : i32
      %broadcast_in_dim3A_1847 = vector.broadcast %broadcast_in_dim3A_1846 : i32 to vector<16xi32>
      %gather3A_1848 = tpu.vector_load_idx %arg8[%broadcast_in_dim3A_1847] : memref<128xi32, #tpu.memory_space<vmem>>[vector<16xi32>], vector<16xi32>,
      %eq3A_1849 = arith.cmpi eq, %get3A_1661, %gather3A_1848 : vector<16xi32>
      %gt3A_1850 = arith.constant 9 : i32
      %gt3A_1851 = vector.broadcast %gt3A_1850 : i32 to vector<16xi32>
      %gt3A_1852 = arith.cmpi sgt, %iota3A, %gt3A_1851 : vector<16xi32>
      %and3A_1853 = arith.andi %eq3A_1849, %gt3A_1852 : vector<16xi1>
      %jit3A_1854 = arith.constant 1 : i32
      %jit3A_1855 = arith.constant 0 : i32
      %broadcast_in_dim3A_1856 = vector.broadcast %jit3A_1854 : i32 to vector<16xi32>
      %broadcast_in_dim3A_1857 = vector.broadcast %jit3A_1855 : i32 to vector<16xi32>
      %select_n3A_1858 = arith.select %and3A_1853, %broadcast_in_dim3A_1856, %broadcast_in_dim3A_1857 : vector<16xi1>, vector<16xi32>
      %add3A_1859 = arith.addi %add3A_1839, %select_n3A_1858 : vector<16xi32>
      %jit3A_1860 = arith.constant 1 : i32
      %jit3A_1861 = arith.constant 0 : i32
      %broadcast_in_dim3A_1862 = vector.broadcast %jit3A_1860 : i32 to vector<16xi32>
      %broadcast_in_dim3A_1863 = vector.broadcast %jit3A_1861 : i32 to vector<16xi32>
      %select_n3A_1864 = arith.select %eq3A_1849, %broadcast_in_dim3A_1862, %broadcast_in_dim3A_1863 : vector<16xi1>, vector<16xi32>
      %add3A_1865 = arith.addi %add3A_1845, %select_n3A_1864 : vector<16xi32>
      %broadcast_in_dim3A_1866 = arith.constant 90 : i32
      %broadcast_in_dim3A_1867 = vector.broadcast %broadcast_in_dim3A_1866 : i32 to vector<16xi32>
      %gather3A_1868 = tpu.vector_load_idx %arg8[%broadcast_in_dim3A_1867] : memref<128xi32, #tpu.memory_space<vmem>>[vector<16xi32>], vector<16xi32>,
      %eq3A_1869 = arith.cmpi eq, %get3A_1661, %gather3A_1868 : vector<16xi32>
      %gt3A_1870 = arith.constant 10 : i32
      %gt3A_1871 = vector.broadcast %gt3A_1870 : i32 to vector<16xi32>
      %gt3A_1872 = arith.cmpi sgt, %iota3A, %gt3A_1871 : vector<16xi32>
      %and3A_1873 = arith.andi %eq3A_1869, %gt3A_1872 : vector<16xi1>
      %jit3A_1874 = arith.constant 1 : i32
      %jit3A_1875 = arith.constant 0 : i32
      %broadcast_in_dim3A_1876 = vector.broadcast %jit3A_1874 : i32 to vector<16xi32>
      %broadcast_in_dim3A_1877 = vector.broadcast %jit3A_1875 : i32 to vector<16xi32>
      %select_n3A_1878 = arith.select %and3A_1873, %broadcast_in_dim3A_1876, %broadcast_in_dim3A_1877 : vector<16xi1>, vector<16xi32>
      %add3A_1879 = arith.addi %add3A_1859, %select_n3A_1878 : vector<16xi32>
      %jit3A_1880 = arith.constant 1 : i32
      %jit3A_1881 = arith.constant 0 : i32
      %broadcast_in_dim3A_1882 = vector.broadcast %jit3A_1880 : i32 to vector<16xi32>
      %broadcast_in_dim3A_1883 = vector.broadcast %jit3A_1881 : i32 to vector<16xi32>
      %select_n3A_1884 = arith.select %eq3A_1869, %broadcast_in_dim3A_1882, %broadcast_in_dim3A_1883 : vector<16xi1>, vector<16xi32>
      %add3A_1885 = arith.addi %add3A_1865, %select_n3A_1884 : vector<16xi32>
      %broadcast_in_dim3A_1886 = arith.constant 91 : i32
      %broadcast_in_dim3A_1887 = vector.broadcast %broadcast_in_dim3A_1886 : i32 to vector<16xi32>
      %gather3A_1888 = tpu.vector_load_idx %arg8[%broadcast_in_dim3A_1887] : memref<128xi32, #tpu.memory_space<vmem>>[vector<16xi32>], vector<16xi32>,
      %eq3A_1889 = arith.cmpi eq, %get3A_1661, %gather3A_1888 : vector<16xi32>
      %gt3A_1890 = arith.constant 11 : i32
      %gt3A_1891 = vector.broadcast %gt3A_1890 : i32 to vector<16xi32>
      %gt3A_1892 = arith.cmpi sgt, %iota3A, %gt3A_1891 : vector<16xi32>
      %and3A_1893 = arith.andi %eq3A_1889, %gt3A_1892 : vector<16xi1>
      %jit3A_1894 = arith.constant 1 : i32
      %jit3A_1895 = arith.constant 0 : i32
      %broadcast_in_dim3A_1896 = vector.broadcast %jit3A_1894 : i32 to vector<16xi32>
      %broadcast_in_dim3A_1897 = vector.broadcast %jit3A_1895 : i32 to vector<16xi32>
      %select_n3A_1898 = arith.select %and3A_1893, %broadcast_in_dim3A_1896, %broadcast_in_dim3A_1897 : vector<16xi1>, vector<16xi32>
      %add3A_1899 = arith.addi %add3A_1879, %select_n3A_1898 : vector<16xi32>
      %jit3A_1900 = arith.constant 1 : i32
      %jit3A_1901 = arith.constant 0 : i32
      %broadcast_in_dim3A_1902 = vector.broadcast %jit3A_1900 : i32 to vector<16xi32>
      %broadcast_in_dim3A_1903 = vector.broadcast %jit3A_1901 : i32 to vector<16xi32>
      %select_n3A_1904 = arith.select %eq3A_1889, %broadcast_in_dim3A_1902, %broadcast_in_dim3A_1903 : vector<16xi1>, vector<16xi32>
      %add3A_1905 = arith.addi %add3A_1885, %select_n3A_1904 : vector<16xi32>
      %broadcast_in_dim3A_1906 = arith.constant 92 : i32
      %broadcast_in_dim3A_1907 = vector.broadcast %broadcast_in_dim3A_1906 : i32 to vector<16xi32>
      %gather3A_1908 = tpu.vector_load_idx %arg8[%broadcast_in_dim3A_1907] : memref<128xi32, #tpu.memory_space<vmem>>[vector<16xi32>], vector<16xi32>,
      %eq3A_1909 = arith.cmpi eq, %get3A_1661, %gather3A_1908 : vector<16xi32>
      %gt3A_1910 = arith.constant 12 : i32
      %gt3A_1911 = vector.broadcast %gt3A_1910 : i32 to vector<16xi32>
      %gt3A_1912 = arith.cmpi sgt, %iota3A, %gt3A_1911 : vector<16xi32>
      %and3A_1913 = arith.andi %eq3A_1909, %gt3A_1912 : vector<16xi1>
      %jit3A_1914 = arith.constant 1 : i32
      %jit3A_1915 = arith.constant 0 : i32
      %broadcast_in_dim3A_1916 = vector.broadcast %jit3A_1914 : i32 to vector<16xi32>
      %broadcast_in_dim3A_1917 = vector.broadcast %jit3A_1915 : i32 to vector<16xi32>
      %select_n3A_1918 = arith.select %and3A_1913, %broadcast_in_dim3A_1916, %broadcast_in_dim3A_1917 : vector<16xi1>, vector<16xi32>
      %add3A_1919 = arith.addi %add3A_1899, %select_n3A_1918 : vector<16xi32>
      %jit3A_1920 = arith.constant 1 : i32
      %jit3A_1921 = arith.constant 0 : i32
      %broadcast_in_dim3A_1922 = vector.broadcast %jit3A_1920 : i32 to vector<16xi32>
      %broadcast_in_dim3A_1923 = vector.broadcast %jit3A_1921 : i32 to vector<16xi32>
      %select_n3A_1924 = arith.select %eq3A_1909, %broadcast_in_dim3A_1922, %broadcast_in_dim3A_1923 : vector<16xi1>, vector<16xi32>
      %add3A_1925 = arith.addi %add3A_1905, %select_n3A_1924 : vector<16xi32>
      %broadcast_in_dim3A_1926 = arith.constant 93 : i32
      %broadcast_in_dim3A_1927 = vector.broadcast %broadcast_in_dim3A_1926 : i32 to vector<16xi32>
      %gather3A_1928 = tpu.vector_load_idx %arg8[%broadcast_in_dim3A_1927] : memref<128xi32, #tpu.memory_space<vmem>>[vector<16xi32>], vector<16xi32>,
      %eq3A_1929 = arith.cmpi eq, %get3A_1661, %gather3A_1928 : vector<16xi32>
      %gt3A_1930 = arith.constant 13 : i32
      %gt3A_1931 = vector.broadcast %gt3A_1930 : i32 to vector<16xi32>
      %gt3A_1932 = arith.cmpi sgt, %iota3A, %gt3A_1931 : vector<16xi32>
      %and3A_1933 = arith.andi %eq3A_1929, %gt3A_1932 : vector<16xi1>
      %jit3A_1934 = arith.constant 1 : i32
      %jit3A_1935 = arith.constant 0 : i32
      %broadcast_in_dim3A_1936 = vector.broadcast %jit3A_1934 : i32 to vector<16xi32>
      %broadcast_in_dim3A_1937 = vector.broadcast %jit3A_1935 : i32 to vector<16xi32>
      %select_n3A_1938 = arith.select %and3A_1933, %broadcast_in_dim3A_1936, %broadcast_in_dim3A_1937 : vector<16xi1>, vector<16xi32>
      %add3A_1939 = arith.addi %add3A_1919, %select_n3A_1938 : vector<16xi32>
      %jit3A_1940 = arith.constant 1 : i32
      %jit3A_1941 = arith.constant 0 : i32
      %broadcast_in_dim3A_1942 = vector.broadcast %jit3A_1940 : i32 to vector<16xi32>
      %broadcast_in_dim3A_1943 = vector.broadcast %jit3A_1941 : i32 to vector<16xi32>
      %select_n3A_1944 = arith.select %eq3A_1929, %broadcast_in_dim3A_1942, %broadcast_in_dim3A_1943 : vector<16xi1>, vector<16xi32>
      %add3A_1945 = arith.addi %add3A_1925, %select_n3A_1944 : vector<16xi32>
      %broadcast_in_dim3A_1946 = arith.constant 94 : i32
      %broadcast_in_dim3A_1947 = vector.broadcast %broadcast_in_dim3A_1946 : i32 to vector<16xi32>
      %gather3A_1948 = tpu.vector_load_idx %arg8[%broadcast_in_dim3A_1947] : memref<128xi32, #tpu.memory_space<vmem>>[vector<16xi32>], vector<16xi32>,
      %eq3A_1949 = arith.cmpi eq, %get3A_1661, %gather3A_1948 : vector<16xi32>
      %gt3A_1950 = arith.constant 14 : i32
      %gt3A_1951 = vector.broadcast %gt3A_1950 : i32 to vector<16xi32>
      %gt3A_1952 = arith.cmpi sgt, %iota3A, %gt3A_1951 : vector<16xi32>
      %and3A_1953 = arith.andi %eq3A_1949, %gt3A_1952 : vector<16xi1>
      %jit3A_1954 = arith.constant 1 : i32
      %jit3A_1955 = arith.constant 0 : i32
      %broadcast_in_dim3A_1956 = vector.broadcast %jit3A_1954 : i32 to vector<16xi32>
      %broadcast_in_dim3A_1957 = vector.broadcast %jit3A_1955 : i32 to vector<16xi32>
      %select_n3A_1958 = arith.select %and3A_1953, %broadcast_in_dim3A_1956, %broadcast_in_dim3A_1957 : vector<16xi1>, vector<16xi32>
      %add3A_1959 = arith.addi %add3A_1939, %select_n3A_1958 : vector<16xi32>
      %jit3A_1960 = arith.constant 1 : i32
      %jit3A_1961 = arith.constant 0 : i32
      %broadcast_in_dim3A_1962 = vector.broadcast %jit3A_1960 : i32 to vector<16xi32>
      %broadcast_in_dim3A_1963 = vector.broadcast %jit3A_1961 : i32 to vector<16xi32>
      %select_n3A_1964 = arith.select %eq3A_1949, %broadcast_in_dim3A_1962, %broadcast_in_dim3A_1963 : vector<16xi1>, vector<16xi32>
      %add3A_1965 = arith.addi %add3A_1945, %select_n3A_1964 : vector<16xi32>
      %broadcast_in_dim3A_1966 = arith.constant 95 : i32
      %broadcast_in_dim3A_1967 = vector.broadcast %broadcast_in_dim3A_1966 : i32 to vector<16xi32>
      %gather3A_1968 = tpu.vector_load_idx %arg8[%broadcast_in_dim3A_1967] : memref<128xi32, #tpu.memory_space<vmem>>[vector<16xi32>], vector<16xi32>,
      %eq3A_1969 = arith.cmpi eq, %get3A_1661, %gather3A_1968 : vector<16xi32>
      %gt3A_1970 = arith.constant 15 : i32
      %gt3A_1971 = vector.broadcast %gt3A_1970 : i32 to vector<16xi32>
      %gt3A_1972 = arith.cmpi sgt, %iota3A, %gt3A_1971 : vector<16xi32>
      %and3A_1973 = arith.andi %eq3A_1969, %gt3A_1972 : vector<16xi1>
      %jit3A_1974 = arith.constant 1 : i32
      %jit3A_1975 = arith.constant 0 : i32
      %broadcast_in_dim3A_1976 = vector.broadcast %jit3A_1974 : i32 to vector<16xi32>
      %broadcast_in_dim3A_1977 = vector.broadcast %jit3A_1975 : i32 to vector<16xi32>
      %select_n3A_1978 = arith.select %and3A_1973, %broadcast_in_dim3A_1976, %broadcast_in_dim3A_1977 : vector<16xi1>, vector<16xi32>
      %add3A_1979 = arith.addi %add3A_1959, %select_n3A_1978 : vector<16xi32>
      %jit3A_1980 = arith.constant 1 : i32
      %jit3A_1981 = arith.constant 0 : i32
      %broadcast_in_dim3A_1982 = vector.broadcast %jit3A_1980 : i32 to vector<16xi32>
      %broadcast_in_dim3A_1983 = vector.broadcast %jit3A_1981 : i32 to vector<16xi32>
      %select_n3A_1984 = arith.select %eq3A_1969, %broadcast_in_dim3A_1982, %broadcast_in_dim3A_1983 : vector<16xi1>, vector<16xi32>
      %add3A_1985 = arith.addi %add3A_1965, %select_n3A_1984 : vector<16xi32>
      %gather3A_1986 = tpu.vector_load_idx %arg11[%get3A_1661] : memref<64xi32, #tpu.memory_space<vmem>>[vector<16xi32>], vector<16xi32>,
      %add3A_1987 = arith.addi %gather3A_1986, %add3A_1979 : vector<16xi32>
      %swap3A_1988 = arith.constant 80 : index
      %swap3A_1989 = tpu.vector_load %arg10[%swap3A_1988] {strides = array<i32>} : memref<128xi32, #tpu.memory_space<vmem>>, vector<16xi32>,
      tpu.vector_store %arg10[%swap3A_1988], %add3A_1987 {strides = array<i32>} : memref<128xi32, #tpu.memory_space<vmem>>, vector<16xi32>,
      %add3A_1990 = arith.addi %gather3A_1986, %add3A_1985 : vector<16xi32>
      tpu.vector_store_idx %arg11[%get3A_1661], %add3A_1990 : memref<64xi32, #tpu.memory_space<vmem>>[vector<16xi32>], vector<16xi32>,
      %get3A_1991 = arith.constant 96 : index
      %get3A_1992 = tpu.vector_load %arg8[%get3A_1991] {strides = array<i32>} : memref<128xi32, #tpu.memory_space<vmem>>, vector<16xi32>,
      %broadcast_in_dim3A_1993 = arith.constant 0 : i32
      %broadcast_in_dim3A_1994 = vector.broadcast %broadcast_in_dim3A_1993 : i32 to vector<16xi32>
      %broadcast_in_dim3A_1995 = arith.constant 0 : i32
      %broadcast_in_dim3A_1996 = vector.broadcast %broadcast_in_dim3A_1995 : i32 to vector<16xi32>
      %broadcast_in_dim3A_1997 = arith.constant 96 : i32
      %broadcast_in_dim3A_1998 = vector.broadcast %broadcast_in_dim3A_1997 : i32 to vector<16xi32>
      %gather3A_1999 = tpu.vector_load_idx %arg8[%broadcast_in_dim3A_1998] : memref<128xi32, #tpu.memory_space<vmem>>[vector<16xi32>], vector<16xi32>,
      %eq3A_2000 = arith.cmpi eq, %get3A_1992, %gather3A_1999 : vector<16xi32>
      %gt3A_2001 = arith.constant 0 : i32
      %gt3A_2002 = vector.broadcast %gt3A_2001 : i32 to vector<16xi32>
      %gt3A_2003 = arith.cmpi sgt, %iota3A, %gt3A_2002 : vector<16xi32>
      %and3A_2004 = arith.andi %eq3A_2000, %gt3A_2003 : vector<16xi1>
      %jit3A_2005 = arith.constant 1 : i32
      %jit3A_2006 = arith.constant 0 : i32
      %broadcast_in_dim3A_2007 = vector.broadcast %jit3A_2005 : i32 to vector<16xi32>
      %broadcast_in_dim3A_2008 = vector.broadcast %jit3A_2006 : i32 to vector<16xi32>
      %select_n3A_2009 = arith.select %and3A_2004, %broadcast_in_dim3A_2007, %broadcast_in_dim3A_2008 : vector<16xi1>, vector<16xi32>
      %add3A_2010 = arith.addi %broadcast_in_dim3A_1994, %select_n3A_2009 : vector<16xi32>
      %jit3A_2011 = arith.constant 1 : i32
      %jit3A_2012 = arith.constant 0 : i32
      %broadcast_in_dim3A_2013 = vector.broadcast %jit3A_2011 : i32 to vector<16xi32>
      %broadcast_in_dim3A_2014 = vector.broadcast %jit3A_2012 : i32 to vector<16xi32>
      %select_n3A_2015 = arith.select %eq3A_2000, %broadcast_in_dim3A_2013, %broadcast_in_dim3A_2014 : vector<16xi1>, vector<16xi32>
      %add3A_2016 = arith.addi %broadcast_in_dim3A_1996, %select_n3A_2015 : vector<16xi32>
      %broadcast_in_dim3A_2017 = arith.constant 97 : i32
      %broadcast_in_dim3A_2018 = vector.broadcast %broadcast_in_dim3A_2017 : i32 to vector<16xi32>
      %gather3A_2019 = tpu.vector_load_idx %arg8[%broadcast_in_dim3A_2018] : memref<128xi32, #tpu.memory_space<vmem>>[vector<16xi32>], vector<16xi32>,
      %eq3A_2020 = arith.cmpi eq, %get3A_1992, %gather3A_2019 : vector<16xi32>
      %gt3A_2021 = arith.constant 1 : i32
      %gt3A_2022 = vector.broadcast %gt3A_2021 : i32 to vector<16xi32>
      %gt3A_2023 = arith.cmpi sgt, %iota3A, %gt3A_2022 : vector<16xi32>
      %and3A_2024 = arith.andi %eq3A_2020, %gt3A_2023 : vector<16xi1>
      %jit3A_2025 = arith.constant 1 : i32
      %jit3A_2026 = arith.constant 0 : i32
      %broadcast_in_dim3A_2027 = vector.broadcast %jit3A_2025 : i32 to vector<16xi32>
      %broadcast_in_dim3A_2028 = vector.broadcast %jit3A_2026 : i32 to vector<16xi32>
      %select_n3A_2029 = arith.select %and3A_2024, %broadcast_in_dim3A_2027, %broadcast_in_dim3A_2028 : vector<16xi1>, vector<16xi32>
      %add3A_2030 = arith.addi %add3A_2010, %select_n3A_2029 : vector<16xi32>
      %jit3A_2031 = arith.constant 1 : i32
      %jit3A_2032 = arith.constant 0 : i32
      %broadcast_in_dim3A_2033 = vector.broadcast %jit3A_2031 : i32 to vector<16xi32>
      %broadcast_in_dim3A_2034 = vector.broadcast %jit3A_2032 : i32 to vector<16xi32>
      %select_n3A_2035 = arith.select %eq3A_2020, %broadcast_in_dim3A_2033, %broadcast_in_dim3A_2034 : vector<16xi1>, vector<16xi32>
      %add3A_2036 = arith.addi %add3A_2016, %select_n3A_2035 : vector<16xi32>
      %broadcast_in_dim3A_2037 = arith.constant 98 : i32
      %broadcast_in_dim3A_2038 = vector.broadcast %broadcast_in_dim3A_2037 : i32 to vector<16xi32>
      %gather3A_2039 = tpu.vector_load_idx %arg8[%broadcast_in_dim3A_2038] : memref<128xi32, #tpu.memory_space<vmem>>[vector<16xi32>], vector<16xi32>,
      %eq3A_2040 = arith.cmpi eq, %get3A_1992, %gather3A_2039 : vector<16xi32>
      %gt3A_2041 = arith.constant 2 : i32
      %gt3A_2042 = vector.broadcast %gt3A_2041 : i32 to vector<16xi32>
      %gt3A_2043 = arith.cmpi sgt, %iota3A, %gt3A_2042 : vector<16xi32>
      %and3A_2044 = arith.andi %eq3A_2040, %gt3A_2043 : vector<16xi1>
      %jit3A_2045 = arith.constant 1 : i32
      %jit3A_2046 = arith.constant 0 : i32
      %broadcast_in_dim3A_2047 = vector.broadcast %jit3A_2045 : i32 to vector<16xi32>
      %broadcast_in_dim3A_2048 = vector.broadcast %jit3A_2046 : i32 to vector<16xi32>
      %select_n3A_2049 = arith.select %and3A_2044, %broadcast_in_dim3A_2047, %broadcast_in_dim3A_2048 : vector<16xi1>, vector<16xi32>
      %add3A_2050 = arith.addi %add3A_2030, %select_n3A_2049 : vector<16xi32>
      %jit3A_2051 = arith.constant 1 : i32
      %jit3A_2052 = arith.constant 0 : i32
      %broadcast_in_dim3A_2053 = vector.broadcast %jit3A_2051 : i32 to vector<16xi32>
      %broadcast_in_dim3A_2054 = vector.broadcast %jit3A_2052 : i32 to vector<16xi32>
      %select_n3A_2055 = arith.select %eq3A_2040, %broadcast_in_dim3A_2053, %broadcast_in_dim3A_2054 : vector<16xi1>, vector<16xi32>
      %add3A_2056 = arith.addi %add3A_2036, %select_n3A_2055 : vector<16xi32>
      %broadcast_in_dim3A_2057 = arith.constant 99 : i32
      %broadcast_in_dim3A_2058 = vector.broadcast %broadcast_in_dim3A_2057 : i32 to vector<16xi32>
      %gather3A_2059 = tpu.vector_load_idx %arg8[%broadcast_in_dim3A_2058] : memref<128xi32, #tpu.memory_space<vmem>>[vector<16xi32>], vector<16xi32>,
      %eq3A_2060 = arith.cmpi eq, %get3A_1992, %gather3A_2059 : vector<16xi32>
      %gt3A_2061 = arith.constant 3 : i32
      %gt3A_2062 = vector.broadcast %gt3A_2061 : i32 to vector<16xi32>
      %gt3A_2063 = arith.cmpi sgt, %iota3A, %gt3A_2062 : vector<16xi32>
      %and3A_2064 = arith.andi %eq3A_2060, %gt3A_2063 : vector<16xi1>
      %jit3A_2065 = arith.constant 1 : i32
      %jit3A_2066 = arith.constant 0 : i32
      %broadcast_in_dim3A_2067 = vector.broadcast %jit3A_2065 : i32 to vector<16xi32>
      %broadcast_in_dim3A_2068 = vector.broadcast %jit3A_2066 : i32 to vector<16xi32>
      %select_n3A_2069 = arith.select %and3A_2064, %broadcast_in_dim3A_2067, %broadcast_in_dim3A_2068 : vector<16xi1>, vector<16xi32>
      %add3A_2070 = arith.addi %add3A_2050, %select_n3A_2069 : vector<16xi32>
      %jit3A_2071 = arith.constant 1 : i32
      %jit3A_2072 = arith.constant 0 : i32
      %broadcast_in_dim3A_2073 = vector.broadcast %jit3A_2071 : i32 to vector<16xi32>
      %broadcast_in_dim3A_2074 = vector.broadcast %jit3A_2072 : i32 to vector<16xi32>
      %select_n3A_2075 = arith.select %eq3A_2060, %broadcast_in_dim3A_2073, %broadcast_in_dim3A_2074 : vector<16xi1>, vector<16xi32>
      %add3A_2076 = arith.addi %add3A_2056, %select_n3A_2075 : vector<16xi32>
      %broadcast_in_dim3A_2077 = arith.constant 100 : i32
      %broadcast_in_dim3A_2078 = vector.broadcast %broadcast_in_dim3A_2077 : i32 to vector<16xi32>
      %gather3A_2079 = tpu.vector_load_idx %arg8[%broadcast_in_dim3A_2078] : memref<128xi32, #tpu.memory_space<vmem>>[vector<16xi32>], vector<16xi32>,
      %eq3A_2080 = arith.cmpi eq, %get3A_1992, %gather3A_2079 : vector<16xi32>
      %gt3A_2081 = arith.constant 4 : i32
      %gt3A_2082 = vector.broadcast %gt3A_2081 : i32 to vector<16xi32>
      %gt3A_2083 = arith.cmpi sgt, %iota3A, %gt3A_2082 : vector<16xi32>
      %and3A_2084 = arith.andi %eq3A_2080, %gt3A_2083 : vector<16xi1>
      %jit3A_2085 = arith.constant 1 : i32
      %jit3A_2086 = arith.constant 0 : i32
      %broadcast_in_dim3A_2087 = vector.broadcast %jit3A_2085 : i32 to vector<16xi32>
      %broadcast_in_dim3A_2088 = vector.broadcast %jit3A_2086 : i32 to vector<16xi32>
      %select_n3A_2089 = arith.select %and3A_2084, %broadcast_in_dim3A_2087, %broadcast_in_dim3A_2088 : vector<16xi1>, vector<16xi32>
      %add3A_2090 = arith.addi %add3A_2070, %select_n3A_2089 : vector<16xi32>
      %jit3A_2091 = arith.constant 1 : i32
      %jit3A_2092 = arith.constant 0 : i32
      %broadcast_in_dim3A_2093 = vector.broadcast %jit3A_2091 : i32 to vector<16xi32>
      %broadcast_in_dim3A_2094 = vector.broadcast %jit3A_2092 : i32 to vector<16xi32>
      %select_n3A_2095 = arith.select %eq3A_2080, %broadcast_in_dim3A_2093, %broadcast_in_dim3A_2094 : vector<16xi1>, vector<16xi32>
      %add3A_2096 = arith.addi %add3A_2076, %select_n3A_2095 : vector<16xi32>
      %broadcast_in_dim3A_2097 = arith.constant 101 : i32
      %broadcast_in_dim3A_2098 = vector.broadcast %broadcast_in_dim3A_2097 : i32 to vector<16xi32>
      %gather3A_2099 = tpu.vector_load_idx %arg8[%broadcast_in_dim3A_2098] : memref<128xi32, #tpu.memory_space<vmem>>[vector<16xi32>], vector<16xi32>,
      %eq3A_2100 = arith.cmpi eq, %get3A_1992, %gather3A_2099 : vector<16xi32>
      %gt3A_2101 = arith.constant 5 : i32
      %gt3A_2102 = vector.broadcast %gt3A_2101 : i32 to vector<16xi32>
      %gt3A_2103 = arith.cmpi sgt, %iota3A, %gt3A_2102 : vector<16xi32>
      %and3A_2104 = arith.andi %eq3A_2100, %gt3A_2103 : vector<16xi1>
      %jit3A_2105 = arith.constant 1 : i32
      %jit3A_2106 = arith.constant 0 : i32
      %broadcast_in_dim3A_2107 = vector.broadcast %jit3A_2105 : i32 to vector<16xi32>
      %broadcast_in_dim3A_2108 = vector.broadcast %jit3A_2106 : i32 to vector<16xi32>
      %select_n3A_2109 = arith.select %and3A_2104, %broadcast_in_dim3A_2107, %broadcast_in_dim3A_2108 : vector<16xi1>, vector<16xi32>
      %add3A_2110 = arith.addi %add3A_2090, %select_n3A_2109 : vector<16xi32>
      %jit3A_2111 = arith.constant 1 : i32
      %jit3A_2112 = arith.constant 0 : i32
      %broadcast_in_dim3A_2113 = vector.broadcast %jit3A_2111 : i32 to vector<16xi32>
      %broadcast_in_dim3A_2114 = vector.broadcast %jit3A_2112 : i32 to vector<16xi32>
      %select_n3A_2115 = arith.select %eq3A_2100, %broadcast_in_dim3A_2113, %broadcast_in_dim3A_2114 : vector<16xi1>, vector<16xi32>
      %add3A_2116 = arith.addi %add3A_2096, %select_n3A_2115 : vector<16xi32>
      %broadcast_in_dim3A_2117 = arith.constant 102 : i32
      %broadcast_in_dim3A_2118 = vector.broadcast %broadcast_in_dim3A_2117 : i32 to vector<16xi32>
      %gather3A_2119 = tpu.vector_load_idx %arg8[%broadcast_in_dim3A_2118] : memref<128xi32, #tpu.memory_space<vmem>>[vector<16xi32>], vector<16xi32>,
      %eq3A_2120 = arith.cmpi eq, %get3A_1992, %gather3A_2119 : vector<16xi32>
      %gt3A_2121 = arith.constant 6 : i32
      %gt3A_2122 = vector.broadcast %gt3A_2121 : i32 to vector<16xi32>
      %gt3A_2123 = arith.cmpi sgt, %iota3A, %gt3A_2122 : vector<16xi32>
      %and3A_2124 = arith.andi %eq3A_2120, %gt3A_2123 : vector<16xi1>
      %jit3A_2125 = arith.constant 1 : i32
      %jit3A_2126 = arith.constant 0 : i32
      %broadcast_in_dim3A_2127 = vector.broadcast %jit3A_2125 : i32 to vector<16xi32>
      %broadcast_in_dim3A_2128 = vector.broadcast %jit3A_2126 : i32 to vector<16xi32>
      %select_n3A_2129 = arith.select %and3A_2124, %broadcast_in_dim3A_2127, %broadcast_in_dim3A_2128 : vector<16xi1>, vector<16xi32>
      %add3A_2130 = arith.addi %add3A_2110, %select_n3A_2129 : vector<16xi32>
      %jit3A_2131 = arith.constant 1 : i32
      %jit3A_2132 = arith.constant 0 : i32
      %broadcast_in_dim3A_2133 = vector.broadcast %jit3A_2131 : i32 to vector<16xi32>
      %broadcast_in_dim3A_2134 = vector.broadcast %jit3A_2132 : i32 to vector<16xi32>
      %select_n3A_2135 = arith.select %eq3A_2120, %broadcast_in_dim3A_2133, %broadcast_in_dim3A_2134 : vector<16xi1>, vector<16xi32>
      %add3A_2136 = arith.addi %add3A_2116, %select_n3A_2135 : vector<16xi32>
      %broadcast_in_dim3A_2137 = arith.constant 103 : i32
      %broadcast_in_dim3A_2138 = vector.broadcast %broadcast_in_dim3A_2137 : i32 to vector<16xi32>
      %gather3A_2139 = tpu.vector_load_idx %arg8[%broadcast_in_dim3A_2138] : memref<128xi32, #tpu.memory_space<vmem>>[vector<16xi32>], vector<16xi32>,
      %eq3A_2140 = arith.cmpi eq, %get3A_1992, %gather3A_2139 : vector<16xi32>
      %gt3A_2141 = arith.constant 7 : i32
      %gt3A_2142 = vector.broadcast %gt3A_2141 : i32 to vector<16xi32>
      %gt3A_2143 = arith.cmpi sgt, %iota3A, %gt3A_2142 : vector<16xi32>
      %and3A_2144 = arith.andi %eq3A_2140, %gt3A_2143 : vector<16xi1>
      %jit3A_2145 = arith.constant 1 : i32
      %jit3A_2146 = arith.constant 0 : i32
      %broadcast_in_dim3A_2147 = vector.broadcast %jit3A_2145 : i32 to vector<16xi32>
      %broadcast_in_dim3A_2148 = vector.broadcast %jit3A_2146 : i32 to vector<16xi32>
      %select_n3A_2149 = arith.select %and3A_2144, %broadcast_in_dim3A_2147, %broadcast_in_dim3A_2148 : vector<16xi1>, vector<16xi32>
      %add3A_2150 = arith.addi %add3A_2130, %select_n3A_2149 : vector<16xi32>
      %jit3A_2151 = arith.constant 1 : i32
      %jit3A_2152 = arith.constant 0 : i32
      %broadcast_in_dim3A_2153 = vector.broadcast %jit3A_2151 : i32 to vector<16xi32>
      %broadcast_in_dim3A_2154 = vector.broadcast %jit3A_2152 : i32 to vector<16xi32>
      %select_n3A_2155 = arith.select %eq3A_2140, %broadcast_in_dim3A_2153, %broadcast_in_dim3A_2154 : vector<16xi1>, vector<16xi32>
      %add3A_2156 = arith.addi %add3A_2136, %select_n3A_2155 : vector<16xi32>
      %broadcast_in_dim3A_2157 = arith.constant 104 : i32
      %broadcast_in_dim3A_2158 = vector.broadcast %broadcast_in_dim3A_2157 : i32 to vector<16xi32>
      %gather3A_2159 = tpu.vector_load_idx %arg8[%broadcast_in_dim3A_2158] : memref<128xi32, #tpu.memory_space<vmem>>[vector<16xi32>], vector<16xi32>,
      %eq3A_2160 = arith.cmpi eq, %get3A_1992, %gather3A_2159 : vector<16xi32>
      %gt3A_2161 = arith.constant 8 : i32
      %gt3A_2162 = vector.broadcast %gt3A_2161 : i32 to vector<16xi32>
      %gt3A_2163 = arith.cmpi sgt, %iota3A, %gt3A_2162 : vector<16xi32>
      %and3A_2164 = arith.andi %eq3A_2160, %gt3A_2163 : vector<16xi1>
      %jit3A_2165 = arith.constant 1 : i32
      %jit3A_2166 = arith.constant 0 : i32
      %broadcast_in_dim3A_2167 = vector.broadcast %jit3A_2165 : i32 to vector<16xi32>
      %broadcast_in_dim3A_2168 = vector.broadcast %jit3A_2166 : i32 to vector<16xi32>
      %select_n3A_2169 = arith.select %and3A_2164, %broadcast_in_dim3A_2167, %broadcast_in_dim3A_2168 : vector<16xi1>, vector<16xi32>
      %add3A_2170 = arith.addi %add3A_2150, %select_n3A_2169 : vector<16xi32>
      %jit3A_2171 = arith.constant 1 : i32
      %jit3A_2172 = arith.constant 0 : i32
      %broadcast_in_dim3A_2173 = vector.broadcast %jit3A_2171 : i32 to vector<16xi32>
      %broadcast_in_dim3A_2174 = vector.broadcast %jit3A_2172 : i32 to vector<16xi32>
      %select_n3A_2175 = arith.select %eq3A_2160, %broadcast_in_dim3A_2173, %broadcast_in_dim3A_2174 : vector<16xi1>, vector<16xi32>
      %add3A_2176 = arith.addi %add3A_2156, %select_n3A_2175 : vector<16xi32>
      %broadcast_in_dim3A_2177 = arith.constant 105 : i32
      %broadcast_in_dim3A_2178 = vector.broadcast %broadcast_in_dim3A_2177 : i32 to vector<16xi32>
      %gather3A_2179 = tpu.vector_load_idx %arg8[%broadcast_in_dim3A_2178] : memref<128xi32, #tpu.memory_space<vmem>>[vector<16xi32>], vector<16xi32>,
      %eq3A_2180 = arith.cmpi eq, %get3A_1992, %gather3A_2179 : vector<16xi32>
      %gt3A_2181 = arith.constant 9 : i32
      %gt3A_2182 = vector.broadcast %gt3A_2181 : i32 to vector<16xi32>
      %gt3A_2183 = arith.cmpi sgt, %iota3A, %gt3A_2182 : vector<16xi32>
      %and3A_2184 = arith.andi %eq3A_2180, %gt3A_2183 : vector<16xi1>
      %jit3A_2185 = arith.constant 1 : i32
      %jit3A_2186 = arith.constant 0 : i32
      %broadcast_in_dim3A_2187 = vector.broadcast %jit3A_2185 : i32 to vector<16xi32>
      %broadcast_in_dim3A_2188 = vector.broadcast %jit3A_2186 : i32 to vector<16xi32>
      %select_n3A_2189 = arith.select %and3A_2184, %broadcast_in_dim3A_2187, %broadcast_in_dim3A_2188 : vector<16xi1>, vector<16xi32>
      %add3A_2190 = arith.addi %add3A_2170, %select_n3A_2189 : vector<16xi32>
      %jit3A_2191 = arith.constant 1 : i32
      %jit3A_2192 = arith.constant 0 : i32
      %broadcast_in_dim3A_2193 = vector.broadcast %jit3A_2191 : i32 to vector<16xi32>
      %broadcast_in_dim3A_2194 = vector.broadcast %jit3A_2192 : i32 to vector<16xi32>
      %select_n3A_2195 = arith.select %eq3A_2180, %broadcast_in_dim3A_2193, %broadcast_in_dim3A_2194 : vector<16xi1>, vector<16xi32>
      %add3A_2196 = arith.addi %add3A_2176, %select_n3A_2195 : vector<16xi32>
      %broadcast_in_dim3A_2197 = arith.constant 106 : i32
      %broadcast_in_dim3A_2198 = vector.broadcast %broadcast_in_dim3A_2197 : i32 to vector<16xi32>
      %gather3A_2199 = tpu.vector_load_idx %arg8[%broadcast_in_dim3A_2198] : memref<128xi32, #tpu.memory_space<vmem>>[vector<16xi32>], vector<16xi32>,
      %eq3A_2200 = arith.cmpi eq, %get3A_1992, %gather3A_2199 : vector<16xi32>
      %gt3A_2201 = arith.constant 10 : i32
      %gt3A_2202 = vector.broadcast %gt3A_2201 : i32 to vector<16xi32>
      %gt3A_2203 = arith.cmpi sgt, %iota3A, %gt3A_2202 : vector<16xi32>
      %and3A_2204 = arith.andi %eq3A_2200, %gt3A_2203 : vector<16xi1>
      %jit3A_2205 = arith.constant 1 : i32
      %jit3A_2206 = arith.constant 0 : i32
      %broadcast_in_dim3A_2207 = vector.broadcast %jit3A_2205 : i32 to vector<16xi32>
      %broadcast_in_dim3A_2208 = vector.broadcast %jit3A_2206 : i32 to vector<16xi32>
      %select_n3A_2209 = arith.select %and3A_2204, %broadcast_in_dim3A_2207, %broadcast_in_dim3A_2208 : vector<16xi1>, vector<16xi32>
      %add3A_2210 = arith.addi %add3A_2190, %select_n3A_2209 : vector<16xi32>
      %jit3A_2211 = arith.constant 1 : i32
      %jit3A_2212 = arith.constant 0 : i32
      %broadcast_in_dim3A_2213 = vector.broadcast %jit3A_2211 : i32 to vector<16xi32>
      %broadcast_in_dim3A_2214 = vector.broadcast %jit3A_2212 : i32 to vector<16xi32>
      %select_n3A_2215 = arith.select %eq3A_2200, %broadcast_in_dim3A_2213, %broadcast_in_dim3A_2214 : vector<16xi1>, vector<16xi32>
      %add3A_2216 = arith.addi %add3A_2196, %select_n3A_2215 : vector<16xi32>
      %broadcast_in_dim3A_2217 = arith.constant 107 : i32
      %broadcast_in_dim3A_2218 = vector.broadcast %broadcast_in_dim3A_2217 : i32 to vector<16xi32>
      %gather3A_2219 = tpu.vector_load_idx %arg8[%broadcast_in_dim3A_2218] : memref<128xi32, #tpu.memory_space<vmem>>[vector<16xi32>], vector<16xi32>,
      %eq3A_2220 = arith.cmpi eq, %get3A_1992, %gather3A_2219 : vector<16xi32>
      %gt3A_2221 = arith.constant 11 : i32
      %gt3A_2222 = vector.broadcast %gt3A_2221 : i32 to vector<16xi32>
      %gt3A_2223 = arith.cmpi sgt, %iota3A, %gt3A_2222 : vector<16xi32>
      %and3A_2224 = arith.andi %eq3A_2220, %gt3A_2223 : vector<16xi1>
      %jit3A_2225 = arith.constant 1 : i32
      %jit3A_2226 = arith.constant 0 : i32
      %broadcast_in_dim3A_2227 = vector.broadcast %jit3A_2225 : i32 to vector<16xi32>
      %broadcast_in_dim3A_2228 = vector.broadcast %jit3A_2226 : i32 to vector<16xi32>
      %select_n3A_2229 = arith.select %and3A_2224, %broadcast_in_dim3A_2227, %broadcast_in_dim3A_2228 : vector<16xi1>, vector<16xi32>
      %add3A_2230 = arith.addi %add3A_2210, %select_n3A_2229 : vector<16xi32>
      %jit3A_2231 = arith.constant 1 : i32
      %jit3A_2232 = arith.constant 0 : i32
      %broadcast_in_dim3A_2233 = vector.broadcast %jit3A_2231 : i32 to vector<16xi32>
      %broadcast_in_dim3A_2234 = vector.broadcast %jit3A_2232 : i32 to vector<16xi32>
      %select_n3A_2235 = arith.select %eq3A_2220, %broadcast_in_dim3A_2233, %broadcast_in_dim3A_2234 : vector<16xi1>, vector<16xi32>
      %add3A_2236 = arith.addi %add3A_2216, %select_n3A_2235 : vector<16xi32>
      %broadcast_in_dim3A_2237 = arith.constant 108 : i32
      %broadcast_in_dim3A_2238 = vector.broadcast %broadcast_in_dim3A_2237 : i32 to vector<16xi32>
      %gather3A_2239 = tpu.vector_load_idx %arg8[%broadcast_in_dim3A_2238] : memref<128xi32, #tpu.memory_space<vmem>>[vector<16xi32>], vector<16xi32>,
      %eq3A_2240 = arith.cmpi eq, %get3A_1992, %gather3A_2239 : vector<16xi32>
      %gt3A_2241 = arith.constant 12 : i32
      %gt3A_2242 = vector.broadcast %gt3A_2241 : i32 to vector<16xi32>
      %gt3A_2243 = arith.cmpi sgt, %iota3A, %gt3A_2242 : vector<16xi32>
      %and3A_2244 = arith.andi %eq3A_2240, %gt3A_2243 : vector<16xi1>
      %jit3A_2245 = arith.constant 1 : i32
      %jit3A_2246 = arith.constant 0 : i32
      %broadcast_in_dim3A_2247 = vector.broadcast %jit3A_2245 : i32 to vector<16xi32>
      %broadcast_in_dim3A_2248 = vector.broadcast %jit3A_2246 : i32 to vector<16xi32>
      %select_n3A_2249 = arith.select %and3A_2244, %broadcast_in_dim3A_2247, %broadcast_in_dim3A_2248 : vector<16xi1>, vector<16xi32>
      %add3A_2250 = arith.addi %add3A_2230, %select_n3A_2249 : vector<16xi32>
      %jit3A_2251 = arith.constant 1 : i32
      %jit3A_2252 = arith.constant 0 : i32
      %broadcast_in_dim3A_2253 = vector.broadcast %jit3A_2251 : i32 to vector<16xi32>
      %broadcast_in_dim3A_2254 = vector.broadcast %jit3A_2252 : i32 to vector<16xi32>
      %select_n3A_2255 = arith.select %eq3A_2240, %broadcast_in_dim3A_2253, %broadcast_in_dim3A_2254 : vector<16xi1>, vector<16xi32>
      %add3A_2256 = arith.addi %add3A_2236, %select_n3A_2255 : vector<16xi32>
      %broadcast_in_dim3A_2257 = arith.constant 109 : i32
      %broadcast_in_dim3A_2258 = vector.broadcast %broadcast_in_dim3A_2257 : i32 to vector<16xi32>
      %gather3A_2259 = tpu.vector_load_idx %arg8[%broadcast_in_dim3A_2258] : memref<128xi32, #tpu.memory_space<vmem>>[vector<16xi32>], vector<16xi32>,
      %eq3A_2260 = arith.cmpi eq, %get3A_1992, %gather3A_2259 : vector<16xi32>
      %gt3A_2261 = arith.constant 13 : i32
      %gt3A_2262 = vector.broadcast %gt3A_2261 : i32 to vector<16xi32>
      %gt3A_2263 = arith.cmpi sgt, %iota3A, %gt3A_2262 : vector<16xi32>
      %and3A_2264 = arith.andi %eq3A_2260, %gt3A_2263 : vector<16xi1>
      %jit3A_2265 = arith.constant 1 : i32
      %jit3A_2266 = arith.constant 0 : i32
      %broadcast_in_dim3A_2267 = vector.broadcast %jit3A_2265 : i32 to vector<16xi32>
      %broadcast_in_dim3A_2268 = vector.broadcast %jit3A_2266 : i32 to vector<16xi32>
      %select_n3A_2269 = arith.select %and3A_2264, %broadcast_in_dim3A_2267, %broadcast_in_dim3A_2268 : vector<16xi1>, vector<16xi32>
      %add3A_2270 = arith.addi %add3A_2250, %select_n3A_2269 : vector<16xi32>
      %jit3A_2271 = arith.constant 1 : i32
      %jit3A_2272 = arith.constant 0 : i32
      %broadcast_in_dim3A_2273 = vector.broadcast %jit3A_2271 : i32 to vector<16xi32>
      %broadcast_in_dim3A_2274 = vector.broadcast %jit3A_2272 : i32 to vector<16xi32>
      %select_n3A_2275 = arith.select %eq3A_2260, %broadcast_in_dim3A_2273, %broadcast_in_dim3A_2274 : vector<16xi1>, vector<16xi32>
      %add3A_2276 = arith.addi %add3A_2256, %select_n3A_2275 : vector<16xi32>
      %broadcast_in_dim3A_2277 = arith.constant 110 : i32
      %broadcast_in_dim3A_2278 = vector.broadcast %broadcast_in_dim3A_2277 : i32 to vector<16xi32>
      %gather3A_2279 = tpu.vector_load_idx %arg8[%broadcast_in_dim3A_2278] : memref<128xi32, #tpu.memory_space<vmem>>[vector<16xi32>], vector<16xi32>,
      %eq3A_2280 = arith.cmpi eq, %get3A_1992, %gather3A_2279 : vector<16xi32>
      %gt3A_2281 = arith.constant 14 : i32
      %gt3A_2282 = vector.broadcast %gt3A_2281 : i32 to vector<16xi32>
      %gt3A_2283 = arith.cmpi sgt, %iota3A, %gt3A_2282 : vector<16xi32>
      %and3A_2284 = arith.andi %eq3A_2280, %gt3A_2283 : vector<16xi1>
      %jit3A_2285 = arith.constant 1 : i32
      %jit3A_2286 = arith.constant 0 : i32
      %broadcast_in_dim3A_2287 = vector.broadcast %jit3A_2285 : i32 to vector<16xi32>
      %broadcast_in_dim3A_2288 = vector.broadcast %jit3A_2286 : i32 to vector<16xi32>
      %select_n3A_2289 = arith.select %and3A_2284, %broadcast_in_dim3A_2287, %broadcast_in_dim3A_2288 : vector<16xi1>, vector<16xi32>
      %add3A_2290 = arith.addi %add3A_2270, %select_n3A_2289 : vector<16xi32>
      %jit3A_2291 = arith.constant 1 : i32
      %jit3A_2292 = arith.constant 0 : i32
      %broadcast_in_dim3A_2293 = vector.broadcast %jit3A_2291 : i32 to vector<16xi32>
      %broadcast_in_dim3A_2294 = vector.broadcast %jit3A_2292 : i32 to vector<16xi32>
      %select_n3A_2295 = arith.select %eq3A_2280, %broadcast_in_dim3A_2293, %broadcast_in_dim3A_2294 : vector<16xi1>, vector<16xi32>
      %add3A_2296 = arith.addi %add3A_2276, %select_n3A_2295 : vector<16xi32>
      %broadcast_in_dim3A_2297 = arith.constant 111 : i32
      %broadcast_in_dim3A_2298 = vector.broadcast %broadcast_in_dim3A_2297 : i32 to vector<16xi32>
      %gather3A_2299 = tpu.vector_load_idx %arg8[%broadcast_in_dim3A_2298] : memref<128xi32, #tpu.memory_space<vmem>>[vector<16xi32>], vector<16xi32>,
      %eq3A_2300 = arith.cmpi eq, %get3A_1992, %gather3A_2299 : vector<16xi32>
      %gt3A_2301 = arith.constant 15 : i32
      %gt3A_2302 = vector.broadcast %gt3A_2301 : i32 to vector<16xi32>
      %gt3A_2303 = arith.cmpi sgt, %iota3A, %gt3A_2302 : vector<16xi32>
      %and3A_2304 = arith.andi %eq3A_2300, %gt3A_2303 : vector<16xi1>
      %jit3A_2305 = arith.constant 1 : i32
      %jit3A_2306 = arith.constant 0 : i32
      %broadcast_in_dim3A_2307 = vector.broadcast %jit3A_2305 : i32 to vector<16xi32>
      %broadcast_in_dim3A_2308 = vector.broadcast %jit3A_2306 : i32 to vector<16xi32>
      %select_n3A_2309 = arith.select %and3A_2304, %broadcast_in_dim3A_2307, %broadcast_in_dim3A_2308 : vector<16xi1>, vector<16xi32>
      %add3A_2310 = arith.addi %add3A_2290, %select_n3A_2309 : vector<16xi32>
      %jit3A_2311 = arith.constant 1 : i32
      %jit3A_2312 = arith.constant 0 : i32
      %broadcast_in_dim3A_2313 = vector.broadcast %jit3A_2311 : i32 to vector<16xi32>
      %broadcast_in_dim3A_2314 = vector.broadcast %jit3A_2312 : i32 to vector<16xi32>
      %select_n3A_2315 = arith.select %eq3A_2300, %broadcast_in_dim3A_2313, %broadcast_in_dim3A_2314 : vector<16xi1>, vector<16xi32>
      %add3A_2316 = arith.addi %add3A_2296, %select_n3A_2315 : vector<16xi32>
      %gather3A_2317 = tpu.vector_load_idx %arg11[%get3A_1992] : memref<64xi32, #tpu.memory_space<vmem>>[vector<16xi32>], vector<16xi32>,
      %add3A_2318 = arith.addi %gather3A_2317, %add3A_2310 : vector<16xi32>
      %swap3A_2319 = arith.constant 96 : index
      %swap3A_2320 = tpu.vector_load %arg10[%swap3A_2319] {strides = array<i32>} : memref<128xi32, #tpu.memory_space<vmem>>, vector<16xi32>,
      tpu.vector_store %arg10[%swap3A_2319], %add3A_2318 {strides = array<i32>} : memref<128xi32, #tpu.memory_space<vmem>>, vector<16xi32>,
      %add3A_2321 = arith.addi %gather3A_2317, %add3A_2316 : vector<16xi32>
      tpu.vector_store_idx %arg11[%get3A_1992], %add3A_2321 : memref<64xi32, #tpu.memory_space<vmem>>[vector<16xi32>], vector<16xi32>,
      %get3A_2322 = arith.constant 112 : index
      %get3A_2323 = tpu.vector_load %arg8[%get3A_2322] {strides = array<i32>} : memref<128xi32, #tpu.memory_space<vmem>>, vector<16xi32>,
      %broadcast_in_dim3A_2324 = arith.constant 0 : i32
      %broadcast_in_dim3A_2325 = vector.broadcast %broadcast_in_dim3A_2324 : i32 to vector<16xi32>
      %broadcast_in_dim3A_2326 = arith.constant 0 : i32
      %broadcast_in_dim3A_2327 = vector.broadcast %broadcast_in_dim3A_2326 : i32 to vector<16xi32>
      %broadcast_in_dim3A_2328 = arith.constant 112 : i32
      %broadcast_in_dim3A_2329 = vector.broadcast %broadcast_in_dim3A_2328 : i32 to vector<16xi32>
      %gather3A_2330 = tpu.vector_load_idx %arg8[%broadcast_in_dim3A_2329] : memref<128xi32, #tpu.memory_space<vmem>>[vector<16xi32>], vector<16xi32>,
      %eq3A_2331 = arith.cmpi eq, %get3A_2323, %gather3A_2330 : vector<16xi32>
      %gt3A_2332 = arith.constant 0 : i32
      %gt3A_2333 = vector.broadcast %gt3A_2332 : i32 to vector<16xi32>
      %gt3A_2334 = arith.cmpi sgt, %iota3A, %gt3A_2333 : vector<16xi32>
      %and3A_2335 = arith.andi %eq3A_2331, %gt3A_2334 : vector<16xi1>
      %jit3A_2336 = arith.constant 1 : i32
      %jit3A_2337 = arith.constant 0 : i32
      %broadcast_in_dim3A_2338 = vector.broadcast %jit3A_2336 : i32 to vector<16xi32>
      %broadcast_in_dim3A_2339 = vector.broadcast %jit3A_2337 : i32 to vector<16xi32>
      %select_n3A_2340 = arith.select %and3A_2335, %broadcast_in_dim3A_2338, %broadcast_in_dim3A_2339 : vector<16xi1>, vector<16xi32>
      %add3A_2341 = arith.addi %broadcast_in_dim3A_2325, %select_n3A_2340 : vector<16xi32>
      %jit3A_2342 = arith.constant 1 : i32
      %jit3A_2343 = arith.constant 0 : i32
      %broadcast_in_dim3A_2344 = vector.broadcast %jit3A_2342 : i32 to vector<16xi32>
      %broadcast_in_dim3A_2345 = vector.broadcast %jit3A_2343 : i32 to vector<16xi32>
      %select_n3A_2346 = arith.select %eq3A_2331, %broadcast_in_dim3A_2344, %broadcast_in_dim3A_2345 : vector<16xi1>, vector<16xi32>
      %add3A_2347 = arith.addi %broadcast_in_dim3A_2327, %select_n3A_2346 : vector<16xi32>
      %broadcast_in_dim3A_2348 = arith.constant 113 : i32
      %broadcast_in_dim3A_2349 = vector.broadcast %broadcast_in_dim3A_2348 : i32 to vector<16xi32>
      %gather3A_2350 = tpu.vector_load_idx %arg8[%broadcast_in_dim3A_2349] : memref<128xi32, #tpu.memory_space<vmem>>[vector<16xi32>], vector<16xi32>,
      %eq3A_2351 = arith.cmpi eq, %get3A_2323, %gather3A_2350 : vector<16xi32>
      %gt3A_2352 = arith.constant 1 : i32
      %gt3A_2353 = vector.broadcast %gt3A_2352 : i32 to vector<16xi32>
      %gt3A_2354 = arith.cmpi sgt, %iota3A, %gt3A_2353 : vector<16xi32>
      %and3A_2355 = arith.andi %eq3A_2351, %gt3A_2354 : vector<16xi1>
      %jit3A_2356 = arith.constant 1 : i32
      %jit3A_2357 = arith.constant 0 : i32
      %broadcast_in_dim3A_2358 = vector.broadcast %jit3A_2356 : i32 to vector<16xi32>
      %broadcast_in_dim3A_2359 = vector.broadcast %jit3A_2357 : i32 to vector<16xi32>
      %select_n3A_2360 = arith.select %and3A_2355, %broadcast_in_dim3A_2358, %broadcast_in_dim3A_2359 : vector<16xi1>, vector<16xi32>
      %add3A_2361 = arith.addi %add3A_2341, %select_n3A_2360 : vector<16xi32>
      %jit3A_2362 = arith.constant 1 : i32
      %jit3A_2363 = arith.constant 0 : i32
      %broadcast_in_dim3A_2364 = vector.broadcast %jit3A_2362 : i32 to vector<16xi32>
      %broadcast_in_dim3A_2365 = vector.broadcast %jit3A_2363 : i32 to vector<16xi32>
      %select_n3A_2366 = arith.select %eq3A_2351, %broadcast_in_dim3A_2364, %broadcast_in_dim3A_2365 : vector<16xi1>, vector<16xi32>
      %add3A_2367 = arith.addi %add3A_2347, %select_n3A_2366 : vector<16xi32>
      %broadcast_in_dim3A_2368 = arith.constant 114 : i32
      %broadcast_in_dim3A_2369 = vector.broadcast %broadcast_in_dim3A_2368 : i32 to vector<16xi32>
      %gather3A_2370 = tpu.vector_load_idx %arg8[%broadcast_in_dim3A_2369] : memref<128xi32, #tpu.memory_space<vmem>>[vector<16xi32>], vector<16xi32>,
      %eq3A_2371 = arith.cmpi eq, %get3A_2323, %gather3A_2370 : vector<16xi32>
      %gt3A_2372 = arith.constant 2 : i32
      %gt3A_2373 = vector.broadcast %gt3A_2372 : i32 to vector<16xi32>
      %gt3A_2374 = arith.cmpi sgt, %iota3A, %gt3A_2373 : vector<16xi32>
      %and3A_2375 = arith.andi %eq3A_2371, %gt3A_2374 : vector<16xi1>
      %jit3A_2376 = arith.constant 1 : i32
      %jit3A_2377 = arith.constant 0 : i32
      %broadcast_in_dim3A_2378 = vector.broadcast %jit3A_2376 : i32 to vector<16xi32>
      %broadcast_in_dim3A_2379 = vector.broadcast %jit3A_2377 : i32 to vector<16xi32>
      %select_n3A_2380 = arith.select %and3A_2375, %broadcast_in_dim3A_2378, %broadcast_in_dim3A_2379 : vector<16xi1>, vector<16xi32>
      %add3A_2381 = arith.addi %add3A_2361, %select_n3A_2380 : vector<16xi32>
      %jit3A_2382 = arith.constant 1 : i32
      %jit3A_2383 = arith.constant 0 : i32
      %broadcast_in_dim3A_2384 = vector.broadcast %jit3A_2382 : i32 to vector<16xi32>
      %broadcast_in_dim3A_2385 = vector.broadcast %jit3A_2383 : i32 to vector<16xi32>
      %select_n3A_2386 = arith.select %eq3A_2371, %broadcast_in_dim3A_2384, %broadcast_in_dim3A_2385 : vector<16xi1>, vector<16xi32>
      %add3A_2387 = arith.addi %add3A_2367, %select_n3A_2386 : vector<16xi32>
      %broadcast_in_dim3A_2388 = arith.constant 115 : i32
      %broadcast_in_dim3A_2389 = vector.broadcast %broadcast_in_dim3A_2388 : i32 to vector<16xi32>
      %gather3A_2390 = tpu.vector_load_idx %arg8[%broadcast_in_dim3A_2389] : memref<128xi32, #tpu.memory_space<vmem>>[vector<16xi32>], vector<16xi32>,
      %eq3A_2391 = arith.cmpi eq, %get3A_2323, %gather3A_2390 : vector<16xi32>
      %gt3A_2392 = arith.constant 3 : i32
      %gt3A_2393 = vector.broadcast %gt3A_2392 : i32 to vector<16xi32>
      %gt3A_2394 = arith.cmpi sgt, %iota3A, %gt3A_2393 : vector<16xi32>
      %and3A_2395 = arith.andi %eq3A_2391, %gt3A_2394 : vector<16xi1>
      %jit3A_2396 = arith.constant 1 : i32
      %jit3A_2397 = arith.constant 0 : i32
      %broadcast_in_dim3A_2398 = vector.broadcast %jit3A_2396 : i32 to vector<16xi32>
      %broadcast_in_dim3A_2399 = vector.broadcast %jit3A_2397 : i32 to vector<16xi32>
      %select_n3A_2400 = arith.select %and3A_2395, %broadcast_in_dim3A_2398, %broadcast_in_dim3A_2399 : vector<16xi1>, vector<16xi32>
      %add3A_2401 = arith.addi %add3A_2381, %select_n3A_2400 : vector<16xi32>
      %jit3A_2402 = arith.constant 1 : i32
      %jit3A_2403 = arith.constant 0 : i32
      %broadcast_in_dim3A_2404 = vector.broadcast %jit3A_2402 : i32 to vector<16xi32>
      %broadcast_in_dim3A_2405 = vector.broadcast %jit3A_2403 : i32 to vector<16xi32>
      %select_n3A_2406 = arith.select %eq3A_2391, %broadcast_in_dim3A_2404, %broadcast_in_dim3A_2405 : vector<16xi1>, vector<16xi32>
      %add3A_2407 = arith.addi %add3A_2387, %select_n3A_2406 : vector<16xi32>
      %broadcast_in_dim3A_2408 = arith.constant 116 : i32
      %broadcast_in_dim3A_2409 = vector.broadcast %broadcast_in_dim3A_2408 : i32 to vector<16xi32>
      %gather3A_2410 = tpu.vector_load_idx %arg8[%broadcast_in_dim3A_2409] : memref<128xi32, #tpu.memory_space<vmem>>[vector<16xi32>], vector<16xi32>,
      %eq3A_2411 = arith.cmpi eq, %get3A_2323, %gather3A_2410 : vector<16xi32>
      %gt3A_2412 = arith.constant 4 : i32
      %gt3A_2413 = vector.broadcast %gt3A_2412 : i32 to vector<16xi32>
      %gt3A_2414 = arith.cmpi sgt, %iota3A, %gt3A_2413 : vector<16xi32>
      %and3A_2415 = arith.andi %eq3A_2411, %gt3A_2414 : vector<16xi1>
      %jit3A_2416 = arith.constant 1 : i32
      %jit3A_2417 = arith.constant 0 : i32
      %broadcast_in_dim3A_2418 = vector.broadcast %jit3A_2416 : i32 to vector<16xi32>
      %broadcast_in_dim3A_2419 = vector.broadcast %jit3A_2417 : i32 to vector<16xi32>
      %select_n3A_2420 = arith.select %and3A_2415, %broadcast_in_dim3A_2418, %broadcast_in_dim3A_2419 : vector<16xi1>, vector<16xi32>
      %add3A_2421 = arith.addi %add3A_2401, %select_n3A_2420 : vector<16xi32>
      %jit3A_2422 = arith.constant 1 : i32
      %jit3A_2423 = arith.constant 0 : i32
      %broadcast_in_dim3A_2424 = vector.broadcast %jit3A_2422 : i32 to vector<16xi32>
      %broadcast_in_dim3A_2425 = vector.broadcast %jit3A_2423 : i32 to vector<16xi32>
      %select_n3A_2426 = arith.select %eq3A_2411, %broadcast_in_dim3A_2424, %broadcast_in_dim3A_2425 : vector<16xi1>, vector<16xi32>
      %add3A_2427 = arith.addi %add3A_2407, %select_n3A_2426 : vector<16xi32>
      %broadcast_in_dim3A_2428 = arith.constant 117 : i32
      %broadcast_in_dim3A_2429 = vector.broadcast %broadcast_in_dim3A_2428 : i32 to vector<16xi32>
      %gather3A_2430 = tpu.vector_load_idx %arg8[%broadcast_in_dim3A_2429] : memref<128xi32, #tpu.memory_space<vmem>>[vector<16xi32>], vector<16xi32>,
      %eq3A_2431 = arith.cmpi eq, %get3A_2323, %gather3A_2430 : vector<16xi32>
      %gt3A_2432 = arith.constant 5 : i32
      %gt3A_2433 = vector.broadcast %gt3A_2432 : i32 to vector<16xi32>
      %gt3A_2434 = arith.cmpi sgt, %iota3A, %gt3A_2433 : vector<16xi32>
      %and3A_2435 = arith.andi %eq3A_2431, %gt3A_2434 : vector<16xi1>
      %jit3A_2436 = arith.constant 1 : i32
      %jit3A_2437 = arith.constant 0 : i32
      %broadcast_in_dim3A_2438 = vector.broadcast %jit3A_2436 : i32 to vector<16xi32>
      %broadcast_in_dim3A_2439 = vector.broadcast %jit3A_2437 : i32 to vector<16xi32>
      %select_n3A_2440 = arith.select %and3A_2435, %broadcast_in_dim3A_2438, %broadcast_in_dim3A_2439 : vector<16xi1>, vector<16xi32>
      %add3A_2441 = arith.addi %add3A_2421, %select_n3A_2440 : vector<16xi32>
      %jit3A_2442 = arith.constant 1 : i32
      %jit3A_2443 = arith.constant 0 : i32
      %broadcast_in_dim3A_2444 = vector.broadcast %jit3A_2442 : i32 to vector<16xi32>
      %broadcast_in_dim3A_2445 = vector.broadcast %jit3A_2443 : i32 to vector<16xi32>
      %select_n3A_2446 = arith.select %eq3A_2431, %broadcast_in_dim3A_2444, %broadcast_in_dim3A_2445 : vector<16xi1>, vector<16xi32>
      %add3A_2447 = arith.addi %add3A_2427, %select_n3A_2446 : vector<16xi32>
      %broadcast_in_dim3A_2448 = arith.constant 118 : i32
      %broadcast_in_dim3A_2449 = vector.broadcast %broadcast_in_dim3A_2448 : i32 to vector<16xi32>
      %gather3A_2450 = tpu.vector_load_idx %arg8[%broadcast_in_dim3A_2449] : memref<128xi32, #tpu.memory_space<vmem>>[vector<16xi32>], vector<16xi32>,
      %eq3A_2451 = arith.cmpi eq, %get3A_2323, %gather3A_2450 : vector<16xi32>
      %gt3A_2452 = arith.constant 6 : i32
      %gt3A_2453 = vector.broadcast %gt3A_2452 : i32 to vector<16xi32>
      %gt3A_2454 = arith.cmpi sgt, %iota3A, %gt3A_2453 : vector<16xi32>
      %and3A_2455 = arith.andi %eq3A_2451, %gt3A_2454 : vector<16xi1>
      %jit3A_2456 = arith.constant 1 : i32
      %jit3A_2457 = arith.constant 0 : i32
      %broadcast_in_dim3A_2458 = vector.broadcast %jit3A_2456 : i32 to vector<16xi32>
      %broadcast_in_dim3A_2459 = vector.broadcast %jit3A_2457 : i32 to vector<16xi32>
      %select_n3A_2460 = arith.select %and3A_2455, %broadcast_in_dim3A_2458, %broadcast_in_dim3A_2459 : vector<16xi1>, vector<16xi32>
      %add3A_2461 = arith.addi %add3A_2441, %select_n3A_2460 : vector<16xi32>
      %jit3A_2462 = arith.constant 1 : i32
      %jit3A_2463 = arith.constant 0 : i32
      %broadcast_in_dim3A_2464 = vector.broadcast %jit3A_2462 : i32 to vector<16xi32>
      %broadcast_in_dim3A_2465 = vector.broadcast %jit3A_2463 : i32 to vector<16xi32>
      %select_n3A_2466 = arith.select %eq3A_2451, %broadcast_in_dim3A_2464, %broadcast_in_dim3A_2465 : vector<16xi1>, vector<16xi32>
      %add3A_2467 = arith.addi %add3A_2447, %select_n3A_2466 : vector<16xi32>
      %broadcast_in_dim3A_2468 = arith.constant 119 : i32
      %broadcast_in_dim3A_2469 = vector.broadcast %broadcast_in_dim3A_2468 : i32 to vector<16xi32>
      %gather3A_2470 = tpu.vector_load_idx %arg8[%broadcast_in_dim3A_2469] : memref<128xi32, #tpu.memory_space<vmem>>[vector<16xi32>], vector<16xi32>,
      %eq3A_2471 = arith.cmpi eq, %get3A_2323, %gather3A_2470 : vector<16xi32>
      %gt3A_2472 = arith.constant 7 : i32
      %gt3A_2473 = vector.broadcast %gt3A_2472 : i32 to vector<16xi32>
      %gt3A_2474 = arith.cmpi sgt, %iota3A, %gt3A_2473 : vector<16xi32>
      %and3A_2475 = arith.andi %eq3A_2471, %gt3A_2474 : vector<16xi1>
      %jit3A_2476 = arith.constant 1 : i32
      %jit3A_2477 = arith.constant 0 : i32
      %broadcast_in_dim3A_2478 = vector.broadcast %jit3A_2476 : i32 to vector<16xi32>
      %broadcast_in_dim3A_2479 = vector.broadcast %jit3A_2477 : i32 to vector<16xi32>
      %select_n3A_2480 = arith.select %and3A_2475, %broadcast_in_dim3A_2478, %broadcast_in_dim3A_2479 : vector<16xi1>, vector<16xi32>
      %add3A_2481 = arith.addi %add3A_2461, %select_n3A_2480 : vector<16xi32>
      %jit3A_2482 = arith.constant 1 : i32
      %jit3A_2483 = arith.constant 0 : i32
      %broadcast_in_dim3A_2484 = vector.broadcast %jit3A_2482 : i32 to vector<16xi32>
      %broadcast_in_dim3A_2485 = vector.broadcast %jit3A_2483 : i32 to vector<16xi32>
      %select_n3A_2486 = arith.select %eq3A_2471, %broadcast_in_dim3A_2484, %broadcast_in_dim3A_2485 : vector<16xi1>, vector<16xi32>
      %add3A_2487 = arith.addi %add3A_2467, %select_n3A_2486 : vector<16xi32>
      %broadcast_in_dim3A_2488 = arith.constant 120 : i32
      %broadcast_in_dim3A_2489 = vector.broadcast %broadcast_in_dim3A_2488 : i32 to vector<16xi32>
      %gather3A_2490 = tpu.vector_load_idx %arg8[%broadcast_in_dim3A_2489] : memref<128xi32, #tpu.memory_space<vmem>>[vector<16xi32>], vector<16xi32>,
      %eq3A_2491 = arith.cmpi eq, %get3A_2323, %gather3A_2490 : vector<16xi32>
      %gt3A_2492 = arith.constant 8 : i32
      %gt3A_2493 = vector.broadcast %gt3A_2492 : i32 to vector<16xi32>
      %gt3A_2494 = arith.cmpi sgt, %iota3A, %gt3A_2493 : vector<16xi32>
      %and3A_2495 = arith.andi %eq3A_2491, %gt3A_2494 : vector<16xi1>
      %jit3A_2496 = arith.constant 1 : i32
      %jit3A_2497 = arith.constant 0 : i32
      %broadcast_in_dim3A_2498 = vector.broadcast %jit3A_2496 : i32 to vector<16xi32>
      %broadcast_in_dim3A_2499 = vector.broadcast %jit3A_2497 : i32 to vector<16xi32>
      %select_n3A_2500 = arith.select %and3A_2495, %broadcast_in_dim3A_2498, %broadcast_in_dim3A_2499 : vector<16xi1>, vector<16xi32>
      %add3A_2501 = arith.addi %add3A_2481, %select_n3A_2500 : vector<16xi32>
      %jit3A_2502 = arith.constant 1 : i32
      %jit3A_2503 = arith.constant 0 : i32
      %broadcast_in_dim3A_2504 = vector.broadcast %jit3A_2502 : i32 to vector<16xi32>
      %broadcast_in_dim3A_2505 = vector.broadcast %jit3A_2503 : i32 to vector<16xi32>
      %select_n3A_2506 = arith.select %eq3A_2491, %broadcast_in_dim3A_2504, %broadcast_in_dim3A_2505 : vector<16xi1>, vector<16xi32>
      %add3A_2507 = arith.addi %add3A_2487, %select_n3A_2506 : vector<16xi32>
      %broadcast_in_dim3A_2508 = arith.constant 121 : i32
      %broadcast_in_dim3A_2509 = vector.broadcast %broadcast_in_dim3A_2508 : i32 to vector<16xi32>
      %gather3A_2510 = tpu.vector_load_idx %arg8[%broadcast_in_dim3A_2509] : memref<128xi32, #tpu.memory_space<vmem>>[vector<16xi32>], vector<16xi32>,
      %eq3A_2511 = arith.cmpi eq, %get3A_2323, %gather3A_2510 : vector<16xi32>
      %gt3A_2512 = arith.constant 9 : i32
      %gt3A_2513 = vector.broadcast %gt3A_2512 : i32 to vector<16xi32>
      %gt3A_2514 = arith.cmpi sgt, %iota3A, %gt3A_2513 : vector<16xi32>
      %and3A_2515 = arith.andi %eq3A_2511, %gt3A_2514 : vector<16xi1>
      %jit3A_2516 = arith.constant 1 : i32
      %jit3A_2517 = arith.constant 0 : i32
      %broadcast_in_dim3A_2518 = vector.broadcast %jit3A_2516 : i32 to vector<16xi32>
      %broadcast_in_dim3A_2519 = vector.broadcast %jit3A_2517 : i32 to vector<16xi32>
      %select_n3A_2520 = arith.select %and3A_2515, %broadcast_in_dim3A_2518, %broadcast_in_dim3A_2519 : vector<16xi1>, vector<16xi32>
      %add3A_2521 = arith.addi %add3A_2501, %select_n3A_2520 : vector<16xi32>
      %jit3A_2522 = arith.constant 1 : i32
      %jit3A_2523 = arith.constant 0 : i32
      %broadcast_in_dim3A_2524 = vector.broadcast %jit3A_2522 : i32 to vector<16xi32>
      %broadcast_in_dim3A_2525 = vector.broadcast %jit3A_2523 : i32 to vector<16xi32>
      %select_n3A_2526 = arith.select %eq3A_2511, %broadcast_in_dim3A_2524, %broadcast_in_dim3A_2525 : vector<16xi1>, vector<16xi32>
      %add3A_2527 = arith.addi %add3A_2507, %select_n3A_2526 : vector<16xi32>
      %broadcast_in_dim3A_2528 = arith.constant 122 : i32
      %broadcast_in_dim3A_2529 = vector.broadcast %broadcast_in_dim3A_2528 : i32 to vector<16xi32>
      %gather3A_2530 = tpu.vector_load_idx %arg8[%broadcast_in_dim3A_2529] : memref<128xi32, #tpu.memory_space<vmem>>[vector<16xi32>], vector<16xi32>,
      %eq3A_2531 = arith.cmpi eq, %get3A_2323, %gather3A_2530 : vector<16xi32>
      %gt3A_2532 = arith.constant 10 : i32
      %gt3A_2533 = vector.broadcast %gt3A_2532 : i32 to vector<16xi32>
      %gt3A_2534 = arith.cmpi sgt, %iota3A, %gt3A_2533 : vector<16xi32>
      %and3A_2535 = arith.andi %eq3A_2531, %gt3A_2534 : vector<16xi1>
      %jit3A_2536 = arith.constant 1 : i32
      %jit3A_2537 = arith.constant 0 : i32
      %broadcast_in_dim3A_2538 = vector.broadcast %jit3A_2536 : i32 to vector<16xi32>
      %broadcast_in_dim3A_2539 = vector.broadcast %jit3A_2537 : i32 to vector<16xi32>
      %select_n3A_2540 = arith.select %and3A_2535, %broadcast_in_dim3A_2538, %broadcast_in_dim3A_2539 : vector<16xi1>, vector<16xi32>
      %add3A_2541 = arith.addi %add3A_2521, %select_n3A_2540 : vector<16xi32>
      %jit3A_2542 = arith.constant 1 : i32
      %jit3A_2543 = arith.constant 0 : i32
      %broadcast_in_dim3A_2544 = vector.broadcast %jit3A_2542 : i32 to vector<16xi32>
      %broadcast_in_dim3A_2545 = vector.broadcast %jit3A_2543 : i32 to vector<16xi32>
      %select_n3A_2546 = arith.select %eq3A_2531, %broadcast_in_dim3A_2544, %broadcast_in_dim3A_2545 : vector<16xi1>, vector<16xi32>
      %add3A_2547 = arith.addi %add3A_2527, %select_n3A_2546 : vector<16xi32>
      %broadcast_in_dim3A_2548 = arith.constant 123 : i32
      %broadcast_in_dim3A_2549 = vector.broadcast %broadcast_in_dim3A_2548 : i32 to vector<16xi32>
      %gather3A_2550 = tpu.vector_load_idx %arg8[%broadcast_in_dim3A_2549] : memref<128xi32, #tpu.memory_space<vmem>>[vector<16xi32>], vector<16xi32>,
      %eq3A_2551 = arith.cmpi eq, %get3A_2323, %gather3A_2550 : vector<16xi32>
      %gt3A_2552 = arith.constant 11 : i32
      %gt3A_2553 = vector.broadcast %gt3A_2552 : i32 to vector<16xi32>
      %gt3A_2554 = arith.cmpi sgt, %iota3A, %gt3A_2553 : vector<16xi32>
      %and3A_2555 = arith.andi %eq3A_2551, %gt3A_2554 : vector<16xi1>
      %jit3A_2556 = arith.constant 1 : i32
      %jit3A_2557 = arith.constant 0 : i32
      %broadcast_in_dim3A_2558 = vector.broadcast %jit3A_2556 : i32 to vector<16xi32>
      %broadcast_in_dim3A_2559 = vector.broadcast %jit3A_2557 : i32 to vector<16xi32>
      %select_n3A_2560 = arith.select %and3A_2555, %broadcast_in_dim3A_2558, %broadcast_in_dim3A_2559 : vector<16xi1>, vector<16xi32>
      %add3A_2561 = arith.addi %add3A_2541, %select_n3A_2560 : vector<16xi32>
      %jit3A_2562 = arith.constant 1 : i32
      %jit3A_2563 = arith.constant 0 : i32
      %broadcast_in_dim3A_2564 = vector.broadcast %jit3A_2562 : i32 to vector<16xi32>
      %broadcast_in_dim3A_2565 = vector.broadcast %jit3A_2563 : i32 to vector<16xi32>
      %select_n3A_2566 = arith.select %eq3A_2551, %broadcast_in_dim3A_2564, %broadcast_in_dim3A_2565 : vector<16xi1>, vector<16xi32>
      %add3A_2567 = arith.addi %add3A_2547, %select_n3A_2566 : vector<16xi32>
      %broadcast_in_dim3A_2568 = arith.constant 124 : i32
      %broadcast_in_dim3A_2569 = vector.broadcast %broadcast_in_dim3A_2568 : i32 to vector<16xi32>
      %gather3A_2570 = tpu.vector_load_idx %arg8[%broadcast_in_dim3A_2569] : memref<128xi32, #tpu.memory_space<vmem>>[vector<16xi32>], vector<16xi32>,
      %eq3A_2571 = arith.cmpi eq, %get3A_2323, %gather3A_2570 : vector<16xi32>
      %gt3A_2572 = arith.constant 12 : i32
      %gt3A_2573 = vector.broadcast %gt3A_2572 : i32 to vector<16xi32>
      %gt3A_2574 = arith.cmpi sgt, %iota3A, %gt3A_2573 : vector<16xi32>
      %and3A_2575 = arith.andi %eq3A_2571, %gt3A_2574 : vector<16xi1>
      %jit3A_2576 = arith.constant 1 : i32
      %jit3A_2577 = arith.constant 0 : i32
      %broadcast_in_dim3A_2578 = vector.broadcast %jit3A_2576 : i32 to vector<16xi32>
      %broadcast_in_dim3A_2579 = vector.broadcast %jit3A_2577 : i32 to vector<16xi32>
      %select_n3A_2580 = arith.select %and3A_2575, %broadcast_in_dim3A_2578, %broadcast_in_dim3A_2579 : vector<16xi1>, vector<16xi32>
      %add3A_2581 = arith.addi %add3A_2561, %select_n3A_2580 : vector<16xi32>
      %jit3A_2582 = arith.constant 1 : i32
      %jit3A_2583 = arith.constant 0 : i32
      %broadcast_in_dim3A_2584 = vector.broadcast %jit3A_2582 : i32 to vector<16xi32>
      %broadcast_in_dim3A_2585 = vector.broadcast %jit3A_2583 : i32 to vector<16xi32>
      %select_n3A_2586 = arith.select %eq3A_2571, %broadcast_in_dim3A_2584, %broadcast_in_dim3A_2585 : vector<16xi1>, vector<16xi32>
      %add3A_2587 = arith.addi %add3A_2567, %select_n3A_2586 : vector<16xi32>
      %broadcast_in_dim3A_2588 = arith.constant 125 : i32
      %broadcast_in_dim3A_2589 = vector.broadcast %broadcast_in_dim3A_2588 : i32 to vector<16xi32>
      %gather3A_2590 = tpu.vector_load_idx %arg8[%broadcast_in_dim3A_2589] : memref<128xi32, #tpu.memory_space<vmem>>[vector<16xi32>], vector<16xi32>,
      %eq3A_2591 = arith.cmpi eq, %get3A_2323, %gather3A_2590 : vector<16xi32>
      %gt3A_2592 = arith.constant 13 : i32
      %gt3A_2593 = vector.broadcast %gt3A_2592 : i32 to vector<16xi32>
      %gt3A_2594 = arith.cmpi sgt, %iota3A, %gt3A_2593 : vector<16xi32>
      %and3A_2595 = arith.andi %eq3A_2591, %gt3A_2594 : vector<16xi1>
      %jit3A_2596 = arith.constant 1 : i32
      %jit3A_2597 = arith.constant 0 : i32
      %broadcast_in_dim3A_2598 = vector.broadcast %jit3A_2596 : i32 to vector<16xi32>
      %broadcast_in_dim3A_2599 = vector.broadcast %jit3A_2597 : i32 to vector<16xi32>
      %select_n3A_2600 = arith.select %and3A_2595, %broadcast_in_dim3A_2598, %broadcast_in_dim3A_2599 : vector<16xi1>, vector<16xi32>
      %add3A_2601 = arith.addi %add3A_2581, %select_n3A_2600 : vector<16xi32>
      %jit3A_2602 = arith.constant 1 : i32
      %jit3A_2603 = arith.constant 0 : i32
      %broadcast_in_dim3A_2604 = vector.broadcast %jit3A_2602 : i32 to vector<16xi32>
      %broadcast_in_dim3A_2605 = vector.broadcast %jit3A_2603 : i32 to vector<16xi32>
      %select_n3A_2606 = arith.select %eq3A_2591, %broadcast_in_dim3A_2604, %broadcast_in_dim3A_2605 : vector<16xi1>, vector<16xi32>
      %add3A_2607 = arith.addi %add3A_2587, %select_n3A_2606 : vector<16xi32>
      %broadcast_in_dim3A_2608 = arith.constant 126 : i32
      %broadcast_in_dim3A_2609 = vector.broadcast %broadcast_in_dim3A_2608 : i32 to vector<16xi32>
      %gather3A_2610 = tpu.vector_load_idx %arg8[%broadcast_in_dim3A_2609] : memref<128xi32, #tpu.memory_space<vmem>>[vector<16xi32>], vector<16xi32>,
      %eq3A_2611 = arith.cmpi eq, %get3A_2323, %gather3A_2610 : vector<16xi32>
      %gt3A_2612 = arith.constant 14 : i32
      %gt3A_2613 = vector.broadcast %gt3A_2612 : i32 to vector<16xi32>
      %gt3A_2614 = arith.cmpi sgt, %iota3A, %gt3A_2613 : vector<16xi32>
      %and3A_2615 = arith.andi %eq3A_2611, %gt3A_2614 : vector<16xi1>
      %jit3A_2616 = arith.constant 1 : i32
      %jit3A_2617 = arith.constant 0 : i32
      %broadcast_in_dim3A_2618 = vector.broadcast %jit3A_2616 : i32 to vector<16xi32>
      %broadcast_in_dim3A_2619 = vector.broadcast %jit3A_2617 : i32 to vector<16xi32>
      %select_n3A_2620 = arith.select %and3A_2615, %broadcast_in_dim3A_2618, %broadcast_in_dim3A_2619 : vector<16xi1>, vector<16xi32>
      %add3A_2621 = arith.addi %add3A_2601, %select_n3A_2620 : vector<16xi32>
      %jit3A_2622 = arith.constant 1 : i32
      %jit3A_2623 = arith.constant 0 : i32
      %broadcast_in_dim3A_2624 = vector.broadcast %jit3A_2622 : i32 to vector<16xi32>
      %broadcast_in_dim3A_2625 = vector.broadcast %jit3A_2623 : i32 to vector<16xi32>
      %select_n3A_2626 = arith.select %eq3A_2611, %broadcast_in_dim3A_2624, %broadcast_in_dim3A_2625 : vector<16xi1>, vector<16xi32>
      %add3A_2627 = arith.addi %add3A_2607, %select_n3A_2626 : vector<16xi32>
      %broadcast_in_dim3A_2628 = arith.constant 127 : i32
      %broadcast_in_dim3A_2629 = vector.broadcast %broadcast_in_dim3A_2628 : i32 to vector<16xi32>
      %gather3A_2630 = tpu.vector_load_idx %arg8[%broadcast_in_dim3A_2629] : memref<128xi32, #tpu.memory_space<vmem>>[vector<16xi32>], vector<16xi32>,
      %eq3A_2631 = arith.cmpi eq, %get3A_2323, %gather3A_2630 : vector<16xi32>
      %gt3A_2632 = arith.constant 15 : i32
      %gt3A_2633 = vector.broadcast %gt3A_2632 : i32 to vector<16xi32>
      %gt3A_2634 = arith.cmpi sgt, %iota3A, %gt3A_2633 : vector<16xi32>
      %and3A_2635 = arith.andi %eq3A_2631, %gt3A_2634 : vector<16xi1>
      %jit3A_2636 = arith.constant 1 : i32
      %jit3A_2637 = arith.constant 0 : i32
      %broadcast_in_dim3A_2638 = vector.broadcast %jit3A_2636 : i32 to vector<16xi32>
      %broadcast_in_dim3A_2639 = vector.broadcast %jit3A_2637 : i32 to vector<16xi32>
      %select_n3A_2640 = arith.select %and3A_2635, %broadcast_in_dim3A_2638, %broadcast_in_dim3A_2639 : vector<16xi1>, vector<16xi32>
      %add3A_2641 = arith.addi %add3A_2621, %select_n3A_2640 : vector<16xi32>
      %jit3A_2642 = arith.constant 1 : i32
      %jit3A_2643 = arith.constant 0 : i32
      %broadcast_in_dim3A_2644 = vector.broadcast %jit3A_2642 : i32 to vector<16xi32>
      %broadcast_in_dim3A_2645 = vector.broadcast %jit3A_2643 : i32 to vector<16xi32>
      %select_n3A_2646 = arith.select %eq3A_2631, %broadcast_in_dim3A_2644, %broadcast_in_dim3A_2645 : vector<16xi1>, vector<16xi32>
      %add3A_2647 = arith.addi %add3A_2627, %select_n3A_2646 : vector<16xi32>
      %gather3A_2648 = tpu.vector_load_idx %arg11[%get3A_2323] : memref<64xi32, #tpu.memory_space<vmem>>[vector<16xi32>], vector<16xi32>,
      %add3A_2649 = arith.addi %gather3A_2648, %add3A_2641 : vector<16xi32>
      %swap3A_2650 = arith.constant 112 : index
      %swap3A_2651 = tpu.vector_load %arg10[%swap3A_2650] {strides = array<i32>} : memref<128xi32, #tpu.memory_space<vmem>>, vector<16xi32>,
      tpu.vector_store %arg10[%swap3A_2650], %add3A_2649 {strides = array<i32>} : memref<128xi32, #tpu.memory_space<vmem>>, vector<16xi32>,
      %add3A_2652 = arith.addi %gather3A_2648, %add3A_2647 : vector<16xi32>
      tpu.vector_store_idx %arg11[%get3A_2323], %add3A_2652 : memref<64xi32, #tpu.memory_space<vmem>>[vector<16xi32>], vector<16xi32>,
      "tpu.region"() ({
        %run_scoped3A = tpu.sem_alloc : memref<!tpu.dma_semaphore, #tpu.memory_space<semaphore_mem>>
        %dma_start3A_3728 = arith.constant 0 : i32
        %dma_start3A_3729 = tpu.memref_slice %arg17[%arg1, %dma_start3A_3728] : memref<16x64xi32, #tpu.memory_space<vmem_shared>> -> memref<1x64xi32, #tpu.memory_space<vmem_shared>>
        %dma_start3A_3730 = tpu.memref_squeeze %dma_start3A_3729 : memref<1x64xi32, #tpu.memory_space<vmem_shared>> -> memref<64xi32, #tpu.memory_space<vmem_shared>>
        %dma_start3A_3731 = arith.constant 0 : i32
        %dma_start3A_3732 = tpu.memref_slice %arg17[%arg1, %dma_start3A_3731] : memref<16x64xi32, #tpu.memory_space<vmem_shared>> -> memref<1x64xi32, #tpu.memory_space<vmem_shared>>
        %dma_start3A_3733 = tpu.memref_squeeze %dma_start3A_3732 : memref<1x64xi32, #tpu.memory_space<vmem_shared>> -> memref<64xi32, #tpu.memory_space<vmem_shared>>
        tpu.enqueue_dma source(%arg11 : memref<64xi32, #tpu.memory_space<vmem>>) target(%dma_start3A_3733 : memref<64xi32, #tpu.memory_space<vmem_shared>>) target_semaphore(%run_scoped3A : memref<!tpu.dma_semaphore, #tpu.memory_space<semaphore_mem>>)
        %dma_wait3A_3734 = arith.constant 0 : i32
        %dma_wait3A_3735 = tpu.memref_slice %arg17[%arg1, %dma_wait3A_3734] : memref<16x64xi32, #tpu.memory_space<vmem_shared>> -> memref<1x64xi32, #tpu.memory_space<vmem_shared>>
        %dma_wait3A_3736 = tpu.memref_squeeze %dma_wait3A_3735 : memref<1x64xi32, #tpu.memory_space<vmem_shared>> -> memref<64xi32, #tpu.memory_space<vmem_shared>>
        %dma_wait3A_3737 = arith.constant 0 : i32
        %dma_wait3A_3738 = tpu.memref_slice %arg17[%arg1, %dma_wait3A_3737] : memref<16x64xi32, #tpu.memory_space<vmem_shared>> -> memref<1x64xi32, #tpu.memory_space<vmem_shared>>
        %dma_wait3A_3739 = tpu.memref_squeeze %dma_wait3A_3738 : memref<1x64xi32, #tpu.memory_space<vmem_shared>> -> memref<64xi32, #tpu.memory_space<vmem_shared>>
        tpu.wait_dma2 semaphore(%run_scoped3A : memref<!tpu.dma_semaphore, #tpu.memory_space<semaphore_mem>>) src(%arg11 : memref<64xi32, #tpu.memory_space<vmem>>) dst(%dma_wait3A_3739 : memref<64xi32, #tpu.memory_space<vmem_shared>>)
        tpu.yield
      }) : () -> ()
      %barrier3A = arith.constant 0 : index
      tpu.barrier barrier_id(%barrier3A)
      "tpu.region"() ({
        %run_scoped3A = tpu.sem_alloc : memref<!tpu.dma_semaphore, #tpu.memory_space<semaphore_mem>>
        tpu.enqueue_dma source(%arg17 : memref<16x64xi32, #tpu.memory_space<vmem_shared>>) target(%arg12 : memref<16x64xi32, #tpu.memory_space<vmem>>) target_semaphore(%run_scoped3A : memref<!tpu.dma_semaphore, #tpu.memory_space<semaphore_mem>>)
        tpu.wait_dma2 semaphore(%run_scoped3A : memref<!tpu.dma_semaphore, #tpu.memory_space<semaphore_mem>>) src(%arg17 : memref<16x64xi32, #tpu.memory_space<vmem_shared>>) dst(%arg12 : memref<16x64xi32, #tpu.memory_space<vmem>>)
        tpu.yield
      }) : () -> ()
      %swap3A_2653 = arith.constant 0 : index
      %swap3A_2654 = tpu.vector_load %arg13[%swap3A_2653] {strides = array<i32>} : memref<64xi32, #tpu.memory_space<vmem>>, vector<16xi32>,
      tpu.vector_store %arg13[%swap3A_2653], %broadcast_in_dim3A_4 {strides = array<i32>} : memref<64xi32, #tpu.memory_space<vmem>>, vector<16xi32>,
      %swap3A_2655 = arith.constant 16 : index
      %swap3A_2656 = tpu.vector_load %arg13[%swap3A_2655] {strides = array<i32>} : memref<64xi32, #tpu.memory_space<vmem>>, vector<16xi32>,
      tpu.vector_store %arg13[%swap3A_2655], %broadcast_in_dim3A_4 {strides = array<i32>} : memref<64xi32, #tpu.memory_space<vmem>>, vector<16xi32>,
      %swap3A_2657 = arith.constant 32 : index
      %swap3A_2658 = tpu.vector_load %arg13[%swap3A_2657] {strides = array<i32>} : memref<64xi32, #tpu.memory_space<vmem>>, vector<16xi32>,
      tpu.vector_store %arg13[%swap3A_2657], %broadcast_in_dim3A_4 {strides = array<i32>} : memref<64xi32, #tpu.memory_space<vmem>>, vector<16xi32>,
      %swap3A_2659 = arith.constant 48 : index
      %swap3A_2660 = tpu.vector_load %arg13[%swap3A_2659] {strides = array<i32>} : memref<64xi32, #tpu.memory_space<vmem>>, vector<16xi32>,
      tpu.vector_store %arg13[%swap3A_2659], %broadcast_in_dim3A_4 {strides = array<i32>} : memref<64xi32, #tpu.memory_space<vmem>>, vector<16xi32>,
      %broadcast_in_dim3A_2661 = arith.constant 0 : i32
      %broadcast_in_dim3A_2662 = vector.broadcast %broadcast_in_dim3A_2661 : i32 to vector<16xi32>
      %lt3A = arith.cmpi slt, %broadcast_in_dim3A_2662, %broadcast_in_dim3A : vector<16xi32>
      %get3A_2663 = arith.constant 0 : index
      %get3A_2664 = tpu.vector_load %arg13[%get3A_2663] {strides = array<i32>} : memref<64xi32, #tpu.memory_space<vmem>>, vector<16xi32>,
      %get3A_2665 = arith.constant 0 : i32
      %get3A_2666 = arith.index_cast %get3A_2665 : i32 to index
      %get3A_2667 = arith.constant 0 : index
      %get3A_2668 = tpu.vector_load %arg12[%get3A_2666, %get3A_2667] {strides = array<i32>} : memref<16x64xi32, #tpu.memory_space<vmem>>, vector<16xi32>,
      %jit3A_2669 = arith.constant 0 : i32
      %broadcast_in_dim3A_2670 = vector.broadcast %jit3A_2669 : i32 to vector<16xi32>
      %select_n3A_2671 = arith.select %lt3A, %get3A_2668, %broadcast_in_dim3A_2670 : vector<16xi1>, vector<16xi32>
      %add3A_2672 = arith.addi %get3A_2664, %select_n3A_2671 : vector<16xi32>
      %swap3A_2673 = arith.constant 0 : index
      %swap3A_2674 = tpu.vector_load %arg13[%swap3A_2673] {strides = array<i32>} : memref<64xi32, #tpu.memory_space<vmem>>, vector<16xi32>,
      tpu.vector_store %arg13[%swap3A_2673], %add3A_2672 {strides = array<i32>} : memref<64xi32, #tpu.memory_space<vmem>>, vector<16xi32>,
      %get3A_2675 = arith.constant 16 : index
      %get3A_2676 = tpu.vector_load %arg13[%get3A_2675] {strides = array<i32>} : memref<64xi32, #tpu.memory_space<vmem>>, vector<16xi32>,
      %get3A_2677 = arith.constant 0 : i32
      %get3A_2678 = arith.index_cast %get3A_2677 : i32 to index
      %get3A_2679 = arith.constant 16 : index
      %get3A_2680 = tpu.vector_load %arg12[%get3A_2678, %get3A_2679] {strides = array<i32>} : memref<16x64xi32, #tpu.memory_space<vmem>>, vector<16xi32>,
      %jit3A_2681 = arith.constant 0 : i32
      %broadcast_in_dim3A_2682 = vector.broadcast %jit3A_2681 : i32 to vector<16xi32>
      %select_n3A_2683 = arith.select %lt3A, %get3A_2680, %broadcast_in_dim3A_2682 : vector<16xi1>, vector<16xi32>
      %add3A_2684 = arith.addi %get3A_2676, %select_n3A_2683 : vector<16xi32>
      %swap3A_2685 = arith.constant 16 : index
      %swap3A_2686 = tpu.vector_load %arg13[%swap3A_2685] {strides = array<i32>} : memref<64xi32, #tpu.memory_space<vmem>>, vector<16xi32>,
      tpu.vector_store %arg13[%swap3A_2685], %add3A_2684 {strides = array<i32>} : memref<64xi32, #tpu.memory_space<vmem>>, vector<16xi32>,
      %get3A_2687 = arith.constant 32 : index
      %get3A_2688 = tpu.vector_load %arg13[%get3A_2687] {strides = array<i32>} : memref<64xi32, #tpu.memory_space<vmem>>, vector<16xi32>,
      %get3A_2689 = arith.constant 0 : i32
      %get3A_2690 = arith.index_cast %get3A_2689 : i32 to index
      %get3A_2691 = arith.constant 32 : index
      %get3A_2692 = tpu.vector_load %arg12[%get3A_2690, %get3A_2691] {strides = array<i32>} : memref<16x64xi32, #tpu.memory_space<vmem>>, vector<16xi32>,
      %jit3A_2693 = arith.constant 0 : i32
      %broadcast_in_dim3A_2694 = vector.broadcast %jit3A_2693 : i32 to vector<16xi32>
      %select_n3A_2695 = arith.select %lt3A, %get3A_2692, %broadcast_in_dim3A_2694 : vector<16xi1>, vector<16xi32>
      %add3A_2696 = arith.addi %get3A_2688, %select_n3A_2695 : vector<16xi32>
      %swap3A_2697 = arith.constant 32 : index
      %swap3A_2698 = tpu.vector_load %arg13[%swap3A_2697] {strides = array<i32>} : memref<64xi32, #tpu.memory_space<vmem>>, vector<16xi32>,
      tpu.vector_store %arg13[%swap3A_2697], %add3A_2696 {strides = array<i32>} : memref<64xi32, #tpu.memory_space<vmem>>, vector<16xi32>,
      %get3A_2699 = arith.constant 48 : index
      %get3A_2700 = tpu.vector_load %arg13[%get3A_2699] {strides = array<i32>} : memref<64xi32, #tpu.memory_space<vmem>>, vector<16xi32>,
      %get3A_2701 = arith.constant 0 : i32
      %get3A_2702 = arith.index_cast %get3A_2701 : i32 to index
      %get3A_2703 = arith.constant 48 : index
      %get3A_2704 = tpu.vector_load %arg12[%get3A_2702, %get3A_2703] {strides = array<i32>} : memref<16x64xi32, #tpu.memory_space<vmem>>, vector<16xi32>,
      %jit3A_2705 = arith.constant 0 : i32
      %broadcast_in_dim3A_2706 = vector.broadcast %jit3A_2705 : i32 to vector<16xi32>
      %select_n3A_2707 = arith.select %lt3A, %get3A_2704, %broadcast_in_dim3A_2706 : vector<16xi1>, vector<16xi32>
      %add3A_2708 = arith.addi %get3A_2700, %select_n3A_2707 : vector<16xi32>
      %swap3A_2709 = arith.constant 48 : index
      %swap3A_2710 = tpu.vector_load %arg13[%swap3A_2709] {strides = array<i32>} : memref<64xi32, #tpu.memory_space<vmem>>, vector<16xi32>,
      tpu.vector_store %arg13[%swap3A_2709], %add3A_2708 {strides = array<i32>} : memref<64xi32, #tpu.memory_space<vmem>>, vector<16xi32>,
      %broadcast_in_dim3A_2711 = arith.constant 1 : i32
      %broadcast_in_dim3A_2712 = vector.broadcast %broadcast_in_dim3A_2711 : i32 to vector<16xi32>
      %lt3A_2713 = arith.cmpi slt, %broadcast_in_dim3A_2712, %broadcast_in_dim3A : vector<16xi32>
      %get3A_2714 = arith.constant 0 : index
      %get3A_2715 = tpu.vector_load %arg13[%get3A_2714] {strides = array<i32>} : memref<64xi32, #tpu.memory_space<vmem>>, vector<16xi32>,
      %get3A_2716 = arith.constant 1 : i32
      %get3A_2717 = arith.index_cast %get3A_2716 : i32 to index
      %get3A_2718 = arith.constant 0 : index
      %get3A_2719 = tpu.vector_load %arg12[%get3A_2717, %get3A_2718] {strides = array<i32>} : memref<16x64xi32, #tpu.memory_space<vmem>>, vector<16xi32>,
      %jit3A_2720 = arith.constant 0 : i32
      %broadcast_in_dim3A_2721 = vector.broadcast %jit3A_2720 : i32 to vector<16xi32>
      %select_n3A_2722 = arith.select %lt3A_2713, %get3A_2719, %broadcast_in_dim3A_2721 : vector<16xi1>, vector<16xi32>
      %add3A_2723 = arith.addi %get3A_2715, %select_n3A_2722 : vector<16xi32>
      %swap3A_2724 = arith.constant 0 : index
      %swap3A_2725 = tpu.vector_load %arg13[%swap3A_2724] {strides = array<i32>} : memref<64xi32, #tpu.memory_space<vmem>>, vector<16xi32>,
      tpu.vector_store %arg13[%swap3A_2724], %add3A_2723 {strides = array<i32>} : memref<64xi32, #tpu.memory_space<vmem>>, vector<16xi32>,
      %get3A_2726 = arith.constant 16 : index
      %get3A_2727 = tpu.vector_load %arg13[%get3A_2726] {strides = array<i32>} : memref<64xi32, #tpu.memory_space<vmem>>, vector<16xi32>,
      %get3A_2728 = arith.constant 1 : i32
      %get3A_2729 = arith.index_cast %get3A_2728 : i32 to index
      %get3A_2730 = arith.constant 16 : index
      %get3A_2731 = tpu.vector_load %arg12[%get3A_2729, %get3A_2730] {strides = array<i32>} : memref<16x64xi32, #tpu.memory_space<vmem>>, vector<16xi32>,
      %jit3A_2732 = arith.constant 0 : i32
      %broadcast_in_dim3A_2733 = vector.broadcast %jit3A_2732 : i32 to vector<16xi32>
      %select_n3A_2734 = arith.select %lt3A_2713, %get3A_2731, %broadcast_in_dim3A_2733 : vector<16xi1>, vector<16xi32>
      %add3A_2735 = arith.addi %get3A_2727, %select_n3A_2734 : vector<16xi32>
      %swap3A_2736 = arith.constant 16 : index
      %swap3A_2737 = tpu.vector_load %arg13[%swap3A_2736] {strides = array<i32>} : memref<64xi32, #tpu.memory_space<vmem>>, vector<16xi32>,
      tpu.vector_store %arg13[%swap3A_2736], %add3A_2735 {strides = array<i32>} : memref<64xi32, #tpu.memory_space<vmem>>, vector<16xi32>,
      %get3A_2738 = arith.constant 32 : index
      %get3A_2739 = tpu.vector_load %arg13[%get3A_2738] {strides = array<i32>} : memref<64xi32, #tpu.memory_space<vmem>>, vector<16xi32>,
      %get3A_2740 = arith.constant 1 : i32
      %get3A_2741 = arith.index_cast %get3A_2740 : i32 to index
      %get3A_2742 = arith.constant 32 : index
      %get3A_2743 = tpu.vector_load %arg12[%get3A_2741, %get3A_2742] {strides = array<i32>} : memref<16x64xi32, #tpu.memory_space<vmem>>, vector<16xi32>,
      %jit3A_2744 = arith.constant 0 : i32
      %broadcast_in_dim3A_2745 = vector.broadcast %jit3A_2744 : i32 to vector<16xi32>
      %select_n3A_2746 = arith.select %lt3A_2713, %get3A_2743, %broadcast_in_dim3A_2745 : vector<16xi1>, vector<16xi32>
      %add3A_2747 = arith.addi %get3A_2739, %select_n3A_2746 : vector<16xi32>
      %swap3A_2748 = arith.constant 32 : index
      %swap3A_2749 = tpu.vector_load %arg13[%swap3A_2748] {strides = array<i32>} : memref<64xi32, #tpu.memory_space<vmem>>, vector<16xi32>,
      tpu.vector_store %arg13[%swap3A_2748], %add3A_2747 {strides = array<i32>} : memref<64xi32, #tpu.memory_space<vmem>>, vector<16xi32>,
      %get3A_2750 = arith.constant 48 : index
      %get3A_2751 = tpu.vector_load %arg13[%get3A_2750] {strides = array<i32>} : memref<64xi32, #tpu.memory_space<vmem>>, vector<16xi32>,
      %get3A_2752 = arith.constant 1 : i32
      %get3A_2753 = arith.index_cast %get3A_2752 : i32 to index
      %get3A_2754 = arith.constant 48 : index
      %get3A_2755 = tpu.vector_load %arg12[%get3A_2753, %get3A_2754] {strides = array<i32>} : memref<16x64xi32, #tpu.memory_space<vmem>>, vector<16xi32>,
      %jit3A_2756 = arith.constant 0 : i32
      %broadcast_in_dim3A_2757 = vector.broadcast %jit3A_2756 : i32 to vector<16xi32>
      %select_n3A_2758 = arith.select %lt3A_2713, %get3A_2755, %broadcast_in_dim3A_2757 : vector<16xi1>, vector<16xi32>
      %add3A_2759 = arith.addi %get3A_2751, %select_n3A_2758 : vector<16xi32>
      %swap3A_2760 = arith.constant 48 : index
      %swap3A_2761 = tpu.vector_load %arg13[%swap3A_2760] {strides = array<i32>} : memref<64xi32, #tpu.memory_space<vmem>>, vector<16xi32>,
      tpu.vector_store %arg13[%swap3A_2760], %add3A_2759 {strides = array<i32>} : memref<64xi32, #tpu.memory_space<vmem>>, vector<16xi32>,
      %broadcast_in_dim3A_2762 = arith.constant 2 : i32
      %broadcast_in_dim3A_2763 = vector.broadcast %broadcast_in_dim3A_2762 : i32 to vector<16xi32>
      %lt3A_2764 = arith.cmpi slt, %broadcast_in_dim3A_2763, %broadcast_in_dim3A : vector<16xi32>
      %get3A_2765 = arith.constant 0 : index
      %get3A_2766 = tpu.vector_load %arg13[%get3A_2765] {strides = array<i32>} : memref<64xi32, #tpu.memory_space<vmem>>, vector<16xi32>,
      %get3A_2767 = arith.constant 2 : i32
      %get3A_2768 = arith.index_cast %get3A_2767 : i32 to index
      %get3A_2769 = arith.constant 0 : index
      %get3A_2770 = tpu.vector_load %arg12[%get3A_2768, %get3A_2769] {strides = array<i32>} : memref<16x64xi32, #tpu.memory_space<vmem>>, vector<16xi32>,
      %jit3A_2771 = arith.constant 0 : i32
      %broadcast_in_dim3A_2772 = vector.broadcast %jit3A_2771 : i32 to vector<16xi32>
      %select_n3A_2773 = arith.select %lt3A_2764, %get3A_2770, %broadcast_in_dim3A_2772 : vector<16xi1>, vector<16xi32>
      %add3A_2774 = arith.addi %get3A_2766, %select_n3A_2773 : vector<16xi32>
      %swap3A_2775 = arith.constant 0 : index
      %swap3A_2776 = tpu.vector_load %arg13[%swap3A_2775] {strides = array<i32>} : memref<64xi32, #tpu.memory_space<vmem>>, vector<16xi32>,
      tpu.vector_store %arg13[%swap3A_2775], %add3A_2774 {strides = array<i32>} : memref<64xi32, #tpu.memory_space<vmem>>, vector<16xi32>,
      %get3A_2777 = arith.constant 16 : index
      %get3A_2778 = tpu.vector_load %arg13[%get3A_2777] {strides = array<i32>} : memref<64xi32, #tpu.memory_space<vmem>>, vector<16xi32>,
      %get3A_2779 = arith.constant 2 : i32
      %get3A_2780 = arith.index_cast %get3A_2779 : i32 to index
      %get3A_2781 = arith.constant 16 : index
      %get3A_2782 = tpu.vector_load %arg12[%get3A_2780, %get3A_2781] {strides = array<i32>} : memref<16x64xi32, #tpu.memory_space<vmem>>, vector<16xi32>,
      %jit3A_2783 = arith.constant 0 : i32
      %broadcast_in_dim3A_2784 = vector.broadcast %jit3A_2783 : i32 to vector<16xi32>
      %select_n3A_2785 = arith.select %lt3A_2764, %get3A_2782, %broadcast_in_dim3A_2784 : vector<16xi1>, vector<16xi32>
      %add3A_2786 = arith.addi %get3A_2778, %select_n3A_2785 : vector<16xi32>
      %swap3A_2787 = arith.constant 16 : index
      %swap3A_2788 = tpu.vector_load %arg13[%swap3A_2787] {strides = array<i32>} : memref<64xi32, #tpu.memory_space<vmem>>, vector<16xi32>,
      tpu.vector_store %arg13[%swap3A_2787], %add3A_2786 {strides = array<i32>} : memref<64xi32, #tpu.memory_space<vmem>>, vector<16xi32>,
      %get3A_2789 = arith.constant 32 : index
      %get3A_2790 = tpu.vector_load %arg13[%get3A_2789] {strides = array<i32>} : memref<64xi32, #tpu.memory_space<vmem>>, vector<16xi32>,
      %get3A_2791 = arith.constant 2 : i32
      %get3A_2792 = arith.index_cast %get3A_2791 : i32 to index
      %get3A_2793 = arith.constant 32 : index
      %get3A_2794 = tpu.vector_load %arg12[%get3A_2792, %get3A_2793] {strides = array<i32>} : memref<16x64xi32, #tpu.memory_space<vmem>>, vector<16xi32>,
      %jit3A_2795 = arith.constant 0 : i32
      %broadcast_in_dim3A_2796 = vector.broadcast %jit3A_2795 : i32 to vector<16xi32>
      %select_n3A_2797 = arith.select %lt3A_2764, %get3A_2794, %broadcast_in_dim3A_2796 : vector<16xi1>, vector<16xi32>
      %add3A_2798 = arith.addi %get3A_2790, %select_n3A_2797 : vector<16xi32>
      %swap3A_2799 = arith.constant 32 : index
      %swap3A_2800 = tpu.vector_load %arg13[%swap3A_2799] {strides = array<i32>} : memref<64xi32, #tpu.memory_space<vmem>>, vector<16xi32>,
      tpu.vector_store %arg13[%swap3A_2799], %add3A_2798 {strides = array<i32>} : memref<64xi32, #tpu.memory_space<vmem>>, vector<16xi32>,
      %get3A_2801 = arith.constant 48 : index
      %get3A_2802 = tpu.vector_load %arg13[%get3A_2801] {strides = array<i32>} : memref<64xi32, #tpu.memory_space<vmem>>, vector<16xi32>,
      %get3A_2803 = arith.constant 2 : i32
      %get3A_2804 = arith.index_cast %get3A_2803 : i32 to index
      %get3A_2805 = arith.constant 48 : index
      %get3A_2806 = tpu.vector_load %arg12[%get3A_2804, %get3A_2805] {strides = array<i32>} : memref<16x64xi32, #tpu.memory_space<vmem>>, vector<16xi32>,
      %jit3A_2807 = arith.constant 0 : i32
      %broadcast_in_dim3A_2808 = vector.broadcast %jit3A_2807 : i32 to vector<16xi32>
      %select_n3A_2809 = arith.select %lt3A_2764, %get3A_2806, %broadcast_in_dim3A_2808 : vector<16xi1>, vector<16xi32>
      %add3A_2810 = arith.addi %get3A_2802, %select_n3A_2809 : vector<16xi32>
      %swap3A_2811 = arith.constant 48 : index
      %swap3A_2812 = tpu.vector_load %arg13[%swap3A_2811] {strides = array<i32>} : memref<64xi32, #tpu.memory_space<vmem>>, vector<16xi32>,
      tpu.vector_store %arg13[%swap3A_2811], %add3A_2810 {strides = array<i32>} : memref<64xi32, #tpu.memory_space<vmem>>, vector<16xi32>,
      %broadcast_in_dim3A_2813 = arith.constant 3 : i32
      %broadcast_in_dim3A_2814 = vector.broadcast %broadcast_in_dim3A_2813 : i32 to vector<16xi32>
      %lt3A_2815 = arith.cmpi slt, %broadcast_in_dim3A_2814, %broadcast_in_dim3A : vector<16xi32>
      %get3A_2816 = arith.constant 0 : index
      %get3A_2817 = tpu.vector_load %arg13[%get3A_2816] {strides = array<i32>} : memref<64xi32, #tpu.memory_space<vmem>>, vector<16xi32>,
      %get3A_2818 = arith.constant 3 : i32
      %get3A_2819 = arith.index_cast %get3A_2818 : i32 to index
      %get3A_2820 = arith.constant 0 : index
      %get3A_2821 = tpu.vector_load %arg12[%get3A_2819, %get3A_2820] {strides = array<i32>} : memref<16x64xi32, #tpu.memory_space<vmem>>, vector<16xi32>,
      %jit3A_2822 = arith.constant 0 : i32
      %broadcast_in_dim3A_2823 = vector.broadcast %jit3A_2822 : i32 to vector<16xi32>
      %select_n3A_2824 = arith.select %lt3A_2815, %get3A_2821, %broadcast_in_dim3A_2823 : vector<16xi1>, vector<16xi32>
      %add3A_2825 = arith.addi %get3A_2817, %select_n3A_2824 : vector<16xi32>
      %swap3A_2826 = arith.constant 0 : index
      %swap3A_2827 = tpu.vector_load %arg13[%swap3A_2826] {strides = array<i32>} : memref<64xi32, #tpu.memory_space<vmem>>, vector<16xi32>,
      tpu.vector_store %arg13[%swap3A_2826], %add3A_2825 {strides = array<i32>} : memref<64xi32, #tpu.memory_space<vmem>>, vector<16xi32>,
      %get3A_2828 = arith.constant 16 : index
      %get3A_2829 = tpu.vector_load %arg13[%get3A_2828] {strides = array<i32>} : memref<64xi32, #tpu.memory_space<vmem>>, vector<16xi32>,
      %get3A_2830 = arith.constant 3 : i32
      %get3A_2831 = arith.index_cast %get3A_2830 : i32 to index
      %get3A_2832 = arith.constant 16 : index
      %get3A_2833 = tpu.vector_load %arg12[%get3A_2831, %get3A_2832] {strides = array<i32>} : memref<16x64xi32, #tpu.memory_space<vmem>>, vector<16xi32>,
      %jit3A_2834 = arith.constant 0 : i32
      %broadcast_in_dim3A_2835 = vector.broadcast %jit3A_2834 : i32 to vector<16xi32>
      %select_n3A_2836 = arith.select %lt3A_2815, %get3A_2833, %broadcast_in_dim3A_2835 : vector<16xi1>, vector<16xi32>
      %add3A_2837 = arith.addi %get3A_2829, %select_n3A_2836 : vector<16xi32>
      %swap3A_2838 = arith.constant 16 : index
      %swap3A_2839 = tpu.vector_load %arg13[%swap3A_2838] {strides = array<i32>} : memref<64xi32, #tpu.memory_space<vmem>>, vector<16xi32>,
      tpu.vector_store %arg13[%swap3A_2838], %add3A_2837 {strides = array<i32>} : memref<64xi32, #tpu.memory_space<vmem>>, vector<16xi32>,
      %get3A_2840 = arith.constant 32 : index
      %get3A_2841 = tpu.vector_load %arg13[%get3A_2840] {strides = array<i32>} : memref<64xi32, #tpu.memory_space<vmem>>, vector<16xi32>,
      %get3A_2842 = arith.constant 3 : i32
      %get3A_2843 = arith.index_cast %get3A_2842 : i32 to index
      %get3A_2844 = arith.constant 32 : index
      %get3A_2845 = tpu.vector_load %arg12[%get3A_2843, %get3A_2844] {strides = array<i32>} : memref<16x64xi32, #tpu.memory_space<vmem>>, vector<16xi32>,
      %jit3A_2846 = arith.constant 0 : i32
      %broadcast_in_dim3A_2847 = vector.broadcast %jit3A_2846 : i32 to vector<16xi32>
      %select_n3A_2848 = arith.select %lt3A_2815, %get3A_2845, %broadcast_in_dim3A_2847 : vector<16xi1>, vector<16xi32>
      %add3A_2849 = arith.addi %get3A_2841, %select_n3A_2848 : vector<16xi32>
      %swap3A_2850 = arith.constant 32 : index
      %swap3A_2851 = tpu.vector_load %arg13[%swap3A_2850] {strides = array<i32>} : memref<64xi32, #tpu.memory_space<vmem>>, vector<16xi32>,
      tpu.vector_store %arg13[%swap3A_2850], %add3A_2849 {strides = array<i32>} : memref<64xi32, #tpu.memory_space<vmem>>, vector<16xi32>,
      %get3A_2852 = arith.constant 48 : index
      %get3A_2853 = tpu.vector_load %arg13[%get3A_2852] {strides = array<i32>} : memref<64xi32, #tpu.memory_space<vmem>>, vector<16xi32>,
      %get3A_2854 = arith.constant 3 : i32
      %get3A_2855 = arith.index_cast %get3A_2854 : i32 to index
      %get3A_2856 = arith.constant 48 : index
      %get3A_2857 = tpu.vector_load %arg12[%get3A_2855, %get3A_2856] {strides = array<i32>} : memref<16x64xi32, #tpu.memory_space<vmem>>, vector<16xi32>,
      %jit3A_2858 = arith.constant 0 : i32
      %broadcast_in_dim3A_2859 = vector.broadcast %jit3A_2858 : i32 to vector<16xi32>
      %select_n3A_2860 = arith.select %lt3A_2815, %get3A_2857, %broadcast_in_dim3A_2859 : vector<16xi1>, vector<16xi32>
      %add3A_2861 = arith.addi %get3A_2853, %select_n3A_2860 : vector<16xi32>
      %swap3A_2862 = arith.constant 48 : index
      %swap3A_2863 = tpu.vector_load %arg13[%swap3A_2862] {strides = array<i32>} : memref<64xi32, #tpu.memory_space<vmem>>, vector<16xi32>,
      tpu.vector_store %arg13[%swap3A_2862], %add3A_2861 {strides = array<i32>} : memref<64xi32, #tpu.memory_space<vmem>>, vector<16xi32>,
      %broadcast_in_dim3A_2864 = arith.constant 4 : i32
      %broadcast_in_dim3A_2865 = vector.broadcast %broadcast_in_dim3A_2864 : i32 to vector<16xi32>
      %lt3A_2866 = arith.cmpi slt, %broadcast_in_dim3A_2865, %broadcast_in_dim3A : vector<16xi32>
      %get3A_2867 = arith.constant 0 : index
      %get3A_2868 = tpu.vector_load %arg13[%get3A_2867] {strides = array<i32>} : memref<64xi32, #tpu.memory_space<vmem>>, vector<16xi32>,
      %get3A_2869 = arith.constant 4 : i32
      %get3A_2870 = arith.index_cast %get3A_2869 : i32 to index
      %get3A_2871 = arith.constant 0 : index
      %get3A_2872 = tpu.vector_load %arg12[%get3A_2870, %get3A_2871] {strides = array<i32>} : memref<16x64xi32, #tpu.memory_space<vmem>>, vector<16xi32>,
      %jit3A_2873 = arith.constant 0 : i32
      %broadcast_in_dim3A_2874 = vector.broadcast %jit3A_2873 : i32 to vector<16xi32>
      %select_n3A_2875 = arith.select %lt3A_2866, %get3A_2872, %broadcast_in_dim3A_2874 : vector<16xi1>, vector<16xi32>
      %add3A_2876 = arith.addi %get3A_2868, %select_n3A_2875 : vector<16xi32>
      %swap3A_2877 = arith.constant 0 : index
      %swap3A_2878 = tpu.vector_load %arg13[%swap3A_2877] {strides = array<i32>} : memref<64xi32, #tpu.memory_space<vmem>>, vector<16xi32>,
      tpu.vector_store %arg13[%swap3A_2877], %add3A_2876 {strides = array<i32>} : memref<64xi32, #tpu.memory_space<vmem>>, vector<16xi32>,
      %get3A_2879 = arith.constant 16 : index
      %get3A_2880 = tpu.vector_load %arg13[%get3A_2879] {strides = array<i32>} : memref<64xi32, #tpu.memory_space<vmem>>, vector<16xi32>,
      %get3A_2881 = arith.constant 4 : i32
      %get3A_2882 = arith.index_cast %get3A_2881 : i32 to index
      %get3A_2883 = arith.constant 16 : index
      %get3A_2884 = tpu.vector_load %arg12[%get3A_2882, %get3A_2883] {strides = array<i32>} : memref<16x64xi32, #tpu.memory_space<vmem>>, vector<16xi32>,
      %jit3A_2885 = arith.constant 0 : i32
      %broadcast_in_dim3A_2886 = vector.broadcast %jit3A_2885 : i32 to vector<16xi32>
      %select_n3A_2887 = arith.select %lt3A_2866, %get3A_2884, %broadcast_in_dim3A_2886 : vector<16xi1>, vector<16xi32>
      %add3A_2888 = arith.addi %get3A_2880, %select_n3A_2887 : vector<16xi32>
      %swap3A_2889 = arith.constant 16 : index
      %swap3A_2890 = tpu.vector_load %arg13[%swap3A_2889] {strides = array<i32>} : memref<64xi32, #tpu.memory_space<vmem>>, vector<16xi32>,
      tpu.vector_store %arg13[%swap3A_2889], %add3A_2888 {strides = array<i32>} : memref<64xi32, #tpu.memory_space<vmem>>, vector<16xi32>,
      %get3A_2891 = arith.constant 32 : index
      %get3A_2892 = tpu.vector_load %arg13[%get3A_2891] {strides = array<i32>} : memref<64xi32, #tpu.memory_space<vmem>>, vector<16xi32>,
      %get3A_2893 = arith.constant 4 : i32
      %get3A_2894 = arith.index_cast %get3A_2893 : i32 to index
      %get3A_2895 = arith.constant 32 : index
      %get3A_2896 = tpu.vector_load %arg12[%get3A_2894, %get3A_2895] {strides = array<i32>} : memref<16x64xi32, #tpu.memory_space<vmem>>, vector<16xi32>,
      %jit3A_2897 = arith.constant 0 : i32
      %broadcast_in_dim3A_2898 = vector.broadcast %jit3A_2897 : i32 to vector<16xi32>
      %select_n3A_2899 = arith.select %lt3A_2866, %get3A_2896, %broadcast_in_dim3A_2898 : vector<16xi1>, vector<16xi32>
      %add3A_2900 = arith.addi %get3A_2892, %select_n3A_2899 : vector<16xi32>
      %swap3A_2901 = arith.constant 32 : index
      %swap3A_2902 = tpu.vector_load %arg13[%swap3A_2901] {strides = array<i32>} : memref<64xi32, #tpu.memory_space<vmem>>, vector<16xi32>,
      tpu.vector_store %arg13[%swap3A_2901], %add3A_2900 {strides = array<i32>} : memref<64xi32, #tpu.memory_space<vmem>>, vector<16xi32>,
      %get3A_2903 = arith.constant 48 : index
      %get3A_2904 = tpu.vector_load %arg13[%get3A_2903] {strides = array<i32>} : memref<64xi32, #tpu.memory_space<vmem>>, vector<16xi32>,
      %get3A_2905 = arith.constant 4 : i32
      %get3A_2906 = arith.index_cast %get3A_2905 : i32 to index
      %get3A_2907 = arith.constant 48 : index
      %get3A_2908 = tpu.vector_load %arg12[%get3A_2906, %get3A_2907] {strides = array<i32>} : memref<16x64xi32, #tpu.memory_space<vmem>>, vector<16xi32>,
      %jit3A_2909 = arith.constant 0 : i32
      %broadcast_in_dim3A_2910 = vector.broadcast %jit3A_2909 : i32 to vector<16xi32>
      %select_n3A_2911 = arith.select %lt3A_2866, %get3A_2908, %broadcast_in_dim3A_2910 : vector<16xi1>, vector<16xi32>
      %add3A_2912 = arith.addi %get3A_2904, %select_n3A_2911 : vector<16xi32>
      %swap3A_2913 = arith.constant 48 : index
      %swap3A_2914 = tpu.vector_load %arg13[%swap3A_2913] {strides = array<i32>} : memref<64xi32, #tpu.memory_space<vmem>>, vector<16xi32>,
      tpu.vector_store %arg13[%swap3A_2913], %add3A_2912 {strides = array<i32>} : memref<64xi32, #tpu.memory_space<vmem>>, vector<16xi32>,
      %broadcast_in_dim3A_2915 = arith.constant 5 : i32
      %broadcast_in_dim3A_2916 = vector.broadcast %broadcast_in_dim3A_2915 : i32 to vector<16xi32>
      %lt3A_2917 = arith.cmpi slt, %broadcast_in_dim3A_2916, %broadcast_in_dim3A : vector<16xi32>
      %get3A_2918 = arith.constant 0 : index
      %get3A_2919 = tpu.vector_load %arg13[%get3A_2918] {strides = array<i32>} : memref<64xi32, #tpu.memory_space<vmem>>, vector<16xi32>,
      %get3A_2920 = arith.constant 5 : i32
      %get3A_2921 = arith.index_cast %get3A_2920 : i32 to index
      %get3A_2922 = arith.constant 0 : index
      %get3A_2923 = tpu.vector_load %arg12[%get3A_2921, %get3A_2922] {strides = array<i32>} : memref<16x64xi32, #tpu.memory_space<vmem>>, vector<16xi32>,
      %jit3A_2924 = arith.constant 0 : i32
      %broadcast_in_dim3A_2925 = vector.broadcast %jit3A_2924 : i32 to vector<16xi32>
      %select_n3A_2926 = arith.select %lt3A_2917, %get3A_2923, %broadcast_in_dim3A_2925 : vector<16xi1>, vector<16xi32>
      %add3A_2927 = arith.addi %get3A_2919, %select_n3A_2926 : vector<16xi32>
      %swap3A_2928 = arith.constant 0 : index
      %swap3A_2929 = tpu.vector_load %arg13[%swap3A_2928] {strides = array<i32>} : memref<64xi32, #tpu.memory_space<vmem>>, vector<16xi32>,
      tpu.vector_store %arg13[%swap3A_2928], %add3A_2927 {strides = array<i32>} : memref<64xi32, #tpu.memory_space<vmem>>, vector<16xi32>,
      %get3A_2930 = arith.constant 16 : index
      %get3A_2931 = tpu.vector_load %arg13[%get3A_2930] {strides = array<i32>} : memref<64xi32, #tpu.memory_space<vmem>>, vector<16xi32>,
      %get3A_2932 = arith.constant 5 : i32
      %get3A_2933 = arith.index_cast %get3A_2932 : i32 to index
      %get3A_2934 = arith.constant 16 : index
      %get3A_2935 = tpu.vector_load %arg12[%get3A_2933, %get3A_2934] {strides = array<i32>} : memref<16x64xi32, #tpu.memory_space<vmem>>, vector<16xi32>,
      %jit3A_2936 = arith.constant 0 : i32
      %broadcast_in_dim3A_2937 = vector.broadcast %jit3A_2936 : i32 to vector<16xi32>
      %select_n3A_2938 = arith.select %lt3A_2917, %get3A_2935, %broadcast_in_dim3A_2937 : vector<16xi1>, vector<16xi32>
      %add3A_2939 = arith.addi %get3A_2931, %select_n3A_2938 : vector<16xi32>
      %swap3A_2940 = arith.constant 16 : index
      %swap3A_2941 = tpu.vector_load %arg13[%swap3A_2940] {strides = array<i32>} : memref<64xi32, #tpu.memory_space<vmem>>, vector<16xi32>,
      tpu.vector_store %arg13[%swap3A_2940], %add3A_2939 {strides = array<i32>} : memref<64xi32, #tpu.memory_space<vmem>>, vector<16xi32>,
      %get3A_2942 = arith.constant 32 : index
      %get3A_2943 = tpu.vector_load %arg13[%get3A_2942] {strides = array<i32>} : memref<64xi32, #tpu.memory_space<vmem>>, vector<16xi32>,
      %get3A_2944 = arith.constant 5 : i32
      %get3A_2945 = arith.index_cast %get3A_2944 : i32 to index
      %get3A_2946 = arith.constant 32 : index
      %get3A_2947 = tpu.vector_load %arg12[%get3A_2945, %get3A_2946] {strides = array<i32>} : memref<16x64xi32, #tpu.memory_space<vmem>>, vector<16xi32>,
      %jit3A_2948 = arith.constant 0 : i32
      %broadcast_in_dim3A_2949 = vector.broadcast %jit3A_2948 : i32 to vector<16xi32>
      %select_n3A_2950 = arith.select %lt3A_2917, %get3A_2947, %broadcast_in_dim3A_2949 : vector<16xi1>, vector<16xi32>
      %add3A_2951 = arith.addi %get3A_2943, %select_n3A_2950 : vector<16xi32>
      %swap3A_2952 = arith.constant 32 : index
      %swap3A_2953 = tpu.vector_load %arg13[%swap3A_2952] {strides = array<i32>} : memref<64xi32, #tpu.memory_space<vmem>>, vector<16xi32>,
      tpu.vector_store %arg13[%swap3A_2952], %add3A_2951 {strides = array<i32>} : memref<64xi32, #tpu.memory_space<vmem>>, vector<16xi32>,
      %get3A_2954 = arith.constant 48 : index
      %get3A_2955 = tpu.vector_load %arg13[%get3A_2954] {strides = array<i32>} : memref<64xi32, #tpu.memory_space<vmem>>, vector<16xi32>,
      %get3A_2956 = arith.constant 5 : i32
      %get3A_2957 = arith.index_cast %get3A_2956 : i32 to index
      %get3A_2958 = arith.constant 48 : index
      %get3A_2959 = tpu.vector_load %arg12[%get3A_2957, %get3A_2958] {strides = array<i32>} : memref<16x64xi32, #tpu.memory_space<vmem>>, vector<16xi32>,
      %jit3A_2960 = arith.constant 0 : i32
      %broadcast_in_dim3A_2961 = vector.broadcast %jit3A_2960 : i32 to vector<16xi32>
      %select_n3A_2962 = arith.select %lt3A_2917, %get3A_2959, %broadcast_in_dim3A_2961 : vector<16xi1>, vector<16xi32>
      %add3A_2963 = arith.addi %get3A_2955, %select_n3A_2962 : vector<16xi32>
      %swap3A_2964 = arith.constant 48 : index
      %swap3A_2965 = tpu.vector_load %arg13[%swap3A_2964] {strides = array<i32>} : memref<64xi32, #tpu.memory_space<vmem>>, vector<16xi32>,
      tpu.vector_store %arg13[%swap3A_2964], %add3A_2963 {strides = array<i32>} : memref<64xi32, #tpu.memory_space<vmem>>, vector<16xi32>,
      %broadcast_in_dim3A_2966 = arith.constant 6 : i32
      %broadcast_in_dim3A_2967 = vector.broadcast %broadcast_in_dim3A_2966 : i32 to vector<16xi32>
      %lt3A_2968 = arith.cmpi slt, %broadcast_in_dim3A_2967, %broadcast_in_dim3A : vector<16xi32>
      %get3A_2969 = arith.constant 0 : index
      %get3A_2970 = tpu.vector_load %arg13[%get3A_2969] {strides = array<i32>} : memref<64xi32, #tpu.memory_space<vmem>>, vector<16xi32>,
      %get3A_2971 = arith.constant 6 : i32
      %get3A_2972 = arith.index_cast %get3A_2971 : i32 to index
      %get3A_2973 = arith.constant 0 : index
      %get3A_2974 = tpu.vector_load %arg12[%get3A_2972, %get3A_2973] {strides = array<i32>} : memref<16x64xi32, #tpu.memory_space<vmem>>, vector<16xi32>,
      %jit3A_2975 = arith.constant 0 : i32
      %broadcast_in_dim3A_2976 = vector.broadcast %jit3A_2975 : i32 to vector<16xi32>
      %select_n3A_2977 = arith.select %lt3A_2968, %get3A_2974, %broadcast_in_dim3A_2976 : vector<16xi1>, vector<16xi32>
      %add3A_2978 = arith.addi %get3A_2970, %select_n3A_2977 : vector<16xi32>
      %swap3A_2979 = arith.constant 0 : index
      %swap3A_2980 = tpu.vector_load %arg13[%swap3A_2979] {strides = array<i32>} : memref<64xi32, #tpu.memory_space<vmem>>, vector<16xi32>,
      tpu.vector_store %arg13[%swap3A_2979], %add3A_2978 {strides = array<i32>} : memref<64xi32, #tpu.memory_space<vmem>>, vector<16xi32>,
      %get3A_2981 = arith.constant 16 : index
      %get3A_2982 = tpu.vector_load %arg13[%get3A_2981] {strides = array<i32>} : memref<64xi32, #tpu.memory_space<vmem>>, vector<16xi32>,
      %get3A_2983 = arith.constant 6 : i32
      %get3A_2984 = arith.index_cast %get3A_2983 : i32 to index
      %get3A_2985 = arith.constant 16 : index
      %get3A_2986 = tpu.vector_load %arg12[%get3A_2984, %get3A_2985] {strides = array<i32>} : memref<16x64xi32, #tpu.memory_space<vmem>>, vector<16xi32>,
      %jit3A_2987 = arith.constant 0 : i32
      %broadcast_in_dim3A_2988 = vector.broadcast %jit3A_2987 : i32 to vector<16xi32>
      %select_n3A_2989 = arith.select %lt3A_2968, %get3A_2986, %broadcast_in_dim3A_2988 : vector<16xi1>, vector<16xi32>
      %add3A_2990 = arith.addi %get3A_2982, %select_n3A_2989 : vector<16xi32>
      %swap3A_2991 = arith.constant 16 : index
      %swap3A_2992 = tpu.vector_load %arg13[%swap3A_2991] {strides = array<i32>} : memref<64xi32, #tpu.memory_space<vmem>>, vector<16xi32>,
      tpu.vector_store %arg13[%swap3A_2991], %add3A_2990 {strides = array<i32>} : memref<64xi32, #tpu.memory_space<vmem>>, vector<16xi32>,
      %get3A_2993 = arith.constant 32 : index
      %get3A_2994 = tpu.vector_load %arg13[%get3A_2993] {strides = array<i32>} : memref<64xi32, #tpu.memory_space<vmem>>, vector<16xi32>,
      %get3A_2995 = arith.constant 6 : i32
      %get3A_2996 = arith.index_cast %get3A_2995 : i32 to index
      %get3A_2997 = arith.constant 32 : index
      %get3A_2998 = tpu.vector_load %arg12[%get3A_2996, %get3A_2997] {strides = array<i32>} : memref<16x64xi32, #tpu.memory_space<vmem>>, vector<16xi32>,
      %jit3A_2999 = arith.constant 0 : i32
      %broadcast_in_dim3A_3000 = vector.broadcast %jit3A_2999 : i32 to vector<16xi32>
      %select_n3A_3001 = arith.select %lt3A_2968, %get3A_2998, %broadcast_in_dim3A_3000 : vector<16xi1>, vector<16xi32>
      %add3A_3002 = arith.addi %get3A_2994, %select_n3A_3001 : vector<16xi32>
      %swap3A_3003 = arith.constant 32 : index
      %swap3A_3004 = tpu.vector_load %arg13[%swap3A_3003] {strides = array<i32>} : memref<64xi32, #tpu.memory_space<vmem>>, vector<16xi32>,
      tpu.vector_store %arg13[%swap3A_3003], %add3A_3002 {strides = array<i32>} : memref<64xi32, #tpu.memory_space<vmem>>, vector<16xi32>,
      %get3A_3005 = arith.constant 48 : index
      %get3A_3006 = tpu.vector_load %arg13[%get3A_3005] {strides = array<i32>} : memref<64xi32, #tpu.memory_space<vmem>>, vector<16xi32>,
      %get3A_3007 = arith.constant 6 : i32
      %get3A_3008 = arith.index_cast %get3A_3007 : i32 to index
      %get3A_3009 = arith.constant 48 : index
      %get3A_3010 = tpu.vector_load %arg12[%get3A_3008, %get3A_3009] {strides = array<i32>} : memref<16x64xi32, #tpu.memory_space<vmem>>, vector<16xi32>,
      %jit3A_3011 = arith.constant 0 : i32
      %broadcast_in_dim3A_3012 = vector.broadcast %jit3A_3011 : i32 to vector<16xi32>
      %select_n3A_3013 = arith.select %lt3A_2968, %get3A_3010, %broadcast_in_dim3A_3012 : vector<16xi1>, vector<16xi32>
      %add3A_3014 = arith.addi %get3A_3006, %select_n3A_3013 : vector<16xi32>
      %swap3A_3015 = arith.constant 48 : index
      %swap3A_3016 = tpu.vector_load %arg13[%swap3A_3015] {strides = array<i32>} : memref<64xi32, #tpu.memory_space<vmem>>, vector<16xi32>,
      tpu.vector_store %arg13[%swap3A_3015], %add3A_3014 {strides = array<i32>} : memref<64xi32, #tpu.memory_space<vmem>>, vector<16xi32>,
      %broadcast_in_dim3A_3017 = arith.constant 7 : i32
      %broadcast_in_dim3A_3018 = vector.broadcast %broadcast_in_dim3A_3017 : i32 to vector<16xi32>
      %lt3A_3019 = arith.cmpi slt, %broadcast_in_dim3A_3018, %broadcast_in_dim3A : vector<16xi32>
      %get3A_3020 = arith.constant 0 : index
      %get3A_3021 = tpu.vector_load %arg13[%get3A_3020] {strides = array<i32>} : memref<64xi32, #tpu.memory_space<vmem>>, vector<16xi32>,
      %get3A_3022 = arith.constant 7 : i32
      %get3A_3023 = arith.index_cast %get3A_3022 : i32 to index
      %get3A_3024 = arith.constant 0 : index
      %get3A_3025 = tpu.vector_load %arg12[%get3A_3023, %get3A_3024] {strides = array<i32>} : memref<16x64xi32, #tpu.memory_space<vmem>>, vector<16xi32>,
      %jit3A_3026 = arith.constant 0 : i32
      %broadcast_in_dim3A_3027 = vector.broadcast %jit3A_3026 : i32 to vector<16xi32>
      %select_n3A_3028 = arith.select %lt3A_3019, %get3A_3025, %broadcast_in_dim3A_3027 : vector<16xi1>, vector<16xi32>
      %add3A_3029 = arith.addi %get3A_3021, %select_n3A_3028 : vector<16xi32>
      %swap3A_3030 = arith.constant 0 : index
      %swap3A_3031 = tpu.vector_load %arg13[%swap3A_3030] {strides = array<i32>} : memref<64xi32, #tpu.memory_space<vmem>>, vector<16xi32>,
      tpu.vector_store %arg13[%swap3A_3030], %add3A_3029 {strides = array<i32>} : memref<64xi32, #tpu.memory_space<vmem>>, vector<16xi32>,
      %get3A_3032 = arith.constant 16 : index
      %get3A_3033 = tpu.vector_load %arg13[%get3A_3032] {strides = array<i32>} : memref<64xi32, #tpu.memory_space<vmem>>, vector<16xi32>,
      %get3A_3034 = arith.constant 7 : i32
      %get3A_3035 = arith.index_cast %get3A_3034 : i32 to index
      %get3A_3036 = arith.constant 16 : index
      %get3A_3037 = tpu.vector_load %arg12[%get3A_3035, %get3A_3036] {strides = array<i32>} : memref<16x64xi32, #tpu.memory_space<vmem>>, vector<16xi32>,
      %jit3A_3038 = arith.constant 0 : i32
      %broadcast_in_dim3A_3039 = vector.broadcast %jit3A_3038 : i32 to vector<16xi32>
      %select_n3A_3040 = arith.select %lt3A_3019, %get3A_3037, %broadcast_in_dim3A_3039 : vector<16xi1>, vector<16xi32>
      %add3A_3041 = arith.addi %get3A_3033, %select_n3A_3040 : vector<16xi32>
      %swap3A_3042 = arith.constant 16 : index
      %swap3A_3043 = tpu.vector_load %arg13[%swap3A_3042] {strides = array<i32>} : memref<64xi32, #tpu.memory_space<vmem>>, vector<16xi32>,
      tpu.vector_store %arg13[%swap3A_3042], %add3A_3041 {strides = array<i32>} : memref<64xi32, #tpu.memory_space<vmem>>, vector<16xi32>,
      %get3A_3044 = arith.constant 32 : index
      %get3A_3045 = tpu.vector_load %arg13[%get3A_3044] {strides = array<i32>} : memref<64xi32, #tpu.memory_space<vmem>>, vector<16xi32>,
      %get3A_3046 = arith.constant 7 : i32
      %get3A_3047 = arith.index_cast %get3A_3046 : i32 to index
      %get3A_3048 = arith.constant 32 : index
      %get3A_3049 = tpu.vector_load %arg12[%get3A_3047, %get3A_3048] {strides = array<i32>} : memref<16x64xi32, #tpu.memory_space<vmem>>, vector<16xi32>,
      %jit3A_3050 = arith.constant 0 : i32
      %broadcast_in_dim3A_3051 = vector.broadcast %jit3A_3050 : i32 to vector<16xi32>
      %select_n3A_3052 = arith.select %lt3A_3019, %get3A_3049, %broadcast_in_dim3A_3051 : vector<16xi1>, vector<16xi32>
      %add3A_3053 = arith.addi %get3A_3045, %select_n3A_3052 : vector<16xi32>
      %swap3A_3054 = arith.constant 32 : index
      %swap3A_3055 = tpu.vector_load %arg13[%swap3A_3054] {strides = array<i32>} : memref<64xi32, #tpu.memory_space<vmem>>, vector<16xi32>,
      tpu.vector_store %arg13[%swap3A_3054], %add3A_3053 {strides = array<i32>} : memref<64xi32, #tpu.memory_space<vmem>>, vector<16xi32>,
      %get3A_3056 = arith.constant 48 : index
      %get3A_3057 = tpu.vector_load %arg13[%get3A_3056] {strides = array<i32>} : memref<64xi32, #tpu.memory_space<vmem>>, vector<16xi32>,
      %get3A_3058 = arith.constant 7 : i32
      %get3A_3059 = arith.index_cast %get3A_3058 : i32 to index
      %get3A_3060 = arith.constant 48 : index
      %get3A_3061 = tpu.vector_load %arg12[%get3A_3059, %get3A_3060] {strides = array<i32>} : memref<16x64xi32, #tpu.memory_space<vmem>>, vector<16xi32>,
      %jit3A_3062 = arith.constant 0 : i32
      %broadcast_in_dim3A_3063 = vector.broadcast %jit3A_3062 : i32 to vector<16xi32>
      %select_n3A_3064 = arith.select %lt3A_3019, %get3A_3061, %broadcast_in_dim3A_3063 : vector<16xi1>, vector<16xi32>
      %add3A_3065 = arith.addi %get3A_3057, %select_n3A_3064 : vector<16xi32>
      %swap3A_3066 = arith.constant 48 : index
      %swap3A_3067 = tpu.vector_load %arg13[%swap3A_3066] {strides = array<i32>} : memref<64xi32, #tpu.memory_space<vmem>>, vector<16xi32>,
      tpu.vector_store %arg13[%swap3A_3066], %add3A_3065 {strides = array<i32>} : memref<64xi32, #tpu.memory_space<vmem>>, vector<16xi32>,
      %broadcast_in_dim3A_3068 = arith.constant 8 : i32
      %broadcast_in_dim3A_3069 = vector.broadcast %broadcast_in_dim3A_3068 : i32 to vector<16xi32>
      %lt3A_3070 = arith.cmpi slt, %broadcast_in_dim3A_3069, %broadcast_in_dim3A : vector<16xi32>
      %get3A_3071 = arith.constant 0 : index
      %get3A_3072 = tpu.vector_load %arg13[%get3A_3071] {strides = array<i32>} : memref<64xi32, #tpu.memory_space<vmem>>, vector<16xi32>,
      %get3A_3073 = arith.constant 8 : i32
      %get3A_3074 = arith.index_cast %get3A_3073 : i32 to index
      %get3A_3075 = arith.constant 0 : index
      %get3A_3076 = tpu.vector_load %arg12[%get3A_3074, %get3A_3075] {strides = array<i32>} : memref<16x64xi32, #tpu.memory_space<vmem>>, vector<16xi32>,
      %jit3A_3077 = arith.constant 0 : i32
      %broadcast_in_dim3A_3078 = vector.broadcast %jit3A_3077 : i32 to vector<16xi32>
      %select_n3A_3079 = arith.select %lt3A_3070, %get3A_3076, %broadcast_in_dim3A_3078 : vector<16xi1>, vector<16xi32>
      %add3A_3080 = arith.addi %get3A_3072, %select_n3A_3079 : vector<16xi32>
      %swap3A_3081 = arith.constant 0 : index
      %swap3A_3082 = tpu.vector_load %arg13[%swap3A_3081] {strides = array<i32>} : memref<64xi32, #tpu.memory_space<vmem>>, vector<16xi32>,
      tpu.vector_store %arg13[%swap3A_3081], %add3A_3080 {strides = array<i32>} : memref<64xi32, #tpu.memory_space<vmem>>, vector<16xi32>,
      %get3A_3083 = arith.constant 16 : index
      %get3A_3084 = tpu.vector_load %arg13[%get3A_3083] {strides = array<i32>} : memref<64xi32, #tpu.memory_space<vmem>>, vector<16xi32>,
      %get3A_3085 = arith.constant 8 : i32
      %get3A_3086 = arith.index_cast %get3A_3085 : i32 to index
      %get3A_3087 = arith.constant 16 : index
      %get3A_3088 = tpu.vector_load %arg12[%get3A_3086, %get3A_3087] {strides = array<i32>} : memref<16x64xi32, #tpu.memory_space<vmem>>, vector<16xi32>,
      %jit3A_3089 = arith.constant 0 : i32
      %broadcast_in_dim3A_3090 = vector.broadcast %jit3A_3089 : i32 to vector<16xi32>
      %select_n3A_3091 = arith.select %lt3A_3070, %get3A_3088, %broadcast_in_dim3A_3090 : vector<16xi1>, vector<16xi32>
      %add3A_3092 = arith.addi %get3A_3084, %select_n3A_3091 : vector<16xi32>
      %swap3A_3093 = arith.constant 16 : index
      %swap3A_3094 = tpu.vector_load %arg13[%swap3A_3093] {strides = array<i32>} : memref<64xi32, #tpu.memory_space<vmem>>, vector<16xi32>,
      tpu.vector_store %arg13[%swap3A_3093], %add3A_3092 {strides = array<i32>} : memref<64xi32, #tpu.memory_space<vmem>>, vector<16xi32>,
      %get3A_3095 = arith.constant 32 : index
      %get3A_3096 = tpu.vector_load %arg13[%get3A_3095] {strides = array<i32>} : memref<64xi32, #tpu.memory_space<vmem>>, vector<16xi32>,
      %get3A_3097 = arith.constant 8 : i32
      %get3A_3098 = arith.index_cast %get3A_3097 : i32 to index
      %get3A_3099 = arith.constant 32 : index
      %get3A_3100 = tpu.vector_load %arg12[%get3A_3098, %get3A_3099] {strides = array<i32>} : memref<16x64xi32, #tpu.memory_space<vmem>>, vector<16xi32>,
      %jit3A_3101 = arith.constant 0 : i32
      %broadcast_in_dim3A_3102 = vector.broadcast %jit3A_3101 : i32 to vector<16xi32>
      %select_n3A_3103 = arith.select %lt3A_3070, %get3A_3100, %broadcast_in_dim3A_3102 : vector<16xi1>, vector<16xi32>
      %add3A_3104 = arith.addi %get3A_3096, %select_n3A_3103 : vector<16xi32>
      %swap3A_3105 = arith.constant 32 : index
      %swap3A_3106 = tpu.vector_load %arg13[%swap3A_3105] {strides = array<i32>} : memref<64xi32, #tpu.memory_space<vmem>>, vector<16xi32>,
      tpu.vector_store %arg13[%swap3A_3105], %add3A_3104 {strides = array<i32>} : memref<64xi32, #tpu.memory_space<vmem>>, vector<16xi32>,
      %get3A_3107 = arith.constant 48 : index
      %get3A_3108 = tpu.vector_load %arg13[%get3A_3107] {strides = array<i32>} : memref<64xi32, #tpu.memory_space<vmem>>, vector<16xi32>,
      %get3A_3109 = arith.constant 8 : i32
      %get3A_3110 = arith.index_cast %get3A_3109 : i32 to index
      %get3A_3111 = arith.constant 48 : index
      %get3A_3112 = tpu.vector_load %arg12[%get3A_3110, %get3A_3111] {strides = array<i32>} : memref<16x64xi32, #tpu.memory_space<vmem>>, vector<16xi32>,
      %jit3A_3113 = arith.constant 0 : i32
      %broadcast_in_dim3A_3114 = vector.broadcast %jit3A_3113 : i32 to vector<16xi32>
      %select_n3A_3115 = arith.select %lt3A_3070, %get3A_3112, %broadcast_in_dim3A_3114 : vector<16xi1>, vector<16xi32>
      %add3A_3116 = arith.addi %get3A_3108, %select_n3A_3115 : vector<16xi32>
      %swap3A_3117 = arith.constant 48 : index
      %swap3A_3118 = tpu.vector_load %arg13[%swap3A_3117] {strides = array<i32>} : memref<64xi32, #tpu.memory_space<vmem>>, vector<16xi32>,
      tpu.vector_store %arg13[%swap3A_3117], %add3A_3116 {strides = array<i32>} : memref<64xi32, #tpu.memory_space<vmem>>, vector<16xi32>,
      %broadcast_in_dim3A_3119 = arith.constant 9 : i32
      %broadcast_in_dim3A_3120 = vector.broadcast %broadcast_in_dim3A_3119 : i32 to vector<16xi32>
      %lt3A_3121 = arith.cmpi slt, %broadcast_in_dim3A_3120, %broadcast_in_dim3A : vector<16xi32>
      %get3A_3122 = arith.constant 0 : index
      %get3A_3123 = tpu.vector_load %arg13[%get3A_3122] {strides = array<i32>} : memref<64xi32, #tpu.memory_space<vmem>>, vector<16xi32>,
      %get3A_3124 = arith.constant 9 : i32
      %get3A_3125 = arith.index_cast %get3A_3124 : i32 to index
      %get3A_3126 = arith.constant 0 : index
      %get3A_3127 = tpu.vector_load %arg12[%get3A_3125, %get3A_3126] {strides = array<i32>} : memref<16x64xi32, #tpu.memory_space<vmem>>, vector<16xi32>,
      %jit3A_3128 = arith.constant 0 : i32
      %broadcast_in_dim3A_3129 = vector.broadcast %jit3A_3128 : i32 to vector<16xi32>
      %select_n3A_3130 = arith.select %lt3A_3121, %get3A_3127, %broadcast_in_dim3A_3129 : vector<16xi1>, vector<16xi32>
      %add3A_3131 = arith.addi %get3A_3123, %select_n3A_3130 : vector<16xi32>
      %swap3A_3132 = arith.constant 0 : index
      %swap3A_3133 = tpu.vector_load %arg13[%swap3A_3132] {strides = array<i32>} : memref<64xi32, #tpu.memory_space<vmem>>, vector<16xi32>,
      tpu.vector_store %arg13[%swap3A_3132], %add3A_3131 {strides = array<i32>} : memref<64xi32, #tpu.memory_space<vmem>>, vector<16xi32>,
      %get3A_3134 = arith.constant 16 : index
      %get3A_3135 = tpu.vector_load %arg13[%get3A_3134] {strides = array<i32>} : memref<64xi32, #tpu.memory_space<vmem>>, vector<16xi32>,
      %get3A_3136 = arith.constant 9 : i32
      %get3A_3137 = arith.index_cast %get3A_3136 : i32 to index
      %get3A_3138 = arith.constant 16 : index
      %get3A_3139 = tpu.vector_load %arg12[%get3A_3137, %get3A_3138] {strides = array<i32>} : memref<16x64xi32, #tpu.memory_space<vmem>>, vector<16xi32>,
      %jit3A_3140 = arith.constant 0 : i32
      %broadcast_in_dim3A_3141 = vector.broadcast %jit3A_3140 : i32 to vector<16xi32>
      %select_n3A_3142 = arith.select %lt3A_3121, %get3A_3139, %broadcast_in_dim3A_3141 : vector<16xi1>, vector<16xi32>
      %add3A_3143 = arith.addi %get3A_3135, %select_n3A_3142 : vector<16xi32>
      %swap3A_3144 = arith.constant 16 : index
      %swap3A_3145 = tpu.vector_load %arg13[%swap3A_3144] {strides = array<i32>} : memref<64xi32, #tpu.memory_space<vmem>>, vector<16xi32>,
      tpu.vector_store %arg13[%swap3A_3144], %add3A_3143 {strides = array<i32>} : memref<64xi32, #tpu.memory_space<vmem>>, vector<16xi32>,
      %get3A_3146 = arith.constant 32 : index
      %get3A_3147 = tpu.vector_load %arg13[%get3A_3146] {strides = array<i32>} : memref<64xi32, #tpu.memory_space<vmem>>, vector<16xi32>,
      %get3A_3148 = arith.constant 9 : i32
      %get3A_3149 = arith.index_cast %get3A_3148 : i32 to index
      %get3A_3150 = arith.constant 32 : index
      %get3A_3151 = tpu.vector_load %arg12[%get3A_3149, %get3A_3150] {strides = array<i32>} : memref<16x64xi32, #tpu.memory_space<vmem>>, vector<16xi32>,
      %jit3A_3152 = arith.constant 0 : i32
      %broadcast_in_dim3A_3153 = vector.broadcast %jit3A_3152 : i32 to vector<16xi32>
      %select_n3A_3154 = arith.select %lt3A_3121, %get3A_3151, %broadcast_in_dim3A_3153 : vector<16xi1>, vector<16xi32>
      %add3A_3155 = arith.addi %get3A_3147, %select_n3A_3154 : vector<16xi32>
      %swap3A_3156 = arith.constant 32 : index
      %swap3A_3157 = tpu.vector_load %arg13[%swap3A_3156] {strides = array<i32>} : memref<64xi32, #tpu.memory_space<vmem>>, vector<16xi32>,
      tpu.vector_store %arg13[%swap3A_3156], %add3A_3155 {strides = array<i32>} : memref<64xi32, #tpu.memory_space<vmem>>, vector<16xi32>,
      %get3A_3158 = arith.constant 48 : index
      %get3A_3159 = tpu.vector_load %arg13[%get3A_3158] {strides = array<i32>} : memref<64xi32, #tpu.memory_space<vmem>>, vector<16xi32>,
      %get3A_3160 = arith.constant 9 : i32
      %get3A_3161 = arith.index_cast %get3A_3160 : i32 to index
      %get3A_3162 = arith.constant 48 : index
      %get3A_3163 = tpu.vector_load %arg12[%get3A_3161, %get3A_3162] {strides = array<i32>} : memref<16x64xi32, #tpu.memory_space<vmem>>, vector<16xi32>,
      %jit3A_3164 = arith.constant 0 : i32
      %broadcast_in_dim3A_3165 = vector.broadcast %jit3A_3164 : i32 to vector<16xi32>
      %select_n3A_3166 = arith.select %lt3A_3121, %get3A_3163, %broadcast_in_dim3A_3165 : vector<16xi1>, vector<16xi32>
      %add3A_3167 = arith.addi %get3A_3159, %select_n3A_3166 : vector<16xi32>
      %swap3A_3168 = arith.constant 48 : index
      %swap3A_3169 = tpu.vector_load %arg13[%swap3A_3168] {strides = array<i32>} : memref<64xi32, #tpu.memory_space<vmem>>, vector<16xi32>,
      tpu.vector_store %arg13[%swap3A_3168], %add3A_3167 {strides = array<i32>} : memref<64xi32, #tpu.memory_space<vmem>>, vector<16xi32>,
      %broadcast_in_dim3A_3170 = arith.constant 10 : i32
      %broadcast_in_dim3A_3171 = vector.broadcast %broadcast_in_dim3A_3170 : i32 to vector<16xi32>
      %lt3A_3172 = arith.cmpi slt, %broadcast_in_dim3A_3171, %broadcast_in_dim3A : vector<16xi32>
      %get3A_3173 = arith.constant 0 : index
      %get3A_3174 = tpu.vector_load %arg13[%get3A_3173] {strides = array<i32>} : memref<64xi32, #tpu.memory_space<vmem>>, vector<16xi32>,
      %get3A_3175 = arith.constant 10 : i32
      %get3A_3176 = arith.index_cast %get3A_3175 : i32 to index
      %get3A_3177 = arith.constant 0 : index
      %get3A_3178 = tpu.vector_load %arg12[%get3A_3176, %get3A_3177] {strides = array<i32>} : memref<16x64xi32, #tpu.memory_space<vmem>>, vector<16xi32>,
      %jit3A_3179 = arith.constant 0 : i32
      %broadcast_in_dim3A_3180 = vector.broadcast %jit3A_3179 : i32 to vector<16xi32>
      %select_n3A_3181 = arith.select %lt3A_3172, %get3A_3178, %broadcast_in_dim3A_3180 : vector<16xi1>, vector<16xi32>
      %add3A_3182 = arith.addi %get3A_3174, %select_n3A_3181 : vector<16xi32>
      %swap3A_3183 = arith.constant 0 : index
      %swap3A_3184 = tpu.vector_load %arg13[%swap3A_3183] {strides = array<i32>} : memref<64xi32, #tpu.memory_space<vmem>>, vector<16xi32>,
      tpu.vector_store %arg13[%swap3A_3183], %add3A_3182 {strides = array<i32>} : memref<64xi32, #tpu.memory_space<vmem>>, vector<16xi32>,
      %get3A_3185 = arith.constant 16 : index
      %get3A_3186 = tpu.vector_load %arg13[%get3A_3185] {strides = array<i32>} : memref<64xi32, #tpu.memory_space<vmem>>, vector<16xi32>,
      %get3A_3187 = arith.constant 10 : i32
      %get3A_3188 = arith.index_cast %get3A_3187 : i32 to index
      %get3A_3189 = arith.constant 16 : index
      %get3A_3190 = tpu.vector_load %arg12[%get3A_3188, %get3A_3189] {strides = array<i32>} : memref<16x64xi32, #tpu.memory_space<vmem>>, vector<16xi32>,
      %jit3A_3191 = arith.constant 0 : i32
      %broadcast_in_dim3A_3192 = vector.broadcast %jit3A_3191 : i32 to vector<16xi32>
      %select_n3A_3193 = arith.select %lt3A_3172, %get3A_3190, %broadcast_in_dim3A_3192 : vector<16xi1>, vector<16xi32>
      %add3A_3194 = arith.addi %get3A_3186, %select_n3A_3193 : vector<16xi32>
      %swap3A_3195 = arith.constant 16 : index
      %swap3A_3196 = tpu.vector_load %arg13[%swap3A_3195] {strides = array<i32>} : memref<64xi32, #tpu.memory_space<vmem>>, vector<16xi32>,
      tpu.vector_store %arg13[%swap3A_3195], %add3A_3194 {strides = array<i32>} : memref<64xi32, #tpu.memory_space<vmem>>, vector<16xi32>,
      %get3A_3197 = arith.constant 32 : index
      %get3A_3198 = tpu.vector_load %arg13[%get3A_3197] {strides = array<i32>} : memref<64xi32, #tpu.memory_space<vmem>>, vector<16xi32>,
      %get3A_3199 = arith.constant 10 : i32
      %get3A_3200 = arith.index_cast %get3A_3199 : i32 to index
      %get3A_3201 = arith.constant 32 : index
      %get3A_3202 = tpu.vector_load %arg12[%get3A_3200, %get3A_3201] {strides = array<i32>} : memref<16x64xi32, #tpu.memory_space<vmem>>, vector<16xi32>,
      %jit3A_3203 = arith.constant 0 : i32
      %broadcast_in_dim3A_3204 = vector.broadcast %jit3A_3203 : i32 to vector<16xi32>
      %select_n3A_3205 = arith.select %lt3A_3172, %get3A_3202, %broadcast_in_dim3A_3204 : vector<16xi1>, vector<16xi32>
      %add3A_3206 = arith.addi %get3A_3198, %select_n3A_3205 : vector<16xi32>
      %swap3A_3207 = arith.constant 32 : index
      %swap3A_3208 = tpu.vector_load %arg13[%swap3A_3207] {strides = array<i32>} : memref<64xi32, #tpu.memory_space<vmem>>, vector<16xi32>,
      tpu.vector_store %arg13[%swap3A_3207], %add3A_3206 {strides = array<i32>} : memref<64xi32, #tpu.memory_space<vmem>>, vector<16xi32>,
      %get3A_3209 = arith.constant 48 : index
      %get3A_3210 = tpu.vector_load %arg13[%get3A_3209] {strides = array<i32>} : memref<64xi32, #tpu.memory_space<vmem>>, vector<16xi32>,
      %get3A_3211 = arith.constant 10 : i32
      %get3A_3212 = arith.index_cast %get3A_3211 : i32 to index
      %get3A_3213 = arith.constant 48 : index
      %get3A_3214 = tpu.vector_load %arg12[%get3A_3212, %get3A_3213] {strides = array<i32>} : memref<16x64xi32, #tpu.memory_space<vmem>>, vector<16xi32>,
      %jit3A_3215 = arith.constant 0 : i32
      %broadcast_in_dim3A_3216 = vector.broadcast %jit3A_3215 : i32 to vector<16xi32>
      %select_n3A_3217 = arith.select %lt3A_3172, %get3A_3214, %broadcast_in_dim3A_3216 : vector<16xi1>, vector<16xi32>
      %add3A_3218 = arith.addi %get3A_3210, %select_n3A_3217 : vector<16xi32>
      %swap3A_3219 = arith.constant 48 : index
      %swap3A_3220 = tpu.vector_load %arg13[%swap3A_3219] {strides = array<i32>} : memref<64xi32, #tpu.memory_space<vmem>>, vector<16xi32>,
      tpu.vector_store %arg13[%swap3A_3219], %add3A_3218 {strides = array<i32>} : memref<64xi32, #tpu.memory_space<vmem>>, vector<16xi32>,
      %broadcast_in_dim3A_3221 = arith.constant 11 : i32
      %broadcast_in_dim3A_3222 = vector.broadcast %broadcast_in_dim3A_3221 : i32 to vector<16xi32>
      %lt3A_3223 = arith.cmpi slt, %broadcast_in_dim3A_3222, %broadcast_in_dim3A : vector<16xi32>
      %get3A_3224 = arith.constant 0 : index
      %get3A_3225 = tpu.vector_load %arg13[%get3A_3224] {strides = array<i32>} : memref<64xi32, #tpu.memory_space<vmem>>, vector<16xi32>,
      %get3A_3226 = arith.constant 11 : i32
      %get3A_3227 = arith.index_cast %get3A_3226 : i32 to index
      %get3A_3228 = arith.constant 0 : index
      %get3A_3229 = tpu.vector_load %arg12[%get3A_3227, %get3A_3228] {strides = array<i32>} : memref<16x64xi32, #tpu.memory_space<vmem>>, vector<16xi32>,
      %jit3A_3230 = arith.constant 0 : i32
      %broadcast_in_dim3A_3231 = vector.broadcast %jit3A_3230 : i32 to vector<16xi32>
      %select_n3A_3232 = arith.select %lt3A_3223, %get3A_3229, %broadcast_in_dim3A_3231 : vector<16xi1>, vector<16xi32>
      %add3A_3233 = arith.addi %get3A_3225, %select_n3A_3232 : vector<16xi32>
      %swap3A_3234 = arith.constant 0 : index
      %swap3A_3235 = tpu.vector_load %arg13[%swap3A_3234] {strides = array<i32>} : memref<64xi32, #tpu.memory_space<vmem>>, vector<16xi32>,
      tpu.vector_store %arg13[%swap3A_3234], %add3A_3233 {strides = array<i32>} : memref<64xi32, #tpu.memory_space<vmem>>, vector<16xi32>,
      %get3A_3236 = arith.constant 16 : index
      %get3A_3237 = tpu.vector_load %arg13[%get3A_3236] {strides = array<i32>} : memref<64xi32, #tpu.memory_space<vmem>>, vector<16xi32>,
      %get3A_3238 = arith.constant 11 : i32
      %get3A_3239 = arith.index_cast %get3A_3238 : i32 to index
      %get3A_3240 = arith.constant 16 : index
      %get3A_3241 = tpu.vector_load %arg12[%get3A_3239, %get3A_3240] {strides = array<i32>} : memref<16x64xi32, #tpu.memory_space<vmem>>, vector<16xi32>,
      %jit3A_3242 = arith.constant 0 : i32
      %broadcast_in_dim3A_3243 = vector.broadcast %jit3A_3242 : i32 to vector<16xi32>
      %select_n3A_3244 = arith.select %lt3A_3223, %get3A_3241, %broadcast_in_dim3A_3243 : vector<16xi1>, vector<16xi32>
      %add3A_3245 = arith.addi %get3A_3237, %select_n3A_3244 : vector<16xi32>
      %swap3A_3246 = arith.constant 16 : index
      %swap3A_3247 = tpu.vector_load %arg13[%swap3A_3246] {strides = array<i32>} : memref<64xi32, #tpu.memory_space<vmem>>, vector<16xi32>,
      tpu.vector_store %arg13[%swap3A_3246], %add3A_3245 {strides = array<i32>} : memref<64xi32, #tpu.memory_space<vmem>>, vector<16xi32>,
      %get3A_3248 = arith.constant 32 : index
      %get3A_3249 = tpu.vector_load %arg13[%get3A_3248] {strides = array<i32>} : memref<64xi32, #tpu.memory_space<vmem>>, vector<16xi32>,
      %get3A_3250 = arith.constant 11 : i32
      %get3A_3251 = arith.index_cast %get3A_3250 : i32 to index
      %get3A_3252 = arith.constant 32 : index
      %get3A_3253 = tpu.vector_load %arg12[%get3A_3251, %get3A_3252] {strides = array<i32>} : memref<16x64xi32, #tpu.memory_space<vmem>>, vector<16xi32>,
      %jit3A_3254 = arith.constant 0 : i32
      %broadcast_in_dim3A_3255 = vector.broadcast %jit3A_3254 : i32 to vector<16xi32>
      %select_n3A_3256 = arith.select %lt3A_3223, %get3A_3253, %broadcast_in_dim3A_3255 : vector<16xi1>, vector<16xi32>
      %add3A_3257 = arith.addi %get3A_3249, %select_n3A_3256 : vector<16xi32>
      %swap3A_3258 = arith.constant 32 : index
      %swap3A_3259 = tpu.vector_load %arg13[%swap3A_3258] {strides = array<i32>} : memref<64xi32, #tpu.memory_space<vmem>>, vector<16xi32>,
      tpu.vector_store %arg13[%swap3A_3258], %add3A_3257 {strides = array<i32>} : memref<64xi32, #tpu.memory_space<vmem>>, vector<16xi32>,
      %get3A_3260 = arith.constant 48 : index
      %get3A_3261 = tpu.vector_load %arg13[%get3A_3260] {strides = array<i32>} : memref<64xi32, #tpu.memory_space<vmem>>, vector<16xi32>,
      %get3A_3262 = arith.constant 11 : i32
      %get3A_3263 = arith.index_cast %get3A_3262 : i32 to index
      %get3A_3264 = arith.constant 48 : index
      %get3A_3265 = tpu.vector_load %arg12[%get3A_3263, %get3A_3264] {strides = array<i32>} : memref<16x64xi32, #tpu.memory_space<vmem>>, vector<16xi32>,
      %jit3A_3266 = arith.constant 0 : i32
      %broadcast_in_dim3A_3267 = vector.broadcast %jit3A_3266 : i32 to vector<16xi32>
      %select_n3A_3268 = arith.select %lt3A_3223, %get3A_3265, %broadcast_in_dim3A_3267 : vector<16xi1>, vector<16xi32>
      %add3A_3269 = arith.addi %get3A_3261, %select_n3A_3268 : vector<16xi32>
      %swap3A_3270 = arith.constant 48 : index
      %swap3A_3271 = tpu.vector_load %arg13[%swap3A_3270] {strides = array<i32>} : memref<64xi32, #tpu.memory_space<vmem>>, vector<16xi32>,
      tpu.vector_store %arg13[%swap3A_3270], %add3A_3269 {strides = array<i32>} : memref<64xi32, #tpu.memory_space<vmem>>, vector<16xi32>,
      %broadcast_in_dim3A_3272 = arith.constant 12 : i32
      %broadcast_in_dim3A_3273 = vector.broadcast %broadcast_in_dim3A_3272 : i32 to vector<16xi32>
      %lt3A_3274 = arith.cmpi slt, %broadcast_in_dim3A_3273, %broadcast_in_dim3A : vector<16xi32>
      %get3A_3275 = arith.constant 0 : index
      %get3A_3276 = tpu.vector_load %arg13[%get3A_3275] {strides = array<i32>} : memref<64xi32, #tpu.memory_space<vmem>>, vector<16xi32>,
      %get3A_3277 = arith.constant 12 : i32
      %get3A_3278 = arith.index_cast %get3A_3277 : i32 to index
      %get3A_3279 = arith.constant 0 : index
      %get3A_3280 = tpu.vector_load %arg12[%get3A_3278, %get3A_3279] {strides = array<i32>} : memref<16x64xi32, #tpu.memory_space<vmem>>, vector<16xi32>,
      %jit3A_3281 = arith.constant 0 : i32
      %broadcast_in_dim3A_3282 = vector.broadcast %jit3A_3281 : i32 to vector<16xi32>
      %select_n3A_3283 = arith.select %lt3A_3274, %get3A_3280, %broadcast_in_dim3A_3282 : vector<16xi1>, vector<16xi32>
      %add3A_3284 = arith.addi %get3A_3276, %select_n3A_3283 : vector<16xi32>
      %swap3A_3285 = arith.constant 0 : index
      %swap3A_3286 = tpu.vector_load %arg13[%swap3A_3285] {strides = array<i32>} : memref<64xi32, #tpu.memory_space<vmem>>, vector<16xi32>,
      tpu.vector_store %arg13[%swap3A_3285], %add3A_3284 {strides = array<i32>} : memref<64xi32, #tpu.memory_space<vmem>>, vector<16xi32>,
      %get3A_3287 = arith.constant 16 : index
      %get3A_3288 = tpu.vector_load %arg13[%get3A_3287] {strides = array<i32>} : memref<64xi32, #tpu.memory_space<vmem>>, vector<16xi32>,
      %get3A_3289 = arith.constant 12 : i32
      %get3A_3290 = arith.index_cast %get3A_3289 : i32 to index
      %get3A_3291 = arith.constant 16 : index
      %get3A_3292 = tpu.vector_load %arg12[%get3A_3290, %get3A_3291] {strides = array<i32>} : memref<16x64xi32, #tpu.memory_space<vmem>>, vector<16xi32>,
      %jit3A_3293 = arith.constant 0 : i32
      %broadcast_in_dim3A_3294 = vector.broadcast %jit3A_3293 : i32 to vector<16xi32>
      %select_n3A_3295 = arith.select %lt3A_3274, %get3A_3292, %broadcast_in_dim3A_3294 : vector<16xi1>, vector<16xi32>
      %add3A_3296 = arith.addi %get3A_3288, %select_n3A_3295 : vector<16xi32>
      %swap3A_3297 = arith.constant 16 : index
      %swap3A_3298 = tpu.vector_load %arg13[%swap3A_3297] {strides = array<i32>} : memref<64xi32, #tpu.memory_space<vmem>>, vector<16xi32>,
      tpu.vector_store %arg13[%swap3A_3297], %add3A_3296 {strides = array<i32>} : memref<64xi32, #tpu.memory_space<vmem>>, vector<16xi32>,
      %get3A_3299 = arith.constant 32 : index
      %get3A_3300 = tpu.vector_load %arg13[%get3A_3299] {strides = array<i32>} : memref<64xi32, #tpu.memory_space<vmem>>, vector<16xi32>,
      %get3A_3301 = arith.constant 12 : i32
      %get3A_3302 = arith.index_cast %get3A_3301 : i32 to index
      %get3A_3303 = arith.constant 32 : index
      %get3A_3304 = tpu.vector_load %arg12[%get3A_3302, %get3A_3303] {strides = array<i32>} : memref<16x64xi32, #tpu.memory_space<vmem>>, vector<16xi32>,
      %jit3A_3305 = arith.constant 0 : i32
      %broadcast_in_dim3A_3306 = vector.broadcast %jit3A_3305 : i32 to vector<16xi32>
      %select_n3A_3307 = arith.select %lt3A_3274, %get3A_3304, %broadcast_in_dim3A_3306 : vector<16xi1>, vector<16xi32>
      %add3A_3308 = arith.addi %get3A_3300, %select_n3A_3307 : vector<16xi32>
      %swap3A_3309 = arith.constant 32 : index
      %swap3A_3310 = tpu.vector_load %arg13[%swap3A_3309] {strides = array<i32>} : memref<64xi32, #tpu.memory_space<vmem>>, vector<16xi32>,
      tpu.vector_store %arg13[%swap3A_3309], %add3A_3308 {strides = array<i32>} : memref<64xi32, #tpu.memory_space<vmem>>, vector<16xi32>,
      %get3A_3311 = arith.constant 48 : index
      %get3A_3312 = tpu.vector_load %arg13[%get3A_3311] {strides = array<i32>} : memref<64xi32, #tpu.memory_space<vmem>>, vector<16xi32>,
      %get3A_3313 = arith.constant 12 : i32
      %get3A_3314 = arith.index_cast %get3A_3313 : i32 to index
      %get3A_3315 = arith.constant 48 : index
      %get3A_3316 = tpu.vector_load %arg12[%get3A_3314, %get3A_3315] {strides = array<i32>} : memref<16x64xi32, #tpu.memory_space<vmem>>, vector<16xi32>,
      %jit3A_3317 = arith.constant 0 : i32
      %broadcast_in_dim3A_3318 = vector.broadcast %jit3A_3317 : i32 to vector<16xi32>
      %select_n3A_3319 = arith.select %lt3A_3274, %get3A_3316, %broadcast_in_dim3A_3318 : vector<16xi1>, vector<16xi32>
      %add3A_3320 = arith.addi %get3A_3312, %select_n3A_3319 : vector<16xi32>
      %swap3A_3321 = arith.constant 48 : index
      %swap3A_3322 = tpu.vector_load %arg13[%swap3A_3321] {strides = array<i32>} : memref<64xi32, #tpu.memory_space<vmem>>, vector<16xi32>,
      tpu.vector_store %arg13[%swap3A_3321], %add3A_3320 {strides = array<i32>} : memref<64xi32, #tpu.memory_space<vmem>>, vector<16xi32>,
      %broadcast_in_dim3A_3323 = arith.constant 13 : i32
      %broadcast_in_dim3A_3324 = vector.broadcast %broadcast_in_dim3A_3323 : i32 to vector<16xi32>
      %lt3A_3325 = arith.cmpi slt, %broadcast_in_dim3A_3324, %broadcast_in_dim3A : vector<16xi32>
      %get3A_3326 = arith.constant 0 : index
      %get3A_3327 = tpu.vector_load %arg13[%get3A_3326] {strides = array<i32>} : memref<64xi32, #tpu.memory_space<vmem>>, vector<16xi32>,
      %get3A_3328 = arith.constant 13 : i32
      %get3A_3329 = arith.index_cast %get3A_3328 : i32 to index
      %get3A_3330 = arith.constant 0 : index
      %get3A_3331 = tpu.vector_load %arg12[%get3A_3329, %get3A_3330] {strides = array<i32>} : memref<16x64xi32, #tpu.memory_space<vmem>>, vector<16xi32>,
      %jit3A_3332 = arith.constant 0 : i32
      %broadcast_in_dim3A_3333 = vector.broadcast %jit3A_3332 : i32 to vector<16xi32>
      %select_n3A_3334 = arith.select %lt3A_3325, %get3A_3331, %broadcast_in_dim3A_3333 : vector<16xi1>, vector<16xi32>
      %add3A_3335 = arith.addi %get3A_3327, %select_n3A_3334 : vector<16xi32>
      %swap3A_3336 = arith.constant 0 : index
      %swap3A_3337 = tpu.vector_load %arg13[%swap3A_3336] {strides = array<i32>} : memref<64xi32, #tpu.memory_space<vmem>>, vector<16xi32>,
      tpu.vector_store %arg13[%swap3A_3336], %add3A_3335 {strides = array<i32>} : memref<64xi32, #tpu.memory_space<vmem>>, vector<16xi32>,
      %get3A_3338 = arith.constant 16 : index
      %get3A_3339 = tpu.vector_load %arg13[%get3A_3338] {strides = array<i32>} : memref<64xi32, #tpu.memory_space<vmem>>, vector<16xi32>,
      %get3A_3340 = arith.constant 13 : i32
      %get3A_3341 = arith.index_cast %get3A_3340 : i32 to index
      %get3A_3342 = arith.constant 16 : index
      %get3A_3343 = tpu.vector_load %arg12[%get3A_3341, %get3A_3342] {strides = array<i32>} : memref<16x64xi32, #tpu.memory_space<vmem>>, vector<16xi32>,
      %jit3A_3344 = arith.constant 0 : i32
      %broadcast_in_dim3A_3345 = vector.broadcast %jit3A_3344 : i32 to vector<16xi32>
      %select_n3A_3346 = arith.select %lt3A_3325, %get3A_3343, %broadcast_in_dim3A_3345 : vector<16xi1>, vector<16xi32>
      %add3A_3347 = arith.addi %get3A_3339, %select_n3A_3346 : vector<16xi32>
      %swap3A_3348 = arith.constant 16 : index
      %swap3A_3349 = tpu.vector_load %arg13[%swap3A_3348] {strides = array<i32>} : memref<64xi32, #tpu.memory_space<vmem>>, vector<16xi32>,
      tpu.vector_store %arg13[%swap3A_3348], %add3A_3347 {strides = array<i32>} : memref<64xi32, #tpu.memory_space<vmem>>, vector<16xi32>,
      %get3A_3350 = arith.constant 32 : index
      %get3A_3351 = tpu.vector_load %arg13[%get3A_3350] {strides = array<i32>} : memref<64xi32, #tpu.memory_space<vmem>>, vector<16xi32>,
      %get3A_3352 = arith.constant 13 : i32
      %get3A_3353 = arith.index_cast %get3A_3352 : i32 to index
      %get3A_3354 = arith.constant 32 : index
      %get3A_3355 = tpu.vector_load %arg12[%get3A_3353, %get3A_3354] {strides = array<i32>} : memref<16x64xi32, #tpu.memory_space<vmem>>, vector<16xi32>,
      %jit3A_3356 = arith.constant 0 : i32
      %broadcast_in_dim3A_3357 = vector.broadcast %jit3A_3356 : i32 to vector<16xi32>
      %select_n3A_3358 = arith.select %lt3A_3325, %get3A_3355, %broadcast_in_dim3A_3357 : vector<16xi1>, vector<16xi32>
      %add3A_3359 = arith.addi %get3A_3351, %select_n3A_3358 : vector<16xi32>
      %swap3A_3360 = arith.constant 32 : index
      %swap3A_3361 = tpu.vector_load %arg13[%swap3A_3360] {strides = array<i32>} : memref<64xi32, #tpu.memory_space<vmem>>, vector<16xi32>,
      tpu.vector_store %arg13[%swap3A_3360], %add3A_3359 {strides = array<i32>} : memref<64xi32, #tpu.memory_space<vmem>>, vector<16xi32>,
      %get3A_3362 = arith.constant 48 : index
      %get3A_3363 = tpu.vector_load %arg13[%get3A_3362] {strides = array<i32>} : memref<64xi32, #tpu.memory_space<vmem>>, vector<16xi32>,
      %get3A_3364 = arith.constant 13 : i32
      %get3A_3365 = arith.index_cast %get3A_3364 : i32 to index
      %get3A_3366 = arith.constant 48 : index
      %get3A_3367 = tpu.vector_load %arg12[%get3A_3365, %get3A_3366] {strides = array<i32>} : memref<16x64xi32, #tpu.memory_space<vmem>>, vector<16xi32>,
      %jit3A_3368 = arith.constant 0 : i32
      %broadcast_in_dim3A_3369 = vector.broadcast %jit3A_3368 : i32 to vector<16xi32>
      %select_n3A_3370 = arith.select %lt3A_3325, %get3A_3367, %broadcast_in_dim3A_3369 : vector<16xi1>, vector<16xi32>
      %add3A_3371 = arith.addi %get3A_3363, %select_n3A_3370 : vector<16xi32>
      %swap3A_3372 = arith.constant 48 : index
      %swap3A_3373 = tpu.vector_load %arg13[%swap3A_3372] {strides = array<i32>} : memref<64xi32, #tpu.memory_space<vmem>>, vector<16xi32>,
      tpu.vector_store %arg13[%swap3A_3372], %add3A_3371 {strides = array<i32>} : memref<64xi32, #tpu.memory_space<vmem>>, vector<16xi32>,
      %broadcast_in_dim3A_3374 = arith.constant 14 : i32
      %broadcast_in_dim3A_3375 = vector.broadcast %broadcast_in_dim3A_3374 : i32 to vector<16xi32>
      %lt3A_3376 = arith.cmpi slt, %broadcast_in_dim3A_3375, %broadcast_in_dim3A : vector<16xi32>
      %get3A_3377 = arith.constant 0 : index
      %get3A_3378 = tpu.vector_load %arg13[%get3A_3377] {strides = array<i32>} : memref<64xi32, #tpu.memory_space<vmem>>, vector<16xi32>,
      %get3A_3379 = arith.constant 14 : i32
      %get3A_3380 = arith.index_cast %get3A_3379 : i32 to index
      %get3A_3381 = arith.constant 0 : index
      %get3A_3382 = tpu.vector_load %arg12[%get3A_3380, %get3A_3381] {strides = array<i32>} : memref<16x64xi32, #tpu.memory_space<vmem>>, vector<16xi32>,
      %jit3A_3383 = arith.constant 0 : i32
      %broadcast_in_dim3A_3384 = vector.broadcast %jit3A_3383 : i32 to vector<16xi32>
      %select_n3A_3385 = arith.select %lt3A_3376, %get3A_3382, %broadcast_in_dim3A_3384 : vector<16xi1>, vector<16xi32>
      %add3A_3386 = arith.addi %get3A_3378, %select_n3A_3385 : vector<16xi32>
      %swap3A_3387 = arith.constant 0 : index
      %swap3A_3388 = tpu.vector_load %arg13[%swap3A_3387] {strides = array<i32>} : memref<64xi32, #tpu.memory_space<vmem>>, vector<16xi32>,
      tpu.vector_store %arg13[%swap3A_3387], %add3A_3386 {strides = array<i32>} : memref<64xi32, #tpu.memory_space<vmem>>, vector<16xi32>,
      %get3A_3389 = arith.constant 16 : index
      %get3A_3390 = tpu.vector_load %arg13[%get3A_3389] {strides = array<i32>} : memref<64xi32, #tpu.memory_space<vmem>>, vector<16xi32>,
      %get3A_3391 = arith.constant 14 : i32
      %get3A_3392 = arith.index_cast %get3A_3391 : i32 to index
      %get3A_3393 = arith.constant 16 : index
      %get3A_3394 = tpu.vector_load %arg12[%get3A_3392, %get3A_3393] {strides = array<i32>} : memref<16x64xi32, #tpu.memory_space<vmem>>, vector<16xi32>,
      %jit3A_3395 = arith.constant 0 : i32
      %broadcast_in_dim3A_3396 = vector.broadcast %jit3A_3395 : i32 to vector<16xi32>
      %select_n3A_3397 = arith.select %lt3A_3376, %get3A_3394, %broadcast_in_dim3A_3396 : vector<16xi1>, vector<16xi32>
      %add3A_3398 = arith.addi %get3A_3390, %select_n3A_3397 : vector<16xi32>
      %swap3A_3399 = arith.constant 16 : index
      %swap3A_3400 = tpu.vector_load %arg13[%swap3A_3399] {strides = array<i32>} : memref<64xi32, #tpu.memory_space<vmem>>, vector<16xi32>,
      tpu.vector_store %arg13[%swap3A_3399], %add3A_3398 {strides = array<i32>} : memref<64xi32, #tpu.memory_space<vmem>>, vector<16xi32>,
      %get3A_3401 = arith.constant 32 : index
      %get3A_3402 = tpu.vector_load %arg13[%get3A_3401] {strides = array<i32>} : memref<64xi32, #tpu.memory_space<vmem>>, vector<16xi32>,
      %get3A_3403 = arith.constant 14 : i32
      %get3A_3404 = arith.index_cast %get3A_3403 : i32 to index
      %get3A_3405 = arith.constant 32 : index
      %get3A_3406 = tpu.vector_load %arg12[%get3A_3404, %get3A_3405] {strides = array<i32>} : memref<16x64xi32, #tpu.memory_space<vmem>>, vector<16xi32>,
      %jit3A_3407 = arith.constant 0 : i32
      %broadcast_in_dim3A_3408 = vector.broadcast %jit3A_3407 : i32 to vector<16xi32>
      %select_n3A_3409 = arith.select %lt3A_3376, %get3A_3406, %broadcast_in_dim3A_3408 : vector<16xi1>, vector<16xi32>
      %add3A_3410 = arith.addi %get3A_3402, %select_n3A_3409 : vector<16xi32>
      %swap3A_3411 = arith.constant 32 : index
      %swap3A_3412 = tpu.vector_load %arg13[%swap3A_3411] {strides = array<i32>} : memref<64xi32, #tpu.memory_space<vmem>>, vector<16xi32>,
      tpu.vector_store %arg13[%swap3A_3411], %add3A_3410 {strides = array<i32>} : memref<64xi32, #tpu.memory_space<vmem>>, vector<16xi32>,
      %get3A_3413 = arith.constant 48 : index
      %get3A_3414 = tpu.vector_load %arg13[%get3A_3413] {strides = array<i32>} : memref<64xi32, #tpu.memory_space<vmem>>, vector<16xi32>,
      %get3A_3415 = arith.constant 14 : i32
      %get3A_3416 = arith.index_cast %get3A_3415 : i32 to index
      %get3A_3417 = arith.constant 48 : index
      %get3A_3418 = tpu.vector_load %arg12[%get3A_3416, %get3A_3417] {strides = array<i32>} : memref<16x64xi32, #tpu.memory_space<vmem>>, vector<16xi32>,
      %jit3A_3419 = arith.constant 0 : i32
      %broadcast_in_dim3A_3420 = vector.broadcast %jit3A_3419 : i32 to vector<16xi32>
      %select_n3A_3421 = arith.select %lt3A_3376, %get3A_3418, %broadcast_in_dim3A_3420 : vector<16xi1>, vector<16xi32>
      %add3A_3422 = arith.addi %get3A_3414, %select_n3A_3421 : vector<16xi32>
      %swap3A_3423 = arith.constant 48 : index
      %swap3A_3424 = tpu.vector_load %arg13[%swap3A_3423] {strides = array<i32>} : memref<64xi32, #tpu.memory_space<vmem>>, vector<16xi32>,
      tpu.vector_store %arg13[%swap3A_3423], %add3A_3422 {strides = array<i32>} : memref<64xi32, #tpu.memory_space<vmem>>, vector<16xi32>,
      %broadcast_in_dim3A_3425 = arith.constant 15 : i32
      %broadcast_in_dim3A_3426 = vector.broadcast %broadcast_in_dim3A_3425 : i32 to vector<16xi32>
      %lt3A_3427 = arith.cmpi slt, %broadcast_in_dim3A_3426, %broadcast_in_dim3A : vector<16xi32>
      %get3A_3428 = arith.constant 0 : index
      %get3A_3429 = tpu.vector_load %arg13[%get3A_3428] {strides = array<i32>} : memref<64xi32, #tpu.memory_space<vmem>>, vector<16xi32>,
      %get3A_3430 = arith.constant 15 : i32
      %get3A_3431 = arith.index_cast %get3A_3430 : i32 to index
      %get3A_3432 = arith.constant 0 : index
      %get3A_3433 = tpu.vector_load %arg12[%get3A_3431, %get3A_3432] {strides = array<i32>} : memref<16x64xi32, #tpu.memory_space<vmem>>, vector<16xi32>,
      %jit3A_3434 = arith.constant 0 : i32
      %broadcast_in_dim3A_3435 = vector.broadcast %jit3A_3434 : i32 to vector<16xi32>
      %select_n3A_3436 = arith.select %lt3A_3427, %get3A_3433, %broadcast_in_dim3A_3435 : vector<16xi1>, vector<16xi32>
      %add3A_3437 = arith.addi %get3A_3429, %select_n3A_3436 : vector<16xi32>
      %swap3A_3438 = arith.constant 0 : index
      %swap3A_3439 = tpu.vector_load %arg13[%swap3A_3438] {strides = array<i32>} : memref<64xi32, #tpu.memory_space<vmem>>, vector<16xi32>,
      tpu.vector_store %arg13[%swap3A_3438], %add3A_3437 {strides = array<i32>} : memref<64xi32, #tpu.memory_space<vmem>>, vector<16xi32>,
      %get3A_3440 = arith.constant 16 : index
      %get3A_3441 = tpu.vector_load %arg13[%get3A_3440] {strides = array<i32>} : memref<64xi32, #tpu.memory_space<vmem>>, vector<16xi32>,
      %get3A_3442 = arith.constant 15 : i32
      %get3A_3443 = arith.index_cast %get3A_3442 : i32 to index
      %get3A_3444 = arith.constant 16 : index
      %get3A_3445 = tpu.vector_load %arg12[%get3A_3443, %get3A_3444] {strides = array<i32>} : memref<16x64xi32, #tpu.memory_space<vmem>>, vector<16xi32>,
      %jit3A_3446 = arith.constant 0 : i32
      %broadcast_in_dim3A_3447 = vector.broadcast %jit3A_3446 : i32 to vector<16xi32>
      %select_n3A_3448 = arith.select %lt3A_3427, %get3A_3445, %broadcast_in_dim3A_3447 : vector<16xi1>, vector<16xi32>
      %add3A_3449 = arith.addi %get3A_3441, %select_n3A_3448 : vector<16xi32>
      %swap3A_3450 = arith.constant 16 : index
      %swap3A_3451 = tpu.vector_load %arg13[%swap3A_3450] {strides = array<i32>} : memref<64xi32, #tpu.memory_space<vmem>>, vector<16xi32>,
      tpu.vector_store %arg13[%swap3A_3450], %add3A_3449 {strides = array<i32>} : memref<64xi32, #tpu.memory_space<vmem>>, vector<16xi32>,
      %get3A_3452 = arith.constant 32 : index
      %get3A_3453 = tpu.vector_load %arg13[%get3A_3452] {strides = array<i32>} : memref<64xi32, #tpu.memory_space<vmem>>, vector<16xi32>,
      %get3A_3454 = arith.constant 15 : i32
      %get3A_3455 = arith.index_cast %get3A_3454 : i32 to index
      %get3A_3456 = arith.constant 32 : index
      %get3A_3457 = tpu.vector_load %arg12[%get3A_3455, %get3A_3456] {strides = array<i32>} : memref<16x64xi32, #tpu.memory_space<vmem>>, vector<16xi32>,
      %jit3A_3458 = arith.constant 0 : i32
      %broadcast_in_dim3A_3459 = vector.broadcast %jit3A_3458 : i32 to vector<16xi32>
      %select_n3A_3460 = arith.select %lt3A_3427, %get3A_3457, %broadcast_in_dim3A_3459 : vector<16xi1>, vector<16xi32>
      %add3A_3461 = arith.addi %get3A_3453, %select_n3A_3460 : vector<16xi32>
      %swap3A_3462 = arith.constant 32 : index
      %swap3A_3463 = tpu.vector_load %arg13[%swap3A_3462] {strides = array<i32>} : memref<64xi32, #tpu.memory_space<vmem>>, vector<16xi32>,
      tpu.vector_store %arg13[%swap3A_3462], %add3A_3461 {strides = array<i32>} : memref<64xi32, #tpu.memory_space<vmem>>, vector<16xi32>,
      %get3A_3464 = arith.constant 48 : index
      %get3A_3465 = tpu.vector_load %arg13[%get3A_3464] {strides = array<i32>} : memref<64xi32, #tpu.memory_space<vmem>>, vector<16xi32>,
      %get3A_3466 = arith.constant 15 : i32
      %get3A_3467 = arith.index_cast %get3A_3466 : i32 to index
      %get3A_3468 = arith.constant 48 : index
      %get3A_3469 = tpu.vector_load %arg12[%get3A_3467, %get3A_3468] {strides = array<i32>} : memref<16x64xi32, #tpu.memory_space<vmem>>, vector<16xi32>,
      %jit3A_3470 = arith.constant 0 : i32
      %broadcast_in_dim3A_3471 = vector.broadcast %jit3A_3470 : i32 to vector<16xi32>
      %select_n3A_3472 = arith.select %lt3A_3427, %get3A_3469, %broadcast_in_dim3A_3471 : vector<16xi1>, vector<16xi32>
      %add3A_3473 = arith.addi %get3A_3465, %select_n3A_3472 : vector<16xi32>
      %swap3A_3474 = arith.constant 48 : index
      %swap3A_3475 = tpu.vector_load %arg13[%swap3A_3474] {strides = array<i32>} : memref<64xi32, #tpu.memory_space<vmem>>, vector<16xi32>,
      tpu.vector_store %arg13[%swap3A_3474], %add3A_3473 {strides = array<i32>} : memref<64xi32, #tpu.memory_space<vmem>>, vector<16xi32>,
      %get3A_3476 = arith.constant 0 : index
      %get3A_3477 = tpu.vector_load %arg8[%get3A_3476] {strides = array<i32>} : memref<128xi32, #tpu.memory_space<vmem>>, vector<16xi32>,
      %gather3A_3478 = tpu.vector_load_idx %arg13[%get3A_3477] : memref<64xi32, #tpu.memory_space<vmem>>[vector<16xi32>], vector<16xi32>,
      %get3A_3479 = arith.constant 0 : index
      %get3A_3480 = tpu.vector_load %arg10[%get3A_3479] {strides = array<i32>} : memref<128xi32, #tpu.memory_space<vmem>>, vector<16xi32>,
      %add3A_3481 = arith.addi %gather3A_3478, %get3A_3480 : vector<16xi32>
      %lt3A_3482 = arith.constant 64 : i32
      %lt3A_3483 = vector.broadcast %lt3A_3482 : i32 to vector<16xi32>
      %lt3A_3484 = arith.cmpi slt, %add3A_3481, %lt3A_3483 : vector<16xi32>
      %mul3A_3485 = arith.constant 64 : i32
      %mul3A_3486 = vector.broadcast %mul3A_3485 : i32 to vector<16xi32>
      %mul3A_3487 = arith.muli %get3A_3477, %mul3A_3486 : vector<16xi32>
      %add3A_3488 = arith.addi %mul3A_3487, %add3A_3481 : vector<16xi32>
      %add3A_3489 = arith.constant 4096 : i32
      %add3A_3490 = vector.broadcast %add3A_3489 : i32 to vector<16xi32>
      %add3A_3491 = arith.addi %broadcast_in_dim3A, %add3A_3490 : vector<16xi32>
      %select_n3A_3492 = arith.select %lt3A_3484, %add3A_3488, %add3A_3491 : vector<16xi1>, vector<16xi32>
      %swap3A_3493 = arith.constant 0 : index
      %swap3A_3494 = tpu.vector_load %arg15[%swap3A_3493] {strides = array<i32>} : memref<128xi32, #tpu.memory_space<vmem>>, vector<16xi32>,
      tpu.vector_store %arg15[%swap3A_3493], %select_n3A_3492 {strides = array<i32>} : memref<128xi32, #tpu.memory_space<vmem>>, vector<16xi32>,
      %jit3A_3495 = arith.constant 0 : i32
      %broadcast_in_dim3A_3496 = vector.broadcast %jit3A_3495 : i32 to vector<16xi32>
      %select_n3A_3497 = arith.select %lt3A_3484, %add3A_3488, %broadcast_in_dim3A_3496 : vector<16xi1>, vector<16xi32>
      %swap3A_3498 = arith.constant 0 : index
      %swap3A_3499 = tpu.vector_load %arg14[%swap3A_3498] {strides = array<i32>} : memref<128xi32, #tpu.memory_space<vmem>>, vector<16xi32>,
      tpu.vector_store %arg14[%swap3A_3498], %select_n3A_3497 {strides = array<i32>} : memref<128xi32, #tpu.memory_space<vmem>>, vector<16xi32>,
      %get3A_3500 = arith.constant 0 : index
      %get3A_3501 = tpu.vector_load %arg9[%get3A_3500] {strides = array<i32>} : memref<128xf32, #tpu.memory_space<vmem>>, vector<16xf32>,
      %jit3A_3502 = arith.constant 0.000000e+00 : f32
      %broadcast_in_dim3A_3503 = vector.broadcast %jit3A_3502 : f32 to vector<16xf32>
      %select_n3A_3504 = arith.select %lt3A_3484, %get3A_3501, %broadcast_in_dim3A_3503 : vector<16xi1>, vector<16xf32>
      %swap3A_3505 = arith.constant 0 : index
      %swap3A_3506 = tpu.vector_load %arg9[%swap3A_3505] {strides = array<i32>} : memref<128xf32, #tpu.memory_space<vmem>>, vector<16xf32>,
      tpu.vector_store %arg9[%swap3A_3505], %select_n3A_3504 {strides = array<i32>} : memref<128xf32, #tpu.memory_space<vmem>>, vector<16xf32>,
      %get3A_3507 = arith.constant 16 : index
      %get3A_3508 = tpu.vector_load %arg8[%get3A_3507] {strides = array<i32>} : memref<128xi32, #tpu.memory_space<vmem>>, vector<16xi32>,
      %gather3A_3509 = tpu.vector_load_idx %arg13[%get3A_3508] : memref<64xi32, #tpu.memory_space<vmem>>[vector<16xi32>], vector<16xi32>,
      %get3A_3510 = arith.constant 16 : index
      %get3A_3511 = tpu.vector_load %arg10[%get3A_3510] {strides = array<i32>} : memref<128xi32, #tpu.memory_space<vmem>>, vector<16xi32>,
      %add3A_3512 = arith.addi %gather3A_3509, %get3A_3511 : vector<16xi32>
      %lt3A_3513 = arith.constant 64 : i32
      %lt3A_3514 = vector.broadcast %lt3A_3513 : i32 to vector<16xi32>
      %lt3A_3515 = arith.cmpi slt, %add3A_3512, %lt3A_3514 : vector<16xi32>
      %mul3A_3516 = arith.constant 64 : i32
      %mul3A_3517 = vector.broadcast %mul3A_3516 : i32 to vector<16xi32>
      %mul3A_3518 = arith.muli %get3A_3508, %mul3A_3517 : vector<16xi32>
      %add3A_3519 = arith.addi %mul3A_3518, %add3A_3512 : vector<16xi32>
      %add3A_3520 = arith.constant 4096 : i32
      %add3A_3521 = vector.broadcast %add3A_3520 : i32 to vector<16xi32>
      %add3A_3522 = arith.addi %broadcast_in_dim3A, %add3A_3521 : vector<16xi32>
      %select_n3A_3523 = arith.select %lt3A_3515, %add3A_3519, %add3A_3522 : vector<16xi1>, vector<16xi32>
      %swap3A_3524 = arith.constant 16 : index
      %swap3A_3525 = tpu.vector_load %arg15[%swap3A_3524] {strides = array<i32>} : memref<128xi32, #tpu.memory_space<vmem>>, vector<16xi32>,
      tpu.vector_store %arg15[%swap3A_3524], %select_n3A_3523 {strides = array<i32>} : memref<128xi32, #tpu.memory_space<vmem>>, vector<16xi32>,
      %jit3A_3526 = arith.constant 0 : i32
      %broadcast_in_dim3A_3527 = vector.broadcast %jit3A_3526 : i32 to vector<16xi32>
      %select_n3A_3528 = arith.select %lt3A_3515, %add3A_3519, %broadcast_in_dim3A_3527 : vector<16xi1>, vector<16xi32>
      %swap3A_3529 = arith.constant 16 : index
      %swap3A_3530 = tpu.vector_load %arg14[%swap3A_3529] {strides = array<i32>} : memref<128xi32, #tpu.memory_space<vmem>>, vector<16xi32>,
      tpu.vector_store %arg14[%swap3A_3529], %select_n3A_3528 {strides = array<i32>} : memref<128xi32, #tpu.memory_space<vmem>>, vector<16xi32>,
      %get3A_3531 = arith.constant 16 : index
      %get3A_3532 = tpu.vector_load %arg9[%get3A_3531] {strides = array<i32>} : memref<128xf32, #tpu.memory_space<vmem>>, vector<16xf32>,
      %jit3A_3533 = arith.constant 0.000000e+00 : f32
      %broadcast_in_dim3A_3534 = vector.broadcast %jit3A_3533 : f32 to vector<16xf32>
      %select_n3A_3535 = arith.select %lt3A_3515, %get3A_3532, %broadcast_in_dim3A_3534 : vector<16xi1>, vector<16xf32>
      %swap3A_3536 = arith.constant 16 : index
      %swap3A_3537 = tpu.vector_load %arg9[%swap3A_3536] {strides = array<i32>} : memref<128xf32, #tpu.memory_space<vmem>>, vector<16xf32>,
      tpu.vector_store %arg9[%swap3A_3536], %select_n3A_3535 {strides = array<i32>} : memref<128xf32, #tpu.memory_space<vmem>>, vector<16xf32>,
      %get3A_3538 = arith.constant 32 : index
      %get3A_3539 = tpu.vector_load %arg8[%get3A_3538] {strides = array<i32>} : memref<128xi32, #tpu.memory_space<vmem>>, vector<16xi32>,
      %gather3A_3540 = tpu.vector_load_idx %arg13[%get3A_3539] : memref<64xi32, #tpu.memory_space<vmem>>[vector<16xi32>], vector<16xi32>,
      %get3A_3541 = arith.constant 32 : index
      %get3A_3542 = tpu.vector_load %arg10[%get3A_3541] {strides = array<i32>} : memref<128xi32, #tpu.memory_space<vmem>>, vector<16xi32>,
      %add3A_3543 = arith.addi %gather3A_3540, %get3A_3542 : vector<16xi32>
      %lt3A_3544 = arith.constant 64 : i32
      %lt3A_3545 = vector.broadcast %lt3A_3544 : i32 to vector<16xi32>
      %lt3A_3546 = arith.cmpi slt, %add3A_3543, %lt3A_3545 : vector<16xi32>
      %mul3A_3547 = arith.constant 64 : i32
      %mul3A_3548 = vector.broadcast %mul3A_3547 : i32 to vector<16xi32>
      %mul3A_3549 = arith.muli %get3A_3539, %mul3A_3548 : vector<16xi32>
      %add3A_3550 = arith.addi %mul3A_3549, %add3A_3543 : vector<16xi32>
      %add3A_3551 = arith.constant 4096 : i32
      %add3A_3552 = vector.broadcast %add3A_3551 : i32 to vector<16xi32>
      %add3A_3553 = arith.addi %broadcast_in_dim3A, %add3A_3552 : vector<16xi32>
      %select_n3A_3554 = arith.select %lt3A_3546, %add3A_3550, %add3A_3553 : vector<16xi1>, vector<16xi32>
      %swap3A_3555 = arith.constant 32 : index
      %swap3A_3556 = tpu.vector_load %arg15[%swap3A_3555] {strides = array<i32>} : memref<128xi32, #tpu.memory_space<vmem>>, vector<16xi32>,
      tpu.vector_store %arg15[%swap3A_3555], %select_n3A_3554 {strides = array<i32>} : memref<128xi32, #tpu.memory_space<vmem>>, vector<16xi32>,
      %jit3A_3557 = arith.constant 0 : i32
      %broadcast_in_dim3A_3558 = vector.broadcast %jit3A_3557 : i32 to vector<16xi32>
      %select_n3A_3559 = arith.select %lt3A_3546, %add3A_3550, %broadcast_in_dim3A_3558 : vector<16xi1>, vector<16xi32>
      %swap3A_3560 = arith.constant 32 : index
      %swap3A_3561 = tpu.vector_load %arg14[%swap3A_3560] {strides = array<i32>} : memref<128xi32, #tpu.memory_space<vmem>>, vector<16xi32>,
      tpu.vector_store %arg14[%swap3A_3560], %select_n3A_3559 {strides = array<i32>} : memref<128xi32, #tpu.memory_space<vmem>>, vector<16xi32>,
      %get3A_3562 = arith.constant 32 : index
      %get3A_3563 = tpu.vector_load %arg9[%get3A_3562] {strides = array<i32>} : memref<128xf32, #tpu.memory_space<vmem>>, vector<16xf32>,
      %jit3A_3564 = arith.constant 0.000000e+00 : f32
      %broadcast_in_dim3A_3565 = vector.broadcast %jit3A_3564 : f32 to vector<16xf32>
      %select_n3A_3566 = arith.select %lt3A_3546, %get3A_3563, %broadcast_in_dim3A_3565 : vector<16xi1>, vector<16xf32>
      %swap3A_3567 = arith.constant 32 : index
      %swap3A_3568 = tpu.vector_load %arg9[%swap3A_3567] {strides = array<i32>} : memref<128xf32, #tpu.memory_space<vmem>>, vector<16xf32>,
      tpu.vector_store %arg9[%swap3A_3567], %select_n3A_3566 {strides = array<i32>} : memref<128xf32, #tpu.memory_space<vmem>>, vector<16xf32>,
      %get3A_3569 = arith.constant 48 : index
      %get3A_3570 = tpu.vector_load %arg8[%get3A_3569] {strides = array<i32>} : memref<128xi32, #tpu.memory_space<vmem>>, vector<16xi32>,
      %gather3A_3571 = tpu.vector_load_idx %arg13[%get3A_3570] : memref<64xi32, #tpu.memory_space<vmem>>[vector<16xi32>], vector<16xi32>,
      %get3A_3572 = arith.constant 48 : index
      %get3A_3573 = tpu.vector_load %arg10[%get3A_3572] {strides = array<i32>} : memref<128xi32, #tpu.memory_space<vmem>>, vector<16xi32>,
      %add3A_3574 = arith.addi %gather3A_3571, %get3A_3573 : vector<16xi32>
      %lt3A_3575 = arith.constant 64 : i32
      %lt3A_3576 = vector.broadcast %lt3A_3575 : i32 to vector<16xi32>
      %lt3A_3577 = arith.cmpi slt, %add3A_3574, %lt3A_3576 : vector<16xi32>
      %mul3A_3578 = arith.constant 64 : i32
      %mul3A_3579 = vector.broadcast %mul3A_3578 : i32 to vector<16xi32>
      %mul3A_3580 = arith.muli %get3A_3570, %mul3A_3579 : vector<16xi32>
      %add3A_3581 = arith.addi %mul3A_3580, %add3A_3574 : vector<16xi32>
      %add3A_3582 = arith.constant 4096 : i32
      %add3A_3583 = vector.broadcast %add3A_3582 : i32 to vector<16xi32>
      %add3A_3584 = arith.addi %broadcast_in_dim3A, %add3A_3583 : vector<16xi32>
      %select_n3A_3585 = arith.select %lt3A_3577, %add3A_3581, %add3A_3584 : vector<16xi1>, vector<16xi32>
      %swap3A_3586 = arith.constant 48 : index
      %swap3A_3587 = tpu.vector_load %arg15[%swap3A_3586] {strides = array<i32>} : memref<128xi32, #tpu.memory_space<vmem>>, vector<16xi32>,
      tpu.vector_store %arg15[%swap3A_3586], %select_n3A_3585 {strides = array<i32>} : memref<128xi32, #tpu.memory_space<vmem>>, vector<16xi32>,
      %jit3A_3588 = arith.constant 0 : i32
      %broadcast_in_dim3A_3589 = vector.broadcast %jit3A_3588 : i32 to vector<16xi32>
      %select_n3A_3590 = arith.select %lt3A_3577, %add3A_3581, %broadcast_in_dim3A_3589 : vector<16xi1>, vector<16xi32>
      %swap3A_3591 = arith.constant 48 : index
      %swap3A_3592 = tpu.vector_load %arg14[%swap3A_3591] {strides = array<i32>} : memref<128xi32, #tpu.memory_space<vmem>>, vector<16xi32>,
      tpu.vector_store %arg14[%swap3A_3591], %select_n3A_3590 {strides = array<i32>} : memref<128xi32, #tpu.memory_space<vmem>>, vector<16xi32>,
      %get3A_3593 = arith.constant 48 : index
      %get3A_3594 = tpu.vector_load %arg9[%get3A_3593] {strides = array<i32>} : memref<128xf32, #tpu.memory_space<vmem>>, vector<16xf32>,
      %jit3A_3595 = arith.constant 0.000000e+00 : f32
      %broadcast_in_dim3A_3596 = vector.broadcast %jit3A_3595 : f32 to vector<16xf32>
      %select_n3A_3597 = arith.select %lt3A_3577, %get3A_3594, %broadcast_in_dim3A_3596 : vector<16xi1>, vector<16xf32>
      %swap3A_3598 = arith.constant 48 : index
      %swap3A_3599 = tpu.vector_load %arg9[%swap3A_3598] {strides = array<i32>} : memref<128xf32, #tpu.memory_space<vmem>>, vector<16xf32>,
      tpu.vector_store %arg9[%swap3A_3598], %select_n3A_3597 {strides = array<i32>} : memref<128xf32, #tpu.memory_space<vmem>>, vector<16xf32>,
      %get3A_3600 = arith.constant 64 : index
      %get3A_3601 = tpu.vector_load %arg8[%get3A_3600] {strides = array<i32>} : memref<128xi32, #tpu.memory_space<vmem>>, vector<16xi32>,
      %gather3A_3602 = tpu.vector_load_idx %arg13[%get3A_3601] : memref<64xi32, #tpu.memory_space<vmem>>[vector<16xi32>], vector<16xi32>,
      %get3A_3603 = arith.constant 64 : index
      %get3A_3604 = tpu.vector_load %arg10[%get3A_3603] {strides = array<i32>} : memref<128xi32, #tpu.memory_space<vmem>>, vector<16xi32>,
      %add3A_3605 = arith.addi %gather3A_3602, %get3A_3604 : vector<16xi32>
      %lt3A_3606 = arith.constant 64 : i32
      %lt3A_3607 = vector.broadcast %lt3A_3606 : i32 to vector<16xi32>
      %lt3A_3608 = arith.cmpi slt, %add3A_3605, %lt3A_3607 : vector<16xi32>
      %mul3A_3609 = arith.constant 64 : i32
      %mul3A_3610 = vector.broadcast %mul3A_3609 : i32 to vector<16xi32>
      %mul3A_3611 = arith.muli %get3A_3601, %mul3A_3610 : vector<16xi32>
      %add3A_3612 = arith.addi %mul3A_3611, %add3A_3605 : vector<16xi32>
      %add3A_3613 = arith.constant 4096 : i32
      %add3A_3614 = vector.broadcast %add3A_3613 : i32 to vector<16xi32>
      %add3A_3615 = arith.addi %broadcast_in_dim3A, %add3A_3614 : vector<16xi32>
      %select_n3A_3616 = arith.select %lt3A_3608, %add3A_3612, %add3A_3615 : vector<16xi1>, vector<16xi32>
      %swap3A_3617 = arith.constant 64 : index
      %swap3A_3618 = tpu.vector_load %arg15[%swap3A_3617] {strides = array<i32>} : memref<128xi32, #tpu.memory_space<vmem>>, vector<16xi32>,
      tpu.vector_store %arg15[%swap3A_3617], %select_n3A_3616 {strides = array<i32>} : memref<128xi32, #tpu.memory_space<vmem>>, vector<16xi32>,
      %jit3A_3619 = arith.constant 0 : i32
      %broadcast_in_dim3A_3620 = vector.broadcast %jit3A_3619 : i32 to vector<16xi32>
      %select_n3A_3621 = arith.select %lt3A_3608, %add3A_3612, %broadcast_in_dim3A_3620 : vector<16xi1>, vector<16xi32>
      %swap3A_3622 = arith.constant 64 : index
      %swap3A_3623 = tpu.vector_load %arg14[%swap3A_3622] {strides = array<i32>} : memref<128xi32, #tpu.memory_space<vmem>>, vector<16xi32>,
      tpu.vector_store %arg14[%swap3A_3622], %select_n3A_3621 {strides = array<i32>} : memref<128xi32, #tpu.memory_space<vmem>>, vector<16xi32>,
      %get3A_3624 = arith.constant 64 : index
      %get3A_3625 = tpu.vector_load %arg9[%get3A_3624] {strides = array<i32>} : memref<128xf32, #tpu.memory_space<vmem>>, vector<16xf32>,
      %jit3A_3626 = arith.constant 0.000000e+00 : f32
      %broadcast_in_dim3A_3627 = vector.broadcast %jit3A_3626 : f32 to vector<16xf32>
      %select_n3A_3628 = arith.select %lt3A_3608, %get3A_3625, %broadcast_in_dim3A_3627 : vector<16xi1>, vector<16xf32>
      %swap3A_3629 = arith.constant 64 : index
      %swap3A_3630 = tpu.vector_load %arg9[%swap3A_3629] {strides = array<i32>} : memref<128xf32, #tpu.memory_space<vmem>>, vector<16xf32>,
      tpu.vector_store %arg9[%swap3A_3629], %select_n3A_3628 {strides = array<i32>} : memref<128xf32, #tpu.memory_space<vmem>>, vector<16xf32>,
      %get3A_3631 = arith.constant 80 : index
      %get3A_3632 = tpu.vector_load %arg8[%get3A_3631] {strides = array<i32>} : memref<128xi32, #tpu.memory_space<vmem>>, vector<16xi32>,
      %gather3A_3633 = tpu.vector_load_idx %arg13[%get3A_3632] : memref<64xi32, #tpu.memory_space<vmem>>[vector<16xi32>], vector<16xi32>,
      %get3A_3634 = arith.constant 80 : index
      %get3A_3635 = tpu.vector_load %arg10[%get3A_3634] {strides = array<i32>} : memref<128xi32, #tpu.memory_space<vmem>>, vector<16xi32>,
      %add3A_3636 = arith.addi %gather3A_3633, %get3A_3635 : vector<16xi32>
      %lt3A_3637 = arith.constant 64 : i32
      %lt3A_3638 = vector.broadcast %lt3A_3637 : i32 to vector<16xi32>
      %lt3A_3639 = arith.cmpi slt, %add3A_3636, %lt3A_3638 : vector<16xi32>
      %mul3A_3640 = arith.constant 64 : i32
      %mul3A_3641 = vector.broadcast %mul3A_3640 : i32 to vector<16xi32>
      %mul3A_3642 = arith.muli %get3A_3632, %mul3A_3641 : vector<16xi32>
      %add3A_3643 = arith.addi %mul3A_3642, %add3A_3636 : vector<16xi32>
      %add3A_3644 = arith.constant 4096 : i32
      %add3A_3645 = vector.broadcast %add3A_3644 : i32 to vector<16xi32>
      %add3A_3646 = arith.addi %broadcast_in_dim3A, %add3A_3645 : vector<16xi32>
      %select_n3A_3647 = arith.select %lt3A_3639, %add3A_3643, %add3A_3646 : vector<16xi1>, vector<16xi32>
      %swap3A_3648 = arith.constant 80 : index
      %swap3A_3649 = tpu.vector_load %arg15[%swap3A_3648] {strides = array<i32>} : memref<128xi32, #tpu.memory_space<vmem>>, vector<16xi32>,
      tpu.vector_store %arg15[%swap3A_3648], %select_n3A_3647 {strides = array<i32>} : memref<128xi32, #tpu.memory_space<vmem>>, vector<16xi32>,
      %jit3A_3650 = arith.constant 0 : i32
      %broadcast_in_dim3A_3651 = vector.broadcast %jit3A_3650 : i32 to vector<16xi32>
      %select_n3A_3652 = arith.select %lt3A_3639, %add3A_3643, %broadcast_in_dim3A_3651 : vector<16xi1>, vector<16xi32>
      %swap3A_3653 = arith.constant 80 : index
      %swap3A_3654 = tpu.vector_load %arg14[%swap3A_3653] {strides = array<i32>} : memref<128xi32, #tpu.memory_space<vmem>>, vector<16xi32>,
      tpu.vector_store %arg14[%swap3A_3653], %select_n3A_3652 {strides = array<i32>} : memref<128xi32, #tpu.memory_space<vmem>>, vector<16xi32>,
      %get3A_3655 = arith.constant 80 : index
      %get3A_3656 = tpu.vector_load %arg9[%get3A_3655] {strides = array<i32>} : memref<128xf32, #tpu.memory_space<vmem>>, vector<16xf32>,
      %jit3A_3657 = arith.constant 0.000000e+00 : f32
      %broadcast_in_dim3A_3658 = vector.broadcast %jit3A_3657 : f32 to vector<16xf32>
      %select_n3A_3659 = arith.select %lt3A_3639, %get3A_3656, %broadcast_in_dim3A_3658 : vector<16xi1>, vector<16xf32>
      %swap3A_3660 = arith.constant 80 : index
      %swap3A_3661 = tpu.vector_load %arg9[%swap3A_3660] {strides = array<i32>} : memref<128xf32, #tpu.memory_space<vmem>>, vector<16xf32>,
      tpu.vector_store %arg9[%swap3A_3660], %select_n3A_3659 {strides = array<i32>} : memref<128xf32, #tpu.memory_space<vmem>>, vector<16xf32>,
      %get3A_3662 = arith.constant 96 : index
      %get3A_3663 = tpu.vector_load %arg8[%get3A_3662] {strides = array<i32>} : memref<128xi32, #tpu.memory_space<vmem>>, vector<16xi32>,
      %gather3A_3664 = tpu.vector_load_idx %arg13[%get3A_3663] : memref<64xi32, #tpu.memory_space<vmem>>[vector<16xi32>], vector<16xi32>,
      %get3A_3665 = arith.constant 96 : index
      %get3A_3666 = tpu.vector_load %arg10[%get3A_3665] {strides = array<i32>} : memref<128xi32, #tpu.memory_space<vmem>>, vector<16xi32>,
      %add3A_3667 = arith.addi %gather3A_3664, %get3A_3666 : vector<16xi32>
      %lt3A_3668 = arith.constant 64 : i32
      %lt3A_3669 = vector.broadcast %lt3A_3668 : i32 to vector<16xi32>
      %lt3A_3670 = arith.cmpi slt, %add3A_3667, %lt3A_3669 : vector<16xi32>
      %mul3A_3671 = arith.constant 64 : i32
      %mul3A_3672 = vector.broadcast %mul3A_3671 : i32 to vector<16xi32>
      %mul3A_3673 = arith.muli %get3A_3663, %mul3A_3672 : vector<16xi32>
      %add3A_3674 = arith.addi %mul3A_3673, %add3A_3667 : vector<16xi32>
      %add3A_3675 = arith.constant 4096 : i32
      %add3A_3676 = vector.broadcast %add3A_3675 : i32 to vector<16xi32>
      %add3A_3677 = arith.addi %broadcast_in_dim3A, %add3A_3676 : vector<16xi32>
      %select_n3A_3678 = arith.select %lt3A_3670, %add3A_3674, %add3A_3677 : vector<16xi1>, vector<16xi32>
      %swap3A_3679 = arith.constant 96 : index
      %swap3A_3680 = tpu.vector_load %arg15[%swap3A_3679] {strides = array<i32>} : memref<128xi32, #tpu.memory_space<vmem>>, vector<16xi32>,
      tpu.vector_store %arg15[%swap3A_3679], %select_n3A_3678 {strides = array<i32>} : memref<128xi32, #tpu.memory_space<vmem>>, vector<16xi32>,
      %jit3A_3681 = arith.constant 0 : i32
      %broadcast_in_dim3A_3682 = vector.broadcast %jit3A_3681 : i32 to vector<16xi32>
      %select_n3A_3683 = arith.select %lt3A_3670, %add3A_3674, %broadcast_in_dim3A_3682 : vector<16xi1>, vector<16xi32>
      %swap3A_3684 = arith.constant 96 : index
      %swap3A_3685 = tpu.vector_load %arg14[%swap3A_3684] {strides = array<i32>} : memref<128xi32, #tpu.memory_space<vmem>>, vector<16xi32>,
      tpu.vector_store %arg14[%swap3A_3684], %select_n3A_3683 {strides = array<i32>} : memref<128xi32, #tpu.memory_space<vmem>>, vector<16xi32>,
      %get3A_3686 = arith.constant 96 : index
      %get3A_3687 = tpu.vector_load %arg9[%get3A_3686] {strides = array<i32>} : memref<128xf32, #tpu.memory_space<vmem>>, vector<16xf32>,
      %jit3A_3688 = arith.constant 0.000000e+00 : f32
      %broadcast_in_dim3A_3689 = vector.broadcast %jit3A_3688 : f32 to vector<16xf32>
      %select_n3A_3690 = arith.select %lt3A_3670, %get3A_3687, %broadcast_in_dim3A_3689 : vector<16xi1>, vector<16xf32>
      %swap3A_3691 = arith.constant 96 : index
      %swap3A_3692 = tpu.vector_load %arg9[%swap3A_3691] {strides = array<i32>} : memref<128xf32, #tpu.memory_space<vmem>>, vector<16xf32>,
      tpu.vector_store %arg9[%swap3A_3691], %select_n3A_3690 {strides = array<i32>} : memref<128xf32, #tpu.memory_space<vmem>>, vector<16xf32>,
      %get3A_3693 = arith.constant 112 : index
      %get3A_3694 = tpu.vector_load %arg8[%get3A_3693] {strides = array<i32>} : memref<128xi32, #tpu.memory_space<vmem>>, vector<16xi32>,
      %gather3A_3695 = tpu.vector_load_idx %arg13[%get3A_3694] : memref<64xi32, #tpu.memory_space<vmem>>[vector<16xi32>], vector<16xi32>,
      %get3A_3696 = arith.constant 112 : index
      %get3A_3697 = tpu.vector_load %arg10[%get3A_3696] {strides = array<i32>} : memref<128xi32, #tpu.memory_space<vmem>>, vector<16xi32>,
      %add3A_3698 = arith.addi %gather3A_3695, %get3A_3697 : vector<16xi32>
      %lt3A_3699 = arith.constant 64 : i32
      %lt3A_3700 = vector.broadcast %lt3A_3699 : i32 to vector<16xi32>
      %lt3A_3701 = arith.cmpi slt, %add3A_3698, %lt3A_3700 : vector<16xi32>
      %mul3A_3702 = arith.constant 64 : i32
      %mul3A_3703 = vector.broadcast %mul3A_3702 : i32 to vector<16xi32>
      %mul3A_3704 = arith.muli %get3A_3694, %mul3A_3703 : vector<16xi32>
      %add3A_3705 = arith.addi %mul3A_3704, %add3A_3698 : vector<16xi32>
      %add3A_3706 = arith.constant 4096 : i32
      %add3A_3707 = vector.broadcast %add3A_3706 : i32 to vector<16xi32>
      %add3A_3708 = arith.addi %broadcast_in_dim3A, %add3A_3707 : vector<16xi32>
      %select_n3A_3709 = arith.select %lt3A_3701, %add3A_3705, %add3A_3708 : vector<16xi1>, vector<16xi32>
      %swap3A_3710 = arith.constant 112 : index
      %swap3A_3711 = tpu.vector_load %arg15[%swap3A_3710] {strides = array<i32>} : memref<128xi32, #tpu.memory_space<vmem>>, vector<16xi32>,
      tpu.vector_store %arg15[%swap3A_3710], %select_n3A_3709 {strides = array<i32>} : memref<128xi32, #tpu.memory_space<vmem>>, vector<16xi32>,
      %jit3A_3712 = arith.constant 0 : i32
      %broadcast_in_dim3A_3713 = vector.broadcast %jit3A_3712 : i32 to vector<16xi32>
      %select_n3A_3714 = arith.select %lt3A_3701, %add3A_3705, %broadcast_in_dim3A_3713 : vector<16xi1>, vector<16xi32>
      %swap3A_3715 = arith.constant 112 : index
      %swap3A_3716 = tpu.vector_load %arg14[%swap3A_3715] {strides = array<i32>} : memref<128xi32, #tpu.memory_space<vmem>>, vector<16xi32>,
      tpu.vector_store %arg14[%swap3A_3715], %select_n3A_3714 {strides = array<i32>} : memref<128xi32, #tpu.memory_space<vmem>>, vector<16xi32>,
      %get3A_3717 = arith.constant 112 : index
      %get3A_3718 = tpu.vector_load %arg9[%get3A_3717] {strides = array<i32>} : memref<128xf32, #tpu.memory_space<vmem>>, vector<16xf32>,
      %jit3A_3719 = arith.constant 0.000000e+00 : f32
      %broadcast_in_dim3A_3720 = vector.broadcast %jit3A_3719 : f32 to vector<16xf32>
      %select_n3A_3721 = arith.select %lt3A_3701, %get3A_3718, %broadcast_in_dim3A_3720 : vector<16xi1>, vector<16xf32>
      %swap3A_3722 = arith.constant 112 : index
      %swap3A_3723 = tpu.vector_load %arg9[%swap3A_3722] {strides = array<i32>} : memref<128xf32, #tpu.memory_space<vmem>>, vector<16xf32>,
      tpu.vector_store %arg9[%swap3A_3722], %select_n3A_3721 {strides = array<i32>} : memref<128xf32, #tpu.memory_space<vmem>>, vector<16xf32>,
      "tpu.region"() ({
        %run_scoped3A = tpu.sem_alloc : memref<!tpu.dma_semaphore, #tpu.memory_space<semaphore_mem>>
        %dma_start3A_3728 = tpu.memref_slice %arg6[%mul3A_2] : memref<2048xi32, #tpu.memory_space<hbm>> -> memref<128xi32, #tpu.memory_space<hbm>>
        %dma_start3A_3729 = tpu.memref_slice %arg6[%mul3A_2] : memref<2048xi32, #tpu.memory_space<hbm>> -> memref<128xi32, #tpu.memory_space<hbm>>
        tpu.enqueue_dma source(%arg14 : memref<128xi32, #tpu.memory_space<vmem>>) target(%dma_start3A_3729 : memref<128xi32, #tpu.memory_space<hbm>>) target_semaphore(%run_scoped3A : memref<!tpu.dma_semaphore, #tpu.memory_space<semaphore_mem>>)
        %dma_wait3A_3730 = tpu.memref_slice %arg6[%mul3A_2] : memref<2048xi32, #tpu.memory_space<hbm>> -> memref<128xi32, #tpu.memory_space<hbm>>
        %dma_wait3A_3731 = tpu.memref_slice %arg6[%mul3A_2] : memref<2048xi32, #tpu.memory_space<hbm>> -> memref<128xi32, #tpu.memory_space<hbm>>
        tpu.wait_dma2 semaphore(%run_scoped3A : memref<!tpu.dma_semaphore, #tpu.memory_space<semaphore_mem>>) src(%arg14 : memref<128xi32, #tpu.memory_space<vmem>>) dst(%dma_wait3A_3731 : memref<128xi32, #tpu.memory_space<hbm>>)
        tpu.yield
      }) : () -> ()
      "tpu.region"() ({
        %run_scoped3A = tpu.sem_alloc : memref<!tpu.dma_semaphore, #tpu.memory_space<semaphore_mem>>
        %dma_start3A_3728 = tpu.memref_slice %arg7[%mul3A_2] : memref<2048xf32, #tpu.memory_space<hbm>> -> memref<128xf32, #tpu.memory_space<hbm>>
        %dma_start3A_3729 = tpu.memref_slice %arg7[%mul3A_2] : memref<2048xf32, #tpu.memory_space<hbm>> -> memref<128xf32, #tpu.memory_space<hbm>>
        tpu.enqueue_dma source(%arg9 : memref<128xf32, #tpu.memory_space<vmem>>) target(%dma_start3A_3729 : memref<128xf32, #tpu.memory_space<hbm>>) target_semaphore(%run_scoped3A : memref<!tpu.dma_semaphore, #tpu.memory_space<semaphore_mem>>)
        %dma_wait3A_3730 = tpu.memref_slice %arg7[%mul3A_2] : memref<2048xf32, #tpu.memory_space<hbm>> -> memref<128xf32, #tpu.memory_space<hbm>>
        %dma_wait3A_3731 = tpu.memref_slice %arg7[%mul3A_2] : memref<2048xf32, #tpu.memory_space<hbm>> -> memref<128xf32, #tpu.memory_space<hbm>>
        tpu.wait_dma2 semaphore(%run_scoped3A : memref<!tpu.dma_semaphore, #tpu.memory_space<semaphore_mem>>) src(%arg9 : memref<128xf32, #tpu.memory_space<vmem>>) dst(%dma_wait3A_3731 : memref<128xf32, #tpu.memory_space<hbm>>)
        tpu.yield
      }) : () -> ()
      "tpu.region"() ({
        %run_scoped3A = tpu.sem_alloc : memref<!tpu.dma_semaphore, #tpu.memory_space<semaphore_mem>>
        %dma_start3A_3728 = arith.constant 0 : i32
        %dma_start3A_3729 = tpu.memref_slice %arg4[%mul3A_2, %dma_start3A_3728] : memref<2048x768xf32, #tpu.memory_space<hbm>> -> memref<128x768xf32, #tpu.memory_space<hbm>>
        %dma_start3A_3730 = arith.constant 0 : i32
        %dma_start3A_3731 = tpu.memref_slice %arg4[%mul3A_2, %dma_start3A_3730] : memref<2048x768xf32, #tpu.memory_space<hbm>> -> memref<128x768xf32, #tpu.memory_space<hbm>>
        tpu.enqueue_dma source(%dma_start3A_3731 : memref<128x768xf32, #tpu.memory_space<hbm>>) target(%arg16 : memref<128x768xf32, #tpu.memory_space<vmem>>) target_semaphore(%run_scoped3A : memref<!tpu.dma_semaphore, #tpu.memory_space<semaphore_mem>>)
        %dma_wait3A_3732 = arith.constant 0 : i32
        %dma_wait3A_3733 = tpu.memref_slice %arg4[%mul3A_2, %dma_wait3A_3732] : memref<2048x768xf32, #tpu.memory_space<hbm>> -> memref<128x768xf32, #tpu.memory_space<hbm>>
        %dma_wait3A_3734 = arith.constant 0 : i32
        %dma_wait3A_3735 = tpu.memref_slice %arg4[%mul3A_2, %dma_wait3A_3734] : memref<2048x768xf32, #tpu.memory_space<hbm>> -> memref<128x768xf32, #tpu.memory_space<hbm>>
        tpu.wait_dma2 semaphore(%run_scoped3A : memref<!tpu.dma_semaphore, #tpu.memory_space<semaphore_mem>>) src(%dma_wait3A_3735 : memref<128x768xf32, #tpu.memory_space<hbm>>) dst(%arg16 : memref<128x768xf32, #tpu.memory_space<vmem>>)
        tpu.yield
      }) : () -> ()
      %dma_start3A = arith.constant 0 : i32
      %dma_start3A_3724 = arith.constant 0 : i32
      %dma_start3A_3725 = tpu.memref_slice %arg5[%dma_start3A, %dma_start3A_3724] : memref<4160x768xf32, #tpu.memory_space<hbm>> -> memref<4160x768xf32, #tpu.memory_space<hbm>>
      tpu.enqueue_indirect_dma source(%arg16 : memref<128x768xf32, #tpu.memory_space<vmem>>) target(%dma_start3A_3725 : memref<4160x768xf32, #tpu.memory_space<hbm>>) offsets(%arg15 : memref<128xi32, #tpu.memory_space<vmem>>) semaphore(%arg18 : memref<!tpu.dma_semaphore, #tpu.memory_space<semaphore_mem>>)
      %dma_wait3A = arith.constant 0 : i32
      %dma_wait3A_3726 = arith.constant 0 : i32
      %dma_wait3A_3727 = tpu.memref_slice %arg5[%dma_wait3A, %dma_wait3A_3726] : memref<4160x768xf32, #tpu.memory_space<hbm>> -> memref<4160x768xf32, #tpu.memory_space<hbm>>
      tpu.wait_indirect_dma semaphore(%arg18 : memref<!tpu.dma_semaphore, #tpu.memory_space<semaphore_mem>>) src(%arg16 : memref<128x768xf32, #tpu.memory_space<vmem>>) dst(%dma_wait3A_3727 : memref<4160x768xf32, #tpu.memory_space<hbm>>)
    } else {
    }
    return
  }
}

#map = affine_map<(d0, d1) -> (0)>
#map1 = affine_map<(d0, d1) -> (0, 0)>
module attributes {stable_mosaic.version = 14 : i64} {
  func.func @_gather_body(%arg0: i32, %arg1: i32, %arg2: memref<2048xi32, #tpu.memory_space<hbm>>, %arg3: memref<4096x768xf32, #tpu.memory_space<hbm>>, %arg4: memref<2048x768xf32, #tpu.memory_space<hbm>>, %arg5: memref<64xi32, #tpu.memory_space<vmem>>, %arg6: memref<64x768xf32, #tpu.memory_space<vmem>>, %arg7: memref<!tpu.dma_semaphore, #tpu.memory_space<semaphore_mem>>) attributes {dimension_semantics = [#tpu.dimension_semantics<core_parallel>, #tpu.dimension_semantics<subcore_parallel>], iteration_bounds = array<i64: 2, 16>, scalar_prefetch = 0 : i64, scratch_operands = 3 : i64, tpu.core_type = #tpu.core_type<sc_vector_subcore>, window_params = [{transform_indices = #map}, {transform_indices = #map1}, {transform_indices = #map1}]} {
    %mul3A = arith.constant 2 : i32
    %mul3A_0 = arith.muli %arg1, %mul3A : i32
    %add3A = arith.addi %mul3A_0, %arg0 : i32
    %mul3A_1 = arith.constant 64 : i32
    %mul3A_2 = arith.muli %add3A, %mul3A_1 : i32
    "tpu.region"() ({
      %run_scoped3A = tpu.sem_alloc : memref<!tpu.dma_semaphore, #tpu.memory_space<semaphore_mem>>
      %dma_start3A_7 = tpu.memref_slice %arg2[%mul3A_2] : memref<2048xi32, #tpu.memory_space<hbm>> -> memref<64xi32, #tpu.memory_space<hbm>>
      %dma_start3A_8 = tpu.memref_slice %arg2[%mul3A_2] : memref<2048xi32, #tpu.memory_space<hbm>> -> memref<64xi32, #tpu.memory_space<hbm>>
      tpu.enqueue_dma source(%dma_start3A_8 : memref<64xi32, #tpu.memory_space<hbm>>) target(%arg5 : memref<64xi32, #tpu.memory_space<vmem>>) target_semaphore(%run_scoped3A : memref<!tpu.dma_semaphore, #tpu.memory_space<semaphore_mem>>)
      %dma_wait3A_9 = tpu.memref_slice %arg2[%mul3A_2] : memref<2048xi32, #tpu.memory_space<hbm>> -> memref<64xi32, #tpu.memory_space<hbm>>
      %dma_wait3A_10 = tpu.memref_slice %arg2[%mul3A_2] : memref<2048xi32, #tpu.memory_space<hbm>> -> memref<64xi32, #tpu.memory_space<hbm>>
      tpu.wait_dma2 semaphore(%run_scoped3A : memref<!tpu.dma_semaphore, #tpu.memory_space<semaphore_mem>>) src(%dma_wait3A_10 : memref<64xi32, #tpu.memory_space<hbm>>) dst(%arg5 : memref<64xi32, #tpu.memory_space<vmem>>)
      tpu.yield
    }) : () -> ()
    %dma_start3A = arith.constant 0 : i32
    %dma_start3A_3 = arith.constant 0 : i32
    %dma_start3A_4 = tpu.memref_slice %arg3[%dma_start3A, %dma_start3A_3] : memref<4096x768xf32, #tpu.memory_space<hbm>> -> memref<4096x768xf32, #tpu.memory_space<hbm>>
    tpu.enqueue_indirect_dma source(%dma_start3A_4 : memref<4096x768xf32, #tpu.memory_space<hbm>>) target(%arg6 : memref<64x768xf32, #tpu.memory_space<vmem>>) offsets(%arg5 : memref<64xi32, #tpu.memory_space<vmem>>) semaphore(%arg7 : memref<!tpu.dma_semaphore, #tpu.memory_space<semaphore_mem>>)
    %dma_wait3A = arith.constant 0 : i32
    %dma_wait3A_5 = arith.constant 0 : i32
    %dma_wait3A_6 = tpu.memref_slice %arg3[%dma_wait3A, %dma_wait3A_5] : memref<4096x768xf32, #tpu.memory_space<hbm>> -> memref<4096x768xf32, #tpu.memory_space<hbm>>
    tpu.wait_indirect_dma semaphore(%arg7 : memref<!tpu.dma_semaphore, #tpu.memory_space<semaphore_mem>>) src(%dma_wait3A_6 : memref<4096x768xf32, #tpu.memory_space<hbm>>) dst(%arg6 : memref<64x768xf32, #tpu.memory_space<vmem>>)
    "tpu.region"() ({
      %run_scoped3A = tpu.sem_alloc : memref<!tpu.dma_semaphore, #tpu.memory_space<semaphore_mem>>
      %dma_start3A_7 = arith.constant 0 : i32
      %dma_start3A_8 = tpu.memref_slice %arg4[%mul3A_2, %dma_start3A_7] : memref<2048x768xf32, #tpu.memory_space<hbm>> -> memref<64x768xf32, #tpu.memory_space<hbm>>
      %dma_start3A_9 = arith.constant 0 : i32
      %dma_start3A_10 = tpu.memref_slice %arg4[%mul3A_2, %dma_start3A_9] : memref<2048x768xf32, #tpu.memory_space<hbm>> -> memref<64x768xf32, #tpu.memory_space<hbm>>
      tpu.enqueue_dma source(%arg6 : memref<64x768xf32, #tpu.memory_space<vmem>>) target(%dma_start3A_10 : memref<64x768xf32, #tpu.memory_space<hbm>>) target_semaphore(%run_scoped3A : memref<!tpu.dma_semaphore, #tpu.memory_space<semaphore_mem>>)
      %dma_wait3A_11 = arith.constant 0 : i32
      %dma_wait3A_12 = tpu.memref_slice %arg4[%mul3A_2, %dma_wait3A_11] : memref<2048x768xf32, #tpu.memory_space<hbm>> -> memref<64x768xf32, #tpu.memory_space<hbm>>
      %dma_wait3A_13 = arith.constant 0 : i32
      %dma_wait3A_14 = tpu.memref_slice %arg4[%mul3A_2, %dma_wait3A_13] : memref<2048x768xf32, #tpu.memory_space<hbm>> -> memref<64x768xf32, #tpu.memory_space<hbm>>
      tpu.wait_dma2 semaphore(%run_scoped3A : memref<!tpu.dma_semaphore, #tpu.memory_space<semaphore_mem>>) src(%arg6 : memref<64x768xf32, #tpu.memory_space<vmem>>) dst(%dma_wait3A_14 : memref<64x768xf32, #tpu.memory_space<hbm>>)
      tpu.yield
    }) : () -> ()
    return
  }
}

module attributes {stable_mosaic.version = 14 : i64} {
  func.func @_qkv_body(%arg0: i32, %arg1: memref<256x768xf32, #tpu.memory_space<vmem>>, %arg2: memref<256x1xi32, #tpu.memory_space<vmem>>, %arg3: memref<1x768xf32, #tpu.memory_space<vmem>>, %arg4: memref<768x768xf32, #tpu.memory_space<vmem>>, %arg5: memref<768x768xf32, #tpu.memory_space<vmem>>, %arg6: memref<768x768xf32, #tpu.memory_space<vmem>>, %arg7: memref<12x256x64xf32, #tpu.memory_space<vmem>>, %arg8: memref<12x256x64xf32, #tpu.memory_space<vmem>>, %arg9: memref<12x256x64xf32, #tpu.memory_space<vmem>>) attributes {dimension_semantics = [#tpu.dimension_semantics<arbitrary>], iteration_bounds = array<i64: 8>, scalar_prefetch = 0 : i64, scratch_operands = 0 : i64, tpu.core_type = #tpu.core_type<tc>, window_params = [{transform_indices = @transform_0, window_bounds = array<i64: 256, 768>}, {transform_indices = @transform_1, window_bounds = array<i64: 256, 1>}, {pipeline_mode = #tpu.pipeline_mode<synchronous>, transform_indices = @transform_2, window_bounds = array<i64: 1, 768>}, {pipeline_mode = #tpu.pipeline_mode<synchronous>, transform_indices = @transform_3, window_bounds = array<i64: 768, 768>}, {pipeline_mode = #tpu.pipeline_mode<synchronous>, transform_indices = @transform_4, window_bounds = array<i64: 768, 768>}, {pipeline_mode = #tpu.pipeline_mode<synchronous>, transform_indices = @transform_5, window_bounds = array<i64: 768, 768>}, {transform_indices = @transform_6, window_bounds = array<i64: 12, 256, 64>}, {transform_indices = @transform_7, window_bounds = array<i64: 12, 256, 64>}, {transform_indices = @transform_8, window_bounds = array<i64: 12, 256, 64>}]} {
    %get3A = arith.constant 0 : index
    %get3A_0 = arith.constant 0 : index
    %get3A_1 = vector.load %arg1[%get3A, %get3A_0] : memref<256x768xf32, #tpu.memory_space<vmem>>, vector<256x768xf32>
    %get3A_2 = arith.constant 0 : index
    %get3A_3 = arith.constant 0 : index
    %get3A_4 = vector.load %arg3[%get3A_2, %get3A_3] : memref<1x768xf32, #tpu.memory_space<vmem>>, vector<1x768xf32>
    %mul3A = vector.broadcast %get3A_4 : vector<1x768xf32> to vector<256x768xf32>
    %mul3A_5 = arith.mulf %get3A_1, %mul3A : vector<256x768xf32>
    %mul3A_6 = arith.mulf %get3A_1, %get3A_1 : vector<256x768xf32>
    %reduce_sum3A = arith.constant dense<0.000000e+00> : vector<256xf32>
    %reduce_sum3A_7 = vector.multi_reduction <add>, %mul3A_6, %reduce_sum3A [1] : vector<256x768xf32> to vector<256xf32>
    %broadcast_in_dim3A = vector.shape_cast %reduce_sum3A_7 : vector<256xf32> to vector<256x1xf32>
    %div3A = arith.constant 7.680000e+02 : f32
    %div3A_8 = vector.broadcast %div3A : f32 to vector<256x1xf32>
    %div3A_9 = arith.divf %broadcast_in_dim3A, %div3A_8 : vector<256x1xf32>
    %add3A = arith.constant 9.99999974E-6 : f32
    %add3A_10 = vector.broadcast %add3A : f32 to vector<256x1xf32>
    %add3A_11 = arith.addf %div3A_9, %add3A_10 : vector<256x1xf32>
    %rsqrt3A = math.rsqrt %add3A_11 : vector<256x1xf32>
    %mul3A_12 = vector.broadcast %rsqrt3A : vector<256x1xf32> to vector<256x768xf32>
    %mul3A_13 = arith.mulf %mul3A_5, %mul3A_12 : vector<256x768xf32>
    %get3A_14 = arith.constant 0 : index
    %get3A_15 = arith.constant 0 : index
    %get3A_16 = vector.load %arg2[%get3A_14, %get3A_15] : memref<256x1xi32, #tpu.memory_space<vmem>>, vector<256x1xi32>
    %convert_element_type3A = arith.sitofp %get3A_16 : vector<256x1xi32> to vector<256x1xf32>
    %iota3A = tpu.iota {dimensions = array<i32: 1>} : vector<1x32xi32>
    %convert_element_type3A_17 = arith.sitofp %iota3A : vector<1x32xi32> to vector<1x32xf32>
    %mul3A_18 = arith.constant -0.287823141 : f32
    %mul3A_19 = vector.broadcast %mul3A_18 : f32 to vector<1x32xf32>
    %mul3A_20 = arith.mulf %convert_element_type3A_17, %mul3A_19 : vector<1x32xf32>
    %exp3A = math.exp %mul3A_20 : vector<1x32xf32>
    %mul3A_21 = vector.broadcast %convert_element_type3A : vector<256x1xf32> to vector<256x32xf32>
    %mul3A_22 = vector.broadcast %exp3A : vector<1x32xf32> to vector<256x32xf32>
    %mul3A_23 = arith.mulf %mul3A_21, %mul3A_22 : vector<256x32xf32>
    %cos3A = math.cos %mul3A_23 : vector<256x32xf32>
    %sin3A = math.sin %mul3A_23 : vector<256x32xf32>
    %convert_element_type3A_24 = arith.truncf %mul3A_13 : vector<256x768xf32> to vector<256x768xbf16>
    %get3A_25 = arith.constant 0 : index
    %get3A_26 = arith.constant 0 : index
    %get3A_27 = vector.load %arg4[%get3A_25, %get3A_26] : memref<768x768xf32, #tpu.memory_space<vmem>>, vector<768x768xf32>
    %convert_element_type3A_28 = arith.truncf %get3A_27 : vector<768x768xf32> to vector<768x768xbf16>
    %dot_general3A = arith.constant dense<0.000000e+00> : vector<256x768xf32>
    %dot_general3A_29 = tpu.matmul %convert_element_type3A_24, %convert_element_type3A_28, %dot_general3A {dimension_numbers = #tpu.dot_dimension_numbers<[1], [0], [0], [1], [0, 0, 1, 1], [], []>, transpose_lhs_hint = false} : vector<256x768xbf16>, vector<768x768xbf16>, vector<256x768xf32> -> vector<256x768xf32>
    %get3A_30 = arith.constant 0 : index
    %get3A_31 = arith.constant 0 : index
    %get3A_32 = vector.load %arg5[%get3A_30, %get3A_31] : memref<768x768xf32, #tpu.memory_space<vmem>>, vector<768x768xf32>
    %convert_element_type3A_33 = arith.truncf %get3A_32 : vector<768x768xf32> to vector<768x768xbf16>
    %dot_general3A_34 = arith.constant dense<0.000000e+00> : vector<256x768xf32>
    %dot_general3A_35 = tpu.matmul %convert_element_type3A_24, %convert_element_type3A_33, %dot_general3A_34 {dimension_numbers = #tpu.dot_dimension_numbers<[1], [0], [0], [1], [0, 0, 1, 1], [], []>, transpose_lhs_hint = false} : vector<256x768xbf16>, vector<768x768xbf16>, vector<256x768xf32> -> vector<256x768xf32>
    %get3A_36 = arith.constant 0 : index
    %get3A_37 = arith.constant 0 : index
    %get3A_38 = vector.load %arg6[%get3A_36, %get3A_37] : memref<768x768xf32, #tpu.memory_space<vmem>>, vector<768x768xf32>
    %convert_element_type3A_39 = arith.truncf %get3A_38 : vector<768x768xf32> to vector<768x768xbf16>
    %dot_general3A_40 = arith.constant dense<0.000000e+00> : vector<256x768xf32>
    %dot_general3A_41 = tpu.matmul %convert_element_type3A_24, %convert_element_type3A_39, %dot_general3A_40 {dimension_numbers = #tpu.dot_dimension_numbers<[1], [0], [0], [1], [0, 0, 1, 1], [], []>, transpose_lhs_hint = false} : vector<256x768xbf16>, vector<768x768xbf16>, vector<256x768xf32> -> vector<256x768xf32>
    %slice3A = vector.extract_strided_slice %dot_general3A_29 {offsets = [0, 0], sizes = [256, 64], strides = [1, 1]} : vector<256x768xf32> to vector<256x64xf32>
    %slice3A_42 = vector.extract_strided_slice %dot_general3A_35 {offsets = [0, 0], sizes = [256, 64], strides = [1, 1]} : vector<256x768xf32> to vector<256x64xf32>
    %slice3A_43 = vector.extract_strided_slice %slice3A {offsets = [0, 0], sizes = [256, 32], strides = [1, 1]} : vector<256x64xf32> to vector<256x32xf32>
    %slice3A_44 = vector.extract_strided_slice %slice3A {offsets = [0, 32], sizes = [256, 32], strides = [1, 1]} : vector<256x64xf32> to vector<256x32xf32>
    %slice3A_45 = vector.extract_strided_slice %slice3A_42 {offsets = [0, 0], sizes = [256, 32], strides = [1, 1]} : vector<256x64xf32> to vector<256x32xf32>
    %slice3A_46 = vector.extract_strided_slice %slice3A_42 {offsets = [0, 32], sizes = [256, 32], strides = [1, 1]} : vector<256x64xf32> to vector<256x32xf32>
    %mul3A_47 = arith.mulf %slice3A_43, %cos3A : vector<256x32xf32>
    %mul3A_48 = arith.mulf %slice3A_44, %sin3A : vector<256x32xf32>
    %sub3A = arith.subf %mul3A_47, %mul3A_48 : vector<256x32xf32>
    %mul3A_49 = arith.mulf %slice3A_43, %sin3A : vector<256x32xf32>
    %mul3A_50 = arith.mulf %slice3A_44, %cos3A : vector<256x32xf32>
    %add3A_51 = arith.addf %mul3A_49, %mul3A_50 : vector<256x32xf32>
    %concatenate3A = tpu.concatenate %sub3A, %add3A_51 in 1 : vector<256x32xf32>, vector<256x32xf32> -> vector<256x64xf32>
    %swap3A = arith.constant 0 : index
    %swap3A_52 = arith.constant 0 : index
    %swap3A_53 = arith.constant 0 : index
    %swap3A_54 = vector.load %arg7[%swap3A, %swap3A_52, %swap3A_53] : memref<12x256x64xf32, #tpu.memory_space<vmem>>, vector<1x256x64xf32>
    %swap3A_55 = vector.shape_cast %swap3A_54 : vector<1x256x64xf32> to vector<256x64xf32>
    %swap3A_56 = vector.shape_cast %concatenate3A : vector<256x64xf32> to vector<1x256x64xf32>
    tpu.vector_store %arg7[%swap3A, %swap3A_52, %swap3A_53], %swap3A_56 {strides = array<i32>} : memref<12x256x64xf32, #tpu.memory_space<vmem>>, vector<1x256x64xf32>,
    %mul3A_57 = arith.mulf %slice3A_45, %cos3A : vector<256x32xf32>
    %mul3A_58 = arith.mulf %slice3A_46, %sin3A : vector<256x32xf32>
    %sub3A_59 = arith.subf %mul3A_57, %mul3A_58 : vector<256x32xf32>
    %mul3A_60 = arith.mulf %slice3A_45, %sin3A : vector<256x32xf32>
    %mul3A_61 = arith.mulf %slice3A_46, %cos3A : vector<256x32xf32>
    %add3A_62 = arith.addf %mul3A_60, %mul3A_61 : vector<256x32xf32>
    %concatenate3A_63 = tpu.concatenate %sub3A_59, %add3A_62 in 1 : vector<256x32xf32>, vector<256x32xf32> -> vector<256x64xf32>
    %swap3A_64 = arith.constant 0 : index
    %swap3A_65 = arith.constant 0 : index
    %swap3A_66 = arith.constant 0 : index
    %swap3A_67 = vector.load %arg8[%swap3A_64, %swap3A_65, %swap3A_66] : memref<12x256x64xf32, #tpu.memory_space<vmem>>, vector<1x256x64xf32>
    %swap3A_68 = vector.shape_cast %swap3A_67 : vector<1x256x64xf32> to vector<256x64xf32>
    %swap3A_69 = vector.shape_cast %concatenate3A_63 : vector<256x64xf32> to vector<1x256x64xf32>
    tpu.vector_store %arg8[%swap3A_64, %swap3A_65, %swap3A_66], %swap3A_69 {strides = array<i32>} : memref<12x256x64xf32, #tpu.memory_space<vmem>>, vector<1x256x64xf32>,
    %slice3A_70 = vector.extract_strided_slice %dot_general3A_41 {offsets = [0, 0], sizes = [256, 64], strides = [1, 1]} : vector<256x768xf32> to vector<256x64xf32>
    %swap3A_71 = arith.constant 0 : index
    %swap3A_72 = arith.constant 0 : index
    %swap3A_73 = arith.constant 0 : index
    %swap3A_74 = vector.load %arg9[%swap3A_71, %swap3A_72, %swap3A_73] : memref<12x256x64xf32, #tpu.memory_space<vmem>>, vector<1x256x64xf32>
    %swap3A_75 = vector.shape_cast %swap3A_74 : vector<1x256x64xf32> to vector<256x64xf32>
    %swap3A_76 = vector.shape_cast %slice3A_70 : vector<256x64xf32> to vector<1x256x64xf32>
    tpu.vector_store %arg9[%swap3A_71, %swap3A_72, %swap3A_73], %swap3A_76 {strides = array<i32>} : memref<12x256x64xf32, #tpu.memory_space<vmem>>, vector<1x256x64xf32>,
    %slice3A_77 = vector.extract_strided_slice %dot_general3A_29 {offsets = [0, 64], sizes = [256, 64], strides = [1, 1]} : vector<256x768xf32> to vector<256x64xf32>
    %slice3A_78 = vector.extract_strided_slice %dot_general3A_35 {offsets = [0, 64], sizes = [256, 64], strides = [1, 1]} : vector<256x768xf32> to vector<256x64xf32>
    %slice3A_79 = vector.extract_strided_slice %slice3A_77 {offsets = [0, 0], sizes = [256, 32], strides = [1, 1]} : vector<256x64xf32> to vector<256x32xf32>
    %slice3A_80 = vector.extract_strided_slice %slice3A_77 {offsets = [0, 32], sizes = [256, 32], strides = [1, 1]} : vector<256x64xf32> to vector<256x32xf32>
    %slice3A_81 = vector.extract_strided_slice %slice3A_78 {offsets = [0, 0], sizes = [256, 32], strides = [1, 1]} : vector<256x64xf32> to vector<256x32xf32>
    %slice3A_82 = vector.extract_strided_slice %slice3A_78 {offsets = [0, 32], sizes = [256, 32], strides = [1, 1]} : vector<256x64xf32> to vector<256x32xf32>
    %mul3A_83 = arith.mulf %slice3A_79, %cos3A : vector<256x32xf32>
    %mul3A_84 = arith.mulf %slice3A_80, %sin3A : vector<256x32xf32>
    %sub3A_85 = arith.subf %mul3A_83, %mul3A_84 : vector<256x32xf32>
    %mul3A_86 = arith.mulf %slice3A_79, %sin3A : vector<256x32xf32>
    %mul3A_87 = arith.mulf %slice3A_80, %cos3A : vector<256x32xf32>
    %add3A_88 = arith.addf %mul3A_86, %mul3A_87 : vector<256x32xf32>
    %concatenate3A_89 = tpu.concatenate %sub3A_85, %add3A_88 in 1 : vector<256x32xf32>, vector<256x32xf32> -> vector<256x64xf32>
    %swap3A_90 = arith.constant 1 : index
    %swap3A_91 = arith.constant 0 : index
    %swap3A_92 = arith.constant 0 : index
    %swap3A_93 = vector.load %arg7[%swap3A_90, %swap3A_91, %swap3A_92] : memref<12x256x64xf32, #tpu.memory_space<vmem>>, vector<1x256x64xf32>
    %swap3A_94 = vector.shape_cast %swap3A_93 : vector<1x256x64xf32> to vector<256x64xf32>
    %swap3A_95 = vector.shape_cast %concatenate3A_89 : vector<256x64xf32> to vector<1x256x64xf32>
    tpu.vector_store %arg7[%swap3A_90, %swap3A_91, %swap3A_92], %swap3A_95 {strides = array<i32>} : memref<12x256x64xf32, #tpu.memory_space<vmem>>, vector<1x256x64xf32>,
    %mul3A_96 = arith.mulf %slice3A_81, %cos3A : vector<256x32xf32>
    %mul3A_97 = arith.mulf %slice3A_82, %sin3A : vector<256x32xf32>
    %sub3A_98 = arith.subf %mul3A_96, %mul3A_97 : vector<256x32xf32>
    %mul3A_99 = arith.mulf %slice3A_81, %sin3A : vector<256x32xf32>
    %mul3A_100 = arith.mulf %slice3A_82, %cos3A : vector<256x32xf32>
    %add3A_101 = arith.addf %mul3A_99, %mul3A_100 : vector<256x32xf32>
    %concatenate3A_102 = tpu.concatenate %sub3A_98, %add3A_101 in 1 : vector<256x32xf32>, vector<256x32xf32> -> vector<256x64xf32>
    %swap3A_103 = arith.constant 1 : index
    %swap3A_104 = arith.constant 0 : index
    %swap3A_105 = arith.constant 0 : index
    %swap3A_106 = vector.load %arg8[%swap3A_103, %swap3A_104, %swap3A_105] : memref<12x256x64xf32, #tpu.memory_space<vmem>>, vector<1x256x64xf32>
    %swap3A_107 = vector.shape_cast %swap3A_106 : vector<1x256x64xf32> to vector<256x64xf32>
    %swap3A_108 = vector.shape_cast %concatenate3A_102 : vector<256x64xf32> to vector<1x256x64xf32>
    tpu.vector_store %arg8[%swap3A_103, %swap3A_104, %swap3A_105], %swap3A_108 {strides = array<i32>} : memref<12x256x64xf32, #tpu.memory_space<vmem>>, vector<1x256x64xf32>,
    %slice3A_109 = vector.extract_strided_slice %dot_general3A_41 {offsets = [0, 64], sizes = [256, 64], strides = [1, 1]} : vector<256x768xf32> to vector<256x64xf32>
    %swap3A_110 = arith.constant 1 : index
    %swap3A_111 = arith.constant 0 : index
    %swap3A_112 = arith.constant 0 : index
    %swap3A_113 = vector.load %arg9[%swap3A_110, %swap3A_111, %swap3A_112] : memref<12x256x64xf32, #tpu.memory_space<vmem>>, vector<1x256x64xf32>
    %swap3A_114 = vector.shape_cast %swap3A_113 : vector<1x256x64xf32> to vector<256x64xf32>
    %swap3A_115 = vector.shape_cast %slice3A_109 : vector<256x64xf32> to vector<1x256x64xf32>
    tpu.vector_store %arg9[%swap3A_110, %swap3A_111, %swap3A_112], %swap3A_115 {strides = array<i32>} : memref<12x256x64xf32, #tpu.memory_space<vmem>>, vector<1x256x64xf32>,
    %slice3A_116 = vector.extract_strided_slice %dot_general3A_29 {offsets = [0, 128], sizes = [256, 64], strides = [1, 1]} : vector<256x768xf32> to vector<256x64xf32>
    %slice3A_117 = vector.extract_strided_slice %dot_general3A_35 {offsets = [0, 128], sizes = [256, 64], strides = [1, 1]} : vector<256x768xf32> to vector<256x64xf32>
    %slice3A_118 = vector.extract_strided_slice %slice3A_116 {offsets = [0, 0], sizes = [256, 32], strides = [1, 1]} : vector<256x64xf32> to vector<256x32xf32>
    %slice3A_119 = vector.extract_strided_slice %slice3A_116 {offsets = [0, 32], sizes = [256, 32], strides = [1, 1]} : vector<256x64xf32> to vector<256x32xf32>
    %slice3A_120 = vector.extract_strided_slice %slice3A_117 {offsets = [0, 0], sizes = [256, 32], strides = [1, 1]} : vector<256x64xf32> to vector<256x32xf32>
    %slice3A_121 = vector.extract_strided_slice %slice3A_117 {offsets = [0, 32], sizes = [256, 32], strides = [1, 1]} : vector<256x64xf32> to vector<256x32xf32>
    %mul3A_122 = arith.mulf %slice3A_118, %cos3A : vector<256x32xf32>
    %mul3A_123 = arith.mulf %slice3A_119, %sin3A : vector<256x32xf32>
    %sub3A_124 = arith.subf %mul3A_122, %mul3A_123 : vector<256x32xf32>
    %mul3A_125 = arith.mulf %slice3A_118, %sin3A : vector<256x32xf32>
    %mul3A_126 = arith.mulf %slice3A_119, %cos3A : vector<256x32xf32>
    %add3A_127 = arith.addf %mul3A_125, %mul3A_126 : vector<256x32xf32>
    %concatenate3A_128 = tpu.concatenate %sub3A_124, %add3A_127 in 1 : vector<256x32xf32>, vector<256x32xf32> -> vector<256x64xf32>
    %swap3A_129 = arith.constant 2 : index
    %swap3A_130 = arith.constant 0 : index
    %swap3A_131 = arith.constant 0 : index
    %swap3A_132 = vector.load %arg7[%swap3A_129, %swap3A_130, %swap3A_131] : memref<12x256x64xf32, #tpu.memory_space<vmem>>, vector<1x256x64xf32>
    %swap3A_133 = vector.shape_cast %swap3A_132 : vector<1x256x64xf32> to vector<256x64xf32>
    %swap3A_134 = vector.shape_cast %concatenate3A_128 : vector<256x64xf32> to vector<1x256x64xf32>
    tpu.vector_store %arg7[%swap3A_129, %swap3A_130, %swap3A_131], %swap3A_134 {strides = array<i32>} : memref<12x256x64xf32, #tpu.memory_space<vmem>>, vector<1x256x64xf32>,
    %mul3A_135 = arith.mulf %slice3A_120, %cos3A : vector<256x32xf32>
    %mul3A_136 = arith.mulf %slice3A_121, %sin3A : vector<256x32xf32>
    %sub3A_137 = arith.subf %mul3A_135, %mul3A_136 : vector<256x32xf32>
    %mul3A_138 = arith.mulf %slice3A_120, %sin3A : vector<256x32xf32>
    %mul3A_139 = arith.mulf %slice3A_121, %cos3A : vector<256x32xf32>
    %add3A_140 = arith.addf %mul3A_138, %mul3A_139 : vector<256x32xf32>
    %concatenate3A_141 = tpu.concatenate %sub3A_137, %add3A_140 in 1 : vector<256x32xf32>, vector<256x32xf32> -> vector<256x64xf32>
    %swap3A_142 = arith.constant 2 : index
    %swap3A_143 = arith.constant 0 : index
    %swap3A_144 = arith.constant 0 : index
    %swap3A_145 = vector.load %arg8[%swap3A_142, %swap3A_143, %swap3A_144] : memref<12x256x64xf32, #tpu.memory_space<vmem>>, vector<1x256x64xf32>
    %swap3A_146 = vector.shape_cast %swap3A_145 : vector<1x256x64xf32> to vector<256x64xf32>
    %swap3A_147 = vector.shape_cast %concatenate3A_141 : vector<256x64xf32> to vector<1x256x64xf32>
    tpu.vector_store %arg8[%swap3A_142, %swap3A_143, %swap3A_144], %swap3A_147 {strides = array<i32>} : memref<12x256x64xf32, #tpu.memory_space<vmem>>, vector<1x256x64xf32>,
    %slice3A_148 = vector.extract_strided_slice %dot_general3A_41 {offsets = [0, 128], sizes = [256, 64], strides = [1, 1]} : vector<256x768xf32> to vector<256x64xf32>
    %swap3A_149 = arith.constant 2 : index
    %swap3A_150 = arith.constant 0 : index
    %swap3A_151 = arith.constant 0 : index
    %swap3A_152 = vector.load %arg9[%swap3A_149, %swap3A_150, %swap3A_151] : memref<12x256x64xf32, #tpu.memory_space<vmem>>, vector<1x256x64xf32>
    %swap3A_153 = vector.shape_cast %swap3A_152 : vector<1x256x64xf32> to vector<256x64xf32>
    %swap3A_154 = vector.shape_cast %slice3A_148 : vector<256x64xf32> to vector<1x256x64xf32>
    tpu.vector_store %arg9[%swap3A_149, %swap3A_150, %swap3A_151], %swap3A_154 {strides = array<i32>} : memref<12x256x64xf32, #tpu.memory_space<vmem>>, vector<1x256x64xf32>,
    %slice3A_155 = vector.extract_strided_slice %dot_general3A_29 {offsets = [0, 192], sizes = [256, 64], strides = [1, 1]} : vector<256x768xf32> to vector<256x64xf32>
    %slice3A_156 = vector.extract_strided_slice %dot_general3A_35 {offsets = [0, 192], sizes = [256, 64], strides = [1, 1]} : vector<256x768xf32> to vector<256x64xf32>
    %slice3A_157 = vector.extract_strided_slice %slice3A_155 {offsets = [0, 0], sizes = [256, 32], strides = [1, 1]} : vector<256x64xf32> to vector<256x32xf32>
    %slice3A_158 = vector.extract_strided_slice %slice3A_155 {offsets = [0, 32], sizes = [256, 32], strides = [1, 1]} : vector<256x64xf32> to vector<256x32xf32>
    %slice3A_159 = vector.extract_strided_slice %slice3A_156 {offsets = [0, 0], sizes = [256, 32], strides = [1, 1]} : vector<256x64xf32> to vector<256x32xf32>
    %slice3A_160 = vector.extract_strided_slice %slice3A_156 {offsets = [0, 32], sizes = [256, 32], strides = [1, 1]} : vector<256x64xf32> to vector<256x32xf32>
    %mul3A_161 = arith.mulf %slice3A_157, %cos3A : vector<256x32xf32>
    %mul3A_162 = arith.mulf %slice3A_158, %sin3A : vector<256x32xf32>
    %sub3A_163 = arith.subf %mul3A_161, %mul3A_162 : vector<256x32xf32>
    %mul3A_164 = arith.mulf %slice3A_157, %sin3A : vector<256x32xf32>
    %mul3A_165 = arith.mulf %slice3A_158, %cos3A : vector<256x32xf32>
    %add3A_166 = arith.addf %mul3A_164, %mul3A_165 : vector<256x32xf32>
    %concatenate3A_167 = tpu.concatenate %sub3A_163, %add3A_166 in 1 : vector<256x32xf32>, vector<256x32xf32> -> vector<256x64xf32>
    %swap3A_168 = arith.constant 3 : index
    %swap3A_169 = arith.constant 0 : index
    %swap3A_170 = arith.constant 0 : index
    %swap3A_171 = vector.load %arg7[%swap3A_168, %swap3A_169, %swap3A_170] : memref<12x256x64xf32, #tpu.memory_space<vmem>>, vector<1x256x64xf32>
    %swap3A_172 = vector.shape_cast %swap3A_171 : vector<1x256x64xf32> to vector<256x64xf32>
    %swap3A_173 = vector.shape_cast %concatenate3A_167 : vector<256x64xf32> to vector<1x256x64xf32>
    tpu.vector_store %arg7[%swap3A_168, %swap3A_169, %swap3A_170], %swap3A_173 {strides = array<i32>} : memref<12x256x64xf32, #tpu.memory_space<vmem>>, vector<1x256x64xf32>,
    %mul3A_174 = arith.mulf %slice3A_159, %cos3A : vector<256x32xf32>
    %mul3A_175 = arith.mulf %slice3A_160, %sin3A : vector<256x32xf32>
    %sub3A_176 = arith.subf %mul3A_174, %mul3A_175 : vector<256x32xf32>
    %mul3A_177 = arith.mulf %slice3A_159, %sin3A : vector<256x32xf32>
    %mul3A_178 = arith.mulf %slice3A_160, %cos3A : vector<256x32xf32>
    %add3A_179 = arith.addf %mul3A_177, %mul3A_178 : vector<256x32xf32>
    %concatenate3A_180 = tpu.concatenate %sub3A_176, %add3A_179 in 1 : vector<256x32xf32>, vector<256x32xf32> -> vector<256x64xf32>
    %swap3A_181 = arith.constant 3 : index
    %swap3A_182 = arith.constant 0 : index
    %swap3A_183 = arith.constant 0 : index
    %swap3A_184 = vector.load %arg8[%swap3A_181, %swap3A_182, %swap3A_183] : memref<12x256x64xf32, #tpu.memory_space<vmem>>, vector<1x256x64xf32>
    %swap3A_185 = vector.shape_cast %swap3A_184 : vector<1x256x64xf32> to vector<256x64xf32>
    %swap3A_186 = vector.shape_cast %concatenate3A_180 : vector<256x64xf32> to vector<1x256x64xf32>
    tpu.vector_store %arg8[%swap3A_181, %swap3A_182, %swap3A_183], %swap3A_186 {strides = array<i32>} : memref<12x256x64xf32, #tpu.memory_space<vmem>>, vector<1x256x64xf32>,
    %slice3A_187 = vector.extract_strided_slice %dot_general3A_41 {offsets = [0, 192], sizes = [256, 64], strides = [1, 1]} : vector<256x768xf32> to vector<256x64xf32>
    %swap3A_188 = arith.constant 3 : index
    %swap3A_189 = arith.constant 0 : index
    %swap3A_190 = arith.constant 0 : index
    %swap3A_191 = vector.load %arg9[%swap3A_188, %swap3A_189, %swap3A_190] : memref<12x256x64xf32, #tpu.memory_space<vmem>>, vector<1x256x64xf32>
    %swap3A_192 = vector.shape_cast %swap3A_191 : vector<1x256x64xf32> to vector<256x64xf32>
    %swap3A_193 = vector.shape_cast %slice3A_187 : vector<256x64xf32> to vector<1x256x64xf32>
    tpu.vector_store %arg9[%swap3A_188, %swap3A_189, %swap3A_190], %swap3A_193 {strides = array<i32>} : memref<12x256x64xf32, #tpu.memory_space<vmem>>, vector<1x256x64xf32>,
    %slice3A_194 = vector.extract_strided_slice %dot_general3A_29 {offsets = [0, 256], sizes = [256, 64], strides = [1, 1]} : vector<256x768xf32> to vector<256x64xf32>
    %slice3A_195 = vector.extract_strided_slice %dot_general3A_35 {offsets = [0, 256], sizes = [256, 64], strides = [1, 1]} : vector<256x768xf32> to vector<256x64xf32>
    %slice3A_196 = vector.extract_strided_slice %slice3A_194 {offsets = [0, 0], sizes = [256, 32], strides = [1, 1]} : vector<256x64xf32> to vector<256x32xf32>
    %slice3A_197 = vector.extract_strided_slice %slice3A_194 {offsets = [0, 32], sizes = [256, 32], strides = [1, 1]} : vector<256x64xf32> to vector<256x32xf32>
    %slice3A_198 = vector.extract_strided_slice %slice3A_195 {offsets = [0, 0], sizes = [256, 32], strides = [1, 1]} : vector<256x64xf32> to vector<256x32xf32>
    %slice3A_199 = vector.extract_strided_slice %slice3A_195 {offsets = [0, 32], sizes = [256, 32], strides = [1, 1]} : vector<256x64xf32> to vector<256x32xf32>
    %mul3A_200 = arith.mulf %slice3A_196, %cos3A : vector<256x32xf32>
    %mul3A_201 = arith.mulf %slice3A_197, %sin3A : vector<256x32xf32>
    %sub3A_202 = arith.subf %mul3A_200, %mul3A_201 : vector<256x32xf32>
    %mul3A_203 = arith.mulf %slice3A_196, %sin3A : vector<256x32xf32>
    %mul3A_204 = arith.mulf %slice3A_197, %cos3A : vector<256x32xf32>
    %add3A_205 = arith.addf %mul3A_203, %mul3A_204 : vector<256x32xf32>
    %concatenate3A_206 = tpu.concatenate %sub3A_202, %add3A_205 in 1 : vector<256x32xf32>, vector<256x32xf32> -> vector<256x64xf32>
    %swap3A_207 = arith.constant 4 : index
    %swap3A_208 = arith.constant 0 : index
    %swap3A_209 = arith.constant 0 : index
    %swap3A_210 = vector.load %arg7[%swap3A_207, %swap3A_208, %swap3A_209] : memref<12x256x64xf32, #tpu.memory_space<vmem>>, vector<1x256x64xf32>
    %swap3A_211 = vector.shape_cast %swap3A_210 : vector<1x256x64xf32> to vector<256x64xf32>
    %swap3A_212 = vector.shape_cast %concatenate3A_206 : vector<256x64xf32> to vector<1x256x64xf32>
    tpu.vector_store %arg7[%swap3A_207, %swap3A_208, %swap3A_209], %swap3A_212 {strides = array<i32>} : memref<12x256x64xf32, #tpu.memory_space<vmem>>, vector<1x256x64xf32>,
    %mul3A_213 = arith.mulf %slice3A_198, %cos3A : vector<256x32xf32>
    %mul3A_214 = arith.mulf %slice3A_199, %sin3A : vector<256x32xf32>
    %sub3A_215 = arith.subf %mul3A_213, %mul3A_214 : vector<256x32xf32>
    %mul3A_216 = arith.mulf %slice3A_198, %sin3A : vector<256x32xf32>
    %mul3A_217 = arith.mulf %slice3A_199, %cos3A : vector<256x32xf32>
    %add3A_218 = arith.addf %mul3A_216, %mul3A_217 : vector<256x32xf32>
    %concatenate3A_219 = tpu.concatenate %sub3A_215, %add3A_218 in 1 : vector<256x32xf32>, vector<256x32xf32> -> vector<256x64xf32>
    %swap3A_220 = arith.constant 4 : index
    %swap3A_221 = arith.constant 0 : index
    %swap3A_222 = arith.constant 0 : index
    %swap3A_223 = vector.load %arg8[%swap3A_220, %swap3A_221, %swap3A_222] : memref<12x256x64xf32, #tpu.memory_space<vmem>>, vector<1x256x64xf32>
    %swap3A_224 = vector.shape_cast %swap3A_223 : vector<1x256x64xf32> to vector<256x64xf32>
    %swap3A_225 = vector.shape_cast %concatenate3A_219 : vector<256x64xf32> to vector<1x256x64xf32>
    tpu.vector_store %arg8[%swap3A_220, %swap3A_221, %swap3A_222], %swap3A_225 {strides = array<i32>} : memref<12x256x64xf32, #tpu.memory_space<vmem>>, vector<1x256x64xf32>,
    %slice3A_226 = vector.extract_strided_slice %dot_general3A_41 {offsets = [0, 256], sizes = [256, 64], strides = [1, 1]} : vector<256x768xf32> to vector<256x64xf32>
    %swap3A_227 = arith.constant 4 : index
    %swap3A_228 = arith.constant 0 : index
    %swap3A_229 = arith.constant 0 : index
    %swap3A_230 = vector.load %arg9[%swap3A_227, %swap3A_228, %swap3A_229] : memref<12x256x64xf32, #tpu.memory_space<vmem>>, vector<1x256x64xf32>
    %swap3A_231 = vector.shape_cast %swap3A_230 : vector<1x256x64xf32> to vector<256x64xf32>
    %swap3A_232 = vector.shape_cast %slice3A_226 : vector<256x64xf32> to vector<1x256x64xf32>
    tpu.vector_store %arg9[%swap3A_227, %swap3A_228, %swap3A_229], %swap3A_232 {strides = array<i32>} : memref<12x256x64xf32, #tpu.memory_space<vmem>>, vector<1x256x64xf32>,
    %slice3A_233 = vector.extract_strided_slice %dot_general3A_29 {offsets = [0, 320], sizes = [256, 64], strides = [1, 1]} : vector<256x768xf32> to vector<256x64xf32>
    %slice3A_234 = vector.extract_strided_slice %dot_general3A_35 {offsets = [0, 320], sizes = [256, 64], strides = [1, 1]} : vector<256x768xf32> to vector<256x64xf32>
    %slice3A_235 = vector.extract_strided_slice %slice3A_233 {offsets = [0, 0], sizes = [256, 32], strides = [1, 1]} : vector<256x64xf32> to vector<256x32xf32>
    %slice3A_236 = vector.extract_strided_slice %slice3A_233 {offsets = [0, 32], sizes = [256, 32], strides = [1, 1]} : vector<256x64xf32> to vector<256x32xf32>
    %slice3A_237 = vector.extract_strided_slice %slice3A_234 {offsets = [0, 0], sizes = [256, 32], strides = [1, 1]} : vector<256x64xf32> to vector<256x32xf32>
    %slice3A_238 = vector.extract_strided_slice %slice3A_234 {offsets = [0, 32], sizes = [256, 32], strides = [1, 1]} : vector<256x64xf32> to vector<256x32xf32>
    %mul3A_239 = arith.mulf %slice3A_235, %cos3A : vector<256x32xf32>
    %mul3A_240 = arith.mulf %slice3A_236, %sin3A : vector<256x32xf32>
    %sub3A_241 = arith.subf %mul3A_239, %mul3A_240 : vector<256x32xf32>
    %mul3A_242 = arith.mulf %slice3A_235, %sin3A : vector<256x32xf32>
    %mul3A_243 = arith.mulf %slice3A_236, %cos3A : vector<256x32xf32>
    %add3A_244 = arith.addf %mul3A_242, %mul3A_243 : vector<256x32xf32>
    %concatenate3A_245 = tpu.concatenate %sub3A_241, %add3A_244 in 1 : vector<256x32xf32>, vector<256x32xf32> -> vector<256x64xf32>
    %swap3A_246 = arith.constant 5 : index
    %swap3A_247 = arith.constant 0 : index
    %swap3A_248 = arith.constant 0 : index
    %swap3A_249 = vector.load %arg7[%swap3A_246, %swap3A_247, %swap3A_248] : memref<12x256x64xf32, #tpu.memory_space<vmem>>, vector<1x256x64xf32>
    %swap3A_250 = vector.shape_cast %swap3A_249 : vector<1x256x64xf32> to vector<256x64xf32>
    %swap3A_251 = vector.shape_cast %concatenate3A_245 : vector<256x64xf32> to vector<1x256x64xf32>
    tpu.vector_store %arg7[%swap3A_246, %swap3A_247, %swap3A_248], %swap3A_251 {strides = array<i32>} : memref<12x256x64xf32, #tpu.memory_space<vmem>>, vector<1x256x64xf32>,
    %mul3A_252 = arith.mulf %slice3A_237, %cos3A : vector<256x32xf32>
    %mul3A_253 = arith.mulf %slice3A_238, %sin3A : vector<256x32xf32>
    %sub3A_254 = arith.subf %mul3A_252, %mul3A_253 : vector<256x32xf32>
    %mul3A_255 = arith.mulf %slice3A_237, %sin3A : vector<256x32xf32>
    %mul3A_256 = arith.mulf %slice3A_238, %cos3A : vector<256x32xf32>
    %add3A_257 = arith.addf %mul3A_255, %mul3A_256 : vector<256x32xf32>
    %concatenate3A_258 = tpu.concatenate %sub3A_254, %add3A_257 in 1 : vector<256x32xf32>, vector<256x32xf32> -> vector<256x64xf32>
    %swap3A_259 = arith.constant 5 : index
    %swap3A_260 = arith.constant 0 : index
    %swap3A_261 = arith.constant 0 : index
    %swap3A_262 = vector.load %arg8[%swap3A_259, %swap3A_260, %swap3A_261] : memref<12x256x64xf32, #tpu.memory_space<vmem>>, vector<1x256x64xf32>
    %swap3A_263 = vector.shape_cast %swap3A_262 : vector<1x256x64xf32> to vector<256x64xf32>
    %swap3A_264 = vector.shape_cast %concatenate3A_258 : vector<256x64xf32> to vector<1x256x64xf32>
    tpu.vector_store %arg8[%swap3A_259, %swap3A_260, %swap3A_261], %swap3A_264 {strides = array<i32>} : memref<12x256x64xf32, #tpu.memory_space<vmem>>, vector<1x256x64xf32>,
    %slice3A_265 = vector.extract_strided_slice %dot_general3A_41 {offsets = [0, 320], sizes = [256, 64], strides = [1, 1]} : vector<256x768xf32> to vector<256x64xf32>
    %swap3A_266 = arith.constant 5 : index
    %swap3A_267 = arith.constant 0 : index
    %swap3A_268 = arith.constant 0 : index
    %swap3A_269 = vector.load %arg9[%swap3A_266, %swap3A_267, %swap3A_268] : memref<12x256x64xf32, #tpu.memory_space<vmem>>, vector<1x256x64xf32>
    %swap3A_270 = vector.shape_cast %swap3A_269 : vector<1x256x64xf32> to vector<256x64xf32>
    %swap3A_271 = vector.shape_cast %slice3A_265 : vector<256x64xf32> to vector<1x256x64xf32>
    tpu.vector_store %arg9[%swap3A_266, %swap3A_267, %swap3A_268], %swap3A_271 {strides = array<i32>} : memref<12x256x64xf32, #tpu.memory_space<vmem>>, vector<1x256x64xf32>,
    %slice3A_272 = vector.extract_strided_slice %dot_general3A_29 {offsets = [0, 384], sizes = [256, 64], strides = [1, 1]} : vector<256x768xf32> to vector<256x64xf32>
    %slice3A_273 = vector.extract_strided_slice %dot_general3A_35 {offsets = [0, 384], sizes = [256, 64], strides = [1, 1]} : vector<256x768xf32> to vector<256x64xf32>
    %slice3A_274 = vector.extract_strided_slice %slice3A_272 {offsets = [0, 0], sizes = [256, 32], strides = [1, 1]} : vector<256x64xf32> to vector<256x32xf32>
    %slice3A_275 = vector.extract_strided_slice %slice3A_272 {offsets = [0, 32], sizes = [256, 32], strides = [1, 1]} : vector<256x64xf32> to vector<256x32xf32>
    %slice3A_276 = vector.extract_strided_slice %slice3A_273 {offsets = [0, 0], sizes = [256, 32], strides = [1, 1]} : vector<256x64xf32> to vector<256x32xf32>
    %slice3A_277 = vector.extract_strided_slice %slice3A_273 {offsets = [0, 32], sizes = [256, 32], strides = [1, 1]} : vector<256x64xf32> to vector<256x32xf32>
    %mul3A_278 = arith.mulf %slice3A_274, %cos3A : vector<256x32xf32>
    %mul3A_279 = arith.mulf %slice3A_275, %sin3A : vector<256x32xf32>
    %sub3A_280 = arith.subf %mul3A_278, %mul3A_279 : vector<256x32xf32>
    %mul3A_281 = arith.mulf %slice3A_274, %sin3A : vector<256x32xf32>
    %mul3A_282 = arith.mulf %slice3A_275, %cos3A : vector<256x32xf32>
    %add3A_283 = arith.addf %mul3A_281, %mul3A_282 : vector<256x32xf32>
    %concatenate3A_284 = tpu.concatenate %sub3A_280, %add3A_283 in 1 : vector<256x32xf32>, vector<256x32xf32> -> vector<256x64xf32>
    %swap3A_285 = arith.constant 6 : index
    %swap3A_286 = arith.constant 0 : index
    %swap3A_287 = arith.constant 0 : index
    %swap3A_288 = vector.load %arg7[%swap3A_285, %swap3A_286, %swap3A_287] : memref<12x256x64xf32, #tpu.memory_space<vmem>>, vector<1x256x64xf32>
    %swap3A_289 = vector.shape_cast %swap3A_288 : vector<1x256x64xf32> to vector<256x64xf32>
    %swap3A_290 = vector.shape_cast %concatenate3A_284 : vector<256x64xf32> to vector<1x256x64xf32>
    tpu.vector_store %arg7[%swap3A_285, %swap3A_286, %swap3A_287], %swap3A_290 {strides = array<i32>} : memref<12x256x64xf32, #tpu.memory_space<vmem>>, vector<1x256x64xf32>,
    %mul3A_291 = arith.mulf %slice3A_276, %cos3A : vector<256x32xf32>
    %mul3A_292 = arith.mulf %slice3A_277, %sin3A : vector<256x32xf32>
    %sub3A_293 = arith.subf %mul3A_291, %mul3A_292 : vector<256x32xf32>
    %mul3A_294 = arith.mulf %slice3A_276, %sin3A : vector<256x32xf32>
    %mul3A_295 = arith.mulf %slice3A_277, %cos3A : vector<256x32xf32>
    %add3A_296 = arith.addf %mul3A_294, %mul3A_295 : vector<256x32xf32>
    %concatenate3A_297 = tpu.concatenate %sub3A_293, %add3A_296 in 1 : vector<256x32xf32>, vector<256x32xf32> -> vector<256x64xf32>
    %swap3A_298 = arith.constant 6 : index
    %swap3A_299 = arith.constant 0 : index
    %swap3A_300 = arith.constant 0 : index
    %swap3A_301 = vector.load %arg8[%swap3A_298, %swap3A_299, %swap3A_300] : memref<12x256x64xf32, #tpu.memory_space<vmem>>, vector<1x256x64xf32>
    %swap3A_302 = vector.shape_cast %swap3A_301 : vector<1x256x64xf32> to vector<256x64xf32>
    %swap3A_303 = vector.shape_cast %concatenate3A_297 : vector<256x64xf32> to vector<1x256x64xf32>
    tpu.vector_store %arg8[%swap3A_298, %swap3A_299, %swap3A_300], %swap3A_303 {strides = array<i32>} : memref<12x256x64xf32, #tpu.memory_space<vmem>>, vector<1x256x64xf32>,
    %slice3A_304 = vector.extract_strided_slice %dot_general3A_41 {offsets = [0, 384], sizes = [256, 64], strides = [1, 1]} : vector<256x768xf32> to vector<256x64xf32>
    %swap3A_305 = arith.constant 6 : index
    %swap3A_306 = arith.constant 0 : index
    %swap3A_307 = arith.constant 0 : index
    %swap3A_308 = vector.load %arg9[%swap3A_305, %swap3A_306, %swap3A_307] : memref<12x256x64xf32, #tpu.memory_space<vmem>>, vector<1x256x64xf32>
    %swap3A_309 = vector.shape_cast %swap3A_308 : vector<1x256x64xf32> to vector<256x64xf32>
    %swap3A_310 = vector.shape_cast %slice3A_304 : vector<256x64xf32> to vector<1x256x64xf32>
    tpu.vector_store %arg9[%swap3A_305, %swap3A_306, %swap3A_307], %swap3A_310 {strides = array<i32>} : memref<12x256x64xf32, #tpu.memory_space<vmem>>, vector<1x256x64xf32>,
    %slice3A_311 = vector.extract_strided_slice %dot_general3A_29 {offsets = [0, 448], sizes = [256, 64], strides = [1, 1]} : vector<256x768xf32> to vector<256x64xf32>
    %slice3A_312 = vector.extract_strided_slice %dot_general3A_35 {offsets = [0, 448], sizes = [256, 64], strides = [1, 1]} : vector<256x768xf32> to vector<256x64xf32>
    %slice3A_313 = vector.extract_strided_slice %slice3A_311 {offsets = [0, 0], sizes = [256, 32], strides = [1, 1]} : vector<256x64xf32> to vector<256x32xf32>
    %slice3A_314 = vector.extract_strided_slice %slice3A_311 {offsets = [0, 32], sizes = [256, 32], strides = [1, 1]} : vector<256x64xf32> to vector<256x32xf32>
    %slice3A_315 = vector.extract_strided_slice %slice3A_312 {offsets = [0, 0], sizes = [256, 32], strides = [1, 1]} : vector<256x64xf32> to vector<256x32xf32>
    %slice3A_316 = vector.extract_strided_slice %slice3A_312 {offsets = [0, 32], sizes = [256, 32], strides = [1, 1]} : vector<256x64xf32> to vector<256x32xf32>
    %mul3A_317 = arith.mulf %slice3A_313, %cos3A : vector<256x32xf32>
    %mul3A_318 = arith.mulf %slice3A_314, %sin3A : vector<256x32xf32>
    %sub3A_319 = arith.subf %mul3A_317, %mul3A_318 : vector<256x32xf32>
    %mul3A_320 = arith.mulf %slice3A_313, %sin3A : vector<256x32xf32>
    %mul3A_321 = arith.mulf %slice3A_314, %cos3A : vector<256x32xf32>
    %add3A_322 = arith.addf %mul3A_320, %mul3A_321 : vector<256x32xf32>
    %concatenate3A_323 = tpu.concatenate %sub3A_319, %add3A_322 in 1 : vector<256x32xf32>, vector<256x32xf32> -> vector<256x64xf32>
    %swap3A_324 = arith.constant 7 : index
    %swap3A_325 = arith.constant 0 : index
    %swap3A_326 = arith.constant 0 : index
    %swap3A_327 = vector.load %arg7[%swap3A_324, %swap3A_325, %swap3A_326] : memref<12x256x64xf32, #tpu.memory_space<vmem>>, vector<1x256x64xf32>
    %swap3A_328 = vector.shape_cast %swap3A_327 : vector<1x256x64xf32> to vector<256x64xf32>
    %swap3A_329 = vector.shape_cast %concatenate3A_323 : vector<256x64xf32> to vector<1x256x64xf32>
    tpu.vector_store %arg7[%swap3A_324, %swap3A_325, %swap3A_326], %swap3A_329 {strides = array<i32>} : memref<12x256x64xf32, #tpu.memory_space<vmem>>, vector<1x256x64xf32>,
    %mul3A_330 = arith.mulf %slice3A_315, %cos3A : vector<256x32xf32>
    %mul3A_331 = arith.mulf %slice3A_316, %sin3A : vector<256x32xf32>
    %sub3A_332 = arith.subf %mul3A_330, %mul3A_331 : vector<256x32xf32>
    %mul3A_333 = arith.mulf %slice3A_315, %sin3A : vector<256x32xf32>
    %mul3A_334 = arith.mulf %slice3A_316, %cos3A : vector<256x32xf32>
    %add3A_335 = arith.addf %mul3A_333, %mul3A_334 : vector<256x32xf32>
    %concatenate3A_336 = tpu.concatenate %sub3A_332, %add3A_335 in 1 : vector<256x32xf32>, vector<256x32xf32> -> vector<256x64xf32>
    %swap3A_337 = arith.constant 7 : index
    %swap3A_338 = arith.constant 0 : index
    %swap3A_339 = arith.constant 0 : index
    %swap3A_340 = vector.load %arg8[%swap3A_337, %swap3A_338, %swap3A_339] : memref<12x256x64xf32, #tpu.memory_space<vmem>>, vector<1x256x64xf32>
    %swap3A_341 = vector.shape_cast %swap3A_340 : vector<1x256x64xf32> to vector<256x64xf32>
    %swap3A_342 = vector.shape_cast %concatenate3A_336 : vector<256x64xf32> to vector<1x256x64xf32>
    tpu.vector_store %arg8[%swap3A_337, %swap3A_338, %swap3A_339], %swap3A_342 {strides = array<i32>} : memref<12x256x64xf32, #tpu.memory_space<vmem>>, vector<1x256x64xf32>,
    %slice3A_343 = vector.extract_strided_slice %dot_general3A_41 {offsets = [0, 448], sizes = [256, 64], strides = [1, 1]} : vector<256x768xf32> to vector<256x64xf32>
    %swap3A_344 = arith.constant 7 : index
    %swap3A_345 = arith.constant 0 : index
    %swap3A_346 = arith.constant 0 : index
    %swap3A_347 = vector.load %arg9[%swap3A_344, %swap3A_345, %swap3A_346] : memref<12x256x64xf32, #tpu.memory_space<vmem>>, vector<1x256x64xf32>
    %swap3A_348 = vector.shape_cast %swap3A_347 : vector<1x256x64xf32> to vector<256x64xf32>
    %swap3A_349 = vector.shape_cast %slice3A_343 : vector<256x64xf32> to vector<1x256x64xf32>
    tpu.vector_store %arg9[%swap3A_344, %swap3A_345, %swap3A_346], %swap3A_349 {strides = array<i32>} : memref<12x256x64xf32, #tpu.memory_space<vmem>>, vector<1x256x64xf32>,
    %slice3A_350 = vector.extract_strided_slice %dot_general3A_29 {offsets = [0, 512], sizes = [256, 64], strides = [1, 1]} : vector<256x768xf32> to vector<256x64xf32>
    %slice3A_351 = vector.extract_strided_slice %dot_general3A_35 {offsets = [0, 512], sizes = [256, 64], strides = [1, 1]} : vector<256x768xf32> to vector<256x64xf32>
    %slice3A_352 = vector.extract_strided_slice %slice3A_350 {offsets = [0, 0], sizes = [256, 32], strides = [1, 1]} : vector<256x64xf32> to vector<256x32xf32>
    %slice3A_353 = vector.extract_strided_slice %slice3A_350 {offsets = [0, 32], sizes = [256, 32], strides = [1, 1]} : vector<256x64xf32> to vector<256x32xf32>
    %slice3A_354 = vector.extract_strided_slice %slice3A_351 {offsets = [0, 0], sizes = [256, 32], strides = [1, 1]} : vector<256x64xf32> to vector<256x32xf32>
    %slice3A_355 = vector.extract_strided_slice %slice3A_351 {offsets = [0, 32], sizes = [256, 32], strides = [1, 1]} : vector<256x64xf32> to vector<256x32xf32>
    %mul3A_356 = arith.mulf %slice3A_352, %cos3A : vector<256x32xf32>
    %mul3A_357 = arith.mulf %slice3A_353, %sin3A : vector<256x32xf32>
    %sub3A_358 = arith.subf %mul3A_356, %mul3A_357 : vector<256x32xf32>
    %mul3A_359 = arith.mulf %slice3A_352, %sin3A : vector<256x32xf32>
    %mul3A_360 = arith.mulf %slice3A_353, %cos3A : vector<256x32xf32>
    %add3A_361 = arith.addf %mul3A_359, %mul3A_360 : vector<256x32xf32>
    %concatenate3A_362 = tpu.concatenate %sub3A_358, %add3A_361 in 1 : vector<256x32xf32>, vector<256x32xf32> -> vector<256x64xf32>
    %swap3A_363 = arith.constant 8 : index
    %swap3A_364 = arith.constant 0 : index
    %swap3A_365 = arith.constant 0 : index
    %swap3A_366 = vector.load %arg7[%swap3A_363, %swap3A_364, %swap3A_365] : memref<12x256x64xf32, #tpu.memory_space<vmem>>, vector<1x256x64xf32>
    %swap3A_367 = vector.shape_cast %swap3A_366 : vector<1x256x64xf32> to vector<256x64xf32>
    %swap3A_368 = vector.shape_cast %concatenate3A_362 : vector<256x64xf32> to vector<1x256x64xf32>
    tpu.vector_store %arg7[%swap3A_363, %swap3A_364, %swap3A_365], %swap3A_368 {strides = array<i32>} : memref<12x256x64xf32, #tpu.memory_space<vmem>>, vector<1x256x64xf32>,
    %mul3A_369 = arith.mulf %slice3A_354, %cos3A : vector<256x32xf32>
    %mul3A_370 = arith.mulf %slice3A_355, %sin3A : vector<256x32xf32>
    %sub3A_371 = arith.subf %mul3A_369, %mul3A_370 : vector<256x32xf32>
    %mul3A_372 = arith.mulf %slice3A_354, %sin3A : vector<256x32xf32>
    %mul3A_373 = arith.mulf %slice3A_355, %cos3A : vector<256x32xf32>
    %add3A_374 = arith.addf %mul3A_372, %mul3A_373 : vector<256x32xf32>
    %concatenate3A_375 = tpu.concatenate %sub3A_371, %add3A_374 in 1 : vector<256x32xf32>, vector<256x32xf32> -> vector<256x64xf32>
    %swap3A_376 = arith.constant 8 : index
    %swap3A_377 = arith.constant 0 : index
    %swap3A_378 = arith.constant 0 : index
    %swap3A_379 = vector.load %arg8[%swap3A_376, %swap3A_377, %swap3A_378] : memref<12x256x64xf32, #tpu.memory_space<vmem>>, vector<1x256x64xf32>
    %swap3A_380 = vector.shape_cast %swap3A_379 : vector<1x256x64xf32> to vector<256x64xf32>
    %swap3A_381 = vector.shape_cast %concatenate3A_375 : vector<256x64xf32> to vector<1x256x64xf32>
    tpu.vector_store %arg8[%swap3A_376, %swap3A_377, %swap3A_378], %swap3A_381 {strides = array<i32>} : memref<12x256x64xf32, #tpu.memory_space<vmem>>, vector<1x256x64xf32>,
    %slice3A_382 = vector.extract_strided_slice %dot_general3A_41 {offsets = [0, 512], sizes = [256, 64], strides = [1, 1]} : vector<256x768xf32> to vector<256x64xf32>
    %swap3A_383 = arith.constant 8 : index
    %swap3A_384 = arith.constant 0 : index
    %swap3A_385 = arith.constant 0 : index
    %swap3A_386 = vector.load %arg9[%swap3A_383, %swap3A_384, %swap3A_385] : memref<12x256x64xf32, #tpu.memory_space<vmem>>, vector<1x256x64xf32>
    %swap3A_387 = vector.shape_cast %swap3A_386 : vector<1x256x64xf32> to vector<256x64xf32>
    %swap3A_388 = vector.shape_cast %slice3A_382 : vector<256x64xf32> to vector<1x256x64xf32>
    tpu.vector_store %arg9[%swap3A_383, %swap3A_384, %swap3A_385], %swap3A_388 {strides = array<i32>} : memref<12x256x64xf32, #tpu.memory_space<vmem>>, vector<1x256x64xf32>,
    %slice3A_389 = vector.extract_strided_slice %dot_general3A_29 {offsets = [0, 576], sizes = [256, 64], strides = [1, 1]} : vector<256x768xf32> to vector<256x64xf32>
    %slice3A_390 = vector.extract_strided_slice %dot_general3A_35 {offsets = [0, 576], sizes = [256, 64], strides = [1, 1]} : vector<256x768xf32> to vector<256x64xf32>
    %slice3A_391 = vector.extract_strided_slice %slice3A_389 {offsets = [0, 0], sizes = [256, 32], strides = [1, 1]} : vector<256x64xf32> to vector<256x32xf32>
    %slice3A_392 = vector.extract_strided_slice %slice3A_389 {offsets = [0, 32], sizes = [256, 32], strides = [1, 1]} : vector<256x64xf32> to vector<256x32xf32>
    %slice3A_393 = vector.extract_strided_slice %slice3A_390 {offsets = [0, 0], sizes = [256, 32], strides = [1, 1]} : vector<256x64xf32> to vector<256x32xf32>
    %slice3A_394 = vector.extract_strided_slice %slice3A_390 {offsets = [0, 32], sizes = [256, 32], strides = [1, 1]} : vector<256x64xf32> to vector<256x32xf32>
    %mul3A_395 = arith.mulf %slice3A_391, %cos3A : vector<256x32xf32>
    %mul3A_396 = arith.mulf %slice3A_392, %sin3A : vector<256x32xf32>
    %sub3A_397 = arith.subf %mul3A_395, %mul3A_396 : vector<256x32xf32>
    %mul3A_398 = arith.mulf %slice3A_391, %sin3A : vector<256x32xf32>
    %mul3A_399 = arith.mulf %slice3A_392, %cos3A : vector<256x32xf32>
    %add3A_400 = arith.addf %mul3A_398, %mul3A_399 : vector<256x32xf32>
    %concatenate3A_401 = tpu.concatenate %sub3A_397, %add3A_400 in 1 : vector<256x32xf32>, vector<256x32xf32> -> vector<256x64xf32>
    %swap3A_402 = arith.constant 9 : index
    %swap3A_403 = arith.constant 0 : index
    %swap3A_404 = arith.constant 0 : index
    %swap3A_405 = vector.load %arg7[%swap3A_402, %swap3A_403, %swap3A_404] : memref<12x256x64xf32, #tpu.memory_space<vmem>>, vector<1x256x64xf32>
    %swap3A_406 = vector.shape_cast %swap3A_405 : vector<1x256x64xf32> to vector<256x64xf32>
    %swap3A_407 = vector.shape_cast %concatenate3A_401 : vector<256x64xf32> to vector<1x256x64xf32>
    tpu.vector_store %arg7[%swap3A_402, %swap3A_403, %swap3A_404], %swap3A_407 {strides = array<i32>} : memref<12x256x64xf32, #tpu.memory_space<vmem>>, vector<1x256x64xf32>,
    %mul3A_408 = arith.mulf %slice3A_393, %cos3A : vector<256x32xf32>
    %mul3A_409 = arith.mulf %slice3A_394, %sin3A : vector<256x32xf32>
    %sub3A_410 = arith.subf %mul3A_408, %mul3A_409 : vector<256x32xf32>
    %mul3A_411 = arith.mulf %slice3A_393, %sin3A : vector<256x32xf32>
    %mul3A_412 = arith.mulf %slice3A_394, %cos3A : vector<256x32xf32>
    %add3A_413 = arith.addf %mul3A_411, %mul3A_412 : vector<256x32xf32>
    %concatenate3A_414 = tpu.concatenate %sub3A_410, %add3A_413 in 1 : vector<256x32xf32>, vector<256x32xf32> -> vector<256x64xf32>
    %swap3A_415 = arith.constant 9 : index
    %swap3A_416 = arith.constant 0 : index
    %swap3A_417 = arith.constant 0 : index
    %swap3A_418 = vector.load %arg8[%swap3A_415, %swap3A_416, %swap3A_417] : memref<12x256x64xf32, #tpu.memory_space<vmem>>, vector<1x256x64xf32>
    %swap3A_419 = vector.shape_cast %swap3A_418 : vector<1x256x64xf32> to vector<256x64xf32>
    %swap3A_420 = vector.shape_cast %concatenate3A_414 : vector<256x64xf32> to vector<1x256x64xf32>
    tpu.vector_store %arg8[%swap3A_415, %swap3A_416, %swap3A_417], %swap3A_420 {strides = array<i32>} : memref<12x256x64xf32, #tpu.memory_space<vmem>>, vector<1x256x64xf32>,
    %slice3A_421 = vector.extract_strided_slice %dot_general3A_41 {offsets = [0, 576], sizes = [256, 64], strides = [1, 1]} : vector<256x768xf32> to vector<256x64xf32>
    %swap3A_422 = arith.constant 9 : index
    %swap3A_423 = arith.constant 0 : index
    %swap3A_424 = arith.constant 0 : index
    %swap3A_425 = vector.load %arg9[%swap3A_422, %swap3A_423, %swap3A_424] : memref<12x256x64xf32, #tpu.memory_space<vmem>>, vector<1x256x64xf32>
    %swap3A_426 = vector.shape_cast %swap3A_425 : vector<1x256x64xf32> to vector<256x64xf32>
    %swap3A_427 = vector.shape_cast %slice3A_421 : vector<256x64xf32> to vector<1x256x64xf32>
    tpu.vector_store %arg9[%swap3A_422, %swap3A_423, %swap3A_424], %swap3A_427 {strides = array<i32>} : memref<12x256x64xf32, #tpu.memory_space<vmem>>, vector<1x256x64xf32>,
    %slice3A_428 = vector.extract_strided_slice %dot_general3A_29 {offsets = [0, 640], sizes = [256, 64], strides = [1, 1]} : vector<256x768xf32> to vector<256x64xf32>
    %slice3A_429 = vector.extract_strided_slice %dot_general3A_35 {offsets = [0, 640], sizes = [256, 64], strides = [1, 1]} : vector<256x768xf32> to vector<256x64xf32>
    %slice3A_430 = vector.extract_strided_slice %slice3A_428 {offsets = [0, 0], sizes = [256, 32], strides = [1, 1]} : vector<256x64xf32> to vector<256x32xf32>
    %slice3A_431 = vector.extract_strided_slice %slice3A_428 {offsets = [0, 32], sizes = [256, 32], strides = [1, 1]} : vector<256x64xf32> to vector<256x32xf32>
    %slice3A_432 = vector.extract_strided_slice %slice3A_429 {offsets = [0, 0], sizes = [256, 32], strides = [1, 1]} : vector<256x64xf32> to vector<256x32xf32>
    %slice3A_433 = vector.extract_strided_slice %slice3A_429 {offsets = [0, 32], sizes = [256, 32], strides = [1, 1]} : vector<256x64xf32> to vector<256x32xf32>
    %mul3A_434 = arith.mulf %slice3A_430, %cos3A : vector<256x32xf32>
    %mul3A_435 = arith.mulf %slice3A_431, %sin3A : vector<256x32xf32>
    %sub3A_436 = arith.subf %mul3A_434, %mul3A_435 : vector<256x32xf32>
    %mul3A_437 = arith.mulf %slice3A_430, %sin3A : vector<256x32xf32>
    %mul3A_438 = arith.mulf %slice3A_431, %cos3A : vector<256x32xf32>
    %add3A_439 = arith.addf %mul3A_437, %mul3A_438 : vector<256x32xf32>
    %concatenate3A_440 = tpu.concatenate %sub3A_436, %add3A_439 in 1 : vector<256x32xf32>, vector<256x32xf32> -> vector<256x64xf32>
    %swap3A_441 = arith.constant 10 : index
    %swap3A_442 = arith.constant 0 : index
    %swap3A_443 = arith.constant 0 : index
    %swap3A_444 = vector.load %arg7[%swap3A_441, %swap3A_442, %swap3A_443] : memref<12x256x64xf32, #tpu.memory_space<vmem>>, vector<1x256x64xf32>
    %swap3A_445 = vector.shape_cast %swap3A_444 : vector<1x256x64xf32> to vector<256x64xf32>
    %swap3A_446 = vector.shape_cast %concatenate3A_440 : vector<256x64xf32> to vector<1x256x64xf32>
    tpu.vector_store %arg7[%swap3A_441, %swap3A_442, %swap3A_443], %swap3A_446 {strides = array<i32>} : memref<12x256x64xf32, #tpu.memory_space<vmem>>, vector<1x256x64xf32>,
    %mul3A_447 = arith.mulf %slice3A_432, %cos3A : vector<256x32xf32>
    %mul3A_448 = arith.mulf %slice3A_433, %sin3A : vector<256x32xf32>
    %sub3A_449 = arith.subf %mul3A_447, %mul3A_448 : vector<256x32xf32>
    %mul3A_450 = arith.mulf %slice3A_432, %sin3A : vector<256x32xf32>
    %mul3A_451 = arith.mulf %slice3A_433, %cos3A : vector<256x32xf32>
    %add3A_452 = arith.addf %mul3A_450, %mul3A_451 : vector<256x32xf32>
    %concatenate3A_453 = tpu.concatenate %sub3A_449, %add3A_452 in 1 : vector<256x32xf32>, vector<256x32xf32> -> vector<256x64xf32>
    %swap3A_454 = arith.constant 10 : index
    %swap3A_455 = arith.constant 0 : index
    %swap3A_456 = arith.constant 0 : index
    %swap3A_457 = vector.load %arg8[%swap3A_454, %swap3A_455, %swap3A_456] : memref<12x256x64xf32, #tpu.memory_space<vmem>>, vector<1x256x64xf32>
    %swap3A_458 = vector.shape_cast %swap3A_457 : vector<1x256x64xf32> to vector<256x64xf32>
    %swap3A_459 = vector.shape_cast %concatenate3A_453 : vector<256x64xf32> to vector<1x256x64xf32>
    tpu.vector_store %arg8[%swap3A_454, %swap3A_455, %swap3A_456], %swap3A_459 {strides = array<i32>} : memref<12x256x64xf32, #tpu.memory_space<vmem>>, vector<1x256x64xf32>,
    %slice3A_460 = vector.extract_strided_slice %dot_general3A_41 {offsets = [0, 640], sizes = [256, 64], strides = [1, 1]} : vector<256x768xf32> to vector<256x64xf32>
    %swap3A_461 = arith.constant 10 : index
    %swap3A_462 = arith.constant 0 : index
    %swap3A_463 = arith.constant 0 : index
    %swap3A_464 = vector.load %arg9[%swap3A_461, %swap3A_462, %swap3A_463] : memref<12x256x64xf32, #tpu.memory_space<vmem>>, vector<1x256x64xf32>
    %swap3A_465 = vector.shape_cast %swap3A_464 : vector<1x256x64xf32> to vector<256x64xf32>
    %swap3A_466 = vector.shape_cast %slice3A_460 : vector<256x64xf32> to vector<1x256x64xf32>
    tpu.vector_store %arg9[%swap3A_461, %swap3A_462, %swap3A_463], %swap3A_466 {strides = array<i32>} : memref<12x256x64xf32, #tpu.memory_space<vmem>>, vector<1x256x64xf32>,
    %slice3A_467 = vector.extract_strided_slice %dot_general3A_29 {offsets = [0, 704], sizes = [256, 64], strides = [1, 1]} : vector<256x768xf32> to vector<256x64xf32>
    %slice3A_468 = vector.extract_strided_slice %dot_general3A_35 {offsets = [0, 704], sizes = [256, 64], strides = [1, 1]} : vector<256x768xf32> to vector<256x64xf32>
    %slice3A_469 = vector.extract_strided_slice %slice3A_467 {offsets = [0, 0], sizes = [256, 32], strides = [1, 1]} : vector<256x64xf32> to vector<256x32xf32>
    %slice3A_470 = vector.extract_strided_slice %slice3A_467 {offsets = [0, 32], sizes = [256, 32], strides = [1, 1]} : vector<256x64xf32> to vector<256x32xf32>
    %slice3A_471 = vector.extract_strided_slice %slice3A_468 {offsets = [0, 0], sizes = [256, 32], strides = [1, 1]} : vector<256x64xf32> to vector<256x32xf32>
    %slice3A_472 = vector.extract_strided_slice %slice3A_468 {offsets = [0, 32], sizes = [256, 32], strides = [1, 1]} : vector<256x64xf32> to vector<256x32xf32>
    %mul3A_473 = arith.mulf %slice3A_469, %cos3A : vector<256x32xf32>
    %mul3A_474 = arith.mulf %slice3A_470, %sin3A : vector<256x32xf32>
    %sub3A_475 = arith.subf %mul3A_473, %mul3A_474 : vector<256x32xf32>
    %mul3A_476 = arith.mulf %slice3A_469, %sin3A : vector<256x32xf32>
    %mul3A_477 = arith.mulf %slice3A_470, %cos3A : vector<256x32xf32>
    %add3A_478 = arith.addf %mul3A_476, %mul3A_477 : vector<256x32xf32>
    %concatenate3A_479 = tpu.concatenate %sub3A_475, %add3A_478 in 1 : vector<256x32xf32>, vector<256x32xf32> -> vector<256x64xf32>
    %swap3A_480 = arith.constant 11 : index
    %swap3A_481 = arith.constant 0 : index
    %swap3A_482 = arith.constant 0 : index
    %swap3A_483 = vector.load %arg7[%swap3A_480, %swap3A_481, %swap3A_482] : memref<12x256x64xf32, #tpu.memory_space<vmem>>, vector<1x256x64xf32>
    %swap3A_484 = vector.shape_cast %swap3A_483 : vector<1x256x64xf32> to vector<256x64xf32>
    %swap3A_485 = vector.shape_cast %concatenate3A_479 : vector<256x64xf32> to vector<1x256x64xf32>
    tpu.vector_store %arg7[%swap3A_480, %swap3A_481, %swap3A_482], %swap3A_485 {strides = array<i32>} : memref<12x256x64xf32, #tpu.memory_space<vmem>>, vector<1x256x64xf32>,
    %mul3A_486 = arith.mulf %slice3A_471, %cos3A : vector<256x32xf32>
    %mul3A_487 = arith.mulf %slice3A_472, %sin3A : vector<256x32xf32>
    %sub3A_488 = arith.subf %mul3A_486, %mul3A_487 : vector<256x32xf32>
    %mul3A_489 = arith.mulf %slice3A_471, %sin3A : vector<256x32xf32>
    %mul3A_490 = arith.mulf %slice3A_472, %cos3A : vector<256x32xf32>
    %add3A_491 = arith.addf %mul3A_489, %mul3A_490 : vector<256x32xf32>
    %concatenate3A_492 = tpu.concatenate %sub3A_488, %add3A_491 in 1 : vector<256x32xf32>, vector<256x32xf32> -> vector<256x64xf32>
    %swap3A_493 = arith.constant 11 : index
    %swap3A_494 = arith.constant 0 : index
    %swap3A_495 = arith.constant 0 : index
    %swap3A_496 = vector.load %arg8[%swap3A_493, %swap3A_494, %swap3A_495] : memref<12x256x64xf32, #tpu.memory_space<vmem>>, vector<1x256x64xf32>
    %swap3A_497 = vector.shape_cast %swap3A_496 : vector<1x256x64xf32> to vector<256x64xf32>
    %swap3A_498 = vector.shape_cast %concatenate3A_492 : vector<256x64xf32> to vector<1x256x64xf32>
    tpu.vector_store %arg8[%swap3A_493, %swap3A_494, %swap3A_495], %swap3A_498 {strides = array<i32>} : memref<12x256x64xf32, #tpu.memory_space<vmem>>, vector<1x256x64xf32>,
    %slice3A_499 = vector.extract_strided_slice %dot_general3A_41 {offsets = [0, 704], sizes = [256, 64], strides = [1, 1]} : vector<256x768xf32> to vector<256x64xf32>
    %swap3A_500 = arith.constant 11 : index
    %swap3A_501 = arith.constant 0 : index
    %swap3A_502 = arith.constant 0 : index
    %swap3A_503 = vector.load %arg9[%swap3A_500, %swap3A_501, %swap3A_502] : memref<12x256x64xf32, #tpu.memory_space<vmem>>, vector<1x256x64xf32>
    %swap3A_504 = vector.shape_cast %swap3A_503 : vector<1x256x64xf32> to vector<256x64xf32>
    %swap3A_505 = vector.shape_cast %slice3A_499 : vector<256x64xf32> to vector<1x256x64xf32>
    tpu.vector_store %arg9[%swap3A_500, %swap3A_501, %swap3A_502], %swap3A_505 {strides = array<i32>} : memref<12x256x64xf32, #tpu.memory_space<vmem>>, vector<1x256x64xf32>,
    return
  }
  func.func @transform_0(%arg0: i32) -> (i32, i32) {
    %c0_i32 = arith.constant 0 : i32
    %c0_i32_0 = arith.constant 0 : i32
    return %arg0, %c0_i32 : i32, i32
  }
  func.func @transform_1(%arg0: i32) -> (i32, i32) {
    %c0_i32 = arith.constant 0 : i32
    %c0_i32_0 = arith.constant 0 : i32
    return %arg0, %c0_i32 : i32, i32
  }
  func.func @transform_2(%arg0: i32) -> (i32, i32) {
    %c0_i32 = arith.constant 0 : i32
    %c0_i32_0 = arith.constant 0 : i32
    %c0_i32_1 = arith.constant 0 : i32
    return %c0_i32, %c0_i32_0 : i32, i32
  }
  func.func @transform_3(%arg0: i32) -> (i32, i32) {
    %c0_i32 = arith.constant 0 : i32
    %c0_i32_0 = arith.constant 0 : i32
    %c0_i32_1 = arith.constant 0 : i32
    return %c0_i32, %c0_i32_0 : i32, i32
  }
  func.func @transform_4(%arg0: i32) -> (i32, i32) {
    %c0_i32 = arith.constant 0 : i32
    %c0_i32_0 = arith.constant 0 : i32
    %c0_i32_1 = arith.constant 0 : i32
    return %c0_i32, %c0_i32_0 : i32, i32
  }
  func.func @transform_5(%arg0: i32) -> (i32, i32) {
    %c0_i32 = arith.constant 0 : i32
    %c0_i32_0 = arith.constant 0 : i32
    %c0_i32_1 = arith.constant 0 : i32
    return %c0_i32, %c0_i32_0 : i32, i32
  }
  func.func @transform_6(%arg0: i32) -> (i32, i32, i32) {
    %c0_i32 = arith.constant 0 : i32
    %c0_i32_0 = arith.constant 0 : i32
    %c0_i32_1 = arith.constant 0 : i32
    return %c0_i32, %arg0, %c0_i32_0 : i32, i32, i32
  }
  func.func @transform_7(%arg0: i32) -> (i32, i32, i32) {
    %c0_i32 = arith.constant 0 : i32
    %c0_i32_0 = arith.constant 0 : i32
    %c0_i32_1 = arith.constant 0 : i32
    return %c0_i32, %arg0, %c0_i32_0 : i32, i32, i32
  }
  func.func @transform_8(%arg0: i32) -> (i32, i32, i32) {
    %c0_i32 = arith.constant 0 : i32
    %c0_i32_0 = arith.constant 0 : i32
    %c0_i32_1 = arith.constant 0 : i32
    return %c0_i32, %arg0, %c0_i32_0 : i32, i32, i32
  }
}

module attributes {stable_mosaic.version = 14 : i64} {
  func.func @_attn_body(%arg0: i32, %arg1: i32, %arg2: memref<2x256x64xf32, #tpu.memory_space<vmem>>, %arg3: memref<2x2048x64xf32, #tpu.memory_space<vmem>>, %arg4: memref<2x2048x64xf32, #tpu.memory_space<vmem>>, %arg5: memref<2x256x64xf32, #tpu.memory_space<vmem>>) attributes {dimension_semantics = [#tpu.dimension_semantics<arbitrary>, #tpu.dimension_semantics<arbitrary>], iteration_bounds = array<i64: 6, 8>, scalar_prefetch = 0 : i64, scratch_operands = 0 : i64, tpu.core_type = #tpu.core_type<tc>, window_params = [{transform_indices = @transform_0, window_bounds = array<i64: 2, 256, 64>}, {transform_indices = @transform_1, window_bounds = array<i64: 2, 2048, 64>}, {transform_indices = @transform_2, window_bounds = array<i64: 2, 2048, 64>}, {transform_indices = @transform_3, window_bounds = array<i64: 2, 256, 64>}]} {
    %get3A = arith.constant 0 : index
    %get3A_0 = arith.constant 0 : index
    %get3A_1 = arith.constant 0 : index
    %get3A_2 = vector.load %arg2[%get3A, %get3A_0, %get3A_1] : memref<2x256x64xf32, #tpu.memory_space<vmem>>, vector<1x256x64xf32>
    %get3A_3 = vector.shape_cast %get3A_2 : vector<1x256x64xf32> to vector<256x64xf32>
    %mul3A = arith.constant 1.250000e-01 : f32
    %mul3A_4 = vector.broadcast %mul3A : f32 to vector<256x64xf32>
    %mul3A_5 = arith.mulf %get3A_3, %mul3A_4 : vector<256x64xf32>
    %convert_element_type3A = arith.truncf %mul3A_5 : vector<256x64xf32> to vector<256x64xbf16>
    %get3A_6 = arith.constant 1 : index
    %get3A_7 = arith.constant 0 : index
    %get3A_8 = arith.constant 0 : index
    %get3A_9 = vector.load %arg2[%get3A_6, %get3A_7, %get3A_8] : memref<2x256x64xf32, #tpu.memory_space<vmem>>, vector<1x256x64xf32>
    %get3A_10 = vector.shape_cast %get3A_9 : vector<1x256x64xf32> to vector<256x64xf32>
    %mul3A_11 = arith.constant 1.250000e-01 : f32
    %mul3A_12 = vector.broadcast %mul3A_11 : f32 to vector<256x64xf32>
    %mul3A_13 = arith.mulf %get3A_10, %mul3A_12 : vector<256x64xf32>
    %convert_element_type3A_14 = arith.truncf %mul3A_13 : vector<256x64xf32> to vector<256x64xbf16>
    %broadcast_in_dim3A = arith.constant 1.000000e+00 : bf16
    %broadcast_in_dim3A_15 = vector.broadcast %broadcast_in_dim3A : bf16 to vector<256x1xbf16>
    %broadcast_in_dim3A_16 = arith.constant 0.000000e+00 : f32
    %broadcast_in_dim3A_17 = vector.broadcast %broadcast_in_dim3A_16 : f32 to vector<256x64xf32>
    %broadcast_in_dim3A_18 = arith.constant 0.000000e+00 : f32
    %broadcast_in_dim3A_19 = vector.broadcast %broadcast_in_dim3A_18 : f32 to vector<256x1xf32>
    %while3A = arith.constant 0 : i32
    %while3A_20 = arith.subi %arg1, %while3A : i32
    %while3A_21 = arith.addi %while3A, %while3A_20 : i32
    %while3A_22 = arith.constant 1 : i32
    %while3A_23 = arith.divsi %while3A_20, %while3A_22 : i32
    %while3A_24 = arith.muli %while3A_23, %while3A_22 : i32
    %while3A_25 = arith.addi %while3A, %while3A_24 : i32
    %while3A_26 = arith.constant 1 : i32
    %while3A_27:4 = scf.for %while3A_101 = %while3A to %while3A_25 step %while3A_26 iter_args(%while3A_102 = %broadcast_in_dim3A_17, %while3A_103 = %broadcast_in_dim3A_19, %while3A_104 = %broadcast_in_dim3A_17, %while3A_105 = %broadcast_in_dim3A_19) -> (vector<256x64xf32>, vector<256x1xf32>, vector<256x64xf32>, vector<256x1xf32>)  : i32 {
      %mul3A_106 = arith.constant 256 : i32
      %mul3A_107 = arith.muli %while3A_101, %mul3A_106 : i32
      %get3A_108 = arith.constant 0 : index
      %get3A_109 = arith.index_cast %mul3A_107 : i32 to index
      %get3A_110 = arith.constant 0 : index
      %get3A_111 = vector.load %arg3[%get3A_108, %get3A_109, %get3A_110] : memref<2x2048x64xf32, #tpu.memory_space<vmem>>, vector<1x256x64xf32>
      %get3A_112 = vector.shape_cast %get3A_111 : vector<1x256x64xf32> to vector<256x64xf32>
      %convert_element_type3A_113 = arith.truncf %get3A_112 : vector<256x64xf32> to vector<256x64xbf16>
      %mul3A_114 = arith.constant 256 : i32
      %mul3A_115 = arith.muli %while3A_101, %mul3A_114 : i32
      %get3A_116 = arith.constant 0 : index
      %get3A_117 = arith.index_cast %mul3A_115 : i32 to index
      %get3A_118 = arith.constant 0 : index
      %get3A_119 = vector.load %arg4[%get3A_116, %get3A_117, %get3A_118] : memref<2x2048x64xf32, #tpu.memory_space<vmem>>, vector<1x256x64xf32>
      %get3A_120 = vector.shape_cast %get3A_119 : vector<1x256x64xf32> to vector<256x64xf32>
      %convert_element_type3A_121 = arith.truncf %get3A_120 : vector<256x64xf32> to vector<256x64xbf16>
      %dot_general3A_122 = arith.constant dense<0.000000e+00> : vector<256x256xf32>
      %dot_general3A_123 = tpu.matmul %convert_element_type3A, %convert_element_type3A_113, %dot_general3A_122 {dimension_numbers = #tpu.dot_dimension_numbers<[1], [1], [0], [0], [0, 0, 1, 0], [], []>, transpose_lhs_hint = false} : vector<256x64xbf16>, vector<256x64xbf16>, vector<256x256xf32> -> vector<256x256xf32>
      %exp3A_124 = math.exp %dot_general3A_123 : vector<256x256xf32>
      %convert_element_type3A_125 = arith.truncf %exp3A_124 : vector<256x256xf32> to vector<256x256xbf16>
      %dot_general3A_126 = arith.constant dense<0.000000e+00> : vector<256x64xf32>
      %dot_general3A_127 = tpu.matmul %convert_element_type3A_125, %convert_element_type3A_121, %dot_general3A_126 {dimension_numbers = #tpu.dot_dimension_numbers<[1], [0], [0], [1], [0, 0, 1, 1], [], []>, transpose_lhs_hint = false} : vector<256x256xbf16>, vector<256x64xbf16>, vector<256x64xf32> -> vector<256x64xf32>
      %dot_general3A_128 = arith.constant dense<0.000000e+00> : vector<256x1xf32>
      %dot_general3A_129 = tpu.matmul %convert_element_type3A_125, %broadcast_in_dim3A_15, %dot_general3A_128 {dimension_numbers = #tpu.dot_dimension_numbers<[1], [0], [0], [1], [0, 0, 1, 1], [], []>, transpose_lhs_hint = false} : vector<256x256xbf16>, vector<256x1xbf16>, vector<256x1xf32> -> vector<256x1xf32>
      %mul3A_130 = arith.constant 256 : i32
      %mul3A_131 = arith.muli %while3A_101, %mul3A_130 : i32
      %get3A_132 = arith.constant 1 : index
      %get3A_133 = arith.index_cast %mul3A_131 : i32 to index
      %get3A_134 = arith.constant 0 : index
      %get3A_135 = vector.load %arg3[%get3A_132, %get3A_133, %get3A_134] : memref<2x2048x64xf32, #tpu.memory_space<vmem>>, vector<1x256x64xf32>
      %get3A_136 = vector.shape_cast %get3A_135 : vector<1x256x64xf32> to vector<256x64xf32>
      %convert_element_type3A_137 = arith.truncf %get3A_136 : vector<256x64xf32> to vector<256x64xbf16>
      %mul3A_138 = arith.constant 256 : i32
      %mul3A_139 = arith.muli %while3A_101, %mul3A_138 : i32
      %get3A_140 = arith.constant 1 : index
      %get3A_141 = arith.index_cast %mul3A_139 : i32 to index
      %get3A_142 = arith.constant 0 : index
      %get3A_143 = vector.load %arg4[%get3A_140, %get3A_141, %get3A_142] : memref<2x2048x64xf32, #tpu.memory_space<vmem>>, vector<1x256x64xf32>
      %get3A_144 = vector.shape_cast %get3A_143 : vector<1x256x64xf32> to vector<256x64xf32>
      %convert_element_type3A_145 = arith.truncf %get3A_144 : vector<256x64xf32> to vector<256x64xbf16>
      %dot_general3A_146 = arith.constant dense<0.000000e+00> : vector<256x256xf32>
      %dot_general3A_147 = tpu.matmul %convert_element_type3A_14, %convert_element_type3A_137, %dot_general3A_146 {dimension_numbers = #tpu.dot_dimension_numbers<[1], [1], [0], [0], [0, 0, 1, 0], [], []>, transpose_lhs_hint = false} : vector<256x64xbf16>, vector<256x64xbf16>, vector<256x256xf32> -> vector<256x256xf32>
      %exp3A_148 = math.exp %dot_general3A_147 : vector<256x256xf32>
      %convert_element_type3A_149 = arith.truncf %exp3A_148 : vector<256x256xf32> to vector<256x256xbf16>
      %dot_general3A_150 = arith.constant dense<0.000000e+00> : vector<256x64xf32>
      %dot_general3A_151 = tpu.matmul %convert_element_type3A_149, %convert_element_type3A_145, %dot_general3A_150 {dimension_numbers = #tpu.dot_dimension_numbers<[1], [0], [0], [1], [0, 0, 1, 1], [], []>, transpose_lhs_hint = false} : vector<256x256xbf16>, vector<256x64xbf16>, vector<256x64xf32> -> vector<256x64xf32>
      %dot_general3A_152 = arith.constant dense<0.000000e+00> : vector<256x1xf32>
      %dot_general3A_153 = tpu.matmul %convert_element_type3A_149, %broadcast_in_dim3A_15, %dot_general3A_152 {dimension_numbers = #tpu.dot_dimension_numbers<[1], [0], [0], [1], [0, 0, 1, 1], [], []>, transpose_lhs_hint = false} : vector<256x256xbf16>, vector<256x1xbf16>, vector<256x1xf32> -> vector<256x1xf32>
      %add3A_154 = arith.addf %while3A_102, %dot_general3A_127 : vector<256x64xf32>
      %add3A_155 = arith.addf %while3A_103, %dot_general3A_129 : vector<256x1xf32>
      %add3A_156 = arith.addf %while3A_104, %dot_general3A_151 : vector<256x64xf32>
      %add3A_157 = arith.addf %while3A_105, %dot_general3A_153 : vector<256x1xf32>
      scf.yield %add3A_154, %add3A_155, %add3A_156, %add3A_157 : vector<256x64xf32>, vector<256x1xf32>, vector<256x64xf32>, vector<256x1xf32>
    }
    %while3A_28 = arith.constant 1 : i32
    %while3A_29:4 = scf.for %while3A_101 = %while3A_25 to %while3A_21 step %while3A_28 iter_args(%while3A_102 = %while3A_27#0, %while3A_103 = %while3A_27#1, %while3A_104 = %while3A_27#2, %while3A_105 = %while3A_27#3) -> (vector<256x64xf32>, vector<256x1xf32>, vector<256x64xf32>, vector<256x1xf32>)  : i32 {
      %mul3A_106 = arith.constant 256 : i32
      %mul3A_107 = arith.muli %while3A_101, %mul3A_106 : i32
      %get3A_108 = arith.constant 0 : index
      %get3A_109 = arith.index_cast %mul3A_107 : i32 to index
      %get3A_110 = arith.constant 0 : index
      %get3A_111 = vector.load %arg3[%get3A_108, %get3A_109, %get3A_110] : memref<2x2048x64xf32, #tpu.memory_space<vmem>>, vector<1x256x64xf32>
      %get3A_112 = vector.shape_cast %get3A_111 : vector<1x256x64xf32> to vector<256x64xf32>
      %convert_element_type3A_113 = arith.truncf %get3A_112 : vector<256x64xf32> to vector<256x64xbf16>
      %mul3A_114 = arith.constant 256 : i32
      %mul3A_115 = arith.muli %while3A_101, %mul3A_114 : i32
      %get3A_116 = arith.constant 0 : index
      %get3A_117 = arith.index_cast %mul3A_115 : i32 to index
      %get3A_118 = arith.constant 0 : index
      %get3A_119 = vector.load %arg4[%get3A_116, %get3A_117, %get3A_118] : memref<2x2048x64xf32, #tpu.memory_space<vmem>>, vector<1x256x64xf32>
      %get3A_120 = vector.shape_cast %get3A_119 : vector<1x256x64xf32> to vector<256x64xf32>
      %convert_element_type3A_121 = arith.truncf %get3A_120 : vector<256x64xf32> to vector<256x64xbf16>
      %dot_general3A_122 = arith.constant dense<0.000000e+00> : vector<256x256xf32>
      %dot_general3A_123 = tpu.matmul %convert_element_type3A, %convert_element_type3A_113, %dot_general3A_122 {dimension_numbers = #tpu.dot_dimension_numbers<[1], [1], [0], [0], [0, 0, 1, 0], [], []>, transpose_lhs_hint = false} : vector<256x64xbf16>, vector<256x64xbf16>, vector<256x256xf32> -> vector<256x256xf32>
      %exp3A_124 = math.exp %dot_general3A_123 : vector<256x256xf32>
      %convert_element_type3A_125 = arith.truncf %exp3A_124 : vector<256x256xf32> to vector<256x256xbf16>
      %dot_general3A_126 = arith.constant dense<0.000000e+00> : vector<256x64xf32>
      %dot_general3A_127 = tpu.matmul %convert_element_type3A_125, %convert_element_type3A_121, %dot_general3A_126 {dimension_numbers = #tpu.dot_dimension_numbers<[1], [0], [0], [1], [0, 0, 1, 1], [], []>, transpose_lhs_hint = false} : vector<256x256xbf16>, vector<256x64xbf16>, vector<256x64xf32> -> vector<256x64xf32>
      %dot_general3A_128 = arith.constant dense<0.000000e+00> : vector<256x1xf32>
      %dot_general3A_129 = tpu.matmul %convert_element_type3A_125, %broadcast_in_dim3A_15, %dot_general3A_128 {dimension_numbers = #tpu.dot_dimension_numbers<[1], [0], [0], [1], [0, 0, 1, 1], [], []>, transpose_lhs_hint = false} : vector<256x256xbf16>, vector<256x1xbf16>, vector<256x1xf32> -> vector<256x1xf32>
      %mul3A_130 = arith.constant 256 : i32
      %mul3A_131 = arith.muli %while3A_101, %mul3A_130 : i32
      %get3A_132 = arith.constant 1 : index
      %get3A_133 = arith.index_cast %mul3A_131 : i32 to index
      %get3A_134 = arith.constant 0 : index
      %get3A_135 = vector.load %arg3[%get3A_132, %get3A_133, %get3A_134] : memref<2x2048x64xf32, #tpu.memory_space<vmem>>, vector<1x256x64xf32>
      %get3A_136 = vector.shape_cast %get3A_135 : vector<1x256x64xf32> to vector<256x64xf32>
      %convert_element_type3A_137 = arith.truncf %get3A_136 : vector<256x64xf32> to vector<256x64xbf16>
      %mul3A_138 = arith.constant 256 : i32
      %mul3A_139 = arith.muli %while3A_101, %mul3A_138 : i32
      %get3A_140 = arith.constant 1 : index
      %get3A_141 = arith.index_cast %mul3A_139 : i32 to index
      %get3A_142 = arith.constant 0 : index
      %get3A_143 = vector.load %arg4[%get3A_140, %get3A_141, %get3A_142] : memref<2x2048x64xf32, #tpu.memory_space<vmem>>, vector<1x256x64xf32>
      %get3A_144 = vector.shape_cast %get3A_143 : vector<1x256x64xf32> to vector<256x64xf32>
      %convert_element_type3A_145 = arith.truncf %get3A_144 : vector<256x64xf32> to vector<256x64xbf16>
      %dot_general3A_146 = arith.constant dense<0.000000e+00> : vector<256x256xf32>
      %dot_general3A_147 = tpu.matmul %convert_element_type3A_14, %convert_element_type3A_137, %dot_general3A_146 {dimension_numbers = #tpu.dot_dimension_numbers<[1], [1], [0], [0], [0, 0, 1, 0], [], []>, transpose_lhs_hint = false} : vector<256x64xbf16>, vector<256x64xbf16>, vector<256x256xf32> -> vector<256x256xf32>
      %exp3A_148 = math.exp %dot_general3A_147 : vector<256x256xf32>
      %convert_element_type3A_149 = arith.truncf %exp3A_148 : vector<256x256xf32> to vector<256x256xbf16>
      %dot_general3A_150 = arith.constant dense<0.000000e+00> : vector<256x64xf32>
      %dot_general3A_151 = tpu.matmul %convert_element_type3A_149, %convert_element_type3A_145, %dot_general3A_150 {dimension_numbers = #tpu.dot_dimension_numbers<[1], [0], [0], [1], [0, 0, 1, 1], [], []>, transpose_lhs_hint = false} : vector<256x256xbf16>, vector<256x64xbf16>, vector<256x64xf32> -> vector<256x64xf32>
      %dot_general3A_152 = arith.constant dense<0.000000e+00> : vector<256x1xf32>
      %dot_general3A_153 = tpu.matmul %convert_element_type3A_149, %broadcast_in_dim3A_15, %dot_general3A_152 {dimension_numbers = #tpu.dot_dimension_numbers<[1], [0], [0], [1], [0, 0, 1, 1], [], []>, transpose_lhs_hint = false} : vector<256x256xbf16>, vector<256x1xbf16>, vector<256x1xf32> -> vector<256x1xf32>
      %add3A_154 = arith.addf %while3A_102, %dot_general3A_127 : vector<256x64xf32>
      %add3A_155 = arith.addf %while3A_103, %dot_general3A_129 : vector<256x1xf32>
      %add3A_156 = arith.addf %while3A_104, %dot_general3A_151 : vector<256x64xf32>
      %add3A_157 = arith.addf %while3A_105, %dot_general3A_153 : vector<256x1xf32>
      scf.yield %add3A_154, %add3A_155, %add3A_156, %add3A_157 : vector<256x64xf32>, vector<256x1xf32>, vector<256x64xf32>, vector<256x1xf32>
    }
    %mul3A_30 = arith.constant 256 : i32
    %mul3A_31 = arith.muli %arg1, %mul3A_30 : i32
    %get3A_32 = arith.constant 0 : index
    %get3A_33 = arith.index_cast %mul3A_31 : i32 to index
    %get3A_34 = arith.constant 0 : index
    %get3A_35 = vector.load %arg3[%get3A_32, %get3A_33, %get3A_34] : memref<2x2048x64xf32, #tpu.memory_space<vmem>>, vector<1x256x64xf32>
    %get3A_36 = vector.shape_cast %get3A_35 : vector<1x256x64xf32> to vector<256x64xf32>
    %convert_element_type3A_37 = arith.truncf %get3A_36 : vector<256x64xf32> to vector<256x64xbf16>
    %mul3A_38 = arith.constant 256 : i32
    %mul3A_39 = arith.muli %arg1, %mul3A_38 : i32
    %get3A_40 = arith.constant 0 : index
    %get3A_41 = arith.index_cast %mul3A_39 : i32 to index
    %get3A_42 = arith.constant 0 : index
    %get3A_43 = vector.load %arg4[%get3A_40, %get3A_41, %get3A_42] : memref<2x2048x64xf32, #tpu.memory_space<vmem>>, vector<1x256x64xf32>
    %get3A_44 = vector.shape_cast %get3A_43 : vector<1x256x64xf32> to vector<256x64xf32>
    %convert_element_type3A_45 = arith.truncf %get3A_44 : vector<256x64xf32> to vector<256x64xbf16>
    %dot_general3A = arith.constant dense<0.000000e+00> : vector<256x256xf32>
    %dot_general3A_46 = tpu.matmul %convert_element_type3A, %convert_element_type3A_37, %dot_general3A {dimension_numbers = #tpu.dot_dimension_numbers<[1], [1], [0], [0], [0, 0, 1, 0], [], []>, transpose_lhs_hint = false} : vector<256x64xbf16>, vector<256x64xbf16>, vector<256x256xf32> -> vector<256x256xf32>
    %iota3A = tpu.iota {dimensions = array<i32: 0>} : vector<256x256xi32>
    %iota3A_47 = tpu.iota {dimensions = array<i32: 1>} : vector<256x256xi32>
    %le3A = arith.cmpi sle, %iota3A_47, %iota3A : vector<256x256xi32>
    %jit3A = arith.constant -1.000000e+30 : f32
    %broadcast_in_dim3A_48 = vector.broadcast %jit3A : f32 to vector<256x256xf32>
    %select_n3A = arith.select %le3A, %dot_general3A_46, %broadcast_in_dim3A_48 : vector<256x256xi1>, vector<256x256xf32>
    %exp3A = math.exp %select_n3A : vector<256x256xf32>
    %convert_element_type3A_49 = arith.truncf %exp3A : vector<256x256xf32> to vector<256x256xbf16>
    %dot_general3A_50 = arith.constant dense<0.000000e+00> : vector<256x64xf32>
    %dot_general3A_51 = tpu.matmul %convert_element_type3A_49, %convert_element_type3A_45, %dot_general3A_50 {dimension_numbers = #tpu.dot_dimension_numbers<[1], [0], [0], [1], [0, 0, 1, 1], [], []>, transpose_lhs_hint = false} : vector<256x256xbf16>, vector<256x64xbf16>, vector<256x64xf32> -> vector<256x64xf32>
    %dot_general3A_52 = arith.constant dense<0.000000e+00> : vector<256x1xf32>
    %dot_general3A_53 = tpu.matmul %convert_element_type3A_49, %broadcast_in_dim3A_15, %dot_general3A_52 {dimension_numbers = #tpu.dot_dimension_numbers<[1], [0], [0], [1], [0, 0, 1, 1], [], []>, transpose_lhs_hint = false} : vector<256x256xbf16>, vector<256x1xbf16>, vector<256x1xf32> -> vector<256x1xf32>
    %mul3A_54 = arith.constant 256 : i32
    %mul3A_55 = arith.muli %arg1, %mul3A_54 : i32
    %get3A_56 = arith.constant 1 : index
    %get3A_57 = arith.index_cast %mul3A_55 : i32 to index
    %get3A_58 = arith.constant 0 : index
    %get3A_59 = vector.load %arg3[%get3A_56, %get3A_57, %get3A_58] : memref<2x2048x64xf32, #tpu.memory_space<vmem>>, vector<1x256x64xf32>
    %get3A_60 = vector.shape_cast %get3A_59 : vector<1x256x64xf32> to vector<256x64xf32>
    %convert_element_type3A_61 = arith.truncf %get3A_60 : vector<256x64xf32> to vector<256x64xbf16>
    %mul3A_62 = arith.constant 256 : i32
    %mul3A_63 = arith.muli %arg1, %mul3A_62 : i32
    %get3A_64 = arith.constant 1 : index
    %get3A_65 = arith.index_cast %mul3A_63 : i32 to index
    %get3A_66 = arith.constant 0 : index
    %get3A_67 = vector.load %arg4[%get3A_64, %get3A_65, %get3A_66] : memref<2x2048x64xf32, #tpu.memory_space<vmem>>, vector<1x256x64xf32>
    %get3A_68 = vector.shape_cast %get3A_67 : vector<1x256x64xf32> to vector<256x64xf32>
    %convert_element_type3A_69 = arith.truncf %get3A_68 : vector<256x64xf32> to vector<256x64xbf16>
    %dot_general3A_70 = arith.constant dense<0.000000e+00> : vector<256x256xf32>
    %dot_general3A_71 = tpu.matmul %convert_element_type3A_14, %convert_element_type3A_61, %dot_general3A_70 {dimension_numbers = #tpu.dot_dimension_numbers<[1], [1], [0], [0], [0, 0, 1, 0], [], []>, transpose_lhs_hint = false} : vector<256x64xbf16>, vector<256x64xbf16>, vector<256x256xf32> -> vector<256x256xf32>
    %iota3A_72 = tpu.iota {dimensions = array<i32: 0>} : vector<256x256xi32>
    %iota3A_73 = tpu.iota {dimensions = array<i32: 1>} : vector<256x256xi32>
    %le3A_74 = arith.cmpi sle, %iota3A_73, %iota3A_72 : vector<256x256xi32>
    %jit3A_75 = arith.constant -1.000000e+30 : f32
    %broadcast_in_dim3A_76 = vector.broadcast %jit3A_75 : f32 to vector<256x256xf32>
    %select_n3A_77 = arith.select %le3A_74, %dot_general3A_71, %broadcast_in_dim3A_76 : vector<256x256xi1>, vector<256x256xf32>
    %exp3A_78 = math.exp %select_n3A_77 : vector<256x256xf32>
    %convert_element_type3A_79 = arith.truncf %exp3A_78 : vector<256x256xf32> to vector<256x256xbf16>
    %dot_general3A_80 = arith.constant dense<0.000000e+00> : vector<256x64xf32>
    %dot_general3A_81 = tpu.matmul %convert_element_type3A_79, %convert_element_type3A_69, %dot_general3A_80 {dimension_numbers = #tpu.dot_dimension_numbers<[1], [0], [0], [1], [0, 0, 1, 1], [], []>, transpose_lhs_hint = false} : vector<256x256xbf16>, vector<256x64xbf16>, vector<256x64xf32> -> vector<256x64xf32>
    %dot_general3A_82 = arith.constant dense<0.000000e+00> : vector<256x1xf32>
    %dot_general3A_83 = tpu.matmul %convert_element_type3A_79, %broadcast_in_dim3A_15, %dot_general3A_82 {dimension_numbers = #tpu.dot_dimension_numbers<[1], [0], [0], [1], [0, 0, 1, 1], [], []>, transpose_lhs_hint = false} : vector<256x256xbf16>, vector<256x1xbf16>, vector<256x1xf32> -> vector<256x1xf32>
    %add3A = arith.addf %while3A_29#0, %dot_general3A_51 : vector<256x64xf32>
    %add3A_84 = arith.addf %while3A_29#1, %dot_general3A_53 : vector<256x1xf32>
    %add3A_85 = arith.addf %while3A_29#2, %dot_general3A_81 : vector<256x64xf32>
    %add3A_86 = arith.addf %while3A_29#3, %dot_general3A_83 : vector<256x1xf32>
    %div3A = vector.broadcast %add3A_84 : vector<256x1xf32> to vector<256x64xf32>
    %div3A_87 = arith.divf %add3A, %div3A : vector<256x64xf32>
    %swap3A = arith.constant 0 : index
    %swap3A_88 = arith.constant 0 : index
    %swap3A_89 = arith.constant 0 : index
    %swap3A_90 = vector.load %arg5[%swap3A, %swap3A_88, %swap3A_89] : memref<2x256x64xf32, #tpu.memory_space<vmem>>, vector<1x256x64xf32>
    %swap3A_91 = vector.shape_cast %swap3A_90 : vector<1x256x64xf32> to vector<256x64xf32>
    %swap3A_92 = vector.shape_cast %div3A_87 : vector<256x64xf32> to vector<1x256x64xf32>
    tpu.vector_store %arg5[%swap3A, %swap3A_88, %swap3A_89], %swap3A_92 {strides = array<i32>} : memref<2x256x64xf32, #tpu.memory_space<vmem>>, vector<1x256x64xf32>,
    %div3A_93 = vector.broadcast %add3A_86 : vector<256x1xf32> to vector<256x64xf32>
    %div3A_94 = arith.divf %add3A_85, %div3A_93 : vector<256x64xf32>
    %swap3A_95 = arith.constant 1 : index
    %swap3A_96 = arith.constant 0 : index
    %swap3A_97 = arith.constant 0 : index
    %swap3A_98 = vector.load %arg5[%swap3A_95, %swap3A_96, %swap3A_97] : memref<2x256x64xf32, #tpu.memory_space<vmem>>, vector<1x256x64xf32>
    %swap3A_99 = vector.shape_cast %swap3A_98 : vector<1x256x64xf32> to vector<256x64xf32>
    %swap3A_100 = vector.shape_cast %div3A_94 : vector<256x64xf32> to vector<1x256x64xf32>
    tpu.vector_store %arg5[%swap3A_95, %swap3A_96, %swap3A_97], %swap3A_100 {strides = array<i32>} : memref<2x256x64xf32, #tpu.memory_space<vmem>>, vector<1x256x64xf32>,
    return
  }
  func.func @transform_0(%arg0: i32, %arg1: i32) -> (i32, i32, i32) {
    %c0_i32 = arith.constant 0 : i32
    %c0_i32_0 = arith.constant 0 : i32
    return %arg0, %arg1, %c0_i32 : i32, i32, i32
  }
  func.func @transform_1(%arg0: i32, %arg1: i32) -> (i32, i32, i32) {
    %c0_i32 = arith.constant 0 : i32
    %c0_i32_0 = arith.constant 0 : i32
    %c0_i32_1 = arith.constant 0 : i32
    return %arg0, %c0_i32, %c0_i32_0 : i32, i32, i32
  }
  func.func @transform_2(%arg0: i32, %arg1: i32) -> (i32, i32, i32) {
    %c0_i32 = arith.constant 0 : i32
    %c0_i32_0 = arith.constant 0 : i32
    %c0_i32_1 = arith.constant 0 : i32
    return %arg0, %c0_i32, %c0_i32_0 : i32, i32, i32
  }
  func.func @transform_3(%arg0: i32, %arg1: i32) -> (i32, i32, i32) {
    %c0_i32 = arith.constant 0 : i32
    %c0_i32_0 = arith.constant 0 : i32
    return %arg0, %arg1, %c0_i32 : i32, i32, i32
  }
}

module attributes {stable_mosaic.version = 14 : i64} {
  func.func @_post_body(%arg0: i32, %arg1: memref<256x768xf32, #tpu.memory_space<vmem>>, %arg2: memref<12x256x64xf32, #tpu.memory_space<vmem>>, %arg3: memref<768x768xf32, #tpu.memory_space<vmem>>, %arg4: memref<1x768xf32, #tpu.memory_space<vmem>>, %arg5: memref<768x64xf32, #tpu.memory_space<vmem>>, %arg6: memref<256x768xf32, #tpu.memory_space<vmem>>, %arg7: memref<256x768xf32, #tpu.memory_space<vmem>>, %arg8: memref<256x1xf32, #tpu.memory_space<vmem>>, %arg9: memref<256x1xi32, #tpu.memory_space<vmem>>) attributes {dimension_semantics = [#tpu.dimension_semantics<arbitrary>], iteration_bounds = array<i64: 8>, scalar_prefetch = 0 : i64, scratch_operands = 0 : i64, tpu.core_type = #tpu.core_type<tc>, window_params = [{transform_indices = @transform_0, window_bounds = array<i64: 256, 768>}, {transform_indices = @transform_1, window_bounds = array<i64: 12, 256, 64>}, {pipeline_mode = #tpu.pipeline_mode<synchronous>, transform_indices = @transform_2, window_bounds = array<i64: 768, 768>}, {pipeline_mode = #tpu.pipeline_mode<synchronous>, transform_indices = @transform_3, window_bounds = array<i64: 1, 768>}, {pipeline_mode = #tpu.pipeline_mode<synchronous>, transform_indices = @transform_4, window_bounds = array<i64: 768, 64>}, {transform_indices = @transform_5, window_bounds = array<i64: 256, 768>}, {transform_indices = @transform_6, window_bounds = array<i64: 256, 768>}, {transform_indices = @transform_7, window_bounds = array<i64: 256, 1>}, {transform_indices = @transform_8, window_bounds = array<i64: 256, 1>}]} {
    %get3A = arith.constant 0 : index
    %get3A_0 = arith.constant 0 : index
    %get3A_1 = arith.constant 0 : index
    %get3A_2 = vector.load %arg2[%get3A, %get3A_0, %get3A_1] : memref<12x256x64xf32, #tpu.memory_space<vmem>>, vector<1x256x64xf32>
    %get3A_3 = vector.shape_cast %get3A_2 : vector<1x256x64xf32> to vector<256x64xf32>
    %get3A_4 = arith.constant 1 : index
    %get3A_5 = arith.constant 0 : index
    %get3A_6 = arith.constant 0 : index
    %get3A_7 = vector.load %arg2[%get3A_4, %get3A_5, %get3A_6] : memref<12x256x64xf32, #tpu.memory_space<vmem>>, vector<1x256x64xf32>
    %get3A_8 = vector.shape_cast %get3A_7 : vector<1x256x64xf32> to vector<256x64xf32>
    %get3A_9 = arith.constant 2 : index
    %get3A_10 = arith.constant 0 : index
    %get3A_11 = arith.constant 0 : index
    %get3A_12 = vector.load %arg2[%get3A_9, %get3A_10, %get3A_11] : memref<12x256x64xf32, #tpu.memory_space<vmem>>, vector<1x256x64xf32>
    %get3A_13 = vector.shape_cast %get3A_12 : vector<1x256x64xf32> to vector<256x64xf32>
    %get3A_14 = arith.constant 3 : index
    %get3A_15 = arith.constant 0 : index
    %get3A_16 = arith.constant 0 : index
    %get3A_17 = vector.load %arg2[%get3A_14, %get3A_15, %get3A_16] : memref<12x256x64xf32, #tpu.memory_space<vmem>>, vector<1x256x64xf32>
    %get3A_18 = vector.shape_cast %get3A_17 : vector<1x256x64xf32> to vector<256x64xf32>
    %get3A_19 = arith.constant 4 : index
    %get3A_20 = arith.constant 0 : index
    %get3A_21 = arith.constant 0 : index
    %get3A_22 = vector.load %arg2[%get3A_19, %get3A_20, %get3A_21] : memref<12x256x64xf32, #tpu.memory_space<vmem>>, vector<1x256x64xf32>
    %get3A_23 = vector.shape_cast %get3A_22 : vector<1x256x64xf32> to vector<256x64xf32>
    %get3A_24 = arith.constant 5 : index
    %get3A_25 = arith.constant 0 : index
    %get3A_26 = arith.constant 0 : index
    %get3A_27 = vector.load %arg2[%get3A_24, %get3A_25, %get3A_26] : memref<12x256x64xf32, #tpu.memory_space<vmem>>, vector<1x256x64xf32>
    %get3A_28 = vector.shape_cast %get3A_27 : vector<1x256x64xf32> to vector<256x64xf32>
    %get3A_29 = arith.constant 6 : index
    %get3A_30 = arith.constant 0 : index
    %get3A_31 = arith.constant 0 : index
    %get3A_32 = vector.load %arg2[%get3A_29, %get3A_30, %get3A_31] : memref<12x256x64xf32, #tpu.memory_space<vmem>>, vector<1x256x64xf32>
    %get3A_33 = vector.shape_cast %get3A_32 : vector<1x256x64xf32> to vector<256x64xf32>
    %get3A_34 = arith.constant 7 : index
    %get3A_35 = arith.constant 0 : index
    %get3A_36 = arith.constant 0 : index
    %get3A_37 = vector.load %arg2[%get3A_34, %get3A_35, %get3A_36] : memref<12x256x64xf32, #tpu.memory_space<vmem>>, vector<1x256x64xf32>
    %get3A_38 = vector.shape_cast %get3A_37 : vector<1x256x64xf32> to vector<256x64xf32>
    %get3A_39 = arith.constant 8 : index
    %get3A_40 = arith.constant 0 : index
    %get3A_41 = arith.constant 0 : index
    %get3A_42 = vector.load %arg2[%get3A_39, %get3A_40, %get3A_41] : memref<12x256x64xf32, #tpu.memory_space<vmem>>, vector<1x256x64xf32>
    %get3A_43 = vector.shape_cast %get3A_42 : vector<1x256x64xf32> to vector<256x64xf32>
    %get3A_44 = arith.constant 9 : index
    %get3A_45 = arith.constant 0 : index
    %get3A_46 = arith.constant 0 : index
    %get3A_47 = vector.load %arg2[%get3A_44, %get3A_45, %get3A_46] : memref<12x256x64xf32, #tpu.memory_space<vmem>>, vector<1x256x64xf32>
    %get3A_48 = vector.shape_cast %get3A_47 : vector<1x256x64xf32> to vector<256x64xf32>
    %get3A_49 = arith.constant 10 : index
    %get3A_50 = arith.constant 0 : index
    %get3A_51 = arith.constant 0 : index
    %get3A_52 = vector.load %arg2[%get3A_49, %get3A_50, %get3A_51] : memref<12x256x64xf32, #tpu.memory_space<vmem>>, vector<1x256x64xf32>
    %get3A_53 = vector.shape_cast %get3A_52 : vector<1x256x64xf32> to vector<256x64xf32>
    %get3A_54 = arith.constant 11 : index
    %get3A_55 = arith.constant 0 : index
    %get3A_56 = arith.constant 0 : index
    %get3A_57 = vector.load %arg2[%get3A_54, %get3A_55, %get3A_56] : memref<12x256x64xf32, #tpu.memory_space<vmem>>, vector<1x256x64xf32>
    %get3A_58 = vector.shape_cast %get3A_57 : vector<1x256x64xf32> to vector<256x64xf32>
    %concatenate3A = tpu.concatenate %get3A_3, %get3A_8, %get3A_13, %get3A_18, %get3A_23, %get3A_28, %get3A_33, %get3A_38, %get3A_43, %get3A_48, %get3A_53, %get3A_58 in 1 : vector<256x64xf32>, vector<256x64xf32>, vector<256x64xf32>, vector<256x64xf32>, vector<256x64xf32>, vector<256x64xf32>, vector<256x64xf32>, vector<256x64xf32>, vector<256x64xf32>, vector<256x64xf32>, vector<256x64xf32>, vector<256x64xf32> -> vector<256x768xf32>
    %get3A_59 = arith.constant 0 : index
    %get3A_60 = arith.constant 0 : index
    %get3A_61 = vector.load %arg1[%get3A_59, %get3A_60] : memref<256x768xf32, #tpu.memory_space<vmem>>, vector<256x768xf32>
    %convert_element_type3A = arith.truncf %concatenate3A : vector<256x768xf32> to vector<256x768xbf16>
    %get3A_62 = arith.constant 0 : index
    %get3A_63 = arith.constant 0 : index
    %get3A_64 = vector.load %arg3[%get3A_62, %get3A_63] : memref<768x768xf32, #tpu.memory_space<vmem>>, vector<768x768xf32>
    %convert_element_type3A_65 = arith.truncf %get3A_64 : vector<768x768xf32> to vector<768x768xbf16>
    %dot_general3A = arith.constant dense<0.000000e+00> : vector<256x768xf32>
    %dot_general3A_66 = tpu.matmul %convert_element_type3A, %convert_element_type3A_65, %dot_general3A {dimension_numbers = #tpu.dot_dimension_numbers<[1], [0], [0], [1], [0, 0, 1, 1], [], []>, transpose_lhs_hint = false} : vector<256x768xbf16>, vector<768x768xbf16>, vector<256x768xf32> -> vector<256x768xf32>
    %add3A = arith.addf %get3A_61, %dot_general3A_66 : vector<256x768xf32>
    %swap3A = arith.constant 0 : index
    %swap3A_67 = arith.constant 0 : index
    %swap3A_68 = vector.load %arg6[%swap3A, %swap3A_67] : memref<256x768xf32, #tpu.memory_space<vmem>>, vector<256x768xf32>
    tpu.vector_store %arg6[%swap3A, %swap3A_67], %add3A {strides = array<i32>} : memref<256x768xf32, #tpu.memory_space<vmem>>, vector<256x768xf32>,
    %get3A_69 = arith.constant 0 : index
    %get3A_70 = arith.constant 0 : index
    %get3A_71 = vector.load %arg4[%get3A_69, %get3A_70] : memref<1x768xf32, #tpu.memory_space<vmem>>, vector<1x768xf32>
    %mul3A = vector.broadcast %get3A_71 : vector<1x768xf32> to vector<256x768xf32>
    %mul3A_72 = arith.mulf %add3A, %mul3A : vector<256x768xf32>
    %mul3A_73 = arith.mulf %add3A, %add3A : vector<256x768xf32>
    %reduce_sum3A = arith.constant dense<0.000000e+00> : vector<256xf32>
    %reduce_sum3A_74 = vector.multi_reduction <add>, %mul3A_73, %reduce_sum3A [1] : vector<256x768xf32> to vector<256xf32>
    %broadcast_in_dim3A = vector.shape_cast %reduce_sum3A_74 : vector<256xf32> to vector<256x1xf32>
    %div3A = arith.constant 7.680000e+02 : f32
    %div3A_75 = vector.broadcast %div3A : f32 to vector<256x1xf32>
    %div3A_76 = arith.divf %broadcast_in_dim3A, %div3A_75 : vector<256x1xf32>
    %add3A_77 = arith.constant 9.99999974E-6 : f32
    %add3A_78 = vector.broadcast %add3A_77 : f32 to vector<256x1xf32>
    %add3A_79 = arith.addf %div3A_76, %add3A_78 : vector<256x1xf32>
    %rsqrt3A = math.rsqrt %add3A_79 : vector<256x1xf32>
    %mul3A_80 = vector.broadcast %rsqrt3A : vector<256x1xf32> to vector<256x768xf32>
    %mul3A_81 = arith.mulf %mul3A_72, %mul3A_80 : vector<256x768xf32>
    %swap3A_82 = arith.constant 0 : index
    %swap3A_83 = arith.constant 0 : index
    %swap3A_84 = vector.load %arg7[%swap3A_82, %swap3A_83] : memref<256x768xf32, #tpu.memory_space<vmem>>, vector<256x768xf32>
    tpu.vector_store %arg7[%swap3A_82, %swap3A_83], %mul3A_81 {strides = array<i32>} : memref<256x768xf32, #tpu.memory_space<vmem>>, vector<256x768xf32>,
    %get3A_85 = arith.constant 0 : index
    %get3A_86 = arith.constant 0 : index
    %get3A_87 = vector.load %arg5[%get3A_85, %get3A_86] : memref<768x64xf32, #tpu.memory_space<vmem>>, vector<768x64xf32>
    %dot_general3A_88 = arith.constant dense<0.000000e+00> : vector<256x64xf32>
    %dot_general3A_89 = tpu.matmul %mul3A_81, %get3A_87, %dot_general3A_88 {dimension_numbers = #tpu.dot_dimension_numbers<[1], [0], [0], [1], [0, 0, 1, 1], [], []>, transpose_lhs_hint = false} : vector<256x768xf32>, vector<768x64xf32>, vector<256x64xf32> -> vector<256x64xf32>
    %reduce_max3A = arith.constant dense<0xFF800000> : vector<256xf32>
    %reduce_max3A_90 = vector.multi_reduction <maximumf>, %dot_general3A_89, %reduce_max3A [1] : vector<256x64xf32> to vector<256xf32>
    %broadcast_in_dim3A_91 = vector.shape_cast %reduce_max3A_90 : vector<256xf32> to vector<256x1xf32>
    %sub3A = vector.broadcast %broadcast_in_dim3A_91 : vector<256x1xf32> to vector<256x64xf32>
    %sub3A_92 = arith.subf %dot_general3A_89, %sub3A : vector<256x64xf32>
    %exp3A = math.exp %sub3A_92 : vector<256x64xf32>
    %reduce_sum3A_93 = arith.constant dense<0.000000e+00> : vector<256xf32>
    %reduce_sum3A_94 = vector.multi_reduction <add>, %exp3A, %reduce_sum3A_93 [1] : vector<256x64xf32> to vector<256xf32>
    %broadcast_in_dim3A_95 = vector.shape_cast %reduce_sum3A_94 : vector<256xf32> to vector<256x1xf32>
    %div3A_96 = arith.constant 1.000000e+00 : f32
    %div3A_97 = vector.broadcast %div3A_96 : f32 to vector<256x1xf32>
    %div3A_98 = arith.divf %div3A_97, %broadcast_in_dim3A_95 : vector<256x1xf32>
    %swap3A_99 = arith.constant 0 : index
    %swap3A_100 = arith.constant 0 : index
    %swap3A_101 = vector.load %arg8[%swap3A_99, %swap3A_100] : memref<256x1xf32, #tpu.memory_space<vmem>>, vector<256x1xf32>
    tpu.vector_store %arg8[%swap3A_99, %swap3A_100], %div3A_98 {strides = array<i32>} : memref<256x1xf32, #tpu.memory_space<vmem>>, vector<256x1xf32>,
    %iota3A = tpu.iota {dimensions = array<i32: 1>} : vector<256x64xi32>
    %eq3A = vector.broadcast %broadcast_in_dim3A_91 : vector<256x1xf32> to vector<256x64xf32>
    %eq3A_102 = arith.cmpf oeq, %dot_general3A_89, %eq3A : vector<256x64xf32>
    %jit3A = arith.constant 64 : i32
    %broadcast_in_dim3A_103 = vector.broadcast %jit3A : i32 to vector<256x64xi32>
    %select_n3A = arith.select %eq3A_102, %iota3A, %broadcast_in_dim3A_103 : vector<256x64xi1>, vector<256x64xi32>
    %reduce_min3A = arith.constant dense<2147483647> : vector<256xi32>
    %reduce_min3A_104 = vector.multi_reduction <minsi>, %select_n3A, %reduce_min3A [1] : vector<256x64xi32> to vector<256xi32>
    %broadcast_in_dim3A_105 = vector.shape_cast %reduce_min3A_104 : vector<256xi32> to vector<256x1xi32>
    %swap3A_106 = arith.constant 0 : index
    %swap3A_107 = arith.constant 0 : index
    %swap3A_108 = vector.load %arg9[%swap3A_106, %swap3A_107] : memref<256x1xi32, #tpu.memory_space<vmem>>, vector<256x1xi32>
    tpu.vector_store %arg9[%swap3A_106, %swap3A_107], %broadcast_in_dim3A_105 {strides = array<i32>} : memref<256x1xi32, #tpu.memory_space<vmem>>, vector<256x1xi32>,
    return
  }
  func.func @transform_0(%arg0: i32) -> (i32, i32) {
    %c0_i32 = arith.constant 0 : i32
    %c0_i32_0 = arith.constant 0 : i32
    return %arg0, %c0_i32 : i32, i32
  }
  func.func @transform_1(%arg0: i32) -> (i32, i32, i32) {
    %c0_i32 = arith.constant 0 : i32
    %c0_i32_0 = arith.constant 0 : i32
    %c0_i32_1 = arith.constant 0 : i32
    return %c0_i32, %arg0, %c0_i32_0 : i32, i32, i32
  }
  func.func @transform_2(%arg0: i32) -> (i32, i32) {
    %c0_i32 = arith.constant 0 : i32
    %c0_i32_0 = arith.constant 0 : i32
    %c0_i32_1 = arith.constant 0 : i32
    return %c0_i32, %c0_i32_0 : i32, i32
  }
  func.func @transform_3(%arg0: i32) -> (i32, i32) {
    %c0_i32 = arith.constant 0 : i32
    %c0_i32_0 = arith.constant 0 : i32
    %c0_i32_1 = arith.constant 0 : i32
    return %c0_i32, %c0_i32_0 : i32, i32
  }
  func.func @transform_4(%arg0: i32) -> (i32, i32) {
    %c0_i32 = arith.constant 0 : i32
    %c0_i32_0 = arith.constant 0 : i32
    %c0_i32_1 = arith.constant 0 : i32
    return %c0_i32, %c0_i32_0 : i32, i32
  }
  func.func @transform_5(%arg0: i32) -> (i32, i32) {
    %c0_i32 = arith.constant 0 : i32
    %c0_i32_0 = arith.constant 0 : i32
    return %arg0, %c0_i32 : i32, i32
  }
  func.func @transform_6(%arg0: i32) -> (i32, i32) {
    %c0_i32 = arith.constant 0 : i32
    %c0_i32_0 = arith.constant 0 : i32
    return %arg0, %c0_i32 : i32, i32
  }
  func.func @transform_7(%arg0: i32) -> (i32, i32) {
    %c0_i32 = arith.constant 0 : i32
    %c0_i32_0 = arith.constant 0 : i32
    return %arg0, %c0_i32 : i32, i32
  }
  func.func @transform_8(%arg0: i32) -> (i32, i32) {
    %c0_i32 = arith.constant 0 : i32
    %c0_i32_0 = arith.constant 0 : i32
    return %arg0, %c0_i32 : i32, i32
  }
}

module attributes {stable_mosaic.version = 14 : i64} {
  func.func @_ffn_body(%arg0: i32, %arg1: memref<64x768xf32, #tpu.memory_space<vmem>>, %arg2: memref<1x768x768xf32, #tpu.memory_space<vmem>>, %arg3: memref<1x768x768xf32, #tpu.memory_space<vmem>>, %arg4: memref<1x768x768xf32, #tpu.memory_space<vmem>>, %arg5: memref<64x768xf32, #tpu.memory_space<vmem>>) attributes {dimension_semantics = [#tpu.dimension_semantics<arbitrary>], iteration_bounds = array<i64: 64>, scalar_prefetch = 0 : i64, scratch_operands = 0 : i64, tpu.core_type = #tpu.core_type<tc>, window_params = [{transform_indices = @transform_0, window_bounds = array<i64: 64, 768>}, {transform_indices = @transform_1, window_bounds = array<i64: 1, 768, 768>}, {transform_indices = @transform_2, window_bounds = array<i64: 1, 768, 768>}, {transform_indices = @transform_3, window_bounds = array<i64: 1, 768, 768>}, {transform_indices = @transform_4, window_bounds = array<i64: 64, 768>}]} {
    %get3A = arith.constant 0 : index
    %get3A_0 = arith.constant 0 : index
    %get3A_1 = vector.load %arg1[%get3A, %get3A_0] : memref<64x768xf32, #tpu.memory_space<vmem>>, vector<64x768xf32>
    %is_finite3A = tpu.weird %get3A_1 : vector<64x768xf32> -> vector<64x768xi1>
    %is_finite3A_2 = arith.constant dense<true> : vector<64x768xi1>
    %is_finite3A_3 = arith.xori %is_finite3A, %is_finite3A_2 : vector<64x768xi1>
    %jit3A = arith.constant 0.000000e+00 : f32
    %broadcast_in_dim3A = vector.broadcast %jit3A : f32 to vector<64x768xf32>
    %select_n3A = arith.select %is_finite3A_3, %get3A_1, %broadcast_in_dim3A : vector<64x768xi1>, vector<64x768xf32>
    %get3A_4 = arith.constant 0 : index
    %get3A_5 = arith.constant 0 : index
    %get3A_6 = arith.constant 0 : index
    %get3A_7 = vector.load %arg2[%get3A_4, %get3A_5, %get3A_6] : memref<1x768x768xf32, #tpu.memory_space<vmem>>, vector<1x768x768xf32>
    %get3A_8 = vector.shape_cast %get3A_7 : vector<1x768x768xf32> to vector<768x768xf32>
    %dot_general3A = arith.constant dense<0.000000e+00> : vector<64x768xf32>
    %dot_general3A_9 = tpu.matmul %select_n3A, %get3A_8, %dot_general3A {dimension_numbers = #tpu.dot_dimension_numbers<[1], [0], [0], [1], [0, 0, 1, 1], [], []>, transpose_lhs_hint = false} : vector<64x768xf32>, vector<768x768xf32>, vector<64x768xf32> -> vector<64x768xf32>
    %get3A_10 = arith.constant 0 : index
    %get3A_11 = arith.constant 0 : index
    %get3A_12 = arith.constant 0 : index
    %get3A_13 = vector.load %arg3[%get3A_10, %get3A_11, %get3A_12] : memref<1x768x768xf32, #tpu.memory_space<vmem>>, vector<1x768x768xf32>
    %get3A_14 = vector.shape_cast %get3A_13 : vector<1x768x768xf32> to vector<768x768xf32>
    %dot_general3A_15 = arith.constant dense<0.000000e+00> : vector<64x768xf32>
    %dot_general3A_16 = tpu.matmul %select_n3A, %get3A_14, %dot_general3A_15 {dimension_numbers = #tpu.dot_dimension_numbers<[1], [0], [0], [1], [0, 0, 1, 1], [], []>, transpose_lhs_hint = false} : vector<64x768xf32>, vector<768x768xf32>, vector<64x768xf32> -> vector<64x768xf32>
    %logistic3A = arith.negf %dot_general3A_9 : vector<64x768xf32>
    %logistic3A_17 = math.exp %logistic3A : vector<64x768xf32>
    %logistic3A_18 = arith.constant 1.000000e+00 : f32
    %logistic3A_19 = vector.broadcast %logistic3A_18 : f32 to vector<64x768xf32>
    %logistic3A_20 = arith.addf %logistic3A_19, %logistic3A_17 : vector<64x768xf32>
    %logistic3A_21 = arith.divf %logistic3A_19, %logistic3A_20 : vector<64x768xf32>
    %mul3A = arith.mulf %dot_general3A_9, %logistic3A_21 : vector<64x768xf32>
    %mul3A_22 = arith.mulf %mul3A, %dot_general3A_16 : vector<64x768xf32>
    %get3A_23 = arith.constant 0 : index
    %get3A_24 = arith.constant 0 : index
    %get3A_25 = arith.constant 0 : index
    %get3A_26 = vector.load %arg4[%get3A_23, %get3A_24, %get3A_25] : memref<1x768x768xf32, #tpu.memory_space<vmem>>, vector<1x768x768xf32>
    %get3A_27 = vector.shape_cast %get3A_26 : vector<1x768x768xf32> to vector<768x768xf32>
    %dot_general3A_28 = arith.constant dense<0.000000e+00> : vector<64x768xf32>
    %dot_general3A_29 = tpu.matmul %mul3A_22, %get3A_27, %dot_general3A_28 {dimension_numbers = #tpu.dot_dimension_numbers<[1], [0], [0], [1], [0, 0, 1, 1], [], []>, transpose_lhs_hint = false} : vector<64x768xf32>, vector<768x768xf32>, vector<64x768xf32> -> vector<64x768xf32>
    %swap3A = arith.constant 0 : index
    %swap3A_30 = arith.constant 0 : index
    %swap3A_31 = vector.load %arg5[%swap3A, %swap3A_30] : memref<64x768xf32, #tpu.memory_space<vmem>>, vector<64x768xf32>
    tpu.vector_store %arg5[%swap3A, %swap3A_30], %dot_general3A_29 {strides = array<i32>} : memref<64x768xf32, #tpu.memory_space<vmem>>, vector<64x768xf32>,
    return
  }
  func.func @transform_0(%arg0: i32) -> (i32, i32) {
    %c0_i32 = arith.constant 0 : i32
    %c0_i32_0 = arith.constant 0 : i32
    return %arg0, %c0_i32 : i32, i32
  }
  func.func @transform_1(%arg0: i32) -> (i32, i32, i32) {
    %c0_i32 = arith.constant 0 : i32
    %c0_i32_0 = arith.constant 0 : i32
    %c0_i32_1 = arith.constant 0 : i32
    return %arg0, %c0_i32, %c0_i32_0 : i32, i32, i32
  }
  func.func @transform_2(%arg0: i32) -> (i32, i32, i32) {
    %c0_i32 = arith.constant 0 : i32
    %c0_i32_0 = arith.constant 0 : i32
    %c0_i32_1 = arith.constant 0 : i32
    return %arg0, %c0_i32, %c0_i32_0 : i32, i32, i32
  }
  func.func @transform_3(%arg0: i32) -> (i32, i32, i32) {
    %c0_i32 = arith.constant 0 : i32
    %c0_i32_0 = arith.constant 0 : i32
    %c0_i32_1 = arith.constant 0 : i32
    return %arg0, %c0_i32, %c0_i32_0 : i32, i32, i32
  }
  func.func @transform_4(%arg0: i32) -> (i32, i32) {
    %c0_i32 = arith.constant 0 : i32
    %c0_i32_0 = arith.constant 0 : i32
    return %arg0, %c0_i32 : i32, i32
  }
}

module attributes {stable_mosaic.version = 14 : i64} {
  func.func @_final_body(%arg0: i32, %arg1: memref<256x768xf32, #tpu.memory_space<vmem>>, %arg2: memref<256x1xf32, #tpu.memory_space<vmem>>, %arg3: memref<256x768xf32, #tpu.memory_space<vmem>>, %arg4: memref<256x768xf32, #tpu.memory_space<vmem>>) attributes {dimension_semantics = [#tpu.dimension_semantics<arbitrary>], iteration_bounds = array<i64: 8>, scalar_prefetch = 0 : i64, scratch_operands = 0 : i64, tpu.core_type = #tpu.core_type<tc>, window_params = [{transform_indices = @transform_0, window_bounds = array<i64: 256, 768>}, {transform_indices = @transform_1, window_bounds = array<i64: 256, 1>}, {transform_indices = @transform_2, window_bounds = array<i64: 256, 768>}, {transform_indices = @transform_3, window_bounds = array<i64: 256, 768>}]} {
    %get3A = arith.constant 0 : index
    %get3A_0 = arith.constant 0 : index
    %get3A_1 = vector.load %arg1[%get3A, %get3A_0] : memref<256x768xf32, #tpu.memory_space<vmem>>, vector<256x768xf32>
    %get3A_2 = arith.constant 0 : index
    %get3A_3 = arith.constant 0 : index
    %get3A_4 = vector.load %arg2[%get3A_2, %get3A_3] : memref<256x1xf32, #tpu.memory_space<vmem>>, vector<256x1xf32>
    %get3A_5 = arith.constant 0 : index
    %get3A_6 = arith.constant 0 : index
    %get3A_7 = vector.load %arg3[%get3A_5, %get3A_6] : memref<256x768xf32, #tpu.memory_space<vmem>>, vector<256x768xf32>
    %mul3A = vector.broadcast %get3A_4 : vector<256x1xf32> to vector<256x768xf32>
    %mul3A_8 = arith.mulf %mul3A, %get3A_7 : vector<256x768xf32>
    %add3A = arith.addf %get3A_1, %mul3A_8 : vector<256x768xf32>
    %swap3A = arith.constant 0 : index
    %swap3A_9 = arith.constant 0 : index
    %swap3A_10 = vector.load %arg4[%swap3A, %swap3A_9] : memref<256x768xf32, #tpu.memory_space<vmem>>, vector<256x768xf32>
    tpu.vector_store %arg4[%swap3A, %swap3A_9], %add3A {strides = array<i32>} : memref<256x768xf32, #tpu.memory_space<vmem>>, vector<256x768xf32>,
    return
  }
  func.func @transform_0(%arg0: i32) -> (i32, i32) {
    %c0_i32 = arith.constant 0 : i32
    %c0_i32_0 = arith.constant 0 : i32
    return %arg0, %c0_i32 : i32, i32
  }
  func.func @transform_1(%arg0: i32) -> (i32, i32) {
    %c0_i32 = arith.constant 0 : i32
    %c0_i32_0 = arith.constant 0 : i32
    return %arg0, %c0_i32 : i32, i32
  }
  func.func @transform_2(%arg0: i32) -> (i32, i32) {
    %c0_i32 = arith.constant 0 : i32
    %c0_i32_0 = arith.constant 0 : i32
    return %arg0, %c0_i32 : i32, i32
  }
  func.func @transform_3(%arg0: i32) -> (i32, i32) {
    %c0_i32 = arith.constant 0 : i32
    %c0_i32_0 = arith.constant 0 : i32
    return %arg0, %c0_i32 : i32, i32
  }
}

</mosaic_0001>

<sc_bundles>
// kernel: kernel.12.cloned.1.call-start
scs
__scs_entry_jumppad:
0x0: {  	(pc) =	sbr.rel $0x88, $3  }
0x1: {  	(tag) =	ssettag $0x0;
	lr =	simm.s32 $0x1  }
0x2: {  	[smem:$0x3F95] =	sst lr;
	_ =	strace $0xD0000000  }
0x3: {  	_ = 	snop  }
0x4: {  	_ = 	snop  }
0x5: {  	_ = 	snop  }
0x6: {  	_ = 	snop  }
0x7: {  	_ = 	snop  }
__scs_overlays_trampoline_lowered:
0x8: {  	[smem:$0x3FA4] =	sst s0  }
0x9: {  	[smem:$0x3FA5] =	sst s1  }
0xa: {  	[smem:$0x3FA6] =	sst s2  }
0xb: {  	[smem:$0x3FA7] =	sst s3  }
0xc: {  	[smem:$0x3FA8] =	sst s4  }
0xd: {  	[smem:$0x3FA9] =	sst s5  }
0xe: {  	[smem:$0x3FAA] =	sst s6  }
0xf: {  	[smem:$0x3FAB] =	sst s7  }
0x10: {  	[smem:$0x3FAC] =	sst s8  }
0x11: {  	[smem:$0x3FAD] =	sst s9;
	s0 =	simm.s32 @!p0 $0x0  }
0x12: {  	s1 =	sld [smem:$0x3F93];
	s0 =	simm.s32 @p0 $0x1  }
0x13: {  	[smem:$0x3FAE] =	sst s0;
	s0 =	simm.s32 @!p1 $0x0  }
0x14: {  	s2 =	sld [smem:$0x3F92];
	s0 =	simm.s32 @p1 $0x1  }
0x15: {  	[smem:$0x3FAF] =	sst s0;
	s0 =	simm.s32 @!p2 $0x0  }
0x16: {  	s3 =	sld [smem:$0x3FDB];
	s0 =	simm.s32 @p2 $0x1  }
0x17: {  	s4 =	simm.s32 $0x1BF5;
	[smem:$0x3FB1] =	sst s0  }
0x18: {  	s0 =	sld [smem:$0x3F94];
	_ =	swait.ge [sflag:s4], $0x0  }
0x19: {  	s7 =	sld [smem:$0x3F95]  }
0x1a: {  	s8 =	sadd.s32 $0xFFFFE003, lr  }
0x1b: {  	s9 =	sadd.s32 $0xFFFFFEF7, lr;
	s5 =	simm.s32 $0xFFFFFFFF;
	p2 =	slt.u32 s8, $0xFFFFF086  }
0x1c: {  	p1 =	slt.u32 s9, $0xF7A;
	s5 =	simm.s32 @!p2 $0x0  }
0x1d: {  	s5 =	simm.s32 @p1 $0x1;
	p0 =	seq.s32 s7, s2  }
0x1e: {  	s7 =	smul.u32 @!p0 $0xF7A, s2;
	p2 =	seq.s32 @!p0 s5, $0x0  }
0x1f: {  	s9 =	smul.u32 $0xF7A, s1;
	s8 =	simm.s32 @!p0 $0x1BF5;
	p2 =	por !p2, p0  }
0x20: {  	[sflag:s8] =	ssyncset.s32 @!p0 $0xFFFFF086;
	s6 =	sadd.s32 @!p0 s3, s7;
	s7 =	simm.s32 @!p0 $0x108  }
0x21: {  	s3 =	sadd.s32 s3, s9;
	s6 =	sadd.s32 @!p0 $0x88, s6;
	s7 =	simm.s32 @p2 $0x1082  }
0x22: {  	[simem:s7], [sflag:s8] =	dma.local @!p0 [hbm:s6], $0xF7A  }
0x23: {  	s9 =	sor.u32 $0xD0000000, s2;
	s6 =	simm.s32 $0x108;
	_ =	swait.ge @!p0 [sflag:s8], $0x0  }
0x24: {  	s3 =	sadd.s32 $0x88, s3;
	s6 =	simm.s32 @!p1 $0x1082;
	[sflag:s4] =	ssyncset.s32 $0xFFFFF086  }
0x25: {  	[simem:s6], [sflag:s4] =	dma.local [hbm:s3], $0xF7A  }
0x26: {  	[smem:$0x3F95] =	sst s1;
	(tag) =	ssettag s2;
	_ =	strace s9  }
0x27: {  	s1 =	sld [smem:$0x3FA5]  }
0x28: {  	s2 =	sld [smem:$0x3FA6]  }
0x29: {  	s4 =	sld [smem:$0x3FA8]  }
0x2a: {  	p0 =	seq.s32 s5, $0x0;
	s5 =	sld [smem:$0x3FA9]  }
0x2b: {  	s6 =	sld [smem:$0x3FAA]  }
0x2c: {  	s7 =	sld [smem:$0x3FAB]  }
0x2d: {  	s3 =	simm.s32 $0x108;
	s8 =	sld [smem:$0x3FAC]  }
0x2e: {  	s3 =	simm.s32 @!p0 $0x1082;
	s9 =	sld [smem:$0x3FAD]  }
0x2f: {  	lr =	sadd.s32 s0, s3;
	s0 =	sld [smem:$0x3FA4]  }
0x30: {  	s3 =	sld [smem:$0x3FA7]  }
0x31: {  	[smem:$0x3FB0] =	sst s10  }
0x32: {  	s10 =	sld [smem:$0x3FAE];
	_ =	sdelay $0x3  }
0x33: {  	p0 =	seq.s32 s10, $0x1;
	s10 =	sld [smem:$0x3FB0];
	_ =	sdelay $0x3  }
0x34: {  	[smem:$0x3FB0] =	sst s10  }
0x35: {  	s10 =	sld [smem:$0x3FAF];
	_ =	sdelay $0x3  }
0x36: {  	p1 =	seq.s32 s10, $0x1;
	s10 =	sld [smem:$0x3FB0];
	_ =	sdelay $0x3  }
0x37: {  	[smem:$0x3FB0] =	sst s10  }
0x38: {  	s10 =	sld [smem:$0x3FB1]  }
0x39: {  	_ = 	snop;
	(pc) =	sbr.ind lr, $3  }
0x3a: {  	_ = 	snop  }
0x3b: {  	_ = 	snop  }
0x3c: {  	p2 =	seq.s32 s10, $0x1;
	s10 =	sld [smem:$0x3FB0]  }
0x3d: {  	_ =	shalt  }
0x3e: {  	_ =	shalt  }
0x3f: {  	_ =	shalt  }
0x40: {  	_ =	shalt  }
0x41: {  	_ =	shalt  }
0x42: {  	_ =	shalt  }
0x43: {  	_ =	shalt  }
0x44: {  	_ =	shalt  }
0x45: {  	_ =	shalt  }
0x46: {  	_ =	shalt  }
0x47: {  	_ =	shalt  }
0x48: {  	_ =	shalt  }
0x49: {  	_ =	shalt  }
0x4a: {  	_ =	shalt  }
0x4b: {  	_ =	shalt  }
0x4c: {  	_ =	shalt  }
0x4d: {  	_ =	shalt  }
0x4e: {  	_ =	shalt  }
0x4f: {  	_ =	shalt  }
0x50: {  	_ =	shalt  }
0x51: {  	_ =	shalt  }
0x52: {  	_ =	shalt  }
0x53: {  	_ =	shalt  }
0x54: {  	_ =	shalt  }
0x55: {  	_ =	shalt  }
0x56: {  	_ =	shalt  }
0x57: {  	_ =	shalt  }
0x58: {  	_ =	shalt  }
0x59: {  	_ =	shalt  }
0x5a: {  	_ =	shalt  }
0x5b: {  	_ =	shalt  }
0x5c: {  	_ =	shalt  }
0x5d: {  	_ =	shalt  }
0x5e: {  	_ =	shalt  }
0x5f: {  	_ =	shalt  }
0x60: {  	_ =	shalt  }
0x61: {  	_ =	shalt  }
0x62: {  	_ =	shalt  }
0x63: {  	_ =	shalt  }
0x64: {  	_ =	shalt  }
0x65: {  	_ =	shalt  }
0x66: {  	_ =	shalt  }
0x67: {  	_ =	shalt  }
0x68: {  	_ =	shalt  }
0x69: {  	_ =	shalt  }
0x6a: {  	_ =	shalt  }
0x6b: {  	_ =	shalt  }
0x6c: {  	_ =	shalt  }
0x6d: {  	_ =	shalt  }
0x6e: {  	_ =	shalt  }
0x6f: {  	_ =	shalt  }
0x70: {  	_ =	shalt  }
0x71: {  	_ =	shalt  }
0x72: {  	_ =	shalt  }
0x73: {  	_ =	shalt  }
0x74: {  	_ =	shalt  }
0x75: {  	_ =	shalt  }
0x76: {  	_ =	shalt  }
0x77: {  	_ =	shalt  }
0x78: {  	_ =	shalt  }
0x79: {  	_ =	shalt  }
0x7a: {  	_ =	shalt  }
0x7b: {  	_ =	shalt  }
0x7c: {  	_ =	shalt  }
0x7d: {  	_ =	shalt  }
0x7e: {  	_ =	shalt  }
0x7f: {  	_ =	shalt  }
0x80: {  	_ =	shalt  }
0x81: {  	_ =	shalt  }
0x82: {  	_ =	shalt  }
0x83: {  	_ =	shalt  }
0x84: {  	_ =	shalt  }
0x85: {  	_ =	shalt  }
0x86: {  	_ =	shalt  }
0x87: {  	_ =	shalt  }
.Lfunc_end0:
.L_simem_size_0:
called_computation.1_lowered:
.L_overlay_start_0:
0x88: {  	s2 =	sld [smem:$0x3FD9]  }
0x89: {  	s3 =	sld [smem:$0x3FFE];
	_ =	sdelay $0x1  }
0x8a: {  	s1 =	srdreg.scid  }
0x8b: {  	s0 =	sand.u32 $0x1, s1  }
0x8c: {  	s16 =	sshll.u32 s0, $0xA;
	s2 =	sadd.s32 s3, s2  }
0x8d: {  	s2 =	sadd.s32 s2, s16  }
0x8e: {  	[smem:$0x3FBC] =	sst s2  }
0x8f: {  	_ = 	snop  }
0x90: {  	(tm) =	ssettm $0x1  }
0x91: {  	s17 =	sld [smem:$0x3FFB];
	_ =	sdelay $0x3  }
0x92: {  	_ =	strace s17  }
0x93: {  	s2 =	sld [smem:$0x3FFC];
	_ =	sdelay $0x3  }
0x94: {  	_ =	strace s2  }
0x95: {  	s2 =	sld [smem:$0x3FFD];
	_ =	sdelay $0x3  }
0x96: {  	_ =	strace s2  }
0x97: {  	_ =	strace $0x8FFFFFFF  }
0x98: {  	s18 =	sld [smem:$0x3FDB];
	_ =	sdelay $0x1  }
0x99: {  	s19 =	simm.s32 $_scs_section_size  }
0x9a: {  	s4 =	simm.s32 $_size__tile_overlayer_lowered;
	s5 =	simm.s32 $_tile_overlayer_lowered  }
0x9b: {  	s22 =	simm.s32 $0x1BFF;
	s21 =	sshll.u32 s5, $0x1;
	s2 =	sadd.s32 s19, s18  }
0x9c: {  	s6 =	simm.s32 $0x0;
	s20 =	sshll.u32 s4, $0x1;
	s4 =	sadd.s32 s21, s2  }
0x9d: {  	[timem:s6], [sflag:s22] =	dma.local [hbm:s4], s20  }
0x9e: {  	_ =	swait.ge [sflag:s22], s20  }
0x9f: {  	s3 =	ssub.s32 $0x0, s20;
	[sflag:s22] =	ssyncset.done $0x0  }
0xa0: {  	[sflag:s22] =	ssyncadd.s32 s3;
	_ =	sdelay $0x1  }
0xa1: {  	s23 =	simm.s32 $0x1B8B  }
0xa2: {  	_ =	swait.ge [sflag:s23], $0x1  }
0xa3: {  	[sflag:s23] =	ssyncset.done $0x0  }
0xa4: {  	s25 =	simm.s32 $0x1B8E;
	s24 =	sld [smem:$0x3FFE];
	[sflag:s23] =	ssyncadd.s32 $0xFFFFFFFF  }
0xa5: {  	s26 =	simm.s32 $execute0_lowered;
	[smem:$0x3FD2] =	sst s25  }
0xa6: {  	s4 =	sshll.u32 s26, $0x1;
	_ =	strace $0x80000049;
	[dreg:$0x1] =	wrdreg $0xFFFFFFFF  }
0xa7: {  	s28 =	simm.s32 $_size_execute0_lowered;
	s2 =	sadd.s32 s2, s4;
	[dreg:$0x0] =	wrdreg $0x0  }
0xa8: {  	s4 =	sshll.u32 s28, $0x1;
	[dreg:$0x2] =	wrdreg s2  }
0xa9: {  	[dreg:$0x3] =	wrdreg s4  }
0xaa: {  	[dreg:$0x4] =	wrdreg $0xC0  }
0xab: {  	_ =	task [dreg:s6], $0x5FFFF  }
0xac: {  	[dreg:$0x1] =	wrdreg $0xFFFFFFFF  }
0xad: {  	[dreg:$0x0] =	wrdreg $0x60  }
0xae: {  	[dreg:$0x2] =	wrdreg s24  }
0xaf: {  	[dreg:$0x3] =	wrdreg $0x9  }
0xb0: {  	_ =	task.clear_ibuf [dreg:s6], $0x4FFFF;
	_ =	strace $0x90000049  }
0xb1: {  	s29 =	simm.s32 $0x9;
	_ =	strace $0x8000004B  }
0xb2: {  	_ =	swait.ge [sflag:s29], $0x1  }
0xb3: {  	[sflag:s29] =	ssyncadd.s32 $0xFFFFFFFF  }
0xb4: {  	_ =	strace $0x9000004B  }
0xb5: {  	_ =	sfence  }
0xb6: {  	s30 =	sld [smem:$0x0];
	_ =	sdelay $0x2  }
0xb7: {  	s31 =	sshll.u32 s1, $0xD;
	s1 =	sshrl.u32 s1, $0x2  }
0xb8: {  	s3 =	sand.u32 $0x4000, s31;
	s1 =	sadd.s32 s1, s30  }
0xb9: {  	s0 =	sor.u32 s3, s0;
	s1 =	sshll.u32 s1, $0x11  }
0xba: {  	s0 =	sor.u32 s1, s0  }
0xbb: {  	s0 =	sadd.s32 $0x8F2B, s0  }
0xbc: {  	[sflag:s0] =	ssyncadd.remote.s32 $0x1  }
0xbd: {  	_ =	sfence.sel $0xFFFF  }
0xbe: {  	[dreg:$0x0] =	wrdreg $0xFFFFFFFF;
	(pc) =	sbr.abs _section_cstart, $3  }
0xbf: {  	[dreg:$0x1] =	wrdreg $0xFFFFFFFF  }
0xc0: {  	_ =	task.clear_ibuf [dreg:s6], $0x2FFFF;
	_ =	strace $0x9FFFFFFF  }
0xc1: {  	(tm) =	ssettm $0x7FFFFFFF  }
tec
execute0_lowered:
.L_overlay_start_1:
0x0: {  	(tag) =	ssettag $0x1  }
0x1: {  	s0 =	rddreg [dreg:$0x0]  }
0x2: {  	s2 =	srdreg.scid;
	s1 =	stileid.u32  }
0x3: {  	s8 =	simm.s32 $0x80;
	s26 =	simm.s32 $0x880;
	s9 =	simm.s32 $0x1080  }
0x4: {  	s10 =	simm.s32 $0x1880;
	s11 =	simm.s32 $0x2080;
	s12 =	simm.s32 $0x2880  }
0x5: {  	s13 =	simm.s32 $0x3080;
	s14 =	simm.s32 $0x3880;
	s15 =	simm.s32 $0x4080  }
0x6: {  	s16 =	simm.s32 $0x4880;
	s17 =	simm.s32 $0x5080;
	s18 =	simm.s32 $0x5880  }
0x7: {  	s19 =	simm.s32 $0x6080;
	s20 =	simm.s32 $0x6880;
	s21 =	simm.s32 $0x7080  }
0x8: {  	s22 =	simm.s32 $0x7880;
	s23 =	simm.s32 $0x8080;
	s24 =	simm.s32 $0x8880  }
0x9: {  	s28 =	simm.s32 $0xA080;
	s29 =	simm.s32 $0xA880;
	s30 =	simm.s32 $0xB080  }
0xa: {  	s31 =	simm.s32 $0xB880;
	s3 =	sand.u32 $0x1, s2;
	s2 =	simm.s32 $0x0  }
0xb: {  	s4 =	sshll.u32 s1, $0x4;
	s5 =	sshll.u32 s3, $0x3;
	[smem:$0x7FF] =	sst s2  }
0xc: {  	s6 =	ssub.s32 $0x2, s3;
	s3 =	sadd.s32 $0x1E00, s0;
	s4 =	sor.u32 s5, s4  }
0xd: {  	_ =	strace $0x8000004A;
	s7 =	sshrl.u32 s6, $0x1;
	[dreg:$0x4] =	wrdreg s26  }
0xe: {  	s26 =	simm.s32 $0x9880;
	s5 =	smul.u32 $0x300, s4;
	s4 =	sadd.s32 s4, s0  }
0xf: {  	s6 =	ssub.s32 s6, s7;
	s7 =	simm.s32 $0x2;
	s4 =	sadd.s32 $0x93C00, s4  }
0x10: {  	v2 =	vlaneseq.u32;
	s6 =	smax.u32 s6, $0x1;
	s5 =	sadd.s32 s5, s0;
	[dreg:$0x2] =	wrdreg s4  }
0x11: {  	vm0 =	vmmov $0xffff;
	v1 =	vshrl.u32 v2, $0x3;
	s4 =	sadd.s32 $0x1F00, s0;
	s25 =	sadd.s32 $0x61E00, s5;
	s5 =	sadd.s32 $0x2000, s0  }
0x12: {  	v0 =	vand.u32 $0x7, v2;
	v2 =	vor.u32 $0x8, v2;
	v1 =	vmul.u32 $0x8, v1;
	s0 =	simm.s32 $0x1;
	[dreg:$0x3] =	wrdreg s25;
	s25 =	simm.s32 $0x9080  }
.LBB2_1:
0x13: {  	s1 =	rddreg [dreg:$0x2]  }
0x14: {  	[tilespmem:s2], [sflag:$0x2] =	stream.linear.gather [hbm4b:s1+s2], $0x40, $0x38;
	[tilespmem:$0xC080] =	vst v63  }
0x15: {  	_ =	swait.ge [sflag:s7], $0x40  }
0x16: {  	[sflag:s7] =	ssyncset.done $0x0  }
0x17: {  	[sflag:s7] =	ssyncadd.s32 $0xFFFFFFC0  }
0x18: {  	v3 =	vld [tilespmem:$0x0];
	_ =	sdelay $0x4  }
0x19: {  	v4 =	vshrl.u32 v3, $0x3  }
0x1a: {  	v4 =	vmul.u32 $0x30, v4  }
0x1b: {  	v3 =	vand.u32 $0x7, v3  }
0x1c: {  	v3 =	vor.u32 v3, v4  }
0x1d: {  	v4 =	vperm.xlane v3, v0;
	_ =	sdelay $0x1  }
0x1e: {  	v4 =	vadd.s32 v1, v4;
	_ =	sdelay $0x3  }
0x1f: {  	v3 =	vperm.xlane v3, v2  }
0x20: {  	[tilespmem:s8], [sflag:$0x1] =	stream.indirect_vreg.gather [hbm4b:s3+s2], $0x80, v4, vm0, $0xb8;
	[tilespmem:$0xC080] =	vst v63  }
0x21: {  	s1 =	rddreg [dreg:$0x4];
	v3 =	vadd.s32 v1, v3  }
0x22: {  	[tilespmem:s1], [sflag:$0x1] =	stream.indirect_vreg.gather [hbm4b:s4+s2], $0x80, v4, vm0, $0xb8;
	[tilespmem:$0xC080] =	vst v63  }
0x23: {  	_ = 	snop  }
0x24: {  	[tilespmem:s9], [sflag:$0x1] =	stream.indirect_vreg.gather [hbm4b:s5+s2], $0x80, v4, vm0, $0xb8;
	[tilespmem:$0xC080] =	vst v63  }
0x25: {  	_ = 	snop  }
0x26: {  	[tilespmem:s10], [sflag:$0x1] =	stream.indirect_vreg.gather [hbm4b:s3+s2], $0x80, v3, vm0, $0xb8;
	[tilespmem:$0xC080] =	vst v63  }
0x27: {  	_ = 	snop  }
0x28: {  	[tilespmem:s11], [sflag:$0x1] =	stream.indirect_vreg.gather [hbm4b:s4+s2], $0x80, v3, vm0, $0xb8;
	[tilespmem:$0xC080] =	vst v63  }
0x29: {  	_ = 	snop  }
0x2a: {  	[tilespmem:s12], [sflag:$0x1] =	stream.indirect_vreg.gather [hbm4b:s5+s2], $0x80, v3, vm0, $0xb8;
	[tilespmem:$0xC080] =	vst v63  }
0x2b: {  	v3 =	vld [tilespmem:$0x10];
	_ =	sdelay $0x4  }
0x2c: {  	v61 =	vshrl.u32 v3, $0x3  }
0x2d: {  	v4 =	vmul.u32 $0x30, v61  }
0x2e: {  	v3 =	vand.u32 $0x7, v3  }
0x2f: {  	v3 =	vor.u32 v3, v4  }
0x30: {  	v4 =	vperm.xlane v3, v0;
	_ =	sdelay $0x1  }
0x31: {  	v4 =	vadd.s32 v1, v4;
	_ =	sdelay $0x3  }
0x32: {  	v3 =	vperm.xlane v3, v2  }
0x33: {  	[tilespmem:s13], [sflag:$0x1] =	stream.indirect_vreg.gather [hbm4b:s3+s2], $0x80, v4, vm0, $0xb8;
	[tilespmem:$0xC080] =	vst v63  }
0x34: {  	v3 =	vadd.s32 v1, v3  }
0x35: {  	[tilespmem:s14], [sflag:$0x1] =	stream.indirect_vreg.gather [hbm4b:s4+s2], $0x80, v4, vm0, $0xb8;
	[tilespmem:$0xC080] =	vst v63  }
0x36: {  	_ = 	snop  }
0x37: {  	[tilespmem:s15], [sflag:$0x1] =	stream.indirect_vreg.gather [hbm4b:s5+s2], $0x80, v4, vm0, $0xb8;
	[tilespmem:$0xC080] =	vst v63  }
0x38: {  	_ = 	snop  }
0x39: {  	[tilespmem:s16], [sflag:$0x1] =	stream.indirect_vreg.gather [hbm4b:s3+s2], $0x80, v3, vm0, $0xb8;
	[tilespmem:$0xC080] =	vst v63  }
0x3a: {  	_ = 	snop  }
0x3b: {  	[tilespmem:s17], [sflag:$0x1] =	stream.indirect_vreg.gather [hbm4b:s4+s2], $0x80, v3, vm0, $0xb8;
	[tilespmem:$0xC080] =	vst v63  }
0x3c: {  	_ = 	snop  }
0x3d: {  	[tilespmem:s18], [sflag:$0x1] =	stream.indirect_vreg.gather [hbm4b:s5+s2], $0x80, v3, vm0, $0xb8;
	[tilespmem:$0xC080] =	vst v63  }
0x3e: {  	v3 =	vld [tilespmem:$0x20];
	_ =	sdelay $0x4  }
0x3f: {  	v62 =	vshrl.u32 v3, $0x3  }
0x40: {  	v4 =	vmul.u32 $0x30, v62  }
0x41: {  	v3 =	vand.u32 $0x7, v3  }
0x42: {  	v3 =	vor.u32 v3, v4  }
0x43: {  	v4 =	vperm.xlane v3, v0;
	_ =	sdelay $0x1  }
0x44: {  	v4 =	vadd.s32 v1, v4;
	_ =	sdelay $0x3  }
0x45: {  	v3 =	vperm.xlane v3, v2  }
0x46: {  	[tilespmem:s19], [sflag:$0x1] =	stream.indirect_vreg.gather [hbm4b:s3+s2], $0x80, v4, vm0, $0xb8;
	[tilespmem:$0xC080] =	vst v63  }
0x47: {  	v3 =	vadd.s32 v1, v3  }
0x48: {  	[tilespmem:s20], [sflag:$0x1] =	stream.indirect_vreg.gather [hbm4b:s4+s2], $0x80, v4, vm0, $0xb8;
	[tilespmem:$0xC080] =	vst v63  }
0x49: {  	_ = 	snop  }
0x4a: {  	[tilespmem:s21], [sflag:$0x1] =	stream.indirect_vreg.gather [hbm4b:s5+s2], $0x80, v4, vm0, $0xb8;
	[tilespmem:$0xC080] =	vst v63  }
0x4b: {  	_ = 	snop  }
0x4c: {  	[tilespmem:s22], [sflag:$0x1] =	stream.indirect_vreg.gather [hbm4b:s3+s2], $0x80, v3, vm0, $0xb8;
	[tilespmem:$0xC080] =	vst v63  }
0x4d: {  	_ = 	snop  }
0x4e: {  	[tilespmem:s23], [sflag:$0x1] =	stream.indirect_vreg.gather [hbm4b:s4+s2], $0x80, v3, vm0, $0xb8;
	[tilespmem:$0xC080] =	vst v63  }
0x4f: {  	_ = 	snop  }
0x50: {  	[tilespmem:s24], [sflag:$0x1] =	stream.indirect_vreg.gather [hbm4b:s5+s2], $0x80, v3, vm0, $0xb8;
	[tilespmem:$0xC080] =	vst v63  }
0x51: {  	v3 =	vld [tilespmem:$0x30];
	_ =	sdelay $0x4  }
0x52: {  	v63 =	vshrl.u32 v3, $0x3  }
0x53: {  	v4 =	vmul.u32 $0x30, v63  }
0x54: {  	v3 =	vand.u32 $0x7, v3  }
0x55: {  	v3 =	vor.u32 v3, v4  }
0x56: {  	v4 =	vperm.xlane v3, v0;
	_ =	sdelay $0x1  }
0x57: {  	v4 =	vadd.s32 v1, v4;
	_ =	sdelay $0x3  }
0x58: {  	v3 =	vperm.xlane v3, v2  }
0x59: {  	[tilespmem:s25], [sflag:$0x1] =	stream.indirect_vreg.gather [hbm4b:s3+s2], $0x80, v4, vm0, $0xb8;
	[tilespmem:$0xC080] =	vst v63  }
0x5a: {  	v3 =	vadd.s32 v1, v3  }
0x5b: {  	[tilespmem:s26], [sflag:$0x1] =	stream.indirect_vreg.gather [hbm4b:s4+s2], $0x80, v4, vm0, $0xb8;
	[tilespmem:$0xC080] =	vst v63  }
0x5c: {  	_ = 	snop  }
0x5d: {  	[tilespmem:s28], [sflag:$0x1] =	stream.indirect_vreg.gather [hbm4b:s5+s2], $0x80, v4, vm0, $0xb8;
	[tilespmem:$0xC080] =	vst v63  }
0x5e: {  	_ = 	snop  }
0x5f: {  	[tilespmem:s29], [sflag:$0x1] =	stream.indirect_vreg.gather [hbm4b:s3+s2], $0x80, v3, vm0, $0xb8;
	[tilespmem:$0xC080] =	vst v63  }
0x60: {  	_ = 	snop  }
0x61: {  	[tilespmem:s30], [sflag:$0x1] =	stream.indirect_vreg.gather [hbm4b:s4+s2], $0x80, v3, vm0, $0xb8;
	[tilespmem:$0xC080] =	vst v63  }
0x62: {  	_ = 	snop  }
0x63: {  	[tilespmem:s31], [sflag:$0x1] =	stream.indirect_vreg.gather [hbm4b:s5+s2], $0x80, v3, vm0, $0xb8;
	[tilespmem:$0xC080] =	vst v63  }
0x64: {  	_ =	swait.ge [sflag:s0], $0xC000  }
0x65: {  	p0 =	sne.s32 s6, $0x1;
	[sflag:s0] =	ssyncset.done $0x0  }
.Ltmp0:
0x66: {  	s1 =	rddreg [dreg:$0x3];
	[sflag:s0] =	ssyncadd.s32 $0xFFFF4000;
	(pc) =	sbr.rel @p0 .LBB2_1-.Ltmp0, $4  }
0x67: {  	[hbm4b:s1+s2] =	stream.linear.scatter [tilespmem:s8], [sflag:$0x2], $0xC000, $0x38;
	[tilespmem:$0xC080] =	vst v63  }
0x68: {  	_ =	swait.ge [sflag:s7], $0xC000  }
0x69: {  	[sflag:s7] =	ssyncset.done $0x0  }
0x6a: {  	s6 =	sadd.s32 $0xFFFFFFFF, s6;
	[sflag:s7] =	ssyncadd.s32 $0xFFFF4000  }
0x6b: {  	_ =	sfence.sel $0x180000  }
0x6c: {  	[bflag:$0x0] =	sbarrier.arrive $0xFFFF  }
0x6d: {  	_ =	strace $0x9000004A  }
0x6e: {  	s0 =	stileid.u32;
	[bflag:$0x2] =	sbarrier.arrive $0xFFFF  }
0x6f: {  	p0 =	sne.s32 s0, $0x0;
	s0 =	rddreg [dreg:$0x1]  }
0x70: {  	s0 =	sadd.s32 @!p0 $0x100000, s0  }
0x71: {  	[sflag:s0] =	ssyncadd.tile.s32 @!p0 $0x1;
	_ =	shalt  }
.Lfunc_end2:
_tile_overlayer_lowered:
.L_overlay_start_2:
0x72: {  	(tag) =	ssettag $0x2  }
0x73: {  	s0 =	rddreg [dreg:$0x0];
	s2 =	stileid.u32  }
0x74: {  	s1 =	rddreg [dreg:$0x1];
	p0 =	sne.s32 s2, $0x0  }
0x75: {  	s3 =	rddreg [dreg:$0x2];
	[bflag:$0x3] =	sbarrier.arrive $0xFFFF;
	s2 =	simm.s32 @!p0 $0x1C02  }
0x76: {  	[timem:s3], [sflag:s2] =	dma.local @!p0 [hbm:s0], s1  }
0x77: {  	s0 =	simm.s32 @!p0 $0x2  }
0x78: {  	_ =	swait.ge @!p0 [sflag:s0], s1  }
0x79: {  	s1 =	ssub.s32 @!p0 $0x0, s1;
	[sflag:s0] =	ssyncset.done @!p0 $0x0  }
0x7a: {  	[sflag:s0] =	ssyncadd.s32 @!p0 s1  }
0x7b: {  	[bflag:$0x3] =	sbarrier.arrive $0xFFFF  }
0x7c: {  	_ =	shalt  }

// kernel: kernel.9.cloned.1.call-start
scs
__scs_entry_jumppad:
0x0: {  	(pc) =	sbr.rel $0x88, $3  }
0x1: {  	(tag) =	ssettag $0x0;
	lr =	simm.s32 $0x1  }
0x2: {  	[smem:$0x3F95] =	sst lr;
	_ =	strace $0xD0000000  }
0x3: {  	_ = 	snop  }
0x4: {  	_ = 	snop  }
0x5: {  	_ = 	snop  }
0x6: {  	_ = 	snop  }
0x7: {  	_ = 	snop  }
__scs_overlays_trampoline_lowered:
0x8: {  	[smem:$0x3FA4] =	sst s0  }
0x9: {  	[smem:$0x3FA5] =	sst s1  }
0xa: {  	[smem:$0x3FA6] =	sst s2  }
0xb: {  	[smem:$0x3FA7] =	sst s3  }
0xc: {  	[smem:$0x3FA8] =	sst s4  }
0xd: {  	[smem:$0x3FA9] =	sst s5  }
0xe: {  	[smem:$0x3FAA] =	sst s6  }
0xf: {  	[smem:$0x3FAB] =	sst s7  }
0x10: {  	[smem:$0x3FAC] =	sst s8  }
0x11: {  	[smem:$0x3FAD] =	sst s9;
	s0 =	simm.s32 @!p0 $0x0  }
0x12: {  	s1 =	sld [smem:$0x3F93];
	s0 =	simm.s32 @p0 $0x1  }
0x13: {  	[smem:$0x3FAE] =	sst s0;
	s0 =	simm.s32 @!p1 $0x0  }
0x14: {  	s2 =	sld [smem:$0x3F92];
	s0 =	simm.s32 @p1 $0x1  }
0x15: {  	[smem:$0x3FAF] =	sst s0;
	s0 =	simm.s32 @!p2 $0x0  }
0x16: {  	s3 =	sld [smem:$0x3FDB];
	s0 =	simm.s32 @p2 $0x1  }
0x17: {  	s4 =	simm.s32 $0x1BF5;
	[smem:$0x3FB1] =	sst s0  }
0x18: {  	s0 =	sld [smem:$0x3F94];
	_ =	swait.ge [sflag:s4], $0x0  }
0x19: {  	s7 =	sld [smem:$0x3F95]  }
0x1a: {  	s8 =	sadd.s32 $0xFFFFE003, lr  }
0x1b: {  	s9 =	sadd.s32 $0xFFFFFEF7, lr;
	s5 =	simm.s32 $0xFFFFFFFF;
	p2 =	slt.u32 s8, $0xFFFFF086  }
0x1c: {  	p1 =	slt.u32 s9, $0xF7A;
	s5 =	simm.s32 @!p2 $0x0  }
0x1d: {  	s5 =	simm.s32 @p1 $0x1;
	p0 =	seq.s32 s7, s2  }
0x1e: {  	s7 =	smul.u32 @!p0 $0xF7A, s2;
	p2 =	seq.s32 @!p0 s5, $0x0  }
0x1f: {  	s9 =	smul.u32 $0xF7A, s1;
	s8 =	simm.s32 @!p0 $0x1BF5;
	p2 =	por !p2, p0  }
0x20: {  	[sflag:s8] =	ssyncset.s32 @!p0 $0xFFFFF086;
	s6 =	sadd.s32 @!p0 s3, s7;
	s7 =	simm.s32 @!p0 $0x108  }
0x21: {  	s3 =	sadd.s32 s3, s9;
	s6 =	sadd.s32 @!p0 $0x88, s6;
	s7 =	simm.s32 @p2 $0x1082  }
0x22: {  	[simem:s7], [sflag:s8] =	dma.local @!p0 [hbm:s6], $0xF7A  }
0x23: {  	s9 =	sor.u32 $0xD0000000, s2;
	s6 =	simm.s32 $0x108;
	_ =	swait.ge @!p0 [sflag:s8], $0x0  }
0x24: {  	s3 =	sadd.s32 $0x88, s3;
	s6 =	simm.s32 @!p1 $0x1082;
	[sflag:s4] =	ssyncset.s32 $0xFFFFF086  }
0x25: {  	[simem:s6], [sflag:s4] =	dma.local [hbm:s3], $0xF7A  }
0x26: {  	[smem:$0x3F95] =	sst s1;
	(tag) =	ssettag s2;
	_ =	strace s9  }
0x27: {  	s1 =	sld [smem:$0x3FA5]  }
0x28: {  	s2 =	sld [smem:$0x3FA6]  }
0x29: {  	s4 =	sld [smem:$0x3FA8]  }
0x2a: {  	p0 =	seq.s32 s5, $0x0;
	s5 =	sld [smem:$0x3FA9]  }
0x2b: {  	s6 =	sld [smem:$0x3FAA]  }
0x2c: {  	s7 =	sld [smem:$0x3FAB]  }
0x2d: {  	s3 =	simm.s32 $0x108;
	s8 =	sld [smem:$0x3FAC]  }
0x2e: {  	s3 =	simm.s32 @!p0 $0x1082;
	s9 =	sld [smem:$0x3FAD]  }
0x2f: {  	lr =	sadd.s32 s0, s3;
	s0 =	sld [smem:$0x3FA4]  }
0x30: {  	s3 =	sld [smem:$0x3FA7]  }
0x31: {  	[smem:$0x3FB0] =	sst s10  }
0x32: {  	s10 =	sld [smem:$0x3FAE];
	_ =	sdelay $0x3  }
0x33: {  	p0 =	seq.s32 s10, $0x1;
	s10 =	sld [smem:$0x3FB0];
	_ =	sdelay $0x3  }
0x34: {  	[smem:$0x3FB0] =	sst s10  }
0x35: {  	s10 =	sld [smem:$0x3FAF];
	_ =	sdelay $0x3  }
0x36: {  	p1 =	seq.s32 s10, $0x1;
	s10 =	sld [smem:$0x3FB0];
	_ =	sdelay $0x3  }
0x37: {  	[smem:$0x3FB0] =	sst s10  }
0x38: {  	s10 =	sld [smem:$0x3FB1]  }
0x39: {  	_ = 	snop;
	(pc) =	sbr.ind lr, $3  }
0x3a: {  	_ = 	snop  }
0x3b: {  	_ = 	snop  }
0x3c: {  	p2 =	seq.s32 s10, $0x1;
	s10 =	sld [smem:$0x3FB0]  }
0x3d: {  	_ =	shalt  }
0x3e: {  	_ =	shalt  }
0x3f: {  	_ =	shalt  }
0x40: {  	_ =	shalt  }
0x41: {  	_ =	shalt  }
0x42: {  	_ =	shalt  }
0x43: {  	_ =	shalt  }
0x44: {  	_ =	shalt  }
0x45: {  	_ =	shalt  }
0x46: {  	_ =	shalt  }
0x47: {  	_ =	shalt  }
0x48: {  	_ =	shalt  }
0x49: {  	_ =	shalt  }
0x4a: {  	_ =	shalt  }
0x4b: {  	_ =	shalt  }
0x4c: {  	_ =	shalt  }
0x4d: {  	_ =	shalt  }
0x4e: {  	_ =	shalt  }
0x4f: {  	_ =	shalt  }
0x50: {  	_ =	shalt  }
0x51: {  	_ =	shalt  }
0x52: {  	_ =	shalt  }
0x53: {  	_ =	shalt  }
0x54: {  	_ =	shalt  }
0x55: {  	_ =	shalt  }
0x56: {  	_ =	shalt  }
0x57: {  	_ =	shalt  }
0x58: {  	_ =	shalt  }
0x59: {  	_ =	shalt  }
0x5a: {  	_ =	shalt  }
0x5b: {  	_ =	shalt  }
0x5c: {  	_ =	shalt  }
0x5d: {  	_ =	shalt  }
0x5e: {  	_ =	shalt  }
0x5f: {  	_ =	shalt  }
0x60: {  	_ =	shalt  }
0x61: {  	_ =	shalt  }
0x62: {  	_ =	shalt  }
0x63: {  	_ =	shalt  }
0x64: {  	_ =	shalt  }
0x65: {  	_ =	shalt  }
0x66: {  	_ =	shalt  }
0x67: {  	_ =	shalt  }
0x68: {  	_ =	shalt  }
0x69: {  	_ =	shalt  }
0x6a: {  	_ =	shalt  }
0x6b: {  	_ =	shalt  }
0x6c: {  	_ =	shalt  }
0x6d: {  	_ =	shalt  }
0x6e: {  	_ =	shalt  }
0x6f: {  	_ =	shalt  }
0x70: {  	_ =	shalt  }
0x71: {  	_ =	shalt  }
0x72: {  	_ =	shalt  }
0x73: {  	_ =	shalt  }
0x74: {  	_ =	shalt  }
0x75: {  	_ =	shalt  }
0x76: {  	_ =	shalt  }
0x77: {  	_ =	shalt  }
0x78: {  	_ =	shalt  }
0x79: {  	_ =	shalt  }
0x7a: {  	_ =	shalt  }
0x7b: {  	_ =	shalt  }
0x7c: {  	_ =	shalt  }
0x7d: {  	_ =	shalt  }
0x7e: {  	_ =	shalt  }
0x7f: {  	_ =	shalt  }
0x80: {  	_ =	shalt  }
0x81: {  	_ =	shalt  }
0x82: {  	_ =	shalt  }
0x83: {  	_ =	shalt  }
0x84: {  	_ =	shalt  }
0x85: {  	_ =	shalt  }
0x86: {  	_ =	shalt  }
0x87: {  	_ =	shalt  }
.Lfunc_end0:
.L_simem_size_0:
called_computation_lowered:
.L_overlay_start_0:
0x88: {  	s2 =	sld [smem:$0x3FD9]  }
0x89: {  	s3 =	sld [smem:$0x3FFE];
	_ =	sdelay $0x1  }
0x8a: {  	s1 =	srdreg.scid  }
0x8b: {  	s0 =	sand.u32 $0x1, s1  }
0x8c: {  	s16 =	sshll.u32 s0, $0xA;
	s2 =	sadd.s32 s3, s2  }
0x8d: {  	s2 =	sadd.s32 s2, s16  }
0x8e: {  	[smem:$0x3FBC] =	sst s2  }
0x8f: {  	_ = 	snop  }
0x90: {  	(tm) =	ssettm $0x1  }
0x91: {  	s17 =	sld [smem:$0x3FFB];
	_ =	sdelay $0x3  }
0x92: {  	_ =	strace s17  }
0x93: {  	s2 =	sld [smem:$0x3FFC];
	_ =	sdelay $0x3  }
0x94: {  	_ =	strace s2  }
0x95: {  	s2 =	sld [smem:$0x3FFD];
	_ =	sdelay $0x3  }
0x96: {  	_ =	strace s2  }
0x97: {  	_ =	strace $0x8FFFFFFF  }
0x98: {  	s18 =	sld [smem:$0x3FDB];
	_ =	sdelay $0x1  }
0x99: {  	s19 =	simm.s32 $_scs_section_size  }
0x9a: {  	s4 =	simm.s32 $_size__tile_overlayer_lowered;
	s5 =	simm.s32 $_tile_overlayer_lowered  }
0x9b: {  	s22 =	simm.s32 $0x1BFF;
	s21 =	sshll.u32 s5, $0x1;
	s2 =	sadd.s32 s19, s18  }
0x9c: {  	s6 =	simm.s32 $0x0;
	s20 =	sshll.u32 s4, $0x1;
	s4 =	sadd.s32 s21, s2  }
0x9d: {  	[timem:s6], [sflag:s22] =	dma.local [hbm:s4], s20  }
0x9e: {  	_ =	swait.ge [sflag:s22], s20  }
0x9f: {  	s3 =	ssub.s32 $0x0, s20;
	[sflag:s22] =	ssyncset.done $0x0  }
0xa0: {  	[sflag:s22] =	ssyncadd.s32 s3;
	_ =	sdelay $0x1  }
0xa1: {  	s23 =	simm.s32 $0x1B8B  }
0xa2: {  	_ =	swait.ge [sflag:s23], $0x1  }
0xa3: {  	[sflag:s23] =	ssyncset.done $0x0  }
0xa4: {  	s25 =	simm.s32 $0x1B8E;
	s24 =	sld [smem:$0x3FFE];
	[sflag:s23] =	ssyncadd.s32 $0xFFFFFFFF  }
0xa5: {  	s26 =	simm.s32 $execute0_lowered;
	[smem:$0x3FD2] =	sst s25  }
0xa6: {  	s4 =	sshll.u32 s26, $0x1;
	_ =	strace $0x80000046;
	[dreg:$0x1] =	wrdreg $0xFFFFFFFF  }
0xa7: {  	s28 =	simm.s32 $_size_execute0_lowered;
	s2 =	sadd.s32 s2, s4;
	[dreg:$0x0] =	wrdreg $0x0  }
0xa8: {  	s4 =	sshll.u32 s28, $0x1;
	[dreg:$0x2] =	wrdreg s2  }
0xa9: {  	[dreg:$0x3] =	wrdreg s4  }
0xaa: {  	[dreg:$0x4] =	wrdreg $0xC0  }
0xab: {  	_ =	task [dreg:s6], $0x5FFFF  }
0xac: {  	[dreg:$0x1] =	wrdreg $0xFFFFFFFF  }
0xad: {  	[dreg:$0x0] =	wrdreg $0x60  }
0xae: {  	[dreg:$0x2] =	wrdreg s24  }
0xaf: {  	[dreg:$0x3] =	wrdreg $0x18B800  }
0xb0: {  	[dreg:$0x4] =	wrdreg $0x9  }
0xb1: {  	_ =	task.clear_ibuf [dreg:s6], $0x5FFFF;
	_ =	strace $0x90000046  }
0xb2: {  	s29 =	simm.s32 $0x9;
	_ =	strace $0x80000048  }
0xb3: {  	_ =	swait.ge [sflag:s29], $0x1  }
0xb4: {  	[sflag:s29] =	ssyncadd.s32 $0xFFFFFFFF  }
0xb5: {  	_ =	strace $0x90000048  }
0xb6: {  	_ =	sfence  }
0xb7: {  	s30 =	sld [smem:$0x0];
	_ =	sdelay $0x2  }
0xb8: {  	s31 =	sshll.u32 s1, $0xD;
	s1 =	sshrl.u32 s1, $0x2  }
0xb9: {  	s3 =	sand.u32 $0x4000, s31;
	s1 =	sadd.s32 s1, s30  }
0xba: {  	s0 =	sor.u32 s3, s0;
	s1 =	sshll.u32 s1, $0x11  }
0xbb: {  	s0 =	sor.u32 s1, s0  }
0xbc: {  	s0 =	sadd.s32 $0x8F2B, s0  }
0xbd: {  	[sflag:s0] =	ssyncadd.remote.s32 $0x1  }
0xbe: {  	_ =	sfence.sel $0xFFFF  }
0xbf: {  	[dreg:$0x0] =	wrdreg $0xFFFFFFFF;
	(pc) =	sbr.abs _section_cstart, $3  }
0xc0: {  	[dreg:$0x1] =	wrdreg $0xFFFFFFFF  }
0xc1: {  	_ =	task.clear_ibuf [dreg:s6], $0x2FFFF;
	_ =	strace $0x9FFFFFFF  }
0xc2: {  	(tm) =	ssettm $0x7FFFFFFF  }
0xc3: {  	_ =	shalt  }
tec
execute0_lowered:
.L_overlay_start_1:
0x0: {  	(tag) =	ssettag $0x1  }
0x1: {  	s1 =	srdreg.scid  }
0x2: {  	s1 =	sand.u32 $0x1, s1  }
0x3: {  	p0 =	seq.s32 s1, $0x1  }
.Ltmp0:
0x4: {  	_ = 	snop;
	(pc) =	sbr.rel @p0 .LBB2_2-.Ltmp0, $4  }
0x5: {  	s3 =	rddreg [dreg:$0x0]  }
0x6: {  	s7 =	rddreg [dreg:$0x1];
	s2 =	simm.s32 $0x0  }
0x7: {  	[smem:$0x7FF] =	sst s2  }
0x8: {  	s0 =	rddreg [dreg:$0x2];
	_ =	strace $0x80000047;
	s1 =	stileid.u32  }
0x9: {  	s4 =	sadd.s32 $0x31E00, s3;
	s5 =	sshll.u32 s1, $0x4  }
0xa: {  	s20 =	simm.s32 $0x2;
	s4 =	sadd.s32 s4, s5  }
0xb: {  	[tilespmem:s2], [sflag:$0x2] =	stream.linear.gather [hbm4b:s4+s2], $0x80, $0x38;
	[tilespmem:$0x18BC0] =	vst v63  }
0xc: {  	_ =	swait.ge [sflag:s20], $0x80  }
0xd: {  	s6 =	sadd.s32 $0x32000, s3;
	[sflag:s20] =	ssyncset.done $0x0  }
0xe: {  	s21 =	simm.s32 $0x80;
	s8 =	sadd.s32 s6, s5;
	[sflag:s20] =	ssyncadd.s32 $0xFFFFFF80  }
0xf: {  	[tilespmem:s21], [sflag:$0x2] =	stream.linear.gather [hbm4b:s8+s2], $0x80, $0x38;
	[tilespmem:$0x18BC0] =	vst v63  }
0x10: {  	_ =	swait.ge [sflag:s20], $0x80  }
0x11: {  	[sflag:s20] =	ssyncset.done $0x0  }
0x12: {  	v0 =	vimm.s32 $0x0;
	[sflag:s20] =	ssyncadd.s32 $0xFFFFFF80  }
0x13: {  	v2 =	vimm.s32 $0x1;
	[tilespmem:$0x180] =	vst v0  }
0x14: {  	v3 =	vimm.s32 $0x2;
	[tilespmem:$0x190] =	vst v0  }
0x15: {  	v5 =	vimm.s32 $0x3;
	[tilespmem:$0x1A0] =	vst v0  }
0x16: {  	v8 =	vimm.s32 $0x4;
	[tilespmem:$0x1B0] =	vst v0;
	v1 =	vld [tilespmem:$0x0]  }
0x17: {  	v12 =	vimm.s32 $0x5;
	v4 =	vld.msk [tilespmem:s2+$0x0], $0xffff  }
0x18: {  	v2 =	vld.idx.msk [tilespmem:v2+s2+$0x0], $0xffff  }
0x19: {  	v3 =	vld.idx.msk [tilespmem:v3+s2+$0x0], $0xffff  }
0x1a: {  	v5 =	vld.idx.msk [tilespmem:v5+s2+$0x0], $0xffff  }
0x1b: {  	v6 =	vimm.s32 $0xF;
	v37 =	vimm.s32 $0x8;
	v30 =	vld.idx.msk [tilespmem:v8+s2+$0x0], $0xffff  }
0x1c: {  	v7 =	vimm.s32 $0xD;
	v9 =	vimm.s32 $0xC;
	vm10 =	vcmask $0x3F04;
	v12 =	vld.idx.msk [tilespmem:v12+s2+$0x0], $0xffff  }
0x1d: {  	v29 =	vimm.s32 $0xB;
	v10 =	vimm.s32 $0xA;
	v11 =	vimm.s32 $0x6  }
0x1e: {  	vm11 =	vcmask $0x3F08;
	v35 =	vimm.s32 $0x7;
	v15 =	vimm.s32 $0x9  }
0x1f: {  	v55 =	vimm.s32 $0xE;
	v20 =	vimm.s32 $0x10;
	v21 =	vimm.s32 $0x11  }
0x20: {  	v43 =	vld.idx.msk [tilespmem:v37+s2+$0x0], $0xffff;
	vm1 =	veq.s32 v1, v4;
	vm3 =	veq.s32 v1, v2;
	vm5 =	veq.s32 v1, v3  }
0x21: {  	vm6 =	veq.s32 v1, v5;
	vm7 =	veq.s32 v1, v30;
	vm14 =	veq.s32 v1, v12  }
0x22: {  	vm2 =	vmand vm1, vm10;
	v14 =	vsel vm1, $0x1, v0;
	vm4 =	vmand vm3, vm11  }
0x23: {  	v32 =	vsel vm3, $0x1, v0;
	vm3 =	vcmask $0x3F10;
	v34 =	vsel vm5, $0x1, v0  }
0x24: {  	v39 =	vsel vm6, $0x1, v0;
	v41 =	vsel vm7, $0x1, v0;
	v45 =	vsel vm14, $0x1, v0  }
0x25: {  	v42 =	vld.idx.msk [tilespmem:v35+s2+$0x0], $0xffff;
	vm1 =	veq.s32 v1, v43;
	v13 =	vsel vm2, $0x1, v0;
	vm2 =	vcmask $0x3F0C  }
0x26: {  	v31 =	vsel vm4, $0x1, v0;
	v8 =	vadd.s32 v14, v32;
	vm12 =	vmand vm6, vm3  }
0x27: {  	v36 =	vld.idx.msk [tilespmem:v11+s2+$0x0], $0xffff;
	vm4 =	vcmask $0x3F14;
	vm6 =	vcmask $0x3F18;
	v53 =	vsel vm1, $0x1, v0  }
0x28: {  	vm9 =	vmand vm5, vm2;
	v3 =	vadd.s32 v13, v31;
	v5 =	vadd.s32 v34, v8  }
0x29: {  	v48 =	vld.idx.msk [tilespmem:v15+s2+$0x0], $0xffff;
	v38 =	vsel vm12, $0x1, v0;
	vm13 =	vmand vm7, vm4;
	vm8 =	vmand vm14, vm6  }
0x2a: {  	vm7 =	vcmask $0x3F1C;
	vm5 =	veq.s32 v1, v42;
	vm14 =	vcmask $0x3F20  }
0x2b: {  	vm12 =	vcmask $0x3F24;
	v33 =	vsel vm9, $0x1, v0;
	v40 =	vsel vm13, $0x1, v0  }
0x2c: {  	v5 =	vadd.s32 v39, v5;
	vm9 =	veq.s32 v1, v36;
	v44 =	vsel vm8, $0x1, v0  }
0x2d: {  	v49 =	vld.idx.msk [tilespmem:v10+s2+$0x0], $0xffff;
	vm0 =	vmand vm5, vm14;
	v51 =	vsel vm5, $0x1, v0;
	vm13 =	vmand vm1, vm12  }
0x2e: {  	v4 =	vld.idx.msk [tilespmem:v29+s2+$0x0], $0xffff;
	vm5 =	veq.s32 v1, v48;
	v3 =	vadd.s32 v33, v3;
	v5 =	vadd.s32 v41, v5  }
0x2f: {  	vm15 =	vmand vm9, vm7;
	v47 =	vsel vm9, $0x1, v0;
	v50 =	vsel vm0, $0x1, v0  }
0x30: {  	v54 =	vld.idx.msk [tilespmem:v9+s2+$0x0], $0xffff;
	v52 =	vsel vm13, $0x1, v0;
	vm13 =	vcmask $0x3F28;
	vm0 =	vcmask $0x3F2C  }
0x31: {  	v57 =	vsel vm5, $0x1, v0;
	vm9 =	vcmask $0x3F30;
	v3 =	vadd.s32 v38, v3  }
0x32: {  	v46 =	vsel vm15, $0x1, v0;
	v5 =	vadd.s32 v45, v5;
	vm8 =	vmand vm5, vm13  }
0x33: {  	v7 =	vld.idx.msk [tilespmem:v7+s2+$0x0], $0xffff;
	vm15 =	veq.s32 v1, v49;
	vm5 =	veq.s32 v1, v4;
	v3 =	vadd.s32 v40, v3  }
0x34: {  	v5 =	vadd.s32 v47, v5;
	v56 =	vsel vm8, $0x1, v0;
	vm0 =	vmand vm15, vm0  }
0x35: {  	v59 =	vsel vm15, $0x1, v0;
	vm1 =	vmand vm5, vm9;
	vm8 =	veq.s32 v1, v54  }
0x36: {  	vm15 =	vcmask $0x3F34;
	v63 =	vsel vm5, $0x1, v0;
	vm5 =	vcmask $0x3F38  }
0x37: {  	v62 =	vld.idx.msk [tilespmem:v55+s2+$0x0], $0xffff;
	v3 =	vadd.s32 v44, v3;
	v5 =	vadd.s32 v51, v5;
	v58 =	vsel vm0, $0x1, v0  }
0x38: {  	v61 =	vsel vm1, $0x1, v0;
	vm1 =	vmand vm8, vm15;
	vm15 =	veq.s32 v1, v7  }
0x39: {  	v13 =	vsel vm8, $0x1, v0;
	vm8 =	vcmask $0x3F3C;
	v3 =	vadd.s32 v46, v3  }
0x3a: {  	v5 =	vadd.s32 v53, v5;
	v12 =	vsel vm1, $0x1, v0;
	v3 =	vadd.s32 v50, v3  }
0x3b: {  	s22 =	simm.s32 $0x180;
	v6 =	vld.idx.msk [tilespmem:v6+s2+$0x0], $0xffff;
	vm1 =	vmand vm15, vm5;
	v16 =	vsel vm15, $0x1, v0;
	v3 =	vadd.s32 v52, v3  }
0x3c: {  	v14 =	vld.idx.msk [tilespmem:v1+s22+$0x0], $0xffff;
	vm5 =	veq.s32 v1, v62;
	v5 =	vadd.s32 v57, v5;
	v3 =	vadd.s32 v56, v3  }
0x3d: {  	v15 =	vsel vm1, $0x1, v0;
	v60 =	vadd.s32 v59, v5;
	v3 =	vadd.s32 v58, v3  }
0x3e: {  	v18 =	vsel vm5, $0x1, v0;
	v4 =	vadd.s32 v63, v60;
	v3 =	vadd.s32 v61, v3  }
0x3f: {  	vm15 =	vmand vm5, vm8;
	v4 =	vadd.s32 v13, v4;
	v3 =	vadd.s32 v12, v3  }
0x40: {  	vm5 =	veq.s32 v1, v6;
	v17 =	vadd.s32 v16, v4;
	v3 =	vadd.s32 v15, v3  }
0x41: {  	v19 =	vsel vm15, $0x1, v0;
	v2 =	vadd.s32 v18, v17;
	v3 =	vadd.s32 v14, v3  }
0x42: {  	v6 =	vsel vm5, $0x1, v0;
	v2 =	vadd.s32 v14, v2;
	v3 =	vadd.s32 v19, v3  }
0x43: {  	v24 =	vimm.s32 $0x14;
	v2 =	vadd.s32 v6, v2;
	[tilespmem:$0x100] =	vst v3  }
0x44: {  	v49 =	vimm.s32 $0x1D;
	[tilespmem:v1+s22+$0x0] =	vst.idx.msk $0xffff, v2  }
0x45: {  	v2 =	vld [tilespmem:$0x10]  }
0x46: {  	v23 =	vimm.s32 $0x13;
	v4 =	vld.idx.msk [tilespmem:v20+s2+$0x0], $0xffff  }
0x47: {  	v22 =	vimm.s32 $0x12;
	v3 =	vld.idx.msk [tilespmem:v21+s2+$0x0], $0xffff  }
0x48: {  	v28 =	vld.idx.msk [tilespmem:v24+s2+$0x0], $0xffff  }
0x49: {  	v25 =	vimm.s32 $0x15;
	v54 =	vld.idx.msk [tilespmem:v49+s2+$0x0], $0xffff  }
0x4a: {  	v26 =	vimm.s32 $0x16;
	v55 =	vimm.s32 $0x1F;
	v29 =	vimm.s32 $0x17  }
0x4b: {  	v31 =	vimm.s32 $0x18;
	v34 =	vimm.s32 $0x19;
	v39 =	vimm.s32 $0x1A;
	v27 =	vld.idx.msk [tilespmem:v23+s2+$0x0], $0xffff  }
0x4c: {  	v52 =	vimm.s32 $0x1E;
	v15 =	vimm.s32 $0x20;
	v19 =	vimm.s32 $0x1B;
	v1 =	vld.idx.msk [tilespmem:v22+s2+$0x0], $0xffff  }
0x4d: {  	v22 =	vimm.s32 $0x1C;
	vm8 =	veq.s32 v2, v4;
	vm1 =	veq.s32 v2, v3  }
0x4e: {  	vm15 =	veq.s32 v2, v28;
	vm0 =	veq.s32 v2, v54;
	vm5 =	vmand vm8, vm10  }
0x4f: {  	v7 =	vld.idx.msk [tilespmem:v25+s2+$0x0], $0xffff;
	v32 =	vsel vm8, $0x1, v0;
	vm8 =	vmand vm1, vm11;
	v35 =	vsel vm1, $0x1, v0  }
0x50: {  	v8 =	vld.idx.msk [tilespmem:v26+s2+$0x0], $0xffff;
	vm1 =	veq.s32 v2, v27;
	v41 =	vsel vm15, $0x1, v0;
	v12 =	vsel vm0, $0x1, v0  }
0x51: {  	v30 =	vsel vm5, $0x1, v0;
	vm5 =	veq.s32 v2, v1;
	v33 =	vsel vm8, $0x1, v0  }
0x52: {  	v10 =	vld.idx.msk [tilespmem:v31+s2+$0x0], $0xffff;
	v40 =	vsel vm1, $0x1, v0;
	v3 =	vadd.s32 v32, v35;
	vm8 =	vmand vm5, vm2  }
0x53: {  	v37 =	vsel vm5, $0x1, v0;
	vm5 =	vmand vm1, vm3;
	v1 =	vadd.s32 v30, v33  }
0x54: {  	v6 =	vld.idx.msk [tilespmem:v29+s2+$0x0], $0xffff;
	v36 =	vsel vm8, $0x1, v0;
	v38 =	vsel vm5, $0x1, v0;
	vm8 =	vmand vm15, vm4  }
0x55: {  	vm5 =	veq.s32 v2, v7;
	vm15 =	veq.s32 v2, v8;
	v3 =	vadd.s32 v37, v3  }
0x56: {  	v16 =	vsel vm8, $0x1, v0;
	vm8 =	vmand vm5, vm6;
	v17 =	vsel vm5, $0x1, v0  }
0x57: {  	vm5 =	vmand vm15, vm7;
	v43 =	vsel vm15, $0x1, v0;
	vm15 =	veq.s32 v2, v10  }
0x58: {  	v11 =	vld.idx.msk [tilespmem:v34+s2+$0x0], $0xffff;
	v1 =	vadd.s32 v36, v1;
	v3 =	vadd.s32 v40, v3;
	v42 =	vsel vm8, $0x1, v0  }
0x59: {  	v14 =	vld.idx.msk [tilespmem:v39+s2+$0x0], $0xffff;
	v18 =	vsel vm5, $0x1, v0;
	vm8 =	veq.s32 v2, v6;
	v45 =	vsel vm15, $0x1, v0  }
0x5a: {  	v1 =	vadd.s32 v38, v1;
	v3 =	vadd.s32 v41, v3;
	vm5 =	vmand vm8, vm14  }
0x5b: {  	v20 =	vsel vm8, $0x1, v0;
	vm8 =	vmand vm15, vm12;
	v1 =	vadd.s32 v16, v1  }
0x5c: {  	v47 =	vld.idx.msk [tilespmem:v19+s2+$0x0], $0xffff;
	v3 =	vadd.s32 v17, v3;
	v44 =	vsel vm5, $0x1, v0;
	v21 =	vsel vm8, $0x1, v0  }
0x5d: {  	vm5 =	veq.s32 v2, v11;
	v1 =	vadd.s32 v42, v1;
	v3 =	vadd.s32 v43, v3  }
0x5e: {  	v51 =	vld.idx.msk [tilespmem:v22+s2+$0x0], $0xffff;
	vm8 =	vmand vm5, vm13;
	v48 =	vsel vm5, $0x1, v0;
	vm13 =	veq.s32 v2, v14  }
0x5f: {  	vm5 =	vcmask $0x3F2C;
	v1 =	vadd.s32 v18, v1;
	v3 =	vadd.s32 v20, v3  }
0x60: {  	v18 =	vimm.s32 $0x21;
	v46 =	vsel vm8, $0x1, v0;
	vm15 =	vmand vm13, vm5  }
0x61: {  	v53 =	vsel vm13, $0x1, v0;
	vm8 =	veq.s32 v2, v47;
	vm13 =	vmmov vm9  }
0x62: {  	v1 =	vadd.s32 v44, v1;
	v3 =	vadd.s32 v45, v3;
	v50 =	vsel vm15, $0x1, v0  }
0x63: {  	vm9 =	vmand vm8, vm9;
	v57 =	vsel vm8, $0x1, v0;
	vm15 =	veq.s32 v2, v51  }
0x64: {  	v58 =	vld.idx.msk [tilespmem:v52+s2+$0x0], $0xffff;
	v1 =	vadd.s32 v21, v1;
	v3 =	vadd.s32 v48, v3;
	v56 =	vsel vm9, $0x1, v0  }
0x65: {  	vm9 =	vcmask $0x3F34;
	v1 =	vadd.s32 v46, v1;
	v60 =	vsel vm15, $0x1, v0  }
0x66: {  	v61 =	vld.idx.msk [tilespmem:v55+s2+$0x0], $0xffff;
	v3 =	vadd.s32 v53, v3;
	vm8 =	vmand vm15, vm9;
	v1 =	vadd.s32 v50, v1  }
0x67: {  	v62 =	vld.idx.msk [tilespmem:v2+s22+$0x0], $0xffff;
	v3 =	vadd.s32 v57, v3;
	v59 =	vsel vm8, $0x1, v0;
	vm8 =	vcmask $0x3F38  }
0x68: {  	v1 =	vadd.s32 v56, v1;
	v3 =	vadd.s32 v60, v3;
	vm15 =	vmand vm0, vm8  }
0x69: {  	v1 =	vadd.s32 v59, v1;
	vm0 =	veq.s32 v2, v58;
	v3 =	vadd.s32 v12, v3  }
0x6a: {  	v63 =	vsel vm15, $0x1, v0;
	v13 =	vsel vm0, $0x1, v0;
	vm15 =	vcmask $0x3F3C  }
0x6b: {  	vm0 =	vmand vm0, vm15;
	v1 =	vadd.s32 v63, v1;
	v3 =	vadd.s32 v13, v3  }
0x6c: {  	vm15 =	veq.s32 v2, v61;
	v14 =	vsel vm0, $0x1, v0;
	v1 =	vadd.s32 v62, v1  }
0x6d: {  	v16 =	vsel vm15, $0x1, v0;
	v3 =	vadd.s32 v62, v3;
	v1 =	vadd.s32 v14, v1  }
0x6e: {  	v20 =	vimm.s32 $0x23;
	v17 =	vadd.s32 v16, v3;
	[tilespmem:$0x110] =	vst v1  }
0x6f: {  	v19 =	vimm.s32 $0x22;
	[tilespmem:v2+s22+$0x0] =	vst.idx.msk $0xffff, v17  }
0x70: {  	v21 =	vimm.s32 $0x24;
	v2 =	vld [tilespmem:$0x20]  }
0x71: {  	v22 =	vimm.s32 $0x25;
	v4 =	vld.idx.msk [tilespmem:v15+s2+$0x0], $0xffff  }
0x72: {  	v3 =	vld.idx.msk [tilespmem:v18+s2+$0x0], $0xffff  }
0x73: {  	v23 =	vimm.s32 $0x26;
	v26 =	vimm.s32 $0x27;
	v31 =	vimm.s32 $0x29;
	v24 =	vld.idx.msk [tilespmem:v20+s2+$0x0], $0xffff  }
0x74: {  	v28 =	vimm.s32 $0x28;
	v36 =	vimm.s32 $0x2A;
	v43 =	vimm.s32 $0x2B;
	v1 =	vld.idx.msk [tilespmem:v19+s2+$0x0], $0xffff  }
0x75: {  	v48 =	vimm.s32 $0x2C;
	v53 =	vimm.s32 $0x2D;
	v56 =	vimm.s32 $0x2E;
	v25 =	vld.idx.msk [tilespmem:v21+s2+$0x0], $0xffff  }
0x76: {  	v59 =	vimm.s32 $0x2F;
	v7 =	vld.idx.msk [tilespmem:v22+s2+$0x0], $0xffff;
	v22 =	vimm.s32 $0x30;
	vm0 =	veq.s32 v2, v4  }
0x77: {  	vm1 =	veq.s32 v2, v3;
	vm15 =	vmand vm0, vm10;
	v29 =	vsel vm0, $0x1, v0  }
0x78: {  	vm10 =	vmand vm1, vm11;
	v32 =	vsel vm1, $0x1, v0;
	vm0 =	veq.s32 v2, v24  }
0x79: {  	v8 =	vld.idx.msk [tilespmem:v23+s2+$0x0], $0xffff;
	v27 =	vsel vm15, $0x1, v0;
	vm15 =	veq.s32 v2, v1;
	v30 =	vsel vm10, $0x1, v0  }
0x7a: {  	v37 =	vsel vm0, $0x1, v0;
	v3 =	vadd.s32 v29, v32;
	vm10 =	vmand vm15, vm2  }
0x7b: {  	v6 =	vld.idx.msk [tilespmem:v26+s2+$0x0], $0xffff;
	v34 =	vsel vm15, $0x1, v0;
	vm15 =	veq.s32 v2, v25;
	v1 =	vadd.s32 v27, v30  }
0x7c: {  	v33 =	vsel vm10, $0x1, v0;
	vm10 =	vmand vm0, vm3;
	vm0 =	veq.s32 v2, v7  }
0x7d: {  	v10 =	vld.idx.msk [tilespmem:v28+s2+$0x0], $0xffff;
	v39 =	vsel vm15, $0x1, v0;
	v3 =	vadd.s32 v34, v3;
	v35 =	vsel vm10, $0x1, v0  }
0x7e: {  	vm10 =	vmand vm15, vm4;
	vm15 =	veq.s32 v2, v8;
	v41 =	vsel vm0, $0x1, v0  }
0x7f: {  	v11 =	vld.idx.msk [tilespmem:v31+s2+$0x0], $0xffff;
	v1 =	vadd.s32 v33, v1;
	v3 =	vadd.s32 v37, v3;
	v38 =	vsel vm10, $0x1, v0  }
0x80: {  	vm10 =	vmand vm0, vm6;
	vm0 =	veq.s32 v2, v6;
	v44 =	vsel vm15, $0x1, v0  }
0x81: {  	v14 =	vld.idx.msk [tilespmem:v36+s2+$0x0], $0xffff;
	v1 =	vadd.s32 v35, v1;
	v3 =	vadd.s32 v39, v3;
	v40 =	vsel vm10, $0x1, v0  }
0x82: {  	vm10 =	vmand vm15, vm7;
	vm15 =	veq.s32 v2, v10;
	v46 =	vsel vm0, $0x1, v0  }
0x83: {  	v1 =	vadd.s32 v38, v1;
	v3 =	vadd.s32 v41, v3;
	v42 =	vsel vm10, $0x1, v0  }
0x84: {  	vm10 =	vmand vm0, vm14;
	vm0 =	veq.s32 v2, v11;
	v49 =	vsel vm15, $0x1, v0  }
0x85: {  	v51 =	vld.idx.msk [tilespmem:v43+s2+$0x0], $0xffff;
	v1 =	vadd.s32 v40, v1;
	v3 =	vadd.s32 v44, v3;
	v45 =	vsel vm10, $0x1, v0  }
0x86: {  	vm10 =	vmand vm15, vm12;
	v52 =	vsel vm0, $0x1, v0;
	vm15 =	veq.s32 v2, v14  }
0x87: {  	v55 =	vld.idx.msk [tilespmem:v48+s2+$0x0], $0xffff;
	v1 =	vadd.s32 v42, v1;
	v3 =	vadd.s32 v46, v3;
	v47 =	vsel vm10, $0x1, v0  }
0x88: {  	vm10 =	vcmask $0x3F28;
	v57 =	vsel vm15, $0x1, v0;
	v1 =	vadd.s32 v45, v1  }
0x89: {  	v58 =	vld.idx.msk [tilespmem:v53+s2+$0x0], $0xffff;
	v3 =	vadd.s32 v49, v3;
	vm1 =	vmand vm0, vm10;
	vm10 =	vmand vm15, vm5  }
0x8a: {  	vm15 =	veq.s32 v2, v51;
	v1 =	vadd.s32 v47, v1;
	v3 =	vadd.s32 v52, v3  }
0x8b: {  	v62 =	vld.idx.msk [tilespmem:v56+s2+$0x0], $0xffff;
	v50 =	vsel vm1, $0x1, v0;
	v54 =	vsel vm10, $0x1, v0;
	vm10 =	vmand vm15, vm13  }
0x8c: {  	v61 =	vsel vm15, $0x1, v0;
	vm15 =	veq.s32 v2, v55;
	v3 =	vadd.s32 v57, v3  }
0x8d: {  	v60 =	vsel vm10, $0x1, v0;
	vm10 =	vmand vm15, vm9;
	v1 =	vadd.s32 v50, v1  }
0x8e: {  	v16 =	vld.idx.msk [tilespmem:v59+s2+$0x0], $0xffff;
	v13 =	vsel vm15, $0x1, v0;
	vm15 =	veq.s32 v2, v58;
	v3 =	vadd.s32 v61, v3  }
0x8f: {  	v17 =	vld.idx.msk [tilespmem:v2+s22+$0x0], $0xffff;
	v63 =	vsel vm10, $0x1, v0;
	v1 =	vadd.s32 v54, v1;
	vm10 =	vmand vm15, vm8  }
0x90: {  	v3 =	vadd.s32 v13, v3;
	v19 =	vsel vm15, $0x1, v0;
	vm15 =	veq.s32 v2, v62  }
0x91: {  	v1 =	vadd.s32 v60, v1;
	v18 =	vsel vm10, $0x1, v0;
	v3 =	vadd.s32 v19, v3  }
0x92: {  	v20 =	vsel vm15, $0x1, v0;
	vm10 =	vcmask $0x3F3C;
	v1 =	vadd.s32 v63, v1  }
0x93: {  	vm0 =	vmand vm15, vm10;
	v3 =	vadd.s32 v20, v3;
	v1 =	vadd.s32 v18, v1  }
0x94: {  	vm15 =	veq.s32 v2, v16;
	v21 =	vsel vm0, $0x1, v0;
	v1 =	vadd.s32 v17, v1  }
0x95: {  	v23 =	vsel vm15, $0x1, v0;
	v3 =	vadd.s32 v17, v3;
	v1 =	vadd.s32 v21, v1  }
0x96: {  	v25 =	vimm.s32 $0x31;
	v24 =	vadd.s32 v23, v3;
	[tilespmem:$0x120] =	vst v1  }
0x97: {  	v26 =	vimm.s32 $0x32;
	[tilespmem:v2+s22+$0x0] =	vst.idx.msk $0xffff, v24  }
0x98: {  	v2 =	vld [tilespmem:$0x30]  }
0x99: {  	v28 =	vimm.s32 $0x34;
	v4 =	vld.idx.msk [tilespmem:v22+s2+$0x0], $0xffff  }
0x9a: {  	v27 =	vimm.s32 $0x33  }
0x9b: {  	v43 =	vimm.s32 $0x3A;
	v35 =	vimm.s32 $0x38;
	v3 =	vld.idx.msk [tilespmem:v25+s2+$0x0], $0xffff  }
0x9c: {  	v29 =	vimm.s32 $0x35;
	v30 =	vimm.s32 $0x36;
	v33 =	vimm.s32 $0x37;
	v1 =	vld.idx.msk [tilespmem:v26+s2+$0x0], $0xffff  }
0x9d: {  	v38 =	vimm.s32 $0x39;
	v55 =	vimm.s32 $0x3C;
	v50 =	vimm.s32 $0x3B  }
0x9e: {  	v60 =	vimm.s32 $0x3D;
	vm15 =	vcmask $0x3F04;
	v32 =	vld.idx.msk [tilespmem:v28+s2+$0x0], $0xffff;
	vm0 =	veq.s32 v2, v4  }
0x9f: {  	v63 =	vimm.s32 $0x3E;
	v23 =	vimm.s32 $0x3F;
	v31 =	vld.idx.msk [tilespmem:v27+s2+$0x0], $0xffff;
	vm1 =	vmand vm0, vm15  }
0xa0: {  	v10 =	vld.idx.msk [tilespmem:v35+s2+$0x0], $0xffff;
	v35 =	vimm.s32 $0x40;
	v34 =	vsel vm1, $0x1, v0;
	vm1 =	veq.s32 v2, v3  }
0xa1: {  	v7 =	vld.idx.msk [tilespmem:v29+s2+$0x0], $0xffff;
	v36 =	vsel vm0, $0x1, v0;
	vm15 =	veq.s32 v2, v1;
	vm0 =	vmand vm1, vm11  }
0xa2: {  	v41 =	vsel vm15, $0x1, v0;
	v39 =	vsel vm1, $0x1, v0;
	v37 =	vsel vm0, $0x1, v0  }
0xa3: {  	v8 =	vld.idx.msk [tilespmem:v30+s2+$0x0], $0xffff;
	vm0 =	vmand vm15, vm2;
	vm15 =	veq.s32 v2, v32;
	v3 =	vadd.s32 v36, v39  }
0xa4: {  	v40 =	vsel vm0, $0x1, v0;
	vm0 =	veq.s32 v2, v31;
	v46 =	vsel vm15, $0x1, v0  }
0xa5: {  	v1 =	vadd.s32 v34, v37;
	v3 =	vadd.s32 v41, v3;
	vm1 =	vmand vm0, vm3  }
0xa6: {  	v44 =	vsel vm0, $0x1, v0;
	vm0 =	veq.s32 v2, v7;
	v1 =	vadd.s32 v40, v1  }
0xa7: {  	v6 =	vld.idx.msk [tilespmem:v33+s2+$0x0], $0xffff;
	v40 =	vimm.s32 $0x43;
	v42 =	vsel vm1, $0x1, v0;
	vm1 =	vmand vm15, vm4  }
0xa8: {  	vm15 =	veq.s32 v2, v8;
	v48 =	vsel vm0, $0x1, v0;
	v3 =	vadd.s32 v44, v3  }
0xa9: {  	v45 =	vsel vm1, $0x1, v0;
	vm1 =	vmand vm0, vm6;
	vm0 =	vmand vm15, vm7  }
0xaa: {  	v51 =	vsel vm15, $0x1, v0;
	vm15 =	veq.s32 v2, v10;
	v1 =	vadd.s32 v42, v1  }
0xab: {  	v11 =	vld.idx.msk [tilespmem:v38+s2+$0x0], $0xffff;
	v3 =	vadd.s32 v46, v3;
	v47 =	vsel vm1, $0x1, v0;
	v49 =	vsel vm0, $0x1, v0  }
0xac: {  	v14 =	vld.idx.msk [tilespmem:v43+s2+$0x0], $0xffff;
	vm0 =	veq.s32 v2, v6;
	v56 =	vsel vm15, $0x1, v0;
	v1 =	vadd.s32 v45, v1  }
0xad: {  	v3 =	vadd.s32 v48, v3;
	vm1 =	vmand vm0, vm14;
	v53 =	vsel vm0, $0x1, v0  }
0xae: {  	v58 =	vld.idx.msk [tilespmem:v50+s2+$0x0], $0xffff;
	vm0 =	vmand vm15, vm12;
	vm15 =	vcmask $0x3F28;
	v1 =	vadd.s32 v47, v1  }
0xaf: {  	v3 =	vadd.s32 v51, v3;
	v52 =	vsel vm1, $0x1, v0;
	v54 =	vsel vm0, $0x1, v0  }
0xb0: {  	v62 =	vld.idx.msk [tilespmem:v55+s2+$0x0], $0xffff;
	vm0 =	veq.s32 v2, v11;
	v1 =	vadd.s32 v49, v1;
	v3 =	vadd.s32 v53, v3  }
0xb1: {  	vm1 =	vmand vm0, vm15;
	v59 =	vsel vm0, $0x1, v0;
	vm0 =	veq.s32 v2, v14  }
0xb2: {  	v1 =	vadd.s32 v52, v1;
	v3 =	vadd.s32 v56, v3;
	v57 =	vsel vm1, $0x1, v0  }
0xb3: {  	v22 =	vld.idx.msk [tilespmem:v60+s2+$0x0], $0xffff;
	vm15 =	vmand vm0, vm5;
	v19 =	vsel vm0, $0x1, v0;
	vm0 =	veq.s32 v2, v58  }
0xb4: {  	v1 =	vadd.s32 v54, v1;
	v3 =	vadd.s32 v59, v3;
	v61 =	vsel vm15, $0x1, v0  }
0xb5: {  	v26 =	vld.idx.msk [tilespmem:v63+s2+$0x0], $0xffff;
	vm15 =	vmand vm0, vm13;
	v25 =	vsel vm0, $0x1, v0;
	vm0 =	veq.s32 v2, v62  }
0xb6: {  	v1 =	vadd.s32 v57, v1;
	v3 =	vadd.s32 v19, v3;
	v24 =	vsel vm15, $0x1, v0  }
0xb7: {  	v29 =	vld.idx.msk [tilespmem:v23+s2+$0x0], $0xffff;
	vm15 =	vmand vm0, vm9;
	v1 =	vadd.s32 v61, v1;
	v28 =	vsel vm0, $0x1, v0  }
0xb8: {  	v30 =	vld.idx.msk [tilespmem:v2+s22+$0x0], $0xffff;
	vm0 =	veq.s32 v2, v22;
	v3 =	vadd.s32 v25, v3;
	v27 =	vsel vm15, $0x1, v0  }
0xb9: {  	v1 =	vadd.s32 v24, v1;
	vm15 =	vmand vm0, vm8;
	v3 =	vadd.s32 v28, v3  }
0xba: {  	v32 =	vsel vm0, $0x1, v0;
	v31 =	vsel vm15, $0x1, v0;
	vm15 =	veq.s32 v2, v26  }
0xbb: {  	v1 =	vadd.s32 v27, v1;
	v3 =	vadd.s32 v32, v3;
	v33 =	vsel vm15, $0x1, v0  }
0xbc: {  	vm0 =	vmand vm15, vm10;
	v1 =	vadd.s32 v31, v1;
	vm15 =	veq.s32 v2, v29  }
0xbd: {  	v34 =	vsel vm0, $0x1, v0;
	v3 =	vadd.s32 v33, v3;
	v1 =	vadd.s32 v30, v1  }
0xbe: {  	v36 =	vsel vm15, $0x1, v0;
	v1 =	vadd.s32 v34, v1;
	v3 =	vadd.s32 v30, v3  }
0xbf: {  	v39 =	vimm.s32 $0x42;
	[tilespmem:$0x130] =	vst v1;
	v37 =	vadd.s32 v36, v3  }
0xc0: {  	v38 =	vimm.s32 $0x41;
	[tilespmem:v2+s22+$0x0] =	vst.idx.msk $0xffff, v37  }
0xc1: {  	v2 =	vld [tilespmem:$0x40]  }
0xc2: {  	v41 =	vimm.s32 $0x44;
	v4 =	vld.idx.msk [tilespmem:v35+s2+$0x0], $0xffff  }
0xc3: {  	v51 =	vimm.s32 $0x49;
	v44 =	vld.idx.msk [tilespmem:v40+s2+$0x0], $0xffff  }
0xc4: {  	v43 =	vimm.s32 $0x46;
	v42 =	vimm.s32 $0x45;
	v1 =	vld.idx.msk [tilespmem:v39+s2+$0x0], $0xffff  }
0xc5: {  	v63 =	vimm.s32 $0x4B;
	v46 =	vimm.s32 $0x47;
	v48 =	vimm.s32 $0x48;
	v3 =	vld.idx.msk [tilespmem:v38+s2+$0x0], $0xffff  }
0xc6: {  	v56 =	vimm.s32 $0x4A;
	v28 =	vimm.s32 $0x4C;
	vm15 =	vcmask $0x3F04  }
0xc7: {  	v33 =	vimm.s32 $0x4D;
	v36 =	vimm.s32 $0x4E;
	v45 =	vld.idx.msk [tilespmem:v41+s2+$0x0], $0xffff;
	v39 =	vimm.s32 $0x4F  }
0xc8: {  	v11 =	vld.idx.msk [tilespmem:v51+s2+$0x0], $0xffff;
	v51 =	vimm.s32 $0x50;
	vm10 =	veq.s32 v2, v4;
	vm0 =	veq.s32 v2, v44  }
0xc9: {  	v7 =	vld.idx.msk [tilespmem:v42+s2+$0x0], $0xffff;
	vm1 =	vmand vm10, vm15;
	v49 =	vsel vm10, $0x1, v0;
	vm15 =	veq.s32 v2, v1  }
0xca: {  	v57 =	vsel vm0, $0x1, v0;
	v47 =	vsel vm1, $0x1, v0;
	vm1 =	veq.s32 v2, v3  }
0xcb: {  	v8 =	vld.idx.msk [tilespmem:v43+s2+$0x0], $0xffff;
	v54 =	vsel vm15, $0x1, v0;
	vm10 =	vmand vm1, vm11;
	v52 =	vsel vm1, $0x1, v0  }
0xcc: {  	v50 =	vsel vm10, $0x1, v0;
	vm10 =	vmand vm15, vm2;
	vm15 =	veq.s32 v2, v45  }
0xcd: {  	v6 =	vld.idx.msk [tilespmem:v46+s2+$0x0], $0xffff;
	v3 =	vadd.s32 v49, v52;
	v53 =	vsel vm10, $0x1, v0;
	vm10 =	vmand vm0, vm3  }
0xce: {  	vm0 =	veq.s32 v2, v7;
	v59 =	vsel vm15, $0x1, v0;
	v1 =	vadd.s32 v47, v50  }
0xcf: {  	v10 =	vld.idx.msk [tilespmem:v48+s2+$0x0], $0xffff;
	v3 =	vadd.s32 v54, v3;
	v55 =	vsel vm10, $0x1, v0;
	vm10 =	vmand vm15, vm4  }
0xd0: {  	vm15 =	veq.s32 v2, v8;
	v61 =	vsel vm0, $0x1, v0;
	v1 =	vadd.s32 v53, v1  }
0xd1: {  	v3 =	vadd.s32 v57, v3;
	v58 =	vsel vm10, $0x1, v0;
	vm10 =	vmand vm0, vm6  }
0xd2: {  	vm0 =	veq.s32 v2, v6;
	v24 =	vsel vm15, $0x1, v0;
	v1 =	vadd.s32 v55, v1  }
0xd3: {  	v14 =	vld.idx.msk [tilespmem:v56+s2+$0x0], $0xffff;
	v3 =	vadd.s32 v59, v3;
	v55 =	vimm.s32 $0x52;
	v60 =	vsel vm10, $0x1, v0  }
0xd4: {  	vm10 =	vmand vm15, vm7;
	vm15 =	veq.s32 v2, v10;
	v26 =	vsel vm0, $0x1, v0  }
0xd5: {  	v1 =	vadd.s32 v58, v1;
	v3 =	vadd.s32 v61, v3;
	v62 =	vsel vm10, $0x1, v0  }
0xd6: {  	vm10 =	vmand vm0, vm14;
	vm0 =	veq.s32 v2, v11;
	v29 =	vsel vm15, $0x1, v0  }
0xd7: {  	v31 =	vld.idx.msk [tilespmem:v63+s2+$0x0], $0xffff;
	v1 =	vadd.s32 v60, v1;
	v3 =	vadd.s32 v24, v3;
	v25 =	vsel vm10, $0x1, v0  }
0xd8: {  	vm10 =	vmand vm15, vm12;
	v32 =	vsel vm0, $0x1, v0;
	vm15 =	veq.s32 v2, v14  }
0xd9: {  	v35 =	vld.idx.msk [tilespmem:v28+s2+$0x0], $0xffff;
	v1 =	vadd.s32 v62, v1;
	v3 =	vadd.s32 v26, v3;
	v27 =	vsel vm10, $0x1, v0  }
0xda: {  	vm10 =	vcmask $0x3F28;
	v37 =	vsel vm15, $0x1, v0;
	v1 =	vadd.s32 v25, v1  }
0xdb: {  	v38 =	vld.idx.msk [tilespmem:v33+s2+$0x0], $0xffff;
	v3 =	vadd.s32 v29, v3;
	vm1 =	vmand vm0, vm10;
	vm10 =	vmand vm15, vm5  }
0xdc: {  	vm15 =	veq.s32 v2, v31;
	v1 =	vadd.s32 v27, v1;
	v3 =	vadd.s32 v32, v3  }
0xdd: {  	v42 =	vld.idx.msk [tilespmem:v36+s2+$0x0], $0xffff;
	v30 =	vsel vm1, $0x1, v0;
	v34 =	vsel vm10, $0x1, v0;
	vm10 =	vmand vm15, vm13  }
0xde: {  	v41 =	vsel vm15, $0x1, v0;
	vm15 =	veq.s32 v2, v35;
	v3 =	vadd.s32 v37, v3  }
0xdf: {  	v40 =	vsel vm10, $0x1, v0;
	vm10 =	vmand vm15, vm9;
	v1 =	vadd.s32 v30, v1  }
0xe0: {  	v46 =	vld.idx.msk [tilespmem:v2+s22+$0x0], $0xffff;
	v44 =	vsel vm15, $0x1, v0;
	vm15 =	veq.s32 v2, v38;
	v3 =	vadd.s32 v41, v3  }
0xe1: {  	v45 =	vld.idx.msk [tilespmem:v39+s2+$0x0], $0xffff;
	v43 =	vsel vm10, $0x1, v0;
	v1 =	vadd.s32 v34, v1;
	vm10 =	vmand vm15, vm8  }
0xe2: {  	v3 =	vadd.s32 v44, v3;
	v48 =	vsel vm15, $0x1, v0;
	vm15 =	veq.s32 v2, v42  }
0xe3: {  	v1 =	vadd.s32 v40, v1;
	v47 =	vsel vm10, $0x1, v0;
	v3 =	vadd.s32 v48, v3  }
0xe4: {  	v49 =	vsel vm15, $0x1, v0;
	vm10 =	vcmask $0x3F3C;
	v1 =	vadd.s32 v43, v1  }
0xe5: {  	vm0 =	vmand vm15, vm10;
	v3 =	vadd.s32 v49, v3;
	v1 =	vadd.s32 v47, v1  }
0xe6: {  	vm15 =	veq.s32 v2, v45;
	v50 =	vsel vm0, $0x1, v0;
	v1 =	vadd.s32 v46, v1  }
0xe7: {  	v52 =	vsel vm15, $0x1, v0;
	v3 =	vadd.s32 v46, v3;
	v1 =	vadd.s32 v50, v1  }
0xe8: {  	v54 =	vimm.s32 $0x51;
	v53 =	vadd.s32 v52, v3;
	[tilespmem:$0x140] =	vst v1  }
0xe9: {  	v57 =	vimm.s32 $0x54;
	[tilespmem:v2+s22+$0x0] =	vst.idx.msk $0xffff, v53  }
0xea: {  	v56 =	vimm.s32 $0x53;
	v2 =	vld [tilespmem:$0x50]  }
0xeb: {  	v4 =	vld.idx.msk [tilespmem:v51+s2+$0x0], $0xffff  }
0xec: {  	v13 =	vimm.s32 $0x60;
	v58 =	vimm.s32 $0x55;
	v1 =	vld.idx.msk [tilespmem:v55+s2+$0x0], $0xffff  }
0xed: {  	v23 =	vimm.s32 $0x58;
	v59 =	vimm.s32 $0x56;
	v62 =	vimm.s32 $0x57;
	v3 =	vld.idx.msk [tilespmem:v54+s2+$0x0], $0xffff  }
0xee: {  	v26 =	vimm.s32 $0x59;
	v31 =	vimm.s32 $0x5A;
	v38 =	vimm.s32 $0x5B;
	v61 =	vld.idx.msk [tilespmem:v57+s2+$0x0], $0xffff  }
0xef: {  	v48 =	vimm.s32 $0x5D;
	v43 =	vimm.s32 $0x5C;
	vm15 =	vcmask $0x3F04;
	v60 =	vld.idx.msk [tilespmem:v56+s2+$0x0], $0xffff  }
0xf0: {  	v51 =	vimm.s32 $0x5E;
	v54 =	vimm.s32 $0x5F;
	vm10 =	veq.s32 v2, v4  }
0xf1: {  	v7 =	vld.idx.msk [tilespmem:v58+s2+$0x0], $0xffff;
	vm1 =	vmand vm10, vm15;
	v24 =	vsel vm10, $0x1, v0;
	vm15 =	veq.s32 v2, v1  }
0xf2: {  	v63 =	vsel vm1, $0x1, v0;
	vm1 =	veq.s32 v2, v3;
	vm0 =	vmand vm15, vm2  }
0xf3: {  	v8 =	vld.idx.msk [tilespmem:v59+s2+$0x0], $0xffff;
	v29 =	vsel vm15, $0x1, v0;
	vm15 =	veq.s32 v2, v61;
	vm10 =	vmand vm1, vm11  }
0xf4: {  	v27 =	vsel vm1, $0x1, v0;
	v28 =	vsel vm0, $0x1, v0;
	vm0 =	veq.s32 v2, v60  }
0xf5: {  	v6 =	vld.idx.msk [tilespmem:v62+s2+$0x0], $0xffff;
	v34 =	vsel vm15, $0x1, v0;
	v25 =	vsel vm10, $0x1, v0;
	vm10 =	vmmov vm2  }
0xf6: {  	vm11 =	vmand vm0, vm3;
	v32 =	vsel vm0, $0x1, v0;
	vm0 =	veq.s32 v2, v7  }
0xf7: {  	v10 =	vld.idx.msk [tilespmem:v23+s2+$0x0], $0xffff;
	vm2 =	vcmask $0x3F28;
	v3 =	vadd.s32 v24, v27;
	v30 =	vsel vm11, $0x1, v0  }
0xf8: {  	vm11 =	vmand vm15, vm4;
	vm15 =	veq.s32 v2, v8;
	v36 =	vsel vm0, $0x1, v0  }
0xf9: {  	v11 =	vld.idx.msk [tilespmem:v26+s2+$0x0], $0xffff;
	v1 =	vadd.s32 v63, v25;
	v3 =	vadd.s32 v29, v3;
	v33 =	vsel vm11, $0x1, v0  }
0xfa: {  	vm11 =	vmand vm0, vm6;
	vm0 =	veq.s32 v2, v6;
	v39 =	vsel vm15, $0x1, v0  }
0xfb: {  	v14 =	vld.idx.msk [tilespmem:v31+s2+$0x0], $0xffff;
	v1 =	vadd.s32 v28, v1;
	v3 =	vadd.s32 v32, v3;
	v35 =	vsel vm11, $0x1, v0  }
0xfc: {  	vm11 =	vmand vm15, vm7;
	vm15 =	veq.s32 v2, v10;
	v41 =	vsel vm0, $0x1, v0  }
0xfd: {  	v1 =	vadd.s32 v30, v1;
	v3 =	vadd.s32 v34, v3;
	v37 =	vsel vm11, $0x1, v0  }
0xfe: {  	v50 =	vld.idx.msk [tilespmem:v43+s2+$0x0], $0xffff;
	vm11 =	vmand vm0, vm14;
	vm0 =	veq.s32 v2, v11;
	v44 =	vsel vm15, $0x1, v0  }
0xff: {  	v46 =	vld.idx.msk [tilespmem:v38+s2+$0x0], $0xffff;
	v1 =	vadd.s32 v33, v1;
	v3 =	vadd.s32 v36, v3;
	v40 =	vsel vm11, $0x1, v0  }
0x100: {  	vm11 =	vmand vm15, vm12;
	v47 =	vsel vm0, $0x1, v0;
	vm15 =	veq.s32 v2, v14  }
0x101: {  	v1 =	vadd.s32 v35, v1;
	v3 =	vadd.s32 v39, v3;
	v42 =	vsel vm11, $0x1, v0  }
0x102: {  	v53 =	vld.idx.msk [tilespmem:v48+s2+$0x0], $0xffff;
	vm11 =	vmand vm0, vm2;
	v52 =	vsel vm15, $0x1, v0;
	v1 =	vadd.s32 v37, v1  }
0x103: {  	v3 =	vadd.s32 v41, v3;
	vm0 =	veq.s32 v2, v50;
	v45 =	vsel vm11, $0x1, v0  }
0x104: {  	vm11 =	vmand vm15, vm5;
	vm15 =	veq.s32 v2, v46;
	v1 =	vadd.s32 v40, v1  }
0x105: {  	v3 =	vadd.s32 v44, v3;
	v59 =	vsel vm0, $0x1, v0;
	v49 =	vsel vm11, $0x1, v0  }
0x106: {  	vm11 =	vmand vm15, vm13;
	v56 =	vsel vm15, $0x1, v0;
	v1 =	vadd.s32 v42, v1  }
0x107: {  	v57 =	vld.idx.msk [tilespmem:v51+s2+$0x0], $0xffff;
	vm15 =	vmand vm0, vm9;
	v3 =	vadd.s32 v47, v3;
	vm0 =	veq.s32 v2, v53  }
0x108: {  	v55 =	vsel vm11, $0x1, v0;
	vm11 =	vmmov vm9;
	v58 =	vsel vm15, $0x1, v0  }
0x109: {  	v60 =	vld.idx.msk [tilespmem:v54+s2+$0x0], $0xffff;
	v1 =	vadd.s32 v45, v1;
	v3 =	vadd.s32 v52, v3;
	vm15 =	vmand vm0, vm8  }
0x10a: {  	v61 =	vld.idx.msk [tilespmem:v2+s22+$0x0], $0xffff;
	vm9 =	vmmov vm8;
	v63 =	vsel vm0, $0x1, v0;
	vm8 =	vcmask $0x3F3C  }
0x10b: {  	v1 =	vadd.s32 v49, v1;
	v62 =	vsel vm15, $0x1, v0;
	v3 =	vadd.s32 v56, v3  }
0x10c: {  	vm15 =	veq.s32 v2, v57;
	v1 =	vadd.s32 v55, v1;
	v3 =	vadd.s32 v59, v3  }
0x10d: {  	v11 =	vsel vm15, $0x1, v0;
	vm0 =	vmand vm15, vm8;
	v1 =	vadd.s32 v58, v1  }
0x10e: {  	vm15 =	veq.s32 v2, v60;
	v3 =	vadd.s32 v63, v3;
	v1 =	vadd.s32 v62, v1  }
0x10f: {  	v12 =	vsel vm0, $0x1, v0;
	v3 =	vadd.s32 v11, v3;
	v1 =	vadd.s32 v61, v1  }
0x110: {  	v14 =	vsel vm15, $0x1, v0;
	v3 =	vadd.s32 v61, v3;
	v1 =	vadd.s32 v12, v1  }
0x111: {  	v16 =	vimm.s32 $0x61;
	v15 =	vadd.s32 v14, v3;
	[tilespmem:$0x150] =	vst v1  }
0x112: {  	[tilespmem:v2+s22+$0x0] =	vst.idx.msk $0xffff, v15  }
0x113: {  	v17 =	vimm.s32 $0x62;
	v2 =	vld [tilespmem:$0x60]  }
0x114: {  	v19 =	vimm.s32 $0x64;
	v4 =	vld.idx.msk [tilespmem:v13+s2+$0x0], $0xffff  }
0x115: {  	v18 =	vimm.s32 $0x63  }
0x116: {  	v20 =	vimm.s32 $0x65;
	v21 =	vimm.s32 $0x66;
	v3 =	vld.idx.msk [tilespmem:v16+s2+$0x0], $0xffff  }
0x117: {  	v26 =	vimm.s32 $0x68;
	v51 =	vimm.s32 $0x6D;
	v54 =	vimm.s32 $0x6E  }
0x118: {  	v24 =	vimm.s32 $0x67;
	v29 =	vimm.s32 $0x69;
	v34 =	vimm.s32 $0x6A;
	v1 =	vld.idx.msk [tilespmem:v17+s2+$0x0], $0xffff  }
0x119: {  	v41 =	vimm.s32 $0x6B;
	vm15 =	vcmask $0x3F04;
	v23 =	vld.idx.msk [tilespmem:v19+s2+$0x0], $0xffff;
	vm0 =	veq.s32 v2, v4  }
0x11a: {  	v46 =	vimm.s32 $0x6C;
	v57 =	vimm.s32 $0x6F;
	v22 =	vld.idx.msk [tilespmem:v18+s2+$0x0], $0xffff;
	vm1 =	vmand vm0, vm15  }
0x11b: {  	vm15 =	vcmask $0x3F08;
	v25 =	vsel vm1, $0x1, v0;
	vm1 =	veq.s32 v2, v3  }
0x11c: {  	v17 =	vimm.s32 $0x70;
	v27 =	vsel vm0, $0x1, v0;
	vm0 =	vmand vm1, vm15  }
0x11d: {  	v7 =	vld.idx.msk [tilespmem:v20+s2+$0x0], $0xffff;
	vm15 =	veq.s32 v2, v1;
	v30 =	vsel vm1, $0x1, v0;
	v28 =	vsel vm0, $0x1, v0  }
0x11e: {  	v8 =	vld.idx.msk [tilespmem:v21+s2+$0x0], $0xffff;
	vm0 =	vmand vm15, vm10;
	v32 =	vsel vm15, $0x1, v0;
	vm15 =	veq.s32 v2, v23  }
0x11f: {  	v3 =	vadd.s32 v27, v30;
	v31 =	vsel vm0, $0x1, v0;
	vm0 =	veq.s32 v2, v22  }
0x120: {  	v10 =	vld.idx.msk [tilespmem:v26+s2+$0x0], $0xffff;
	v37 =	vsel vm15, $0x1, v0;
	v1 =	vadd.s32 v25, v28;
	v3 =	vadd.s32 v32, v3  }
0x121: {  	v22 =	vimm.s32 $0x73;
	vm1 =	vmand vm0, vm3;
	v35 =	vsel vm0, $0x1, v0  }
0x122: {  	v6 =	vld.idx.msk [tilespmem:v24+s2+$0x0], $0xffff;
	vm0 =	veq.s32 v2, v7;
	v1 =	vadd.s32 v31, v1;
	v33 =	vsel vm1, $0x1, v0  }
0x123: {  	vm1 =	vmand vm15, vm4;
	vm15 =	veq.s32 v2, v8;
	v39 =	vsel vm0, $0x1, v0  }
0x124: {  	v3 =	vadd.s32 v35, v3;
	v36 =	vsel vm1, $0x1, v0;
	vm1 =	vmand vm0, vm6  }
0x125: {  	vm0 =	vmand vm15, vm7;
	v42 =	vsel vm15, $0x1, v0;
	vm15 =	veq.s32 v2, v10  }
0x126: {  	v11 =	vld.idx.msk [tilespmem:v29+s2+$0x0], $0xffff;
	v1 =	vadd.s32 v33, v1;
	v3 =	vadd.s32 v37, v3;
	v38 =	vsel vm1, $0x1, v0  }
0x127: {  	v14 =	vld.idx.msk [tilespmem:v34+s2+$0x0], $0xffff;
	v40 =	vsel vm0, $0x1, v0;
	vm0 =	veq.s32 v2, v6;
	v47 =	vsel vm15, $0x1, v0  }
0x128: {  	v1 =	vadd.s32 v36, v1;
	v3 =	vadd.s32 v39, v3;
	vm1 =	vmand vm0, vm14  }
0x129: {  	v49 =	vld.idx.msk [tilespmem:v41+s2+$0x0], $0xffff;
	v44 =	vsel vm0, $0x1, v0;
	vm0 =	vmand vm15, vm12;
	v1 =	vadd.s32 v38, v1  }
0x12a: {  	v3 =	vadd.s32 v42, v3;
	v43 =	vsel vm1, $0x1, v0;
	v45 =	vsel vm0, $0x1, v0  }
0x12b: {  	v53 =	vld.idx.msk [tilespmem:v46+s2+$0x0], $0xffff;
	vm0 =	veq.s32 v2, v11;
	v1 =	vadd.s32 v40, v1;
	v3 =	vadd.s32 v44, v3  }
0x12c: {  	vm1 =	vmand vm0, vm2;
	v50 =	vsel vm0, $0x1, v0;
	vm0 =	veq.s32 v2, v14  }
0x12d: {  	v1 =	vadd.s32 v43, v1;
	v3 =	vadd.s32 v47, v3;
	v48 =	vsel vm1, $0x1, v0  }
0x12e: {  	v56 =	vld.idx.msk [tilespmem:v51+s2+$0x0], $0xffff;
	vm1 =	vmand vm0, vm5;
	v55 =	vsel vm0, $0x1, v0;
	vm0 =	veq.s32 v2, v49  }
0x12f: {  	v1 =	vadd.s32 v45, v1;
	v3 =	vadd.s32 v50, v3;
	v52 =	vsel vm1, $0x1, v0  }
0x130: {  	v60 =	vld.idx.msk [tilespmem:v54+s2+$0x0], $0xffff;
	vm1 =	vmand vm0, vm13;
	v59 =	vsel vm0, $0x1, v0;
	vm0 =	veq.s32 v2, v53  }
0x131: {  	v1 =	vadd.s32 v48, v1;
	v3 =	vadd.s32 v55, v3;
	v58 =	vsel vm1, $0x1, v0  }
0x132: {  	v63 =	vld.idx.msk [tilespmem:v57+s2+$0x0], $0xffff;
	vm1 =	vmand vm0, vm11;
	v1 =	vadd.s32 v52, v1;
	v62 =	vsel vm0, $0x1, v0  }
0x133: {  	v12 =	vld.idx.msk [tilespmem:v2+s22+$0x0], $0xffff;
	vm0 =	veq.s32 v2, v56;
	v3 =	vadd.s32 v59, v3;
	v61 =	vsel vm1, $0x1, v0  }
0x134: {  	v1 =	vadd.s32 v58, v1;
	vm1 =	vmand vm0, vm9;
	v3 =	vadd.s32 v62, v3  }
0x135: {  	v14 =	vsel vm0, $0x1, v0;
	vm0 =	veq.s32 v2, v60;
	v13 =	vsel vm1, $0x1, v0  }
0x136: {  	v1 =	vadd.s32 v61, v1;
	v15 =	vsel vm0, $0x1, v0;
	vm0 =	vmand vm0, vm8  }
0x137: {  	v3 =	vadd.s32 v14, v3;
	v1 =	vadd.s32 v13, v1;
	v16 =	vsel vm0, $0x1, v0  }
0x138: {  	v3 =	vadd.s32 v15, v3;
	vm0 =	veq.s32 v2, v63;
	v1 =	vadd.s32 v12, v1  }
0x139: {  	v18 =	vsel vm0, $0x1, v0;
	v3 =	vadd.s32 v12, v3;
	v1 =	vadd.s32 v16, v1  }
0x13a: {  	v20 =	vimm.s32 $0x71;
	v19 =	vadd.s32 v18, v3;
	[tilespmem:$0x160] =	vst v1  }
0x13b: {  	[tilespmem:v2+s22+$0x0] =	vst.idx.msk $0xffff, v19  }
0x13c: {  	v21 =	vimm.s32 $0x72;
	v1 =	vld [tilespmem:$0x70]  }
0x13d: {  	v4 =	vld.idx.msk [tilespmem:v17+s2+$0x0], $0xffff  }
0x13e: {  	v24 =	vimm.s32 $0x75;
	v23 =	vimm.s32 $0x74;
	v25 =	vld.idx.msk [tilespmem:v22+s2+$0x0], $0xffff  }
0x13f: {  	v26 =	vimm.s32 $0x76;
	v46 =	vimm.s32 $0x7B;
	v51 =	vimm.s32 $0x7C;
	v3 =	vld.idx.msk [tilespmem:v20+s2+$0x0], $0xffff  }
0x140: {  	v57 =	vimm.s32 $0x7E;
	v27 =	vimm.s32 $0x77;
	v31 =	vimm.s32 $0x78  }
0x141: {  	v33 =	vimm.s32 $0x79;
	v39 =	vimm.s32 $0x7A;
	vm15 =	vmmov vm2;
	v2 =	vld.idx.msk [tilespmem:v21+s2+$0x0], $0xffff  }
0x142: {  	v55 =	vimm.s32 $0x7D;
	vm1 =	vcmask $0x3F04;
	vm0 =	veq.s32 v1, v4  }
0x143: {  	v29 =	vld.idx.msk [tilespmem:v23+s2+$0x0], $0xffff;
	vm2 =	veq.s32 v1, v25;
	vm1 =	vmand vm0, vm1;
	v30 =	vsel vm0, $0x1, v0  }
0x144: {  	vm0 =	vcmask $0x3F08;
	v28 =	vsel vm1, $0x1, v0;
	vm1 =	veq.s32 v1, v3  }
0x145: {  	v60 =	vimm.s32 $0x7F;
	v7 =	vld.idx.msk [tilespmem:v24+s2+$0x0], $0xffff;
	v40 =	vsel vm2, $0x1, v0;
	vm0 =	vmand vm1, vm0  }
0x146: {  	v34 =	vsel vm1, $0x1, v0;
	v32 =	vsel vm0, $0x1, v0;
	vm0 =	veq.s32 v1, v2  }
0x147: {  	v35 =	vld.idx.msk [tilespmem:v26+s2+$0x0], $0xffff;
	v6 =	vadd.s32 v30, v34;
	vm10 =	vmand vm0, vm10;
	v37 =	vsel vm0, $0x1, v0  }
0x148: {  	vm0 =	veq.s32 v1, v29;
	v9 =	vadd.s32 v28, v32;
	v36 =	vsel vm10, $0x1, v0  }
0x149: {  	v8 =	vld.idx.msk [tilespmem:v27+s2+$0x0], $0xffff;
	vm10 =	vmand vm2, vm3;
	vm4 =	vmand vm0, vm4;
	v43 =	vsel vm0, $0x1, v0  }
0x14a: {  	v41 =	vld.idx.msk [tilespmem:v31+s2+$0x0], $0xffff;
	v6 =	vadd.s32 v37, v6;
	v38 =	vsel vm10, $0x1, v0;
	vm10 =	veq.s32 v1, v7  }
0x14b: {  	v42 =	vsel vm4, $0x1, v0;
	v5 =	vadd.s32 v36, v9;
	v6 =	vadd.s32 v40, v6  }
0x14c: {  	v2 =	vld.idx.msk [tilespmem:v33+s2+$0x0], $0xffff;
	vm4 =	vmand vm10, vm6;
	v45 =	vsel vm10, $0x1, v0;
	vm6 =	veq.s32 v1, v35  }
0x14d: {  	v5 =	vadd.s32 v38, v5;
	v6 =	vadd.s32 v43, v6;
	v44 =	vsel vm4, $0x1, v0  }
0x14e: {  	v3 =	vld.idx.msk [tilespmem:v39+s2+$0x0], $0xffff;
	vm10 =	vmand vm6, vm7;
	vm4 =	veq.s32 v1, v8;
	v48 =	vsel vm6, $0x1, v0  }
0x14f: {  	vm7 =	veq.s32 v1, v41;
	v5 =	vadd.s32 v42, v5;
	v59 =	vadd.s32 v45, v6  }
0x150: {  	v4 =	vld.idx.msk [tilespmem:v46+s2+$0x0], $0xffff;
	v47 =	vsel vm10, $0x1, v0;
	vm6 =	vmand vm4, vm14;
	v50 =	vsel vm4, $0x1, v0  }
0x151: {  	v18 =	vld.idx.msk [tilespmem:v60+s2+$0x0], $0xffff;
	vm10 =	vmand vm7, vm12;
	vm12 =	veq.s32 v1, v2;
	v53 =	vsel vm7, $0x1, v0  }
0x152: {  	v5 =	vadd.s32 v44, v5;
	v49 =	vsel vm6, $0x1, v0;
	v52 =	vsel vm10, $0x1, v0  }
0x153: {  	v15 =	vld.idx.msk [tilespmem:v57+s2+$0x0], $0xffff;
	vm14 =	vmand vm12, vm15;
	v54 =	vsel vm12, $0x1, v0;
	vm15 =	veq.s32 v1, v3  }
0x154: {  	v2 =	vld.idx.msk [tilespmem:v51+s2+$0x0], $0xffff;
	v5 =	vadd.s32 v47, v5;
	v23 =	vsel vm14, $0x1, v0;
	vm4 =	vmand vm15, vm5  }
0x155: {  	v58 =	vsel vm15, $0x1, v0;
	vm5 =	veq.s32 v1, v4;
	v4 =	vadd.s32 v48, v59  }
0x156: {  	v3 =	vld.idx.msk [tilespmem:v55+s2+$0x0], $0xffff;
	v5 =	vadd.s32 v49, v5;
	vm15 =	veq.s32 v1, v18;
	v56 =	vsel vm4, $0x1, v0  }
0x157: {  	vm6 =	vmand vm5, vm13;
	v62 =	vsel vm5, $0x1, v0;
	v63 =	vadd.s32 v50, v4  }
0x158: {  	v14 =	vadd.s32 v52, v5;
	vm13 =	veq.s32 v1, v15;
	v61 =	vsel vm6, $0x1, v0  }
0x159: {  	v4 =	vadd.s32 v23, v14;
	vm14 =	vmand vm13, vm8;
	vm7 =	veq.s32 v1, v2  }
0x15a: {  	v2 =	vadd.s32 v53, v63;
	v4 =	vadd.s32 v56, v4;
	vm10 =	vmand vm7, vm11  }
0x15b: {  	v19 =	vld.idx.msk [tilespmem:v1+s22+$0x0], $0xffff;
	v2 =	vadd.s32 v54, v2;
	v17 =	vsel vm7, $0x1, v0;
	vm11 =	veq.s32 v1, v3  }
0x15c: {  	v4 =	vadd.s32 v61, v4;
	v16 =	vsel vm10, $0x1, v0;
	v2 =	vadd.s32 v58, v2  }
0x15d: {  	vm12 =	vmand vm11, vm9;
	v21 =	vsel vm11, $0x1, v0;
	v2 =	vadd.s32 v62, v2  }
0x15e: {  	v20 =	vsel vm12, $0x1, v0;
	v4 =	vadd.s32 v16, v4;
	v2 =	vadd.s32 v17, v2  }
0x15f: {  	v23 =	vsel vm13, $0x1, v0;
	v4 =	vadd.s32 v20, v4;
	v2 =	vadd.s32 v21, v2  }
0x160: {  	v22 =	vsel vm14, $0x1, v0;
	v24 =	vadd.s32 v19, v4;
	v2 =	vadd.s32 v23, v2  }
0x161: {  	v25 =	vsel vm15, $0x1, v0;
	v3 =	vadd.s32 v22, v24;
	v2 =	vadd.s32 v19, v2  }
0x162: {  	s9 =	sshll.u32 s1, $0x7;
	[tilespmem:$0x170] =	vst v3;
	v2 =	vadd.s32 v25, v2  }
0x163: {  	s9 =	sadd.s32 s9, s7;
	[tilespmem:v1+s22+$0x0] =	vst.idx.msk $0xffff, v2  }
0x164: {  	[spmem:s9] =	stream.linear.scatter [tilespmem:s22], [sflag:$0x2], $0x80, $0x38;
	[tilespmem:$0x18BC0] =	vst v63  }
0x165: {  	_ =	swait.ge [sflag:s20], $0x80  }
0x166: {  	[sflag:s20] =	ssyncset.done $0x0  }
0x167: {  	[sflag:s20] =	ssyncadd.s32 $0xFFFFFF80  }
0x168: {  	s23 =	simm.s32 $0x200;
	[bflag:$0x0] =	sbarrier.arrive $0xFFFF  }
0x169: {  	[tilespmem:s23], [sflag:$0x2] =	stream.linear.gather [spmem:s7], $0x800, $0x38;
	[tilespmem:$0x18BC0] =	vst v63  }
0x16a: {  	_ =	swait.ge [sflag:s20], $0x800  }
0x16b: {  	[sflag:s20] =	ssyncset.done $0x0  }
0x16c: {  	[sflag:s20] =	ssyncadd.s32 $0xFFFFF800  }
0x16d: {  	v26 =	vld [tilespmem:$0x200]  }
0x16e: {  	v27 =	vld [tilespmem:$0x210]  }
0x16f: {  	v28 =	vld [tilespmem:$0x220]  }
0x170: {  	[tilespmem:$0xA00] =	vst v0;
	v29 =	vld [tilespmem:$0x230]  }
0x171: {  	v1 =	vmov s1;
	[tilespmem:$0xA10] =	vst v0;
	v30 =	vld [tilespmem:$0x280]  }
0x172: {  	vm4 =	veq.s32 v1, $0x0;
	[tilespmem:$0xA20] =	vst v0;
	v31 =	vld [tilespmem:$0x290]  }
0x173: {  	[tilespmem:$0xA30] =	vst v0;
	v33 =	vld [tilespmem:$0x2A0];
	v32 =	vsel vm4, $0x0, v26  }
0x174: {  	v34 =	vld [tilespmem:$0x2B0];
	v3 =	vsel vm4, $0x0, v27;
	[tilespmem:$0xA00] =	vst v32  }
0x175: {  	vm5 =	vgt.u32 v1, $0x1;
	v35 =	vld [tilespmem:$0x300];
	v4 =	vsel vm4, $0x0, v28;
	[tilespmem:$0xA10] =	vst v3  }
0x176: {  	v36 =	vld [tilespmem:$0x310];
	v5 =	vsel vm4, $0x0, v29;
	v6 =	vnsel vm5, $0x0, v30;
	[tilespmem:$0xA20] =	vst v4  }
0x177: {  	v38 =	vld [tilespmem:$0x320];
	v37 =	vnsel vm5, $0x0, v31;
	[tilespmem:$0xA30] =	vst v5;
	v0 =	vadd.s32 v32, v6  }
0x178: {  	v39 =	vld [tilespmem:$0x330];
	v2 =	vnsel vm5, $0x0, v33;
	v3 =	vadd.s32 v3, v37;
	[tilespmem:$0xA00] =	vst v0  }
0x179: {  	vm6 =	vgt.u32 v1, $0x2;
	v40 =	vld [tilespmem:$0x380];
	v8 =	vnsel vm5, $0x0, v34;
	v2 =	vadd.s32 v4, v2;
	[tilespmem:$0xA10] =	vst v3  }
0x17a: {  	v42 =	vld [tilespmem:$0x390];
	v41 =	vnsel vm6, $0x0, v35;
	v5 =	vadd.s32 v5, v8;
	[tilespmem:$0xA20] =	vst v2  }
0x17b: {  	v44 =	vld [tilespmem:$0x3A0];
	v43 =	vnsel vm6, $0x0, v36;
	[tilespmem:$0xA30] =	vst v5;
	v0 =	vadd.s32 v0, v41  }
0x17c: {  	v45 =	vld [tilespmem:$0x3B0];
	v7 =	vnsel vm6, $0x0, v38;
	v3 =	vadd.s32 v3, v43;
	[tilespmem:$0xA00] =	vst v0  }
0x17d: {  	vm7 =	vgt.u32 v1, $0x3;
	v46 =	vld [tilespmem:$0x400];
	v6 =	vnsel vm6, $0x0, v39;
	v2 =	vadd.s32 v2, v7;
	[tilespmem:$0xA10] =	vst v3  }
0x17e: {  	v47 =	vld [tilespmem:$0x410];
	v4 =	vnsel vm7, $0x0, v40;
	v5 =	vadd.s32 v5, v6;
	[tilespmem:$0xA20] =	vst v2  }
0x17f: {  	v49 =	vld [tilespmem:$0x420];
	v48 =	vnsel vm7, $0x0, v42;
	[tilespmem:$0xA30] =	vst v5;
	v0 =	vadd.s32 v0, v4  }
0x180: {  	v51 =	vld [tilespmem:$0x430];
	v50 =	vnsel vm7, $0x0, v44;
	v3 =	vadd.s32 v3, v48;
	[tilespmem:$0xA00] =	vst v0  }
0x181: {  	vm8 =	vgt.u32 v1, $0x4;
	v52 =	vld [tilespmem:$0x480];
	v8 =	vnsel vm7, $0x0, v45;
	v2 =	vadd.s32 v2, v50;
	[tilespmem:$0xA10] =	vst v3  }
0x182: {  	v53 =	vld [tilespmem:$0x490];
	v7 =	vnsel vm8, $0x0, v46;
	v5 =	vadd.s32 v5, v8;
	[tilespmem:$0xA20] =	vst v2  }
0x183: {  	v54 =	vld [tilespmem:$0x4A0];
	v6 =	vnsel vm8, $0x0, v47;
	[tilespmem:$0xA30] =	vst v5;
	v0 =	vadd.s32 v0, v7  }
0x184: {  	v56 =	vld [tilespmem:$0x4B0];
	v55 =	vnsel vm8, $0x0, v49;
	v3 =	vadd.s32 v3, v6;
	[tilespmem:$0xA00] =	vst v0  }
0x185: {  	vm9 =	vgt.u32 v1, $0x5;
	v57 =	vld [tilespmem:$0x500];
	v10 =	vnsel vm8, $0x0, v51;
	v2 =	vadd.s32 v2, v55;
	[tilespmem:$0xA10] =	vst v3  }
0x186: {  	v58 =	vld [tilespmem:$0x510];
	v4 =	vnsel vm9, $0x0, v52;
	v5 =	vadd.s32 v5, v10;
	[tilespmem:$0xA20] =	vst v2  }
0x187: {  	v60 =	vld [tilespmem:$0x520];
	v59 =	vnsel vm9, $0x0, v53;
	[tilespmem:$0xA30] =	vst v5;
	v0 =	vadd.s32 v0, v4  }
0x188: {  	v62 =	vld [tilespmem:$0x530];
	v61 =	vnsel vm9, $0x0, v54;
	v3 =	vadd.s32 v3, v59;
	[tilespmem:$0xA00] =	vst v0  }
0x189: {  	vm10 =	vgt.u32 v1, $0x6;
	v63 =	vld [tilespmem:$0x580];
	v9 =	vnsel vm9, $0x0, v56;
	v2 =	vadd.s32 v2, v61;
	[tilespmem:$0xA10] =	vst v3  }
0x18a: {  	v12 =	vld [tilespmem:$0x590];
	v6 =	vnsel vm10, $0x0, v57;
	v5 =	vadd.s32 v5, v9;
	[tilespmem:$0xA20] =	vst v2  }
0x18b: {  	v14 =	vld [tilespmem:$0x5A0];
	v13 =	vnsel vm10, $0x0, v58;
	[tilespmem:$0xA30] =	vst v5;
	v0 =	vadd.s32 v0, v6  }
0x18c: {  	v16 =	vld [tilespmem:$0x5B0];
	v15 =	vnsel vm10, $0x0, v60;
	v3 =	vadd.s32 v3, v13;
	[tilespmem:$0xA00] =	vst v0  }
0x18d: {  	vm11 =	vgt.u32 v1, $0x7;
	v17 =	vld [tilespmem:$0x600];
	v7 =	vnsel vm10, $0x0, v62;
	v2 =	vadd.s32 v2, v15;
	[tilespmem:$0xA10] =	vst v3  }
0x18e: {  	v18 =	vld [tilespmem:$0x610];
	v4 =	vnsel vm11, $0x0, v63;
	v5 =	vadd.s32 v5, v7;
	[tilespmem:$0xA20] =	vst v2  }
0x18f: {  	v20 =	vld [tilespmem:$0x620];
	v19 =	vnsel vm11, $0x0, v12;
	[tilespmem:$0xA30] =	vst v5;
	v0 =	vadd.s32 v0, v4  }
0x190: {  	v22 =	vld [tilespmem:$0x630];
	v21 =	vnsel vm11, $0x0, v14;
	v3 =	vadd.s32 v3, v19;
	[tilespmem:$0xA00] =	vst v0  }
0x191: {  	vm12 =	vgt.u32 v1, $0x8;
	v23 =	vld [tilespmem:$0x680];
	v8 =	vnsel vm11, $0x0, v16;
	v2 =	vadd.s32 v2, v21;
	[tilespmem:$0xA10] =	vst v3  }
0x192: {  	v24 =	vld [tilespmem:$0x690];
	v6 =	vnsel vm12, $0x0, v17;
	v5 =	vadd.s32 v5, v8;
	[tilespmem:$0xA20] =	vst v2  }
0x193: {  	v25 =	vnsel vm12, $0x0, v18;
	v26 =	vld [tilespmem:$0x6A0];
	[tilespmem:$0xA30] =	vst v5;
	v0 =	vadd.s32 v0, v6  }
0x194: {  	v27 =	vnsel vm12, $0x0, v20;
	v28 =	vld [tilespmem:$0x6B0];
	v3 =	vadd.s32 v3, v25;
	[tilespmem:$0xA00] =	vst v0  }
0x195: {  	vm13 =	vgt.u32 v1, $0x9;
	v29 =	vld [tilespmem:$0x700];
	v10 =	vnsel vm12, $0x0, v22;
	v2 =	vadd.s32 v2, v27;
	[tilespmem:$0xA10] =	vst v3  }
0x196: {  	v30 =	vld [tilespmem:$0x710];
	v4 =	vnsel vm13, $0x0, v23;
	v5 =	vadd.s32 v5, v10;
	[tilespmem:$0xA20] =	vst v2  }
0x197: {  	v31 =	vnsel vm13, $0x0, v24;
	v32 =	vld [tilespmem:$0x720];
	[tilespmem:$0xA30] =	vst v5;
	v0 =	vadd.s32 v0, v4  }
0x198: {  	v34 =	vld [tilespmem:$0x730];
	v33 =	vnsel vm13, $0x0, v26;
	v3 =	vadd.s32 v3, v31;
	[tilespmem:$0xA00] =	vst v0  }
0x199: {  	vm14 =	vgt.u32 v1, $0xA;
	v35 =	vld [tilespmem:$0x780];
	v9 =	vnsel vm13, $0x0, v28;
	v2 =	vadd.s32 v2, v33;
	[tilespmem:$0xA10] =	vst v3  }
0x19a: {  	v36 =	vld [tilespmem:$0x790];
	v6 =	vnsel vm14, $0x0, v29;
	v5 =	vadd.s32 v5, v9;
	[tilespmem:$0xA20] =	vst v2  }
0x19b: {  	v38 =	vld [tilespmem:$0x7A0];
	v37 =	vnsel vm14, $0x0, v30;
	[tilespmem:$0xA30] =	vst v5;
	v0 =	vadd.s32 v0, v6  }
0x19c: {  	v40 =	vld [tilespmem:$0x7B0];
	v39 =	vnsel vm14, $0x0, v32;
	v3 =	vadd.s32 v3, v37;
	[tilespmem:$0xA00] =	vst v0  }
0x19d: {  	vm15 =	vgt.u32 v1, $0xB;
	v41 =	vld [tilespmem:$0x800];
	v7 =	vnsel vm14, $0x0, v34;
	v2 =	vadd.s32 v2, v39;
	[tilespmem:$0xA10] =	vst v3  }
0x19e: {  	v42 =	vld [tilespmem:$0x810];
	v4 =	vnsel vm15, $0x0, v35;
	v5 =	vadd.s32 v5, v7;
	[tilespmem:$0xA20] =	vst v2  }
0x19f: {  	v44 =	vld [tilespmem:$0x820];
	v43 =	vnsel vm15, $0x0, v36;
	[tilespmem:$0xA30] =	vst v5;
	v0 =	vadd.s32 v0, v4  }
0x1a0: {  	v46 =	vld [tilespmem:$0x830];
	v45 =	vnsel vm15, $0x0, v38;
	v3 =	vadd.s32 v3, v43;
	[tilespmem:$0xA00] =	vst v0  }
0x1a1: {  	vm4 =	vgt.u32 v1, $0xC;
	v47 =	vld [tilespmem:$0x880];
	v8 =	vnsel vm15, $0x0, v40;
	v2 =	vadd.s32 v2, v45;
	[tilespmem:$0xA10] =	vst v3  }
0x1a2: {  	v48 =	vld [tilespmem:$0x890];
	v6 =	vnsel vm4, $0x0, v41;
	v5 =	vadd.s32 v5, v8;
	[tilespmem:$0xA20] =	vst v2  }
0x1a3: {  	v50 =	vld [tilespmem:$0x8A0];
	v49 =	vnsel vm4, $0x0, v42;
	[tilespmem:$0xA30] =	vst v5;
	v0 =	vadd.s32 v0, v6  }
0x1a4: {  	v52 =	vld [tilespmem:$0x8B0];
	v51 =	vnsel vm4, $0x0, v44;
	v3 =	vadd.s32 v3, v49;
	[tilespmem:$0xA00] =	vst v0  }
0x1a5: {  	vm5 =	vgt.u32 v1, $0xD;
	v53 =	vld [tilespmem:$0x900];
	v10 =	vnsel vm4, $0x0, v46;
	v2 =	vadd.s32 v2, v51;
	[tilespmem:$0xA10] =	vst v3  }
0x1a6: {  	v54 =	vld [tilespmem:$0x910];
	v4 =	vnsel vm5, $0x0, v47;
	v5 =	vadd.s32 v5, v10;
	[tilespmem:$0xA20] =	vst v2  }
0x1a7: {  	v56 =	vld [tilespmem:$0x920];
	v55 =	vnsel vm5, $0x0, v48;
	[tilespmem:$0xA30] =	vst v5;
	v0 =	vadd.s32 v0, v4  }
0x1a8: {  	v57 =	vnsel vm5, $0x0, v50;
	v3 =	vadd.s32 v3, v55;
	[tilespmem:$0xA00] =	vst v0  }
0x1a9: {  	vm6 =	veq.s32 v1, $0xF;
	v58 =	vnsel vm5, $0x0, v52;
	v2 =	vadd.s32 v2, v57;
	[tilespmem:$0xA10] =	vst v3  }
0x1aa: {  	v60 =	vnsel vm6, $0x0, v53;
	v61 =	vld [tilespmem:$0x930];
	v59 =	vadd.s32 v5, v58;
	[tilespmem:$0xA20] =	vst v2  }
0x1ab: {  	v62 =	vnsel vm6, $0x0, v54;
	v63 =	vld [tilespmem:$0x0];
	[tilespmem:$0xA30] =	vst v59;
	v0 =	vadd.s32 v0, v60  }
0x1ac: {  	v9 =	vnsel vm6, $0x0, v56;
	v3 =	vadd.s32 v3, v62;
	[tilespmem:$0xA00] =	vst v0  }
0x1ad: {  	v2 =	vadd.s32 v2, v9;
	[tilespmem:$0xA10] =	vst v3  }
0x1ae: {  	[tilespmem:$0xA20] =	vst v2  }
0x1af: {  	[tilespmem:$0xA00] =	vst v0  }
0x1b0: {  	v10 =	vnsel vm6, $0x0, v61;
	[tilespmem:$0xA10] =	vst v3  }
0x1b1: {  	v0 =	vadd.s32 v59, v10;
	[tilespmem:$0xA20] =	vst v2  }
0x1b2: {  	s24 =	simm.s32 $0xA00;
	v11 =	vld [tilespmem:$0x100];
	[tilespmem:$0xA30] =	vst v0  }
0x1b3: {  	v0 =	vld.idx.msk [tilespmem:v63+s24+$0x0], $0xffff;
	_ =	sdelay $0x2  }
0x1b4: {  	v12 =	vld [tilespmem:$0x10]  }
0x1b5: {  	v13 =	vld [tilespmem:$0x80]  }
0x1b6: {  	v14 =	vshll.u32 v63, $0x6;
	v0 =	vadd.s32 v0, v11  }
0x1b7: {  	v1 =	vor.u32 $0x1000, v1;
	vm7 =	vlt.s32 v0, $0x40;
	v0 =	vadd.s32 v14, v0  }
0x1b8: {  	v2 =	vsel vm7, v0, v1  }
0x1b9: {  	v0 =	vnsel vm7, $0x0, v0;
	[tilespmem:$0xB00] =	vst v2  }
0x1ba: {  	v15 =	vnsel vm7, $0x0, v13;
	[tilespmem:$0xA80] =	vst v0  }
0x1bb: {  	v16 =	vld [tilespmem:$0x110];
	[tilespmem:$0x80] =	vst v15  }
0x1bc: {  	v0 =	vld.idx.msk [tilespmem:v12+s24+$0x0], $0xffff;
	_ =	sdelay $0x2  }
0x1bd: {  	v17 =	vld [tilespmem:$0x20]  }
0x1be: {  	v18 =	vld [tilespmem:$0x90]  }
0x1bf: {  	v19 =	vshll.u32 v12, $0x6;
	v0 =	vadd.s32 v0, v16  }
0x1c0: {  	vm8 =	vlt.s32 v0, $0x40;
	v0 =	vadd.s32 v19, v0  }
0x1c1: {  	v2 =	vsel vm8, v0, v1  }
0x1c2: {  	v0 =	vnsel vm8, $0x0, v0;
	[tilespmem:$0xB10] =	vst v2  }
0x1c3: {  	v20 =	vnsel vm8, $0x0, v18;
	[tilespmem:$0xA90] =	vst v0  }
0x1c4: {  	v21 =	vld [tilespmem:$0x120];
	[tilespmem:$0x90] =	vst v20  }
0x1c5: {  	v0 =	vld.idx.msk [tilespmem:v17+s24+$0x0], $0xffff;
	_ =	sdelay $0x2  }
0x1c6: {  	v22 =	vld [tilespmem:$0x30]  }
0x1c7: {  	v23 =	vld [tilespmem:$0xA0]  }
0x1c8: {  	v24 =	vshll.u32 v17, $0x6;
	v0 =	vadd.s32 v0, v21  }
0x1c9: {  	vm9 =	vlt.s32 v0, $0x40;
	v0 =	vadd.s32 v24, v0  }
0x1ca: {  	v2 =	vsel vm9, v0, v1  }
0x1cb: {  	v0 =	vnsel vm9, $0x0, v0;
	[tilespmem:$0xB20] =	vst v2  }
0x1cc: {  	v25 =	vnsel vm9, $0x0, v23;
	[tilespmem:$0xAA0] =	vst v0  }
0x1cd: {  	v26 =	vld [tilespmem:$0x130];
	[tilespmem:$0xA0] =	vst v25  }
0x1ce: {  	v0 =	vld.idx.msk [tilespmem:v22+s24+$0x0], $0xffff;
	_ =	sdelay $0x2  }
0x1cf: {  	v27 =	vld [tilespmem:$0x40]  }
0x1d0: {  	v28 =	vld [tilespmem:$0xB0]  }
0x1d1: {  	v29 =	vshll.u32 v22, $0x6;
	v0 =	vadd.s32 v0, v26  }
0x1d2: {  	vm10 =	vlt.s32 v0, $0x40;
	v0 =	vadd.s32 v29, v0  }
0x1d3: {  	v2 =	vsel vm10, v0, v1  }
0x1d4: {  	v0 =	vnsel vm10, $0x0, v0;
	[tilespmem:$0xB30] =	vst v2  }
0x1d5: {  	v30 =	vnsel vm10, $0x0, v28;
	[tilespmem:$0xAB0] =	vst v0  }
0x1d6: {  	v31 =	vld [tilespmem:$0x140];
	[tilespmem:$0xB0] =	vst v30  }
0x1d7: {  	v0 =	vld.idx.msk [tilespmem:v27+s24+$0x0], $0xffff;
	_ =	sdelay $0x2  }
0x1d8: {  	v32 =	vld [tilespmem:$0x50]  }
0x1d9: {  	v33 =	vld [tilespmem:$0xC0]  }
0x1da: {  	v34 =	vshll.u32 v27, $0x6;
	v0 =	vadd.s32 v0, v31  }
0x1db: {  	vm11 =	vlt.s32 v0, $0x40;
	v0 =	vadd.s32 v34, v0  }
0x1dc: {  	v2 =	vsel vm11, v0, v1  }
0x1dd: {  	v0 =	vnsel vm11, $0x0, v0;
	[tilespmem:$0xB40] =	vst v2  }
0x1de: {  	v35 =	vnsel vm11, $0x0, v33;
	[tilespmem:$0xAC0] =	vst v0  }
0x1df: {  	v36 =	vld [tilespmem:$0x150];
	[tilespmem:$0xC0] =	vst v35  }
0x1e0: {  	v0 =	vld.idx.msk [tilespmem:v32+s24+$0x0], $0xffff;
	_ =	sdelay $0x2  }
0x1e1: {  	v37 =	vld [tilespmem:$0x60]  }
0x1e2: {  	v38 =	vld [tilespmem:$0xD0]  }
0x1e3: {  	v39 =	vshll.u32 v32, $0x6;
	v0 =	vadd.s32 v0, v36  }
0x1e4: {  	vm12 =	vlt.s32 v0, $0x40;
	v0 =	vadd.s32 v39, v0  }
0x1e5: {  	v2 =	vsel vm12, v0, v1  }
0x1e6: {  	v0 =	vnsel vm12, $0x0, v0;
	[tilespmem:$0xB50] =	vst v2  }
0x1e7: {  	v40 =	vnsel vm12, $0x0, v38;
	[tilespmem:$0xAD0] =	vst v0  }
0x1e8: {  	v41 =	vld [tilespmem:$0x160];
	[tilespmem:$0xD0] =	vst v40  }
0x1e9: {  	v0 =	vld.idx.msk [tilespmem:v37+s24+$0x0], $0xffff;
	_ =	sdelay $0x2  }
0x1ea: {  	v42 =	vld [tilespmem:$0x70]  }
0x1eb: {  	v43 =	vld [tilespmem:$0xE0]  }
0x1ec: {  	v44 =	vshll.u32 v37, $0x6;
	v0 =	vadd.s32 v0, v41  }
0x1ed: {  	vm13 =	vlt.s32 v0, $0x40;
	v0 =	vadd.s32 v44, v0  }
0x1ee: {  	v2 =	vsel vm13, v0, v1  }
0x1ef: {  	v0 =	vnsel vm13, $0x0, v0;
	[tilespmem:$0xB60] =	vst v2  }
0x1f0: {  	v45 =	vnsel vm13, $0x0, v43;
	[tilespmem:$0xAE0] =	vst v0  }
0x1f1: {  	v46 =	vld [tilespmem:$0x170];
	[tilespmem:$0xE0] =	vst v45  }
0x1f2: {  	v0 =	vld.idx.msk [tilespmem:v42+s24+$0x0], $0xffff;
	_ =	sdelay $0x3  }
0x1f3: {  	v47 =	vld [tilespmem:$0xF0]  }
0x1f4: {  	v48 =	vshll.u32 v42, $0x6;
	v0 =	vadd.s32 v0, v46  }
0x1f5: {  	vm14 =	vlt.s32 v0, $0x40;
	v0 =	vadd.s32 v48, v0  }
0x1f6: {  	v1 =	vsel vm14, v0, v1  }
0x1f7: {  	v0 =	vnsel vm14, $0x0, v0;
	[tilespmem:$0xB70] =	vst v1  }
0x1f8: {  	s25 =	sadd.s32 $0x93C00, s3;
	v49 =	vnsel vm14, $0x0, v47;
	[tilespmem:$0xAF0] =	vst v0  }
0x1f9: {  	s26 =	simm.s32 $0xA80;
	s7 =	sadd.s32 s25, s5;
	[tilespmem:$0xF0] =	vst v49  }
0x1fa: {  	[hbm4b:s7+s2] =	stream.linear.scatter [tilespmem:s26], [sflag:$0x2], $0x80, $0x38;
	[tilespmem:$0x18BC0] =	vst v63  }
0x1fb: {  	_ =	swait.ge [sflag:s20], $0x80  }
0x1fc: {  	s28 =	sadd.s32 $0x93A00, s3;
	[sflag:s20] =	ssyncset.done $0x0  }
0x1fd: {  	s5 =	sadd.s32 s28, s5;
	[sflag:s20] =	ssyncadd.s32 $0xFFFFFF80  }
0x1fe: {  	[hbm4b:s5+s2] =	stream.linear.scatter [tilespmem:s21], [sflag:$0x2], $0x80, $0x38;
	[tilespmem:$0x18BC0] =	vst v63  }
0x1ff: {  	s29 =	smul.u32 $0x3000, s1;
	_ =	swait.ge [sflag:s20], $0x80  }
0x200: {  	s30 =	sadd.s32 $0x1E00, s3;
	[sflag:s20] =	ssyncset.done $0x0  }
0x201: {  	s31 =	simm.s32 $0xB80;
	s5 =	sadd.s32 s30, s29;
	[sflag:s20] =	ssyncadd.s32 $0xFFFFFF80  }
0x202: {  	[tilespmem:s31], [sflag:$0x2] =	stream.linear.gather [hbm4b:s5+s2], $0x18000, $0x38;
	[tilespmem:$0x18BC0] =	vst v63  }
0x203: {  	_ =	swait.ge [sflag:s20], $0x18000  }
0x204: {  	[sflag:s20] =	ssyncset.done $0x0  }
0x205: {  	[sflag:s20] =	ssyncadd.s32 $0xFFFE8000  }
0x206: {  	v50 =	vld [tilespmem:$0xB00];
	_ =	sdelay $0x4  }
0x207: {  	v51 =	vshrl.u32 v50, $0x3  }
0x208: {  	v1 =	vmul.u32 $0x30, v51  }
0x209: {  	v52 =	vlaneseq.u32;
	v0 =	vand.u32 $0x7, v50  }
0x20a: {  	v54 =	vand.u32 $0x7, v52;
	v55 =	vshrl.u32 v52, $0x3;
	v53 =	vor.u32 v0, v1  }
0x20b: {  	v0 =	vmul.u32 $0x8, v55;
	v56 =	vperm.xlane v53, v54;
	_ =	sdelay $0x1  }
0x20c: {  	v4 =	vadd.s32 v0, v56;
	_ =	sdelay $0x2  }
0x20d: {  	v2 =	vor.u32 $0x8, v52  }
0x20e: {  	s3 =	sadd.s32 $0x32200, s3;
	vm15 =	vmmov $0xffff;
	v3 =	vperm.xlane v53, v2  }
0x20f: {  	[hbm4b:s3+s2] =	stream.indirect_vreg.scatter [tilespmem:s31], [sflag:$0x1], $0x80, v4, vm15, $0xb8;
	[tilespmem:$0x18BC0] =	vst v63  }
0x210: {  	s4 =	sadd.s32 $0x100, s3;
	s7 =	simm.s32 $0x1380;
	v3 =	vadd.s32 v0, v3  }
0x211: {  	[hbm4b:s4+s2] =	stream.indirect_vreg.scatter [tilespmem:s7], [sflag:$0x1], $0x80, v4, vm15, $0xb8;
	[tilespmem:$0x18BC0] =	vst v63  }
0x212: {  	s8 =	simm.s32 $0x1B80;
	s5 =	sadd.s32 $0x200, s3  }
0x213: {  	[hbm4b:s5+s2] =	stream.indirect_vreg.scatter [tilespmem:s8], [sflag:$0x1], $0x80, v4, vm15, $0xb8;
	[tilespmem:$0x18BC0] =	vst v63  }
0x214: {  	s9 =	simm.s32 $0x2380  }
0x215: {  	[hbm4b:s3+s2] =	stream.indirect_vreg.scatter [tilespmem:s9], [sflag:$0x1], $0x80, v3, vm15, $0xb8;
	[tilespmem:$0x18BC0] =	vst v63  }
0x216: {  	s10 =	simm.s32 $0x2B80  }
0x217: {  	[hbm4b:s4+s2] =	stream.indirect_vreg.scatter [tilespmem:s10], [sflag:$0x1], $0x80, v3, vm15, $0xb8;
	[tilespmem:$0x18BC0] =	vst v63  }
0x218: {  	s11 =	simm.s32 $0x3380  }
0x219: {  	[hbm4b:s5+s2] =	stream.indirect_vreg.scatter [tilespmem:s11], [sflag:$0x1], $0x80, v3, vm15, $0xb8;
	[tilespmem:$0x18BC0] =	vst v63  }
0x21a: {  	v3 =	vld [tilespmem:$0xB10];
	_ =	sdelay $0x4  }
0x21b: {  	v57 =	vshrl.u32 v3, $0x3  }
0x21c: {  	v4 =	vmul.u32 $0x30, v57  }
0x21d: {  	v3 =	vand.u32 $0x7, v3  }
0x21e: {  	v3 =	vor.u32 v3, v4  }
0x21f: {  	v4 =	vperm.xlane v3, v54;
	_ =	sdelay $0x1  }
0x220: {  	v4 =	vadd.s32 v0, v4;
	_ =	sdelay $0x3  }
0x221: {  	s12 =	simm.s32 $0x3B80;
	v3 =	vperm.xlane v3, v2  }
0x222: {  	[hbm4b:s3+s2] =	stream.indirect_vreg.scatter [tilespmem:s12], [sflag:$0x1], $0x80, v4, vm15, $0xb8;
	[tilespmem:$0x18BC0] =	vst v63  }
0x223: {  	s13 =	simm.s32 $0x4380;
	v3 =	vadd.s32 v0, v3  }
0x224: {  	[hbm4b:s4+s2] =	stream.indirect_vreg.scatter [tilespmem:s13], [sflag:$0x1], $0x80, v4, vm15, $0xb8;
	[tilespmem:$0x18BC0] =	vst v63  }
0x225: {  	s14 =	simm.s32 $0x4B80  }
0x226: {  	[hbm4b:s5+s2] =	stream.indirect_vreg.scatter [tilespmem:s14], [sflag:$0x1], $0x80, v4, vm15, $0xb8;
	[tilespmem:$0x18BC0] =	vst v63  }
0x227: {  	s15 =	simm.s32 $0x5380  }
0x228: {  	[hbm4b:s3+s2] =	stream.indirect_vreg.scatter [tilespmem:s15], [sflag:$0x1], $0x80, v3, vm15, $0xb8;
	[tilespmem:$0x18BC0] =	vst v63  }
0x229: {  	s16 =	simm.s32 $0x5B80  }
0x22a: {  	[hbm4b:s4+s2] =	stream.indirect_vreg.scatter [tilespmem:s16], [sflag:$0x1], $0x80, v3, vm15, $0xb8;
	[tilespmem:$0x18BC0] =	vst v63  }
0x22b: {  	s17 =	simm.s32 $0x6380  }
0x22c: {  	[hbm4b:s5+s2] =	stream.indirect_vreg.scatter [tilespmem:s17], [sflag:$0x1], $0x80, v3, vm15, $0xb8;
	[tilespmem:$0x18BC0] =	vst v63  }
0x22d: {  	v3 =	vld [tilespmem:$0xB20];
	_ =	sdelay $0x4  }
0x22e: {  	v58 =	vshrl.u32 v3, $0x3  }
0x22f: {  	v4 =	vmul.u32 $0x30, v58  }
0x230: {  	v3 =	vand.u32 $0x7, v3  }
0x231: {  	v3 =	vor.u32 v3, v4  }
0x232: {  	v4 =	vperm.xlane v3, v54;
	_ =	sdelay $0x1  }
0x233: {  	v4 =	vadd.s32 v0, v4;
	_ =	sdelay $0x3  }
0x234: {  	s18 =	simm.s32 $0x6B80;
	v3 =	vperm.xlane v3, v2  }
0x235: {  	[hbm4b:s3+s2] =	stream.indirect_vreg.scatter [tilespmem:s18], [sflag:$0x1], $0x80, v4, vm15, $0xb8;
	[tilespmem:$0x18BC0] =	vst v63  }
0x236: {  	s19 =	simm.s32 $0x7380;
	v3 =	vadd.s32 v0, v3  }
0x237: {  	[hbm4b:s4+s2] =	stream.indirect_vreg.scatter [tilespmem:s19], [sflag:$0x1], $0x80, v4, vm15, $0xb8;
	[tilespmem:$0x18BC0] =	vst v63  }
0x238: {  	s20 =	simm.s32 $0x7B80  }
0x239: {  	[hbm4b:s5+s2] =	stream.indirect_vreg.scatter [tilespmem:s20], [sflag:$0x1], $0x80, v4, vm15, $0xb8;
	[tilespmem:$0x18BC0] =	vst v63  }
0x23a: {  	s21 =	simm.s32 $0x8380  }
0x23b: {  	[hbm4b:s3+s2] =	stream.indirect_vreg.scatter [tilespmem:s21], [sflag:$0x1], $0x80, v3, vm15, $0xb8;
	[tilespmem:$0x18BC0] =	vst v63  }
0x23c: {  	s22 =	simm.s32 $0x8B80  }
0x23d: {  	[hbm4b:s4+s2] =	stream.indirect_vreg.scatter [tilespmem:s22], [sflag:$0x1], $0x80, v3, vm15, $0xb8;
	[tilespmem:$0x18BC0] =	vst v63  }
0x23e: {  	s23 =	simm.s32 $0x9380  }
0x23f: {  	[hbm4b:s5+s2] =	stream.indirect_vreg.scatter [tilespmem:s23], [sflag:$0x1], $0x80, v3, vm15, $0xb8;
	[tilespmem:$0x18BC0] =	vst v63  }
0x240: {  	v3 =	vld [tilespmem:$0xB30];
	_ =	sdelay $0x4  }
0x241: {  	v59 =	vshrl.u32 v3, $0x3  }
0x242: {  	v4 =	vmul.u32 $0x30, v59  }
0x243: {  	v3 =	vand.u32 $0x7, v3  }
0x244: {  	v3 =	vor.u32 v3, v4  }
0x245: {  	v4 =	vperm.xlane v3, v54;
	_ =	sdelay $0x1  }
0x246: {  	v4 =	vadd.s32 v0, v4;
	_ =	sdelay $0x3  }
0x247: {  	s24 =	simm.s32 $0x9B80;
	v3 =	vperm.xlane v3, v2  }
0x248: {  	[hbm4b:s3+s2] =	stream.indirect_vreg.scatter [tilespmem:s24], [sflag:$0x1], $0x80, v4, vm15, $0xb8;
	[tilespmem:$0x18BC0] =	vst v63  }
0x249: {  	s25 =	simm.s32 $0xA380;
	v3 =	vadd.s32 v0, v3  }
0x24a: {  	[hbm4b:s4+s2] =	stream.indirect_vreg.scatter [tilespmem:s25], [sflag:$0x1], $0x80, v4, vm15, $0xb8;
	[tilespmem:$0x18BC0] =	vst v63  }
0x24b: {  	s26 =	simm.s32 $0xAB80  }
0x24c: {  	[hbm4b:s5+s2] =	stream.indirect_vreg.scatter [tilespmem:s26], [sflag:$0x1], $0x80, v4, vm15, $0xb8;
	[tilespmem:$0x18BC0] =	vst v63  }
0x24d: {  	s28 =	simm.s32 $0xB380  }
0x24e: {  	[hbm4b:s3+s2] =	stream.indirect_vreg.scatter [tilespmem:s28], [sflag:$0x1], $0x80, v3, vm15, $0xb8;
	[tilespmem:$0x18BC0] =	vst v63  }
0x24f: {  	s29 =	simm.s32 $0xBB80  }
0x250: {  	[hbm4b:s4+s2] =	stream.indirect_vreg.scatter [tilespmem:s29], [sflag:$0x1], $0x80, v3, vm15, $0xb8;
	[tilespmem:$0x18BC0] =	vst v63  }
0x251: {  	s30 =	simm.s32 $0xC380  }
0x252: {  	[hbm4b:s5+s2] =	stream.indirect_vreg.scatter [tilespmem:s30], [sflag:$0x1], $0x80, v3, vm15, $0xb8;
	[tilespmem:$0x18BC0] =	vst v63  }
0x253: {  	v3 =	vld [tilespmem:$0xB40];
	_ =	sdelay $0x4  }
0x254: {  	v60 =	vshrl.u32 v3, $0x3  }
0x255: {  	v4 =	vmul.u32 $0x30, v60  }
0x256: {  	v3 =	vand.u32 $0x7, v3  }
0x257: {  	v3 =	vor.u32 v3, v4  }
0x258: {  	v4 =	vperm.xlane v3, v54;
	_ =	sdelay $0x1  }
0x259: {  	v4 =	vadd.s32 v0, v4;
	_ =	sdelay $0x3  }
0x25a: {  	s31 =	simm.s32 $0xCB80;
	v3 =	vperm.xlane v3, v2  }
0x25b: {  	[hbm4b:s3+s2] =	stream.indirect_vreg.scatter [tilespmem:s31], [sflag:$0x1], $0x80, v4, vm15, $0xb8;
	[tilespmem:$0x18BC0] =	vst v63  }
0x25c: {  	s7 =	simm.s32 $0xD380;
	v3 =	vadd.s32 v0, v3  }
0x25d: {  	[hbm4b:s4+s2] =	stream.indirect_vreg.scatter [tilespmem:s7], [sflag:$0x1], $0x80, v4, vm15, $0xb8;
	[tilespmem:$0x18BC0] =	vst v63  }
0x25e: {  	s8 =	simm.s32 $0xDB80  }
0x25f: {  	[hbm4b:s5+s2] =	stream.indirect_vreg.scatter [tilespmem:s8], [sflag:$0x1], $0x80, v4, vm15, $0xb8;
	[tilespmem:$0x18BC0] =	vst v63  }
0x260: {  	s9 =	simm.s32 $0xE380  }
0x261: {  	[hbm4b:s3+s2] =	stream.indirect_vreg.scatter [tilespmem:s9], [sflag:$0x1], $0x80, v3, vm15, $0xb8;
	[tilespmem:$0x18BC0] =	vst v63  }
0x262: {  	s10 =	simm.s32 $0xEB80  }
0x263: {  	[hbm4b:s4+s2] =	stream.indirect_vreg.scatter [tilespmem:s10], [sflag:$0x1], $0x80, v3, vm15, $0xb8;
	[tilespmem:$0x18BC0] =	vst v63  }
0x264: {  	s11 =	simm.s32 $0xF380  }
0x265: {  	[hbm4b:s5+s2] =	stream.indirect_vreg.scatter [tilespmem:s11], [sflag:$0x1], $0x80, v3, vm15, $0xb8;
	[tilespmem:$0x18BC0] =	vst v63  }
0x266: {  	v3 =	vld [tilespmem:$0xB50];
	_ =	sdelay $0x4  }
0x267: {  	v61 =	vshrl.u32 v3, $0x3  }
0x268: {  	v4 =	vmul.u32 $0x30, v61  }
0x269: {  	v3 =	vand.u32 $0x7, v3  }
0x26a: {  	v3 =	vor.u32 v3, v4  }
0x26b: {  	v4 =	vperm.xlane v3, v54;
	_ =	sdelay $0x1  }
0x26c: {  	v4 =	vadd.s32 v0, v4;
	_ =	sdelay $0x3  }
0x26d: {  	s12 =	simm.s32 $0xFB80;
	v3 =	vperm.xlane v3, v2  }
0x26e: {  	[hbm4b:s3+s2] =	stream.indirect_vreg.scatter [tilespmem:s12], [sflag:$0x1], $0x80, v4, vm15, $0xb8;
	[tilespmem:$0x18BC0] =	vst v63  }
0x26f: {  	s13 =	simm.s32 $0x10380;
	v3 =	vadd.s32 v0, v3  }
0x270: {  	[hbm4b:s4+s2] =	stream.indirect_vreg.scatter [tilespmem:s13], [sflag:$0x1], $0x80, v4, vm15, $0xb8;
	[tilespmem:$0x18BC0] =	vst v63  }
0x271: {  	s14 =	simm.s32 $0x10B80  }
0x272: {  	[hbm4b:s5+s2] =	stream.indirect_vreg.scatter [tilespmem:s14], [sflag:$0x1], $0x80, v4, vm15, $0xb8;
	[tilespmem:$0x18BC0] =	vst v63  }
0x273: {  	s15 =	simm.s32 $0x11380  }
0x274: {  	[hbm4b:s3+s2] =	stream.indirect_vreg.scatter [tilespmem:s15], [sflag:$0x1], $0x80, v3, vm15, $0xb8;
	[tilespmem:$0x18BC0] =	vst v63  }
0x275: {  	s16 =	simm.s32 $0x11B80  }
0x276: {  	[hbm4b:s4+s2] =	stream.indirect_vreg.scatter [tilespmem:s16], [sflag:$0x1], $0x80, v3, vm15, $0xb8;
	[tilespmem:$0x18BC0] =	vst v63  }
0x277: {  	s17 =	simm.s32 $0x12380  }
0x278: {  	[hbm4b:s5+s2] =	stream.indirect_vreg.scatter [tilespmem:s17], [sflag:$0x1], $0x80, v3, vm15, $0xb8;
	[tilespmem:$0x18BC0] =	vst v63  }
0x279: {  	v3 =	vld [tilespmem:$0xB60];
	_ =	sdelay $0x4  }
0x27a: {  	v62 =	vshrl.u32 v3, $0x3  }
0x27b: {  	v4 =	vmul.u32 $0x30, v62  }
0x27c: {  	v3 =	vand.u32 $0x7, v3  }
0x27d: {  	v3 =	vor.u32 v3, v4  }
0x27e: {  	v4 =	vperm.xlane v3, v54;
	_ =	sdelay $0x1  }
0x27f: {  	v4 =	vadd.s32 v0, v4;
	_ =	sdelay $0x3  }
0x280: {  	s18 =	simm.s32 $0x12B80;
	v3 =	vperm.xlane v3, v2  }
0x281: {  	[hbm4b:s3+s2] =	stream.indirect_vreg.scatter [tilespmem:s18], [sflag:$0x1], $0x80, v4, vm15, $0xb8;
	[tilespmem:$0x18BC0] =	vst v63  }
0x282: {  	s19 =	simm.s32 $0x13380;
	v3 =	vadd.s32 v0, v3  }
0x283: {  	[hbm4b:s4+s2] =	stream.indirect_vreg.scatter [tilespmem:s19], [sflag:$0x1], $0x80, v4, vm15, $0xb8;
	[tilespmem:$0x18BC0] =	vst v63  }
0x284: {  	s20 =	simm.s32 $0x13B80  }
0x285: {  	[hbm4b:s5+s2] =	stream.indirect_vreg.scatter [tilespmem:s20], [sflag:$0x1], $0x80, v4, vm15, $0xb8;
	[tilespmem:$0x18BC0] =	vst v63  }
0x286: {  	s21 =	simm.s32 $0x14380  }
0x287: {  	[hbm4b:s3+s2] =	stream.indirect_vreg.scatter [tilespmem:s21], [sflag:$0x1], $0x80, v3, vm15, $0xb8;
	[tilespmem:$0x18BC0] =	vst v63  }
0x288: {  	s22 =	simm.s32 $0x14B80  }
0x289: {  	[hbm4b:s4+s2] =	stream.indirect_vreg.scatter [tilespmem:s22], [sflag:$0x1], $0x80, v3, vm15, $0xb8;
	[tilespmem:$0x18BC0] =	vst v63  }
0x28a: {  	s23 =	simm.s32 $0x15380  }
0x28b: {  	[hbm4b:s5+s2] =	stream.indirect_vreg.scatter [tilespmem:s23], [sflag:$0x1], $0x80, v3, vm15, $0xb8;
	[tilespmem:$0x18BC0] =	vst v63  }
0x28c: {  	v3 =	vld [tilespmem:$0xB70];
	_ =	sdelay $0x4  }
0x28d: {  	v63 =	vshrl.u32 v3, $0x3  }
0x28e: {  	v4 =	vmul.u32 $0x30, v63  }
0x28f: {  	v3 =	vand.u32 $0x7, v3  }
0x290: {  	v3 =	vor.u32 v3, v4  }
0x291: {  	v1 =	vperm.xlane v3, v54;
	_ =	sdelay $0x1  }
0x292: {  	v1 =	vadd.s32 v0, v1;
	_ =	sdelay $0x3  }
0x293: {  	s24 =	simm.s32 $0x15B80;
	v2 =	vperm.xlane v3, v2  }
0x294: {  	[hbm4b:s3+s2] =	stream.indirect_vreg.scatter [tilespmem:s24], [sflag:$0x1], $0x80, v1, vm15, $0xb8;
	[tilespmem:$0x18BC0] =	vst v63  }
0x295: {  	s25 =	simm.s32 $0x16380;
	v0 =	vadd.s32 v0, v2  }
0x296: {  	[hbm4b:s4+s2] =	stream.indirect_vreg.scatter [tilespmem:s25], [sflag:$0x1], $0x80, v1, vm15, $0xb8;
	[tilespmem:$0x18BC0] =	vst v63  }
0x297: {  	s26 =	simm.s32 $0x16B80  }
0x298: {  	[hbm4b:s5+s2] =	stream.indirect_vreg.scatter [tilespmem:s26], [sflag:$0x1], $0x80, v1, vm15, $0xb8;
	[tilespmem:$0x18BC0] =	vst v63  }
0x299: {  	s28 =	simm.s32 $0x17380  }
0x29a: {  	[hbm4b:s3+s2] =	stream.indirect_vreg.scatter [tilespmem:s28], [sflag:$0x1], $0x80, v0, vm15, $0xb8;
	[tilespmem:$0x18BC0] =	vst v63  }
0x29b: {  	s29 =	simm.s32 $0x17B80  }
0x29c: {  	[hbm4b:s4+s2] =	stream.indirect_vreg.scatter [tilespmem:s29], [sflag:$0x1], $0x80, v0, vm15, $0xb8;
	[tilespmem:$0x18BC0] =	vst v63  }
0x29d: {  	s30 =	simm.s32 $0x18380;
	s31 =	simm.s32 $0x1  }
0x29e: {  	[hbm4b:s5+s2] =	stream.indirect_vreg.scatter [tilespmem:s30], [sflag:$0x1], $0x80, v0, vm15, $0xb8;
	[tilespmem:$0x18BC0] =	vst v63  }
0x29f: {  	_ =	swait.ge [sflag:s31], $0x18000  }
0x2a0: {  	[sflag:s31] =	ssyncset.done $0x0  }
0x2a1: {  	[sflag:s31] =	ssyncadd.s32 $0xFFFE8000  }
.LBB2_2:
0x2a2: {  	_ =	sfence.sel $0x180000  }
0x2a3: {  	[bflag:$0x0] =	sbarrier.arrive $0xFFFF  }
0x2a4: {  	p0 =	sne.s32 s1, $0x0;
	_ =	strace $0x90000047  }
0x2a5: {  	s0 =	sadd.s32 @!p0 $0x100000, s0;
	[bflag:$0x2] =	sbarrier.arrive $0xFFFF  }
0x2a6: {  	[sflag:s0] =	ssyncadd.tile.s32 @!p0 $0x1;
	_ =	shalt  }
.Lfunc_end2:
_tile_overlayer_lowered:
.L_overlay_start_2:
0x2a7: {  	(tag) =	ssettag $0x2  }
0x2a8: {  	s0 =	rddreg [dreg:$0x0];
	s2 =	stileid.u32  }
0x2a9: {  	s1 =	rddreg [dreg:$0x1];
	p0 =	sne.s32 s2, $0x0  }
0x2aa: {  	s3 =	rddreg [dreg:$0x2];
	[bflag:$0x3] =	sbarrier.arrive $0xFFFF;
	s2 =	simm.s32 @!p0 $0x1C02  }
0x2ab: {  	[timem:s3], [sflag:s2] =	dma.local @!p0 [hbm:s0], s1  }
0x2ac: {  	s0 =	simm.s32 @!p0 $0x2  }
0x2ad: {  	_ =	swait.ge @!p0 [sflag:s0], s1  }
0x2ae: {  	s1 =	ssub.s32 @!p0 $0x0, s1;
	[sflag:s0] =	ssyncset.done @!p0 $0x0  }
0x2af: {  	[sflag:s0] =	ssyncadd.s32 @!p0 s1  }
0x2b0: {  	[bflag:$0x3] =	sbarrier.arrive $0xFFFF  }
0x2b1: {  	_ =	shalt  }

</sc_bundles>
